<compile_context>
chip_gen: v7x
topology: tpu7x:2x2x1
jax: 0.10.2.dev20260603
libtpu: 0.0.44.dev20260713+nightly
codegen_flags: <defaults>
</compile_context>

<pallas_src>
import functools

import jax
import jax.numpy as jnp
from jax import lax
from jax.experimental import pallas as pl
from jax.experimental.pallas import tpu as pltpu
from jax.experimental.pallas import tpu_sc as plsc

_GAMMA = 12.0
_B = 16384
_DIM = 64
_NC = 2
_NS = 16
_NW = _NC * _NS
_BPW = _B // _NW
_NGRP = _BPW // 16
_TROWS = 125000


def _make_kernel():
    mesh = plsc.VectorSubcoreMesh(
        core_axis_name="c", subcore_axis_name="s",
        num_cores=_NC, num_subcores=_NS,
    )

    @functools.partial(
        pl.kernel,
        out_type=jax.ShapeDtypeStruct((_NW, _BPW), jnp.float32),
        mesh=mesh,
        compiler_params=pltpu.CompilerParams(needs_layout_passes=False),
        scratch_types=[
            pltpu.VMEM((_BPW * 3,), jnp.int32),
            pltpu.VMEM((_BPW,), jnp.int32),
            pltpu.VMEM((4, 128), jnp.int32),
            pltpu.VMEM((_BPW,), jnp.int32),
            pltpu.VMEM((_BPW,), jnp.int32),
            pltpu.VMEM((16, 8, _DIM), jnp.float32),
            pltpu.VMEM((4, 128, 128), jnp.float32),
            pltpu.VMEM((16, 8, _DIM), jnp.float32),
            pltpu.VMEM((16, 17), jnp.float32),
            pltpu.VMEM((_BPW,), jnp.float32),
            pltpu.SemaphoreType.DMA,
        ],
    )
    def kge_score(samp_hbm, ent_hbm, rel_hbm, out_hbm,
                  samp_v, hidx, ridx, tidx, pofs,
                  hblk, rblk, tblk, wtile, out_v, sem):
        wid = lax.axis_index("s") * _NC + lax.axis_index("c")

        pltpu.sync_copy(samp_hbm.at[wid], samp_v)

        lanes = lax.iota(jnp.int32, 16)
        for g in range(_NGRP):
            j, r0 = divmod(g * 16, 128)
            vh = plsc.load_gather(samp_v, [lanes * 3 + g * 48])
            vr = plsc.load_gather(samp_v, [lanes * 3 + (g * 48 + 1)])
            vt = plsc.load_gather(samp_v, [lanes * 3 + (g * 48 + 2)])
            hidx[pl.ds(g * 16, 16)] = vh >> 3
            ridx[j, pl.ds(r0, 16)] = vr >> 1
            tidx[pl.ds(g * 16, 16)] = vt >> 3
            pofs[pl.ds(g * 16, 16)] = (
                (vh & 7) | ((vr & 1) << 8) | ((vt & 7) << 16))

        rel_copies = [
            pltpu.async_copy(rel_hbm.at[ridx.at[j]], rblk.at[j], sem)
            for j in range(4)
        ]
        for cp in rel_copies:
            cp.wait()

        def group_body(g, carry):
            s0 = g * 16
            hvec = hidx[pl.ds(s0, 16)]
            tvec = tidx[pl.ds(s0, 16)]
            for row in range(16):
                pltpu.async_copy(ent_hbm.at[hvec[row]], hblk.at[row], sem)
                pltpu.async_copy(ent_hbm.at[tvec[row]], tblk.at[row], sem)
            dummy = ent_hbm.at[pl.ds(0, 16)]
            pltpu.make_async_copy(dummy, hblk, sem).wait()
            pltpu.make_async_copy(dummy, tblk, sem).wait()

            rj = g // 8
            rbase = (g % 8) * 16
            pvec = pofs[pl.ds(s0, 16)]
            for row in range(16):
                w = pvec[row]
                hs = w & 7
                rs = pl.multiple_of(((w >> 8) & 1) * 64, 16)
                ts = (w >> 16) & 7
                acc = jnp.zeros((16,), jnp.float32)
                for c in range(_DIM // 16):
                    hv = hblk[row, hs, pl.ds(c * 16, 16)]
                    rv = rblk[rj, rbase + row, pl.ds(rs + c * 16, 16)]
                    tv = tblk[row, ts, pl.ds(c * 16, 16)]
                    acc = acc + jnp.abs(hv + rv - tv)
                wtile[row, pl.ds(0, 16)] = acc
            tot = jnp.zeros((16,), jnp.float32)
            for d in range(16):
                tot = tot + plsc.load_gather(
                    wtile, [lanes, jnp.full((16,), d, jnp.int32)])
            out_v[pl.ds(s0, 16)] = _GAMMA - tot
            return carry

        lax.fori_loop(0, _NGRP, group_body, 0)

        pltpu.sync_copy(out_v, out_hbm.at[wid])

    return kge_score


_kge_score = _make_kernel()


def kernel(sample, entity_embedding, relation_embedding):
    samp = sample.astype(jnp.int32).reshape(_NW, _BPW * 3)
    ent3 = entity_embedding.reshape(_TROWS, 8, _DIM)
    rel2 = relation_embedding.reshape(_TROWS * 4, 2 * _DIM)
    out = _kge_score(samp, ent3, rel2)
    return out.reshape(_B, 1)

# --- scband reference (transcript-rebuilt; emitter-appended) ---
"""Pipeline reference for scband-kgemodel-43765716746832 (READ-ONLY COPY).

The authoritative reference and input builder live on the scoring server;
editing this copy changes nothing except your own understanding.
"""

import jax, jax.numpy as jnp
import numpy as np

NENTITY = 1000000
NRELATION = 1000000
DIM = 64
B = 16384
GAMMA = 12.0
EPSILON = 2.0
EMB_RANGE = (GAMMA + EPSILON) / DIM


def setup_inputs(seed: int = 0) -> dict:
    key = jax.random.key(seed)
    k1, k2, k3 = jax.random.split(key, 3)
    sample = jax.random.randint(k1, (B, 3), 0, NENTITY)
    entity_embedding = jax.random.uniform(k2, (NENTITY, DIM), minval=-EMB_RANGE, maxval=EMB_RANGE, dtype=jnp.float32)
    relation_embedding = jax.random.uniform(k3, (NRELATION, DIM), minval=-EMB_RANGE, maxval=EMB_RANGE, dtype=jnp.float32)
    return {"sample": sample, "entity_embedding": entity_embedding, "relation_embedding": relation_embedding}


def reference(sample, entity_embedding, relation_embedding):
    # mode == 'single': TransE score
    head = jnp.take(entity_embedding, sample[:, 0], axis=0)[:, None, :]
    relation = jnp.take(relation_embedding, sample[:, 1], axis=0)[:, None, :]
    tail = jnp.take(entity_embedding, sample[:, 2], axis=0)[:, None, :]
    score = head + relation - tail
    score = GAMMA - jnp.sum(jnp.abs(score), axis=2)  # L1 norm over dim 2
    return score  # shape (B, 1)

if __name__ == "__main__":
    import jax
    _d = setup_inputs()
    print(jax.jit(kernel)(*tuple(_d.values())))

</pallas_src>

<mosaic_0001>
#map = affine_map<(d0, d1) -> (0, 0)>
#map1 = affine_map<(d0, d1) -> (0, 0, 0)>
module attributes {stable_mosaic.version = 14 : i64} {
  func.func @kge_score(%arg0: i32, %arg1: i32, %arg2: memref<32x1536xi32, #tpu.memory_space<hbm>>, %arg3: memref<125000x8x64xf32, #tpu.memory_space<hbm>>, %arg4: memref<500000x128xf32, #tpu.memory_space<hbm>>, %arg5: memref<32x512xf32, #tpu.memory_space<hbm>>, %arg6: memref<1536xi32, #tpu.memory_space<vmem>>, %arg7: memref<512xi32, #tpu.memory_space<vmem>>, %arg8: memref<4x128xi32, #tpu.memory_space<vmem>>, %arg9: memref<512xi32, #tpu.memory_space<vmem>>, %arg10: memref<512xi32, #tpu.memory_space<vmem>>, %arg11: memref<16x8x64xf32, #tpu.memory_space<vmem>>, %arg12: memref<4x128x128xf32, #tpu.memory_space<vmem>>, %arg13: memref<16x8x64xf32, #tpu.memory_space<vmem>>, %arg14: memref<16x17xf32, #tpu.memory_space<vmem>>, %arg15: memref<512xf32, #tpu.memory_space<vmem>>, %arg16: memref<!tpu.dma_semaphore, #tpu.memory_space<semaphore_mem>>) attributes {dimension_semantics = [#tpu.dimension_semantics<core_parallel>, #tpu.dimension_semantics<subcore_parallel>], iteration_bounds = array<i64: 2, 16>, scalar_prefetch = 0 : i64, scratch_operands = 11 : i64, tpu.core_type = #tpu.core_type<sc_vector_subcore>, window_params = [{transform_indices = #map}, {transform_indices = #map1}, {transform_indices = #map}, {transform_indices = #map}]} {
    %mul3A = arith.constant 2 : i32
    %mul3A_0 = arith.muli %arg1, %mul3A : i32
    %add3A = arith.addi %mul3A_0, %arg0 : i32
    "tpu.region"() ({
      %run_scoped3A = tpu.sem_alloc : memref<!tpu.dma_semaphore, #tpu.memory_space<semaphore_mem>>
      %dma_start3A_1918 = arith.constant 0 : i32
      %dma_start3A_1919 = tpu.memref_slice %arg2[%add3A, %dma_start3A_1918] : memref<32x1536xi32, #tpu.memory_space<hbm>> -> memref<1x1536xi32, #tpu.memory_space<hbm>>
      %dma_start3A_1920 = tpu.memref_squeeze %dma_start3A_1919 : memref<1x1536xi32, #tpu.memory_space<hbm>> -> memref<1536xi32, #tpu.memory_space<hbm>>
      %dma_start3A_1921 = arith.constant 0 : i32
      %dma_start3A_1922 = tpu.memref_slice %arg2[%add3A, %dma_start3A_1921] : memref<32x1536xi32, #tpu.memory_space<hbm>> -> memref<1x1536xi32, #tpu.memory_space<hbm>>
      %dma_start3A_1923 = tpu.memref_squeeze %dma_start3A_1922 : memref<1x1536xi32, #tpu.memory_space<hbm>> -> memref<1536xi32, #tpu.memory_space<hbm>>
      tpu.enqueue_dma source(%dma_start3A_1923 : memref<1536xi32, #tpu.memory_space<hbm>>) target(%arg6 : memref<1536xi32, #tpu.memory_space<vmem>>) target_semaphore(%run_scoped3A : memref<!tpu.dma_semaphore, #tpu.memory_space<semaphore_mem>>)
      %dma_wait3A_1924 = arith.constant 0 : i32
      %dma_wait3A_1925 = tpu.memref_slice %arg2[%add3A, %dma_wait3A_1924] : memref<32x1536xi32, #tpu.memory_space<hbm>> -> memref<1x1536xi32, #tpu.memory_space<hbm>>
      %dma_wait3A_1926 = tpu.memref_squeeze %dma_wait3A_1925 : memref<1x1536xi32, #tpu.memory_space<hbm>> -> memref<1536xi32, #tpu.memory_space<hbm>>
      %dma_wait3A_1927 = arith.constant 0 : i32
      %dma_wait3A_1928 = tpu.memref_slice %arg2[%add3A, %dma_wait3A_1927] : memref<32x1536xi32, #tpu.memory_space<hbm>> -> memref<1x1536xi32, #tpu.memory_space<hbm>>
      %dma_wait3A_1929 = tpu.memref_squeeze %dma_wait3A_1928 : memref<1x1536xi32, #tpu.memory_space<hbm>> -> memref<1536xi32, #tpu.memory_space<hbm>>
      tpu.wait_dma2 semaphore(%run_scoped3A : memref<!tpu.dma_semaphore, #tpu.memory_space<semaphore_mem>>) src(%dma_wait3A_1929 : memref<1536xi32, #tpu.memory_space<hbm>>) dst(%arg6 : memref<1536xi32, #tpu.memory_space<vmem>>)
      tpu.yield
    }) : () -> ()
    %iota3A = tpu.iota {dimensions = array<i32: 0>} : vector<16xi32>
    %mul3A_1 = arith.constant 3 : i32
    %mul3A_2 = vector.broadcast %mul3A_1 : i32 to vector<16xi32>
    %mul3A_3 = arith.muli %iota3A, %mul3A_2 : vector<16xi32>
    %add3A_4 = arith.constant 0 : i32
    %add3A_5 = vector.broadcast %add3A_4 : i32 to vector<16xi32>
    %add3A_6 = arith.addi %mul3A_3, %add3A_5 : vector<16xi32>
    %gather3A = tpu.vector_load_idx %arg6[%add3A_6] : memref<1536xi32, #tpu.memory_space<vmem>>[vector<16xi32>], vector<16xi32>,
    %mul3A_7 = arith.constant 3 : i32
    %mul3A_8 = vector.broadcast %mul3A_7 : i32 to vector<16xi32>
    %mul3A_9 = arith.muli %iota3A, %mul3A_8 : vector<16xi32>
    %add3A_10 = arith.constant 1 : i32
    %add3A_11 = vector.broadcast %add3A_10 : i32 to vector<16xi32>
    %add3A_12 = arith.addi %mul3A_9, %add3A_11 : vector<16xi32>
    %gather3A_13 = tpu.vector_load_idx %arg6[%add3A_12] : memref<1536xi32, #tpu.memory_space<vmem>>[vector<16xi32>], vector<16xi32>,
    %mul3A_14 = arith.constant 3 : i32
    %mul3A_15 = vector.broadcast %mul3A_14 : i32 to vector<16xi32>
    %mul3A_16 = arith.muli %iota3A, %mul3A_15 : vector<16xi32>
    %add3A_17 = arith.constant 2 : i32
    %add3A_18 = vector.broadcast %add3A_17 : i32 to vector<16xi32>
    %add3A_19 = arith.addi %mul3A_16, %add3A_18 : vector<16xi32>
    %gather3A_20 = tpu.vector_load_idx %arg6[%add3A_19] : memref<1536xi32, #tpu.memory_space<vmem>>[vector<16xi32>], vector<16xi32>,
    %shift_right_arithmetic3A = arith.constant 3 : i32
    %shift_right_arithmetic3A_21 = vector.broadcast %shift_right_arithmetic3A : i32 to vector<16xi32>
    %shift_right_arithmetic3A_22 = arith.shrsi %gather3A, %shift_right_arithmetic3A_21 : vector<16xi32>
    %swap3A = arith.constant 0 : index
    %swap3A_23 = tpu.vector_load %arg7[%swap3A] {strides = array<i32>} : memref<512xi32, #tpu.memory_space<vmem>>, vector<16xi32>,
    tpu.vector_store %arg7[%swap3A], %shift_right_arithmetic3A_22 {strides = array<i32>} : memref<512xi32, #tpu.memory_space<vmem>>, vector<16xi32>,
    %shift_right_arithmetic3A_24 = arith.constant 1 : i32
    %shift_right_arithmetic3A_25 = vector.broadcast %shift_right_arithmetic3A_24 : i32 to vector<16xi32>
    %shift_right_arithmetic3A_26 = arith.shrsi %gather3A_13, %shift_right_arithmetic3A_25 : vector<16xi32>
    %swap3A_27 = arith.constant 0 : i32
    %swap3A_28 = arith.index_cast %swap3A_27 : i32 to index
    %swap3A_29 = arith.constant 0 : index
    %swap3A_30 = tpu.vector_load %arg8[%swap3A_28, %swap3A_29] {strides = array<i32>} : memref<4x128xi32, #tpu.memory_space<vmem>>, vector<16xi32>,
    tpu.vector_store %arg8[%swap3A_28, %swap3A_29], %shift_right_arithmetic3A_26 {strides = array<i32>} : memref<4x128xi32, #tpu.memory_space<vmem>>, vector<16xi32>,
    %shift_right_arithmetic3A_31 = arith.constant 3 : i32
    %shift_right_arithmetic3A_32 = vector.broadcast %shift_right_arithmetic3A_31 : i32 to vector<16xi32>
    %shift_right_arithmetic3A_33 = arith.shrsi %gather3A_20, %shift_right_arithmetic3A_32 : vector<16xi32>
    %swap3A_34 = arith.constant 0 : index
    %swap3A_35 = tpu.vector_load %arg9[%swap3A_34] {strides = array<i32>} : memref<512xi32, #tpu.memory_space<vmem>>, vector<16xi32>,
    tpu.vector_store %arg9[%swap3A_34], %shift_right_arithmetic3A_33 {strides = array<i32>} : memref<512xi32, #tpu.memory_space<vmem>>, vector<16xi32>,
    %and3A = arith.constant 7 : i32
    %and3A_36 = vector.broadcast %and3A : i32 to vector<16xi32>
    %and3A_37 = arith.andi %gather3A, %and3A_36 : vector<16xi32>
    %and3A_38 = arith.constant 1 : i32
    %and3A_39 = vector.broadcast %and3A_38 : i32 to vector<16xi32>
    %and3A_40 = arith.andi %gather3A_13, %and3A_39 : vector<16xi32>
    %shift_left3A = arith.constant 8 : i32
    %shift_left3A_41 = vector.broadcast %shift_left3A : i32 to vector<16xi32>
    %shift_left3A_42 = arith.shli %and3A_40, %shift_left3A_41 : vector<16xi32>
    %or3A = arith.ori %and3A_37, %shift_left3A_42 : vector<16xi32>
    %and3A_43 = arith.constant 7 : i32
    %and3A_44 = vector.broadcast %and3A_43 : i32 to vector<16xi32>
    %and3A_45 = arith.andi %gather3A_20, %and3A_44 : vector<16xi32>
    %shift_left3A_46 = arith.constant 16 : i32
    %shift_left3A_47 = vector.broadcast %shift_left3A_46 : i32 to vector<16xi32>
    %shift_left3A_48 = arith.shli %and3A_45, %shift_left3A_47 : vector<16xi32>
    %or3A_49 = arith.ori %or3A, %shift_left3A_48 : vector<16xi32>
    %swap3A_50 = arith.constant 0 : index
    %swap3A_51 = tpu.vector_load %arg10[%swap3A_50] {strides = array<i32>} : memref<512xi32, #tpu.memory_space<vmem>>, vector<16xi32>,
    tpu.vector_store %arg10[%swap3A_50], %or3A_49 {strides = array<i32>} : memref<512xi32, #tpu.memory_space<vmem>>, vector<16xi32>,
    %mul3A_52 = arith.constant 3 : i32
    %mul3A_53 = vector.broadcast %mul3A_52 : i32 to vector<16xi32>
    %mul3A_54 = arith.muli %iota3A, %mul3A_53 : vector<16xi32>
    %add3A_55 = arith.constant 48 : i32
    %add3A_56 = vector.broadcast %add3A_55 : i32 to vector<16xi32>
    %add3A_57 = arith.addi %mul3A_54, %add3A_56 : vector<16xi32>
    %gather3A_58 = tpu.vector_load_idx %arg6[%add3A_57] : memref<1536xi32, #tpu.memory_space<vmem>>[vector<16xi32>], vector<16xi32>,
    %mul3A_59 = arith.constant 3 : i32
    %mul3A_60 = vector.broadcast %mul3A_59 : i32 to vector<16xi32>
    %mul3A_61 = arith.muli %iota3A, %mul3A_60 : vector<16xi32>
    %add3A_62 = arith.constant 49 : i32
    %add3A_63 = vector.broadcast %add3A_62 : i32 to vector<16xi32>
    %add3A_64 = arith.addi %mul3A_61, %add3A_63 : vector<16xi32>
    %gather3A_65 = tpu.vector_load_idx %arg6[%add3A_64] : memref<1536xi32, #tpu.memory_space<vmem>>[vector<16xi32>], vector<16xi32>,
    %mul3A_66 = arith.constant 3 : i32
    %mul3A_67 = vector.broadcast %mul3A_66 : i32 to vector<16xi32>
    %mul3A_68 = arith.muli %iota3A, %mul3A_67 : vector<16xi32>
    %add3A_69 = arith.constant 50 : i32
    %add3A_70 = vector.broadcast %add3A_69 : i32 to vector<16xi32>
    %add3A_71 = arith.addi %mul3A_68, %add3A_70 : vector<16xi32>
    %gather3A_72 = tpu.vector_load_idx %arg6[%add3A_71] : memref<1536xi32, #tpu.memory_space<vmem>>[vector<16xi32>], vector<16xi32>,
    %shift_right_arithmetic3A_73 = arith.constant 3 : i32
    %shift_right_arithmetic3A_74 = vector.broadcast %shift_right_arithmetic3A_73 : i32 to vector<16xi32>
    %shift_right_arithmetic3A_75 = arith.shrsi %gather3A_58, %shift_right_arithmetic3A_74 : vector<16xi32>
    %swap3A_76 = arith.constant 16 : index
    %swap3A_77 = tpu.vector_load %arg7[%swap3A_76] {strides = array<i32>} : memref<512xi32, #tpu.memory_space<vmem>>, vector<16xi32>,
    tpu.vector_store %arg7[%swap3A_76], %shift_right_arithmetic3A_75 {strides = array<i32>} : memref<512xi32, #tpu.memory_space<vmem>>, vector<16xi32>,
    %shift_right_arithmetic3A_78 = arith.constant 1 : i32
    %shift_right_arithmetic3A_79 = vector.broadcast %shift_right_arithmetic3A_78 : i32 to vector<16xi32>
    %shift_right_arithmetic3A_80 = arith.shrsi %gather3A_65, %shift_right_arithmetic3A_79 : vector<16xi32>
    %swap3A_81 = arith.constant 0 : i32
    %swap3A_82 = arith.index_cast %swap3A_81 : i32 to index
    %swap3A_83 = arith.constant 16 : index
    %swap3A_84 = tpu.vector_load %arg8[%swap3A_82, %swap3A_83] {strides = array<i32>} : memref<4x128xi32, #tpu.memory_space<vmem>>, vector<16xi32>,
    tpu.vector_store %arg8[%swap3A_82, %swap3A_83], %shift_right_arithmetic3A_80 {strides = array<i32>} : memref<4x128xi32, #tpu.memory_space<vmem>>, vector<16xi32>,
    %shift_right_arithmetic3A_85 = arith.constant 3 : i32
    %shift_right_arithmetic3A_86 = vector.broadcast %shift_right_arithmetic3A_85 : i32 to vector<16xi32>
    %shift_right_arithmetic3A_87 = arith.shrsi %gather3A_72, %shift_right_arithmetic3A_86 : vector<16xi32>
    %swap3A_88 = arith.constant 16 : index
    %swap3A_89 = tpu.vector_load %arg9[%swap3A_88] {strides = array<i32>} : memref<512xi32, #tpu.memory_space<vmem>>, vector<16xi32>,
    tpu.vector_store %arg9[%swap3A_88], %shift_right_arithmetic3A_87 {strides = array<i32>} : memref<512xi32, #tpu.memory_space<vmem>>, vector<16xi32>,
    %and3A_90 = arith.constant 7 : i32
    %and3A_91 = vector.broadcast %and3A_90 : i32 to vector<16xi32>
    %and3A_92 = arith.andi %gather3A_58, %and3A_91 : vector<16xi32>
    %and3A_93 = arith.constant 1 : i32
    %and3A_94 = vector.broadcast %and3A_93 : i32 to vector<16xi32>
    %and3A_95 = arith.andi %gather3A_65, %and3A_94 : vector<16xi32>
    %shift_left3A_96 = arith.constant 8 : i32
    %shift_left3A_97 = vector.broadcast %shift_left3A_96 : i32 to vector<16xi32>
    %shift_left3A_98 = arith.shli %and3A_95, %shift_left3A_97 : vector<16xi32>
    %or3A_99 = arith.ori %and3A_92, %shift_left3A_98 : vector<16xi32>
    %and3A_100 = arith.constant 7 : i32
    %and3A_101 = vector.broadcast %and3A_100 : i32 to vector<16xi32>
    %and3A_102 = arith.andi %gather3A_72, %and3A_101 : vector<16xi32>
    %shift_left3A_103 = arith.constant 16 : i32
    %shift_left3A_104 = vector.broadcast %shift_left3A_103 : i32 to vector<16xi32>
    %shift_left3A_105 = arith.shli %and3A_102, %shift_left3A_104 : vector<16xi32>
    %or3A_106 = arith.ori %or3A_99, %shift_left3A_105 : vector<16xi32>
    %swap3A_107 = arith.constant 16 : index
    %swap3A_108 = tpu.vector_load %arg10[%swap3A_107] {strides = array<i32>} : memref<512xi32, #tpu.memory_space<vmem>>, vector<16xi32>,
    tpu.vector_store %arg10[%swap3A_107], %or3A_106 {strides = array<i32>} : memref<512xi32, #tpu.memory_space<vmem>>, vector<16xi32>,
    %mul3A_109 = arith.constant 3 : i32
    %mul3A_110 = vector.broadcast %mul3A_109 : i32 to vector<16xi32>
    %mul3A_111 = arith.muli %iota3A, %mul3A_110 : vector<16xi32>
    %add3A_112 = arith.constant 96 : i32
    %add3A_113 = vector.broadcast %add3A_112 : i32 to vector<16xi32>
    %add3A_114 = arith.addi %mul3A_111, %add3A_113 : vector<16xi32>
    %gather3A_115 = tpu.vector_load_idx %arg6[%add3A_114] : memref<1536xi32, #tpu.memory_space<vmem>>[vector<16xi32>], vector<16xi32>,
    %mul3A_116 = arith.constant 3 : i32
    %mul3A_117 = vector.broadcast %mul3A_116 : i32 to vector<16xi32>
    %mul3A_118 = arith.muli %iota3A, %mul3A_117 : vector<16xi32>
    %add3A_119 = arith.constant 97 : i32
    %add3A_120 = vector.broadcast %add3A_119 : i32 to vector<16xi32>
    %add3A_121 = arith.addi %mul3A_118, %add3A_120 : vector<16xi32>
    %gather3A_122 = tpu.vector_load_idx %arg6[%add3A_121] : memref<1536xi32, #tpu.memory_space<vmem>>[vector<16xi32>], vector<16xi32>,
    %mul3A_123 = arith.constant 3 : i32
    %mul3A_124 = vector.broadcast %mul3A_123 : i32 to vector<16xi32>
    %mul3A_125 = arith.muli %iota3A, %mul3A_124 : vector<16xi32>
    %add3A_126 = arith.constant 98 : i32
    %add3A_127 = vector.broadcast %add3A_126 : i32 to vector<16xi32>
    %add3A_128 = arith.addi %mul3A_125, %add3A_127 : vector<16xi32>
    %gather3A_129 = tpu.vector_load_idx %arg6[%add3A_128] : memref<1536xi32, #tpu.memory_space<vmem>>[vector<16xi32>], vector<16xi32>,
    %shift_right_arithmetic3A_130 = arith.constant 3 : i32
    %shift_right_arithmetic3A_131 = vector.broadcast %shift_right_arithmetic3A_130 : i32 to vector<16xi32>
    %shift_right_arithmetic3A_132 = arith.shrsi %gather3A_115, %shift_right_arithmetic3A_131 : vector<16xi32>
    %swap3A_133 = arith.constant 32 : index
    %swap3A_134 = tpu.vector_load %arg7[%swap3A_133] {strides = array<i32>} : memref<512xi32, #tpu.memory_space<vmem>>, vector<16xi32>,
    tpu.vector_store %arg7[%swap3A_133], %shift_right_arithmetic3A_132 {strides = array<i32>} : memref<512xi32, #tpu.memory_space<vmem>>, vector<16xi32>,
    %shift_right_arithmetic3A_135 = arith.constant 1 : i32
    %shift_right_arithmetic3A_136 = vector.broadcast %shift_right_arithmetic3A_135 : i32 to vector<16xi32>
    %shift_right_arithmetic3A_137 = arith.shrsi %gather3A_122, %shift_right_arithmetic3A_136 : vector<16xi32>
    %swap3A_138 = arith.constant 0 : i32
    %swap3A_139 = arith.index_cast %swap3A_138 : i32 to index
    %swap3A_140 = arith.constant 32 : index
    %swap3A_141 = tpu.vector_load %arg8[%swap3A_139, %swap3A_140] {strides = array<i32>} : memref<4x128xi32, #tpu.memory_space<vmem>>, vector<16xi32>,
    tpu.vector_store %arg8[%swap3A_139, %swap3A_140], %shift_right_arithmetic3A_137 {strides = array<i32>} : memref<4x128xi32, #tpu.memory_space<vmem>>, vector<16xi32>,
    %shift_right_arithmetic3A_142 = arith.constant 3 : i32
    %shift_right_arithmetic3A_143 = vector.broadcast %shift_right_arithmetic3A_142 : i32 to vector<16xi32>
    %shift_right_arithmetic3A_144 = arith.shrsi %gather3A_129, %shift_right_arithmetic3A_143 : vector<16xi32>
    %swap3A_145 = arith.constant 32 : index
    %swap3A_146 = tpu.vector_load %arg9[%swap3A_145] {strides = array<i32>} : memref<512xi32, #tpu.memory_space<vmem>>, vector<16xi32>,
    tpu.vector_store %arg9[%swap3A_145], %shift_right_arithmetic3A_144 {strides = array<i32>} : memref<512xi32, #tpu.memory_space<vmem>>, vector<16xi32>,
    %and3A_147 = arith.constant 7 : i32
    %and3A_148 = vector.broadcast %and3A_147 : i32 to vector<16xi32>
    %and3A_149 = arith.andi %gather3A_115, %and3A_148 : vector<16xi32>
    %and3A_150 = arith.constant 1 : i32
    %and3A_151 = vector.broadcast %and3A_150 : i32 to vector<16xi32>
    %and3A_152 = arith.andi %gather3A_122, %and3A_151 : vector<16xi32>
    %shift_left3A_153 = arith.constant 8 : i32
    %shift_left3A_154 = vector.broadcast %shift_left3A_153 : i32 to vector<16xi32>
    %shift_left3A_155 = arith.shli %and3A_152, %shift_left3A_154 : vector<16xi32>
    %or3A_156 = arith.ori %and3A_149, %shift_left3A_155 : vector<16xi32>
    %and3A_157 = arith.constant 7 : i32
    %and3A_158 = vector.broadcast %and3A_157 : i32 to vector<16xi32>
    %and3A_159 = arith.andi %gather3A_129, %and3A_158 : vector<16xi32>
    %shift_left3A_160 = arith.constant 16 : i32
    %shift_left3A_161 = vector.broadcast %shift_left3A_160 : i32 to vector<16xi32>
    %shift_left3A_162 = arith.shli %and3A_159, %shift_left3A_161 : vector<16xi32>
    %or3A_163 = arith.ori %or3A_156, %shift_left3A_162 : vector<16xi32>
    %swap3A_164 = arith.constant 32 : index
    %swap3A_165 = tpu.vector_load %arg10[%swap3A_164] {strides = array<i32>} : memref<512xi32, #tpu.memory_space<vmem>>, vector<16xi32>,
    tpu.vector_store %arg10[%swap3A_164], %or3A_163 {strides = array<i32>} : memref<512xi32, #tpu.memory_space<vmem>>, vector<16xi32>,
    %mul3A_166 = arith.constant 3 : i32
    %mul3A_167 = vector.broadcast %mul3A_166 : i32 to vector<16xi32>
    %mul3A_168 = arith.muli %iota3A, %mul3A_167 : vector<16xi32>
    %add3A_169 = arith.constant 144 : i32
    %add3A_170 = vector.broadcast %add3A_169 : i32 to vector<16xi32>
    %add3A_171 = arith.addi %mul3A_168, %add3A_170 : vector<16xi32>
    %gather3A_172 = tpu.vector_load_idx %arg6[%add3A_171] : memref<1536xi32, #tpu.memory_space<vmem>>[vector<16xi32>], vector<16xi32>,
    %mul3A_173 = arith.constant 3 : i32
    %mul3A_174 = vector.broadcast %mul3A_173 : i32 to vector<16xi32>
    %mul3A_175 = arith.muli %iota3A, %mul3A_174 : vector<16xi32>
    %add3A_176 = arith.constant 145 : i32
    %add3A_177 = vector.broadcast %add3A_176 : i32 to vector<16xi32>
    %add3A_178 = arith.addi %mul3A_175, %add3A_177 : vector<16xi32>
    %gather3A_179 = tpu.vector_load_idx %arg6[%add3A_178] : memref<1536xi32, #tpu.memory_space<vmem>>[vector<16xi32>], vector<16xi32>,
    %mul3A_180 = arith.constant 3 : i32
    %mul3A_181 = vector.broadcast %mul3A_180 : i32 to vector<16xi32>
    %mul3A_182 = arith.muli %iota3A, %mul3A_181 : vector<16xi32>
    %add3A_183 = arith.constant 146 : i32
    %add3A_184 = vector.broadcast %add3A_183 : i32 to vector<16xi32>
    %add3A_185 = arith.addi %mul3A_182, %add3A_184 : vector<16xi32>
    %gather3A_186 = tpu.vector_load_idx %arg6[%add3A_185] : memref<1536xi32, #tpu.memory_space<vmem>>[vector<16xi32>], vector<16xi32>,
    %shift_right_arithmetic3A_187 = arith.constant 3 : i32
    %shift_right_arithmetic3A_188 = vector.broadcast %shift_right_arithmetic3A_187 : i32 to vector<16xi32>
    %shift_right_arithmetic3A_189 = arith.shrsi %gather3A_172, %shift_right_arithmetic3A_188 : vector<16xi32>
    %swap3A_190 = arith.constant 48 : index
    %swap3A_191 = tpu.vector_load %arg7[%swap3A_190] {strides = array<i32>} : memref<512xi32, #tpu.memory_space<vmem>>, vector<16xi32>,
    tpu.vector_store %arg7[%swap3A_190], %shift_right_arithmetic3A_189 {strides = array<i32>} : memref<512xi32, #tpu.memory_space<vmem>>, vector<16xi32>,
    %shift_right_arithmetic3A_192 = arith.constant 1 : i32
    %shift_right_arithmetic3A_193 = vector.broadcast %shift_right_arithmetic3A_192 : i32 to vector<16xi32>
    %shift_right_arithmetic3A_194 = arith.shrsi %gather3A_179, %shift_right_arithmetic3A_193 : vector<16xi32>
    %swap3A_195 = arith.constant 0 : i32
    %swap3A_196 = arith.index_cast %swap3A_195 : i32 to index
    %swap3A_197 = arith.constant 48 : index
    %swap3A_198 = tpu.vector_load %arg8[%swap3A_196, %swap3A_197] {strides = array<i32>} : memref<4x128xi32, #tpu.memory_space<vmem>>, vector<16xi32>,
    tpu.vector_store %arg8[%swap3A_196, %swap3A_197], %shift_right_arithmetic3A_194 {strides = array<i32>} : memref<4x128xi32, #tpu.memory_space<vmem>>, vector<16xi32>,
    %shift_right_arithmetic3A_199 = arith.constant 3 : i32
    %shift_right_arithmetic3A_200 = vector.broadcast %shift_right_arithmetic3A_199 : i32 to vector<16xi32>
    %shift_right_arithmetic3A_201 = arith.shrsi %gather3A_186, %shift_right_arithmetic3A_200 : vector<16xi32>
    %swap3A_202 = arith.constant 48 : index
    %swap3A_203 = tpu.vector_load %arg9[%swap3A_202] {strides = array<i32>} : memref<512xi32, #tpu.memory_space<vmem>>, vector<16xi32>,
    tpu.vector_store %arg9[%swap3A_202], %shift_right_arithmetic3A_201 {strides = array<i32>} : memref<512xi32, #tpu.memory_space<vmem>>, vector<16xi32>,
    %and3A_204 = arith.constant 7 : i32
    %and3A_205 = vector.broadcast %and3A_204 : i32 to vector<16xi32>
    %and3A_206 = arith.andi %gather3A_172, %and3A_205 : vector<16xi32>
    %and3A_207 = arith.constant 1 : i32
    %and3A_208 = vector.broadcast %and3A_207 : i32 to vector<16xi32>
    %and3A_209 = arith.andi %gather3A_179, %and3A_208 : vector<16xi32>
    %shift_left3A_210 = arith.constant 8 : i32
    %shift_left3A_211 = vector.broadcast %shift_left3A_210 : i32 to vector<16xi32>
    %shift_left3A_212 = arith.shli %and3A_209, %shift_left3A_211 : vector<16xi32>
    %or3A_213 = arith.ori %and3A_206, %shift_left3A_212 : vector<16xi32>
    %and3A_214 = arith.constant 7 : i32
    %and3A_215 = vector.broadcast %and3A_214 : i32 to vector<16xi32>
    %and3A_216 = arith.andi %gather3A_186, %and3A_215 : vector<16xi32>
    %shift_left3A_217 = arith.constant 16 : i32
    %shift_left3A_218 = vector.broadcast %shift_left3A_217 : i32 to vector<16xi32>
    %shift_left3A_219 = arith.shli %and3A_216, %shift_left3A_218 : vector<16xi32>
    %or3A_220 = arith.ori %or3A_213, %shift_left3A_219 : vector<16xi32>
    %swap3A_221 = arith.constant 48 : index
    %swap3A_222 = tpu.vector_load %arg10[%swap3A_221] {strides = array<i32>} : memref<512xi32, #tpu.memory_space<vmem>>, vector<16xi32>,
    tpu.vector_store %arg10[%swap3A_221], %or3A_220 {strides = array<i32>} : memref<512xi32, #tpu.memory_space<vmem>>, vector<16xi32>,
    %mul3A_223 = arith.constant 3 : i32
    %mul3A_224 = vector.broadcast %mul3A_223 : i32 to vector<16xi32>
    %mul3A_225 = arith.muli %iota3A, %mul3A_224 : vector<16xi32>
    %add3A_226 = arith.constant 192 : i32
    %add3A_227 = vector.broadcast %add3A_226 : i32 to vector<16xi32>
    %add3A_228 = arith.addi %mul3A_225, %add3A_227 : vector<16xi32>
    %gather3A_229 = tpu.vector_load_idx %arg6[%add3A_228] : memref<1536xi32, #tpu.memory_space<vmem>>[vector<16xi32>], vector<16xi32>,
    %mul3A_230 = arith.constant 3 : i32
    %mul3A_231 = vector.broadcast %mul3A_230 : i32 to vector<16xi32>
    %mul3A_232 = arith.muli %iota3A, %mul3A_231 : vector<16xi32>
    %add3A_233 = arith.constant 193 : i32
    %add3A_234 = vector.broadcast %add3A_233 : i32 to vector<16xi32>
    %add3A_235 = arith.addi %mul3A_232, %add3A_234 : vector<16xi32>
    %gather3A_236 = tpu.vector_load_idx %arg6[%add3A_235] : memref<1536xi32, #tpu.memory_space<vmem>>[vector<16xi32>], vector<16xi32>,
    %mul3A_237 = arith.constant 3 : i32
    %mul3A_238 = vector.broadcast %mul3A_237 : i32 to vector<16xi32>
    %mul3A_239 = arith.muli %iota3A, %mul3A_238 : vector<16xi32>
    %add3A_240 = arith.constant 194 : i32
    %add3A_241 = vector.broadcast %add3A_240 : i32 to vector<16xi32>
    %add3A_242 = arith.addi %mul3A_239, %add3A_241 : vector<16xi32>
    %gather3A_243 = tpu.vector_load_idx %arg6[%add3A_242] : memref<1536xi32, #tpu.memory_space<vmem>>[vector<16xi32>], vector<16xi32>,
    %shift_right_arithmetic3A_244 = arith.constant 3 : i32
    %shift_right_arithmetic3A_245 = vector.broadcast %shift_right_arithmetic3A_244 : i32 to vector<16xi32>
    %shift_right_arithmetic3A_246 = arith.shrsi %gather3A_229, %shift_right_arithmetic3A_245 : vector<16xi32>
    %swap3A_247 = arith.constant 64 : index
    %swap3A_248 = tpu.vector_load %arg7[%swap3A_247] {strides = array<i32>} : memref<512xi32, #tpu.memory_space<vmem>>, vector<16xi32>,
    tpu.vector_store %arg7[%swap3A_247], %shift_right_arithmetic3A_246 {strides = array<i32>} : memref<512xi32, #tpu.memory_space<vmem>>, vector<16xi32>,
    %shift_right_arithmetic3A_249 = arith.constant 1 : i32
    %shift_right_arithmetic3A_250 = vector.broadcast %shift_right_arithmetic3A_249 : i32 to vector<16xi32>
    %shift_right_arithmetic3A_251 = arith.shrsi %gather3A_236, %shift_right_arithmetic3A_250 : vector<16xi32>
    %swap3A_252 = arith.constant 0 : i32
    %swap3A_253 = arith.index_cast %swap3A_252 : i32 to index
    %swap3A_254 = arith.constant 64 : index
    %swap3A_255 = tpu.vector_load %arg8[%swap3A_253, %swap3A_254] {strides = array<i32>} : memref<4x128xi32, #tpu.memory_space<vmem>>, vector<16xi32>,
    tpu.vector_store %arg8[%swap3A_253, %swap3A_254], %shift_right_arithmetic3A_251 {strides = array<i32>} : memref<4x128xi32, #tpu.memory_space<vmem>>, vector<16xi32>,
    %shift_right_arithmetic3A_256 = arith.constant 3 : i32
    %shift_right_arithmetic3A_257 = vector.broadcast %shift_right_arithmetic3A_256 : i32 to vector<16xi32>
    %shift_right_arithmetic3A_258 = arith.shrsi %gather3A_243, %shift_right_arithmetic3A_257 : vector<16xi32>
    %swap3A_259 = arith.constant 64 : index
    %swap3A_260 = tpu.vector_load %arg9[%swap3A_259] {strides = array<i32>} : memref<512xi32, #tpu.memory_space<vmem>>, vector<16xi32>,
    tpu.vector_store %arg9[%swap3A_259], %shift_right_arithmetic3A_258 {strides = array<i32>} : memref<512xi32, #tpu.memory_space<vmem>>, vector<16xi32>,
    %and3A_261 = arith.constant 7 : i32
    %and3A_262 = vector.broadcast %and3A_261 : i32 to vector<16xi32>
    %and3A_263 = arith.andi %gather3A_229, %and3A_262 : vector<16xi32>
    %and3A_264 = arith.constant 1 : i32
    %and3A_265 = vector.broadcast %and3A_264 : i32 to vector<16xi32>
    %and3A_266 = arith.andi %gather3A_236, %and3A_265 : vector<16xi32>
    %shift_left3A_267 = arith.constant 8 : i32
    %shift_left3A_268 = vector.broadcast %shift_left3A_267 : i32 to vector<16xi32>
    %shift_left3A_269 = arith.shli %and3A_266, %shift_left3A_268 : vector<16xi32>
    %or3A_270 = arith.ori %and3A_263, %shift_left3A_269 : vector<16xi32>
    %and3A_271 = arith.constant 7 : i32
    %and3A_272 = vector.broadcast %and3A_271 : i32 to vector<16xi32>
    %and3A_273 = arith.andi %gather3A_243, %and3A_272 : vector<16xi32>
    %shift_left3A_274 = arith.constant 16 : i32
    %shift_left3A_275 = vector.broadcast %shift_left3A_274 : i32 to vector<16xi32>
    %shift_left3A_276 = arith.shli %and3A_273, %shift_left3A_275 : vector<16xi32>
    %or3A_277 = arith.ori %or3A_270, %shift_left3A_276 : vector<16xi32>
    %swap3A_278 = arith.constant 64 : index
    %swap3A_279 = tpu.vector_load %arg10[%swap3A_278] {strides = array<i32>} : memref<512xi32, #tpu.memory_space<vmem>>, vector<16xi32>,
    tpu.vector_store %arg10[%swap3A_278], %or3A_277 {strides = array<i32>} : memref<512xi32, #tpu.memory_space<vmem>>, vector<16xi32>,
    %mul3A_280 = arith.constant 3 : i32
    %mul3A_281 = vector.broadcast %mul3A_280 : i32 to vector<16xi32>
    %mul3A_282 = arith.muli %iota3A, %mul3A_281 : vector<16xi32>
    %add3A_283 = arith.constant 240 : i32
    %add3A_284 = vector.broadcast %add3A_283 : i32 to vector<16xi32>
    %add3A_285 = arith.addi %mul3A_282, %add3A_284 : vector<16xi32>
    %gather3A_286 = tpu.vector_load_idx %arg6[%add3A_285] : memref<1536xi32, #tpu.memory_space<vmem>>[vector<16xi32>], vector<16xi32>,
    %mul3A_287 = arith.constant 3 : i32
    %mul3A_288 = vector.broadcast %mul3A_287 : i32 to vector<16xi32>
    %mul3A_289 = arith.muli %iota3A, %mul3A_288 : vector<16xi32>
    %add3A_290 = arith.constant 241 : i32
    %add3A_291 = vector.broadcast %add3A_290 : i32 to vector<16xi32>
    %add3A_292 = arith.addi %mul3A_289, %add3A_291 : vector<16xi32>
    %gather3A_293 = tpu.vector_load_idx %arg6[%add3A_292] : memref<1536xi32, #tpu.memory_space<vmem>>[vector<16xi32>], vector<16xi32>,
    %mul3A_294 = arith.constant 3 : i32
    %mul3A_295 = vector.broadcast %mul3A_294 : i32 to vector<16xi32>
    %mul3A_296 = arith.muli %iota3A, %mul3A_295 : vector<16xi32>
    %add3A_297 = arith.constant 242 : i32
    %add3A_298 = vector.broadcast %add3A_297 : i32 to vector<16xi32>
    %add3A_299 = arith.addi %mul3A_296, %add3A_298 : vector<16xi32>
    %gather3A_300 = tpu.vector_load_idx %arg6[%add3A_299] : memref<1536xi32, #tpu.memory_space<vmem>>[vector<16xi32>], vector<16xi32>,
    %shift_right_arithmetic3A_301 = arith.constant 3 : i32
    %shift_right_arithmetic3A_302 = vector.broadcast %shift_right_arithmetic3A_301 : i32 to vector<16xi32>
    %shift_right_arithmetic3A_303 = arith.shrsi %gather3A_286, %shift_right_arithmetic3A_302 : vector<16xi32>
    %swap3A_304 = arith.constant 80 : index
    %swap3A_305 = tpu.vector_load %arg7[%swap3A_304] {strides = array<i32>} : memref<512xi32, #tpu.memory_space<vmem>>, vector<16xi32>,
    tpu.vector_store %arg7[%swap3A_304], %shift_right_arithmetic3A_303 {strides = array<i32>} : memref<512xi32, #tpu.memory_space<vmem>>, vector<16xi32>,
    %shift_right_arithmetic3A_306 = arith.constant 1 : i32
    %shift_right_arithmetic3A_307 = vector.broadcast %shift_right_arithmetic3A_306 : i32 to vector<16xi32>
    %shift_right_arithmetic3A_308 = arith.shrsi %gather3A_293, %shift_right_arithmetic3A_307 : vector<16xi32>
    %swap3A_309 = arith.constant 0 : i32
    %swap3A_310 = arith.index_cast %swap3A_309 : i32 to index
    %swap3A_311 = arith.constant 80 : index
    %swap3A_312 = tpu.vector_load %arg8[%swap3A_310, %swap3A_311] {strides = array<i32>} : memref<4x128xi32, #tpu.memory_space<vmem>>, vector<16xi32>,
    tpu.vector_store %arg8[%swap3A_310, %swap3A_311], %shift_right_arithmetic3A_308 {strides = array<i32>} : memref<4x128xi32, #tpu.memory_space<vmem>>, vector<16xi32>,
    %shift_right_arithmetic3A_313 = arith.constant 3 : i32
    %shift_right_arithmetic3A_314 = vector.broadcast %shift_right_arithmetic3A_313 : i32 to vector<16xi32>
    %shift_right_arithmetic3A_315 = arith.shrsi %gather3A_300, %shift_right_arithmetic3A_314 : vector<16xi32>
    %swap3A_316 = arith.constant 80 : index
    %swap3A_317 = tpu.vector_load %arg9[%swap3A_316] {strides = array<i32>} : memref<512xi32, #tpu.memory_space<vmem>>, vector<16xi32>,
    tpu.vector_store %arg9[%swap3A_316], %shift_right_arithmetic3A_315 {strides = array<i32>} : memref<512xi32, #tpu.memory_space<vmem>>, vector<16xi32>,
    %and3A_318 = arith.constant 7 : i32
    %and3A_319 = vector.broadcast %and3A_318 : i32 to vector<16xi32>
    %and3A_320 = arith.andi %gather3A_286, %and3A_319 : vector<16xi32>
    %and3A_321 = arith.constant 1 : i32
    %and3A_322 = vector.broadcast %and3A_321 : i32 to vector<16xi32>
    %and3A_323 = arith.andi %gather3A_293, %and3A_322 : vector<16xi32>
    %shift_left3A_324 = arith.constant 8 : i32
    %shift_left3A_325 = vector.broadcast %shift_left3A_324 : i32 to vector<16xi32>
    %shift_left3A_326 = arith.shli %and3A_323, %shift_left3A_325 : vector<16xi32>
    %or3A_327 = arith.ori %and3A_320, %shift_left3A_326 : vector<16xi32>
    %and3A_328 = arith.constant 7 : i32
    %and3A_329 = vector.broadcast %and3A_328 : i32 to vector<16xi32>
    %and3A_330 = arith.andi %gather3A_300, %and3A_329 : vector<16xi32>
    %shift_left3A_331 = arith.constant 16 : i32
    %shift_left3A_332 = vector.broadcast %shift_left3A_331 : i32 to vector<16xi32>
    %shift_left3A_333 = arith.shli %and3A_330, %shift_left3A_332 : vector<16xi32>
    %or3A_334 = arith.ori %or3A_327, %shift_left3A_333 : vector<16xi32>
    %swap3A_335 = arith.constant 80 : index
    %swap3A_336 = tpu.vector_load %arg10[%swap3A_335] {strides = array<i32>} : memref<512xi32, #tpu.memory_space<vmem>>, vector<16xi32>,
    tpu.vector_store %arg10[%swap3A_335], %or3A_334 {strides = array<i32>} : memref<512xi32, #tpu.memory_space<vmem>>, vector<16xi32>,
    %mul3A_337 = arith.constant 3 : i32
    %mul3A_338 = vector.broadcast %mul3A_337 : i32 to vector<16xi32>
    %mul3A_339 = arith.muli %iota3A, %mul3A_338 : vector<16xi32>
    %add3A_340 = arith.constant 288 : i32
    %add3A_341 = vector.broadcast %add3A_340 : i32 to vector<16xi32>
    %add3A_342 = arith.addi %mul3A_339, %add3A_341 : vector<16xi32>
    %gather3A_343 = tpu.vector_load_idx %arg6[%add3A_342] : memref<1536xi32, #tpu.memory_space<vmem>>[vector<16xi32>], vector<16xi32>,
    %mul3A_344 = arith.constant 3 : i32
    %mul3A_345 = vector.broadcast %mul3A_344 : i32 to vector<16xi32>
    %mul3A_346 = arith.muli %iota3A, %mul3A_345 : vector<16xi32>
    %add3A_347 = arith.constant 289 : i32
    %add3A_348 = vector.broadcast %add3A_347 : i32 to vector<16xi32>
    %add3A_349 = arith.addi %mul3A_346, %add3A_348 : vector<16xi32>
    %gather3A_350 = tpu.vector_load_idx %arg6[%add3A_349] : memref<1536xi32, #tpu.memory_space<vmem>>[vector<16xi32>], vector<16xi32>,
    %mul3A_351 = arith.constant 3 : i32
    %mul3A_352 = vector.broadcast %mul3A_351 : i32 to vector<16xi32>
    %mul3A_353 = arith.muli %iota3A, %mul3A_352 : vector<16xi32>
    %add3A_354 = arith.constant 290 : i32
    %add3A_355 = vector.broadcast %add3A_354 : i32 to vector<16xi32>
    %add3A_356 = arith.addi %mul3A_353, %add3A_355 : vector<16xi32>
    %gather3A_357 = tpu.vector_load_idx %arg6[%add3A_356] : memref<1536xi32, #tpu.memory_space<vmem>>[vector<16xi32>], vector<16xi32>,
    %shift_right_arithmetic3A_358 = arith.constant 3 : i32
    %shift_right_arithmetic3A_359 = vector.broadcast %shift_right_arithmetic3A_358 : i32 to vector<16xi32>
    %shift_right_arithmetic3A_360 = arith.shrsi %gather3A_343, %shift_right_arithmetic3A_359 : vector<16xi32>
    %swap3A_361 = arith.constant 96 : index
    %swap3A_362 = tpu.vector_load %arg7[%swap3A_361] {strides = array<i32>} : memref<512xi32, #tpu.memory_space<vmem>>, vector<16xi32>,
    tpu.vector_store %arg7[%swap3A_361], %shift_right_arithmetic3A_360 {strides = array<i32>} : memref<512xi32, #tpu.memory_space<vmem>>, vector<16xi32>,
    %shift_right_arithmetic3A_363 = arith.constant 1 : i32
    %shift_right_arithmetic3A_364 = vector.broadcast %shift_right_arithmetic3A_363 : i32 to vector<16xi32>
    %shift_right_arithmetic3A_365 = arith.shrsi %gather3A_350, %shift_right_arithmetic3A_364 : vector<16xi32>
    %swap3A_366 = arith.constant 0 : i32
    %swap3A_367 = arith.index_cast %swap3A_366 : i32 to index
    %swap3A_368 = arith.constant 96 : index
    %swap3A_369 = tpu.vector_load %arg8[%swap3A_367, %swap3A_368] {strides = array<i32>} : memref<4x128xi32, #tpu.memory_space<vmem>>, vector<16xi32>,
    tpu.vector_store %arg8[%swap3A_367, %swap3A_368], %shift_right_arithmetic3A_365 {strides = array<i32>} : memref<4x128xi32, #tpu.memory_space<vmem>>, vector<16xi32>,
    %shift_right_arithmetic3A_370 = arith.constant 3 : i32
    %shift_right_arithmetic3A_371 = vector.broadcast %shift_right_arithmetic3A_370 : i32 to vector<16xi32>
    %shift_right_arithmetic3A_372 = arith.shrsi %gather3A_357, %shift_right_arithmetic3A_371 : vector<16xi32>
    %swap3A_373 = arith.constant 96 : index
    %swap3A_374 = tpu.vector_load %arg9[%swap3A_373] {strides = array<i32>} : memref<512xi32, #tpu.memory_space<vmem>>, vector<16xi32>,
    tpu.vector_store %arg9[%swap3A_373], %shift_right_arithmetic3A_372 {strides = array<i32>} : memref<512xi32, #tpu.memory_space<vmem>>, vector<16xi32>,
    %and3A_375 = arith.constant 7 : i32
    %and3A_376 = vector.broadcast %and3A_375 : i32 to vector<16xi32>
    %and3A_377 = arith.andi %gather3A_343, %and3A_376 : vector<16xi32>
    %and3A_378 = arith.constant 1 : i32
    %and3A_379 = vector.broadcast %and3A_378 : i32 to vector<16xi32>
    %and3A_380 = arith.andi %gather3A_350, %and3A_379 : vector<16xi32>
    %shift_left3A_381 = arith.constant 8 : i32
    %shift_left3A_382 = vector.broadcast %shift_left3A_381 : i32 to vector<16xi32>
    %shift_left3A_383 = arith.shli %and3A_380, %shift_left3A_382 : vector<16xi32>
    %or3A_384 = arith.ori %and3A_377, %shift_left3A_383 : vector<16xi32>
    %and3A_385 = arith.constant 7 : i32
    %and3A_386 = vector.broadcast %and3A_385 : i32 to vector<16xi32>
    %and3A_387 = arith.andi %gather3A_357, %and3A_386 : vector<16xi32>
    %shift_left3A_388 = arith.constant 16 : i32
    %shift_left3A_389 = vector.broadcast %shift_left3A_388 : i32 to vector<16xi32>
    %shift_left3A_390 = arith.shli %and3A_387, %shift_left3A_389 : vector<16xi32>
    %or3A_391 = arith.ori %or3A_384, %shift_left3A_390 : vector<16xi32>
    %swap3A_392 = arith.constant 96 : index
    %swap3A_393 = tpu.vector_load %arg10[%swap3A_392] {strides = array<i32>} : memref<512xi32, #tpu.memory_space<vmem>>, vector<16xi32>,
    tpu.vector_store %arg10[%swap3A_392], %or3A_391 {strides = array<i32>} : memref<512xi32, #tpu.memory_space<vmem>>, vector<16xi32>,
    %mul3A_394 = arith.constant 3 : i32
    %mul3A_395 = vector.broadcast %mul3A_394 : i32 to vector<16xi32>
    %mul3A_396 = arith.muli %iota3A, %mul3A_395 : vector<16xi32>
    %add3A_397 = arith.constant 336 : i32
    %add3A_398 = vector.broadcast %add3A_397 : i32 to vector<16xi32>
    %add3A_399 = arith.addi %mul3A_396, %add3A_398 : vector<16xi32>
    %gather3A_400 = tpu.vector_load_idx %arg6[%add3A_399] : memref<1536xi32, #tpu.memory_space<vmem>>[vector<16xi32>], vector<16xi32>,
    %mul3A_401 = arith.constant 3 : i32
    %mul3A_402 = vector.broadcast %mul3A_401 : i32 to vector<16xi32>
    %mul3A_403 = arith.muli %iota3A, %mul3A_402 : vector<16xi32>
    %add3A_404 = arith.constant 337 : i32
    %add3A_405 = vector.broadcast %add3A_404 : i32 to vector<16xi32>
    %add3A_406 = arith.addi %mul3A_403, %add3A_405 : vector<16xi32>
    %gather3A_407 = tpu.vector_load_idx %arg6[%add3A_406] : memref<1536xi32, #tpu.memory_space<vmem>>[vector<16xi32>], vector<16xi32>,
    %mul3A_408 = arith.constant 3 : i32
    %mul3A_409 = vector.broadcast %mul3A_408 : i32 to vector<16xi32>
    %mul3A_410 = arith.muli %iota3A, %mul3A_409 : vector<16xi32>
    %add3A_411 = arith.constant 338 : i32
    %add3A_412 = vector.broadcast %add3A_411 : i32 to vector<16xi32>
    %add3A_413 = arith.addi %mul3A_410, %add3A_412 : vector<16xi32>
    %gather3A_414 = tpu.vector_load_idx %arg6[%add3A_413] : memref<1536xi32, #tpu.memory_space<vmem>>[vector<16xi32>], vector<16xi32>,
    %shift_right_arithmetic3A_415 = arith.constant 3 : i32
    %shift_right_arithmetic3A_416 = vector.broadcast %shift_right_arithmetic3A_415 : i32 to vector<16xi32>
    %shift_right_arithmetic3A_417 = arith.shrsi %gather3A_400, %shift_right_arithmetic3A_416 : vector<16xi32>
    %swap3A_418 = arith.constant 112 : index
    %swap3A_419 = tpu.vector_load %arg7[%swap3A_418] {strides = array<i32>} : memref<512xi32, #tpu.memory_space<vmem>>, vector<16xi32>,
    tpu.vector_store %arg7[%swap3A_418], %shift_right_arithmetic3A_417 {strides = array<i32>} : memref<512xi32, #tpu.memory_space<vmem>>, vector<16xi32>,
    %shift_right_arithmetic3A_420 = arith.constant 1 : i32
    %shift_right_arithmetic3A_421 = vector.broadcast %shift_right_arithmetic3A_420 : i32 to vector<16xi32>
    %shift_right_arithmetic3A_422 = arith.shrsi %gather3A_407, %shift_right_arithmetic3A_421 : vector<16xi32>
    %swap3A_423 = arith.constant 0 : i32
    %swap3A_424 = arith.index_cast %swap3A_423 : i32 to index
    %swap3A_425 = arith.constant 112 : index
    %swap3A_426 = tpu.vector_load %arg8[%swap3A_424, %swap3A_425] {strides = array<i32>} : memref<4x128xi32, #tpu.memory_space<vmem>>, vector<16xi32>,
    tpu.vector_store %arg8[%swap3A_424, %swap3A_425], %shift_right_arithmetic3A_422 {strides = array<i32>} : memref<4x128xi32, #tpu.memory_space<vmem>>, vector<16xi32>,
    %shift_right_arithmetic3A_427 = arith.constant 3 : i32
    %shift_right_arithmetic3A_428 = vector.broadcast %shift_right_arithmetic3A_427 : i32 to vector<16xi32>
    %shift_right_arithmetic3A_429 = arith.shrsi %gather3A_414, %shift_right_arithmetic3A_428 : vector<16xi32>
    %swap3A_430 = arith.constant 112 : index
    %swap3A_431 = tpu.vector_load %arg9[%swap3A_430] {strides = array<i32>} : memref<512xi32, #tpu.memory_space<vmem>>, vector<16xi32>,
    tpu.vector_store %arg9[%swap3A_430], %shift_right_arithmetic3A_429 {strides = array<i32>} : memref<512xi32, #tpu.memory_space<vmem>>, vector<16xi32>,
    %and3A_432 = arith.constant 7 : i32
    %and3A_433 = vector.broadcast %and3A_432 : i32 to vector<16xi32>
    %and3A_434 = arith.andi %gather3A_400, %and3A_433 : vector<16xi32>
    %and3A_435 = arith.constant 1 : i32
    %and3A_436 = vector.broadcast %and3A_435 : i32 to vector<16xi32>
    %and3A_437 = arith.andi %gather3A_407, %and3A_436 : vector<16xi32>
    %shift_left3A_438 = arith.constant 8 : i32
    %shift_left3A_439 = vector.broadcast %shift_left3A_438 : i32 to vector<16xi32>
    %shift_left3A_440 = arith.shli %and3A_437, %shift_left3A_439 : vector<16xi32>
    %or3A_441 = arith.ori %and3A_434, %shift_left3A_440 : vector<16xi32>
    %and3A_442 = arith.constant 7 : i32
    %and3A_443 = vector.broadcast %and3A_442 : i32 to vector<16xi32>
    %and3A_444 = arith.andi %gather3A_414, %and3A_443 : vector<16xi32>
    %shift_left3A_445 = arith.constant 16 : i32
    %shift_left3A_446 = vector.broadcast %shift_left3A_445 : i32 to vector<16xi32>
    %shift_left3A_447 = arith.shli %and3A_444, %shift_left3A_446 : vector<16xi32>
    %or3A_448 = arith.ori %or3A_441, %shift_left3A_447 : vector<16xi32>
    %swap3A_449 = arith.constant 112 : index
    %swap3A_450 = tpu.vector_load %arg10[%swap3A_449] {strides = array<i32>} : memref<512xi32, #tpu.memory_space<vmem>>, vector<16xi32>,
    tpu.vector_store %arg10[%swap3A_449], %or3A_448 {strides = array<i32>} : memref<512xi32, #tpu.memory_space<vmem>>, vector<16xi32>,
    %mul3A_451 = arith.constant 3 : i32
    %mul3A_452 = vector.broadcast %mul3A_451 : i32 to vector<16xi32>
    %mul3A_453 = arith.muli %iota3A, %mul3A_452 : vector<16xi32>
    %add3A_454 = arith.constant 384 : i32
    %add3A_455 = vector.broadcast %add3A_454 : i32 to vector<16xi32>
    %add3A_456 = arith.addi %mul3A_453, %add3A_455 : vector<16xi32>
    %gather3A_457 = tpu.vector_load_idx %arg6[%add3A_456] : memref<1536xi32, #tpu.memory_space<vmem>>[vector<16xi32>], vector<16xi32>,
    %mul3A_458 = arith.constant 3 : i32
    %mul3A_459 = vector.broadcast %mul3A_458 : i32 to vector<16xi32>
    %mul3A_460 = arith.muli %iota3A, %mul3A_459 : vector<16xi32>
    %add3A_461 = arith.constant 385 : i32
    %add3A_462 = vector.broadcast %add3A_461 : i32 to vector<16xi32>
    %add3A_463 = arith.addi %mul3A_460, %add3A_462 : vector<16xi32>
    %gather3A_464 = tpu.vector_load_idx %arg6[%add3A_463] : memref<1536xi32, #tpu.memory_space<vmem>>[vector<16xi32>], vector<16xi32>,
    %mul3A_465 = arith.constant 3 : i32
    %mul3A_466 = vector.broadcast %mul3A_465 : i32 to vector<16xi32>
    %mul3A_467 = arith.muli %iota3A, %mul3A_466 : vector<16xi32>
    %add3A_468 = arith.constant 386 : i32
    %add3A_469 = vector.broadcast %add3A_468 : i32 to vector<16xi32>
    %add3A_470 = arith.addi %mul3A_467, %add3A_469 : vector<16xi32>
    %gather3A_471 = tpu.vector_load_idx %arg6[%add3A_470] : memref<1536xi32, #tpu.memory_space<vmem>>[vector<16xi32>], vector<16xi32>,
    %shift_right_arithmetic3A_472 = arith.constant 3 : i32
    %shift_right_arithmetic3A_473 = vector.broadcast %shift_right_arithmetic3A_472 : i32 to vector<16xi32>
    %shift_right_arithmetic3A_474 = arith.shrsi %gather3A_457, %shift_right_arithmetic3A_473 : vector<16xi32>
    %swap3A_475 = arith.constant 128 : index
    %swap3A_476 = tpu.vector_load %arg7[%swap3A_475] {strides = array<i32>} : memref<512xi32, #tpu.memory_space<vmem>>, vector<16xi32>,
    tpu.vector_store %arg7[%swap3A_475], %shift_right_arithmetic3A_474 {strides = array<i32>} : memref<512xi32, #tpu.memory_space<vmem>>, vector<16xi32>,
    %shift_right_arithmetic3A_477 = arith.constant 1 : i32
    %shift_right_arithmetic3A_478 = vector.broadcast %shift_right_arithmetic3A_477 : i32 to vector<16xi32>
    %shift_right_arithmetic3A_479 = arith.shrsi %gather3A_464, %shift_right_arithmetic3A_478 : vector<16xi32>
    %swap3A_480 = arith.constant 1 : i32
    %swap3A_481 = arith.index_cast %swap3A_480 : i32 to index
    %swap3A_482 = arith.constant 0 : index
    %swap3A_483 = tpu.vector_load %arg8[%swap3A_481, %swap3A_482] {strides = array<i32>} : memref<4x128xi32, #tpu.memory_space<vmem>>, vector<16xi32>,
    tpu.vector_store %arg8[%swap3A_481, %swap3A_482], %shift_right_arithmetic3A_479 {strides = array<i32>} : memref<4x128xi32, #tpu.memory_space<vmem>>, vector<16xi32>,
    %shift_right_arithmetic3A_484 = arith.constant 3 : i32
    %shift_right_arithmetic3A_485 = vector.broadcast %shift_right_arithmetic3A_484 : i32 to vector<16xi32>
    %shift_right_arithmetic3A_486 = arith.shrsi %gather3A_471, %shift_right_arithmetic3A_485 : vector<16xi32>
    %swap3A_487 = arith.constant 128 : index
    %swap3A_488 = tpu.vector_load %arg9[%swap3A_487] {strides = array<i32>} : memref<512xi32, #tpu.memory_space<vmem>>, vector<16xi32>,
    tpu.vector_store %arg9[%swap3A_487], %shift_right_arithmetic3A_486 {strides = array<i32>} : memref<512xi32, #tpu.memory_space<vmem>>, vector<16xi32>,
    %and3A_489 = arith.constant 7 : i32
    %and3A_490 = vector.broadcast %and3A_489 : i32 to vector<16xi32>
    %and3A_491 = arith.andi %gather3A_457, %and3A_490 : vector<16xi32>
    %and3A_492 = arith.constant 1 : i32
    %and3A_493 = vector.broadcast %and3A_492 : i32 to vector<16xi32>
    %and3A_494 = arith.andi %gather3A_464, %and3A_493 : vector<16xi32>
    %shift_left3A_495 = arith.constant 8 : i32
    %shift_left3A_496 = vector.broadcast %shift_left3A_495 : i32 to vector<16xi32>
    %shift_left3A_497 = arith.shli %and3A_494, %shift_left3A_496 : vector<16xi32>
    %or3A_498 = arith.ori %and3A_491, %shift_left3A_497 : vector<16xi32>
    %and3A_499 = arith.constant 7 : i32
    %and3A_500 = vector.broadcast %and3A_499 : i32 to vector<16xi32>
    %and3A_501 = arith.andi %gather3A_471, %and3A_500 : vector<16xi32>
    %shift_left3A_502 = arith.constant 16 : i32
    %shift_left3A_503 = vector.broadcast %shift_left3A_502 : i32 to vector<16xi32>
    %shift_left3A_504 = arith.shli %and3A_501, %shift_left3A_503 : vector<16xi32>
    %or3A_505 = arith.ori %or3A_498, %shift_left3A_504 : vector<16xi32>
    %swap3A_506 = arith.constant 128 : index
    %swap3A_507 = tpu.vector_load %arg10[%swap3A_506] {strides = array<i32>} : memref<512xi32, #tpu.memory_space<vmem>>, vector<16xi32>,
    tpu.vector_store %arg10[%swap3A_506], %or3A_505 {strides = array<i32>} : memref<512xi32, #tpu.memory_space<vmem>>, vector<16xi32>,
    %mul3A_508 = arith.constant 3 : i32
    %mul3A_509 = vector.broadcast %mul3A_508 : i32 to vector<16xi32>
    %mul3A_510 = arith.muli %iota3A, %mul3A_509 : vector<16xi32>
    %add3A_511 = arith.constant 432 : i32
    %add3A_512 = vector.broadcast %add3A_511 : i32 to vector<16xi32>
    %add3A_513 = arith.addi %mul3A_510, %add3A_512 : vector<16xi32>
    %gather3A_514 = tpu.vector_load_idx %arg6[%add3A_513] : memref<1536xi32, #tpu.memory_space<vmem>>[vector<16xi32>], vector<16xi32>,
    %mul3A_515 = arith.constant 3 : i32
    %mul3A_516 = vector.broadcast %mul3A_515 : i32 to vector<16xi32>
    %mul3A_517 = arith.muli %iota3A, %mul3A_516 : vector<16xi32>
    %add3A_518 = arith.constant 433 : i32
    %add3A_519 = vector.broadcast %add3A_518 : i32 to vector<16xi32>
    %add3A_520 = arith.addi %mul3A_517, %add3A_519 : vector<16xi32>
    %gather3A_521 = tpu.vector_load_idx %arg6[%add3A_520] : memref<1536xi32, #tpu.memory_space<vmem>>[vector<16xi32>], vector<16xi32>,
    %mul3A_522 = arith.constant 3 : i32
    %mul3A_523 = vector.broadcast %mul3A_522 : i32 to vector<16xi32>
    %mul3A_524 = arith.muli %iota3A, %mul3A_523 : vector<16xi32>
    %add3A_525 = arith.constant 434 : i32
    %add3A_526 = vector.broadcast %add3A_525 : i32 to vector<16xi32>
    %add3A_527 = arith.addi %mul3A_524, %add3A_526 : vector<16xi32>
    %gather3A_528 = tpu.vector_load_idx %arg6[%add3A_527] : memref<1536xi32, #tpu.memory_space<vmem>>[vector<16xi32>], vector<16xi32>,
    %shift_right_arithmetic3A_529 = arith.constant 3 : i32
    %shift_right_arithmetic3A_530 = vector.broadcast %shift_right_arithmetic3A_529 : i32 to vector<16xi32>
    %shift_right_arithmetic3A_531 = arith.shrsi %gather3A_514, %shift_right_arithmetic3A_530 : vector<16xi32>
    %swap3A_532 = arith.constant 144 : index
    %swap3A_533 = tpu.vector_load %arg7[%swap3A_532] {strides = array<i32>} : memref<512xi32, #tpu.memory_space<vmem>>, vector<16xi32>,
    tpu.vector_store %arg7[%swap3A_532], %shift_right_arithmetic3A_531 {strides = array<i32>} : memref<512xi32, #tpu.memory_space<vmem>>, vector<16xi32>,
    %shift_right_arithmetic3A_534 = arith.constant 1 : i32
    %shift_right_arithmetic3A_535 = vector.broadcast %shift_right_arithmetic3A_534 : i32 to vector<16xi32>
    %shift_right_arithmetic3A_536 = arith.shrsi %gather3A_521, %shift_right_arithmetic3A_535 : vector<16xi32>
    %swap3A_537 = arith.constant 1 : i32
    %swap3A_538 = arith.index_cast %swap3A_537 : i32 to index
    %swap3A_539 = arith.constant 16 : index
    %swap3A_540 = tpu.vector_load %arg8[%swap3A_538, %swap3A_539] {strides = array<i32>} : memref<4x128xi32, #tpu.memory_space<vmem>>, vector<16xi32>,
    tpu.vector_store %arg8[%swap3A_538, %swap3A_539], %shift_right_arithmetic3A_536 {strides = array<i32>} : memref<4x128xi32, #tpu.memory_space<vmem>>, vector<16xi32>,
    %shift_right_arithmetic3A_541 = arith.constant 3 : i32
    %shift_right_arithmetic3A_542 = vector.broadcast %shift_right_arithmetic3A_541 : i32 to vector<16xi32>
    %shift_right_arithmetic3A_543 = arith.shrsi %gather3A_528, %shift_right_arithmetic3A_542 : vector<16xi32>
    %swap3A_544 = arith.constant 144 : index
    %swap3A_545 = tpu.vector_load %arg9[%swap3A_544] {strides = array<i32>} : memref<512xi32, #tpu.memory_space<vmem>>, vector<16xi32>,
    tpu.vector_store %arg9[%swap3A_544], %shift_right_arithmetic3A_543 {strides = array<i32>} : memref<512xi32, #tpu.memory_space<vmem>>, vector<16xi32>,
    %and3A_546 = arith.constant 7 : i32
    %and3A_547 = vector.broadcast %and3A_546 : i32 to vector<16xi32>
    %and3A_548 = arith.andi %gather3A_514, %and3A_547 : vector<16xi32>
    %and3A_549 = arith.constant 1 : i32
    %and3A_550 = vector.broadcast %and3A_549 : i32 to vector<16xi32>
    %and3A_551 = arith.andi %gather3A_521, %and3A_550 : vector<16xi32>
    %shift_left3A_552 = arith.constant 8 : i32
    %shift_left3A_553 = vector.broadcast %shift_left3A_552 : i32 to vector<16xi32>
    %shift_left3A_554 = arith.shli %and3A_551, %shift_left3A_553 : vector<16xi32>
    %or3A_555 = arith.ori %and3A_548, %shift_left3A_554 : vector<16xi32>
    %and3A_556 = arith.constant 7 : i32
    %and3A_557 = vector.broadcast %and3A_556 : i32 to vector<16xi32>
    %and3A_558 = arith.andi %gather3A_528, %and3A_557 : vector<16xi32>
    %shift_left3A_559 = arith.constant 16 : i32
    %shift_left3A_560 = vector.broadcast %shift_left3A_559 : i32 to vector<16xi32>
    %shift_left3A_561 = arith.shli %and3A_558, %shift_left3A_560 : vector<16xi32>
    %or3A_562 = arith.ori %or3A_555, %shift_left3A_561 : vector<16xi32>
    %swap3A_563 = arith.constant 144 : index
    %swap3A_564 = tpu.vector_load %arg10[%swap3A_563] {strides = array<i32>} : memref<512xi32, #tpu.memory_space<vmem>>, vector<16xi32>,
    tpu.vector_store %arg10[%swap3A_563], %or3A_562 {strides = array<i32>} : memref<512xi32, #tpu.memory_space<vmem>>, vector<16xi32>,
    %mul3A_565 = arith.constant 3 : i32
    %mul3A_566 = vector.broadcast %mul3A_565 : i32 to vector<16xi32>
    %mul3A_567 = arith.muli %iota3A, %mul3A_566 : vector<16xi32>
    %add3A_568 = arith.constant 480 : i32
    %add3A_569 = vector.broadcast %add3A_568 : i32 to vector<16xi32>
    %add3A_570 = arith.addi %mul3A_567, %add3A_569 : vector<16xi32>
    %gather3A_571 = tpu.vector_load_idx %arg6[%add3A_570] : memref<1536xi32, #tpu.memory_space<vmem>>[vector<16xi32>], vector<16xi32>,
    %mul3A_572 = arith.constant 3 : i32
    %mul3A_573 = vector.broadcast %mul3A_572 : i32 to vector<16xi32>
    %mul3A_574 = arith.muli %iota3A, %mul3A_573 : vector<16xi32>
    %add3A_575 = arith.constant 481 : i32
    %add3A_576 = vector.broadcast %add3A_575 : i32 to vector<16xi32>
    %add3A_577 = arith.addi %mul3A_574, %add3A_576 : vector<16xi32>
    %gather3A_578 = tpu.vector_load_idx %arg6[%add3A_577] : memref<1536xi32, #tpu.memory_space<vmem>>[vector<16xi32>], vector<16xi32>,
    %mul3A_579 = arith.constant 3 : i32
    %mul3A_580 = vector.broadcast %mul3A_579 : i32 to vector<16xi32>
    %mul3A_581 = arith.muli %iota3A, %mul3A_580 : vector<16xi32>
    %add3A_582 = arith.constant 482 : i32
    %add3A_583 = vector.broadcast %add3A_582 : i32 to vector<16xi32>
    %add3A_584 = arith.addi %mul3A_581, %add3A_583 : vector<16xi32>
    %gather3A_585 = tpu.vector_load_idx %arg6[%add3A_584] : memref<1536xi32, #tpu.memory_space<vmem>>[vector<16xi32>], vector<16xi32>,
    %shift_right_arithmetic3A_586 = arith.constant 3 : i32
    %shift_right_arithmetic3A_587 = vector.broadcast %shift_right_arithmetic3A_586 : i32 to vector<16xi32>
    %shift_right_arithmetic3A_588 = arith.shrsi %gather3A_571, %shift_right_arithmetic3A_587 : vector<16xi32>
    %swap3A_589 = arith.constant 160 : index
    %swap3A_590 = tpu.vector_load %arg7[%swap3A_589] {strides = array<i32>} : memref<512xi32, #tpu.memory_space<vmem>>, vector<16xi32>,
    tpu.vector_store %arg7[%swap3A_589], %shift_right_arithmetic3A_588 {strides = array<i32>} : memref<512xi32, #tpu.memory_space<vmem>>, vector<16xi32>,
    %shift_right_arithmetic3A_591 = arith.constant 1 : i32
    %shift_right_arithmetic3A_592 = vector.broadcast %shift_right_arithmetic3A_591 : i32 to vector<16xi32>
    %shift_right_arithmetic3A_593 = arith.shrsi %gather3A_578, %shift_right_arithmetic3A_592 : vector<16xi32>
    %swap3A_594 = arith.constant 1 : i32
    %swap3A_595 = arith.index_cast %swap3A_594 : i32 to index
    %swap3A_596 = arith.constant 32 : index
    %swap3A_597 = tpu.vector_load %arg8[%swap3A_595, %swap3A_596] {strides = array<i32>} : memref<4x128xi32, #tpu.memory_space<vmem>>, vector<16xi32>,
    tpu.vector_store %arg8[%swap3A_595, %swap3A_596], %shift_right_arithmetic3A_593 {strides = array<i32>} : memref<4x128xi32, #tpu.memory_space<vmem>>, vector<16xi32>,
    %shift_right_arithmetic3A_598 = arith.constant 3 : i32
    %shift_right_arithmetic3A_599 = vector.broadcast %shift_right_arithmetic3A_598 : i32 to vector<16xi32>
    %shift_right_arithmetic3A_600 = arith.shrsi %gather3A_585, %shift_right_arithmetic3A_599 : vector<16xi32>
    %swap3A_601 = arith.constant 160 : index
    %swap3A_602 = tpu.vector_load %arg9[%swap3A_601] {strides = array<i32>} : memref<512xi32, #tpu.memory_space<vmem>>, vector<16xi32>,
    tpu.vector_store %arg9[%swap3A_601], %shift_right_arithmetic3A_600 {strides = array<i32>} : memref<512xi32, #tpu.memory_space<vmem>>, vector<16xi32>,
    %and3A_603 = arith.constant 7 : i32
    %and3A_604 = vector.broadcast %and3A_603 : i32 to vector<16xi32>
    %and3A_605 = arith.andi %gather3A_571, %and3A_604 : vector<16xi32>
    %and3A_606 = arith.constant 1 : i32
    %and3A_607 = vector.broadcast %and3A_606 : i32 to vector<16xi32>
    %and3A_608 = arith.andi %gather3A_578, %and3A_607 : vector<16xi32>
    %shift_left3A_609 = arith.constant 8 : i32
    %shift_left3A_610 = vector.broadcast %shift_left3A_609 : i32 to vector<16xi32>
    %shift_left3A_611 = arith.shli %and3A_608, %shift_left3A_610 : vector<16xi32>
    %or3A_612 = arith.ori %and3A_605, %shift_left3A_611 : vector<16xi32>
    %and3A_613 = arith.constant 7 : i32
    %and3A_614 = vector.broadcast %and3A_613 : i32 to vector<16xi32>
    %and3A_615 = arith.andi %gather3A_585, %and3A_614 : vector<16xi32>
    %shift_left3A_616 = arith.constant 16 : i32
    %shift_left3A_617 = vector.broadcast %shift_left3A_616 : i32 to vector<16xi32>
    %shift_left3A_618 = arith.shli %and3A_615, %shift_left3A_617 : vector<16xi32>
    %or3A_619 = arith.ori %or3A_612, %shift_left3A_618 : vector<16xi32>
    %swap3A_620 = arith.constant 160 : index
    %swap3A_621 = tpu.vector_load %arg10[%swap3A_620] {strides = array<i32>} : memref<512xi32, #tpu.memory_space<vmem>>, vector<16xi32>,
    tpu.vector_store %arg10[%swap3A_620], %or3A_619 {strides = array<i32>} : memref<512xi32, #tpu.memory_space<vmem>>, vector<16xi32>,
    %mul3A_622 = arith.constant 3 : i32
    %mul3A_623 = vector.broadcast %mul3A_622 : i32 to vector<16xi32>
    %mul3A_624 = arith.muli %iota3A, %mul3A_623 : vector<16xi32>
    %add3A_625 = arith.constant 528 : i32
    %add3A_626 = vector.broadcast %add3A_625 : i32 to vector<16xi32>
    %add3A_627 = arith.addi %mul3A_624, %add3A_626 : vector<16xi32>
    %gather3A_628 = tpu.vector_load_idx %arg6[%add3A_627] : memref<1536xi32, #tpu.memory_space<vmem>>[vector<16xi32>], vector<16xi32>,
    %mul3A_629 = arith.constant 3 : i32
    %mul3A_630 = vector.broadcast %mul3A_629 : i32 to vector<16xi32>
    %mul3A_631 = arith.muli %iota3A, %mul3A_630 : vector<16xi32>
    %add3A_632 = arith.constant 529 : i32
    %add3A_633 = vector.broadcast %add3A_632 : i32 to vector<16xi32>
    %add3A_634 = arith.addi %mul3A_631, %add3A_633 : vector<16xi32>
    %gather3A_635 = tpu.vector_load_idx %arg6[%add3A_634] : memref<1536xi32, #tpu.memory_space<vmem>>[vector<16xi32>], vector<16xi32>,
    %mul3A_636 = arith.constant 3 : i32
    %mul3A_637 = vector.broadcast %mul3A_636 : i32 to vector<16xi32>
    %mul3A_638 = arith.muli %iota3A, %mul3A_637 : vector<16xi32>
    %add3A_639 = arith.constant 530 : i32
    %add3A_640 = vector.broadcast %add3A_639 : i32 to vector<16xi32>
    %add3A_641 = arith.addi %mul3A_638, %add3A_640 : vector<16xi32>
    %gather3A_642 = tpu.vector_load_idx %arg6[%add3A_641] : memref<1536xi32, #tpu.memory_space<vmem>>[vector<16xi32>], vector<16xi32>,
    %shift_right_arithmetic3A_643 = arith.constant 3 : i32
    %shift_right_arithmetic3A_644 = vector.broadcast %shift_right_arithmetic3A_643 : i32 to vector<16xi32>
    %shift_right_arithmetic3A_645 = arith.shrsi %gather3A_628, %shift_right_arithmetic3A_644 : vector<16xi32>
    %swap3A_646 = arith.constant 176 : index
    %swap3A_647 = tpu.vector_load %arg7[%swap3A_646] {strides = array<i32>} : memref<512xi32, #tpu.memory_space<vmem>>, vector<16xi32>,
    tpu.vector_store %arg7[%swap3A_646], %shift_right_arithmetic3A_645 {strides = array<i32>} : memref<512xi32, #tpu.memory_space<vmem>>, vector<16xi32>,
    %shift_right_arithmetic3A_648 = arith.constant 1 : i32
    %shift_right_arithmetic3A_649 = vector.broadcast %shift_right_arithmetic3A_648 : i32 to vector<16xi32>
    %shift_right_arithmetic3A_650 = arith.shrsi %gather3A_635, %shift_right_arithmetic3A_649 : vector<16xi32>
    %swap3A_651 = arith.constant 1 : i32
    %swap3A_652 = arith.index_cast %swap3A_651 : i32 to index
    %swap3A_653 = arith.constant 48 : index
    %swap3A_654 = tpu.vector_load %arg8[%swap3A_652, %swap3A_653] {strides = array<i32>} : memref<4x128xi32, #tpu.memory_space<vmem>>, vector<16xi32>,
    tpu.vector_store %arg8[%swap3A_652, %swap3A_653], %shift_right_arithmetic3A_650 {strides = array<i32>} : memref<4x128xi32, #tpu.memory_space<vmem>>, vector<16xi32>,
    %shift_right_arithmetic3A_655 = arith.constant 3 : i32
    %shift_right_arithmetic3A_656 = vector.broadcast %shift_right_arithmetic3A_655 : i32 to vector<16xi32>
    %shift_right_arithmetic3A_657 = arith.shrsi %gather3A_642, %shift_right_arithmetic3A_656 : vector<16xi32>
    %swap3A_658 = arith.constant 176 : index
    %swap3A_659 = tpu.vector_load %arg9[%swap3A_658] {strides = array<i32>} : memref<512xi32, #tpu.memory_space<vmem>>, vector<16xi32>,
    tpu.vector_store %arg9[%swap3A_658], %shift_right_arithmetic3A_657 {strides = array<i32>} : memref<512xi32, #tpu.memory_space<vmem>>, vector<16xi32>,
    %and3A_660 = arith.constant 7 : i32
    %and3A_661 = vector.broadcast %and3A_660 : i32 to vector<16xi32>
    %and3A_662 = arith.andi %gather3A_628, %and3A_661 : vector<16xi32>
    %and3A_663 = arith.constant 1 : i32
    %and3A_664 = vector.broadcast %and3A_663 : i32 to vector<16xi32>
    %and3A_665 = arith.andi %gather3A_635, %and3A_664 : vector<16xi32>
    %shift_left3A_666 = arith.constant 8 : i32
    %shift_left3A_667 = vector.broadcast %shift_left3A_666 : i32 to vector<16xi32>
    %shift_left3A_668 = arith.shli %and3A_665, %shift_left3A_667 : vector<16xi32>
    %or3A_669 = arith.ori %and3A_662, %shift_left3A_668 : vector<16xi32>
    %and3A_670 = arith.constant 7 : i32
    %and3A_671 = vector.broadcast %and3A_670 : i32 to vector<16xi32>
    %and3A_672 = arith.andi %gather3A_642, %and3A_671 : vector<16xi32>
    %shift_left3A_673 = arith.constant 16 : i32
    %shift_left3A_674 = vector.broadcast %shift_left3A_673 : i32 to vector<16xi32>
    %shift_left3A_675 = arith.shli %and3A_672, %shift_left3A_674 : vector<16xi32>
    %or3A_676 = arith.ori %or3A_669, %shift_left3A_675 : vector<16xi32>
    %swap3A_677 = arith.constant 176 : index
    %swap3A_678 = tpu.vector_load %arg10[%swap3A_677] {strides = array<i32>} : memref<512xi32, #tpu.memory_space<vmem>>, vector<16xi32>,
    tpu.vector_store %arg10[%swap3A_677], %or3A_676 {strides = array<i32>} : memref<512xi32, #tpu.memory_space<vmem>>, vector<16xi32>,
    %mul3A_679 = arith.constant 3 : i32
    %mul3A_680 = vector.broadcast %mul3A_679 : i32 to vector<16xi32>
    %mul3A_681 = arith.muli %iota3A, %mul3A_680 : vector<16xi32>
    %add3A_682 = arith.constant 576 : i32
    %add3A_683 = vector.broadcast %add3A_682 : i32 to vector<16xi32>
    %add3A_684 = arith.addi %mul3A_681, %add3A_683 : vector<16xi32>
    %gather3A_685 = tpu.vector_load_idx %arg6[%add3A_684] : memref<1536xi32, #tpu.memory_space<vmem>>[vector<16xi32>], vector<16xi32>,
    %mul3A_686 = arith.constant 3 : i32
    %mul3A_687 = vector.broadcast %mul3A_686 : i32 to vector<16xi32>
    %mul3A_688 = arith.muli %iota3A, %mul3A_687 : vector<16xi32>
    %add3A_689 = arith.constant 577 : i32
    %add3A_690 = vector.broadcast %add3A_689 : i32 to vector<16xi32>
    %add3A_691 = arith.addi %mul3A_688, %add3A_690 : vector<16xi32>
    %gather3A_692 = tpu.vector_load_idx %arg6[%add3A_691] : memref<1536xi32, #tpu.memory_space<vmem>>[vector<16xi32>], vector<16xi32>,
    %mul3A_693 = arith.constant 3 : i32
    %mul3A_694 = vector.broadcast %mul3A_693 : i32 to vector<16xi32>
    %mul3A_695 = arith.muli %iota3A, %mul3A_694 : vector<16xi32>
    %add3A_696 = arith.constant 578 : i32
    %add3A_697 = vector.broadcast %add3A_696 : i32 to vector<16xi32>
    %add3A_698 = arith.addi %mul3A_695, %add3A_697 : vector<16xi32>
    %gather3A_699 = tpu.vector_load_idx %arg6[%add3A_698] : memref<1536xi32, #tpu.memory_space<vmem>>[vector<16xi32>], vector<16xi32>,
    %shift_right_arithmetic3A_700 = arith.constant 3 : i32
    %shift_right_arithmetic3A_701 = vector.broadcast %shift_right_arithmetic3A_700 : i32 to vector<16xi32>
    %shift_right_arithmetic3A_702 = arith.shrsi %gather3A_685, %shift_right_arithmetic3A_701 : vector<16xi32>
    %swap3A_703 = arith.constant 192 : index
    %swap3A_704 = tpu.vector_load %arg7[%swap3A_703] {strides = array<i32>} : memref<512xi32, #tpu.memory_space<vmem>>, vector<16xi32>,
    tpu.vector_store %arg7[%swap3A_703], %shift_right_arithmetic3A_702 {strides = array<i32>} : memref<512xi32, #tpu.memory_space<vmem>>, vector<16xi32>,
    %shift_right_arithmetic3A_705 = arith.constant 1 : i32
    %shift_right_arithmetic3A_706 = vector.broadcast %shift_right_arithmetic3A_705 : i32 to vector<16xi32>
    %shift_right_arithmetic3A_707 = arith.shrsi %gather3A_692, %shift_right_arithmetic3A_706 : vector<16xi32>
    %swap3A_708 = arith.constant 1 : i32
    %swap3A_709 = arith.index_cast %swap3A_708 : i32 to index
    %swap3A_710 = arith.constant 64 : index
    %swap3A_711 = tpu.vector_load %arg8[%swap3A_709, %swap3A_710] {strides = array<i32>} : memref<4x128xi32, #tpu.memory_space<vmem>>, vector<16xi32>,
    tpu.vector_store %arg8[%swap3A_709, %swap3A_710], %shift_right_arithmetic3A_707 {strides = array<i32>} : memref<4x128xi32, #tpu.memory_space<vmem>>, vector<16xi32>,
    %shift_right_arithmetic3A_712 = arith.constant 3 : i32
    %shift_right_arithmetic3A_713 = vector.broadcast %shift_right_arithmetic3A_712 : i32 to vector<16xi32>
    %shift_right_arithmetic3A_714 = arith.shrsi %gather3A_699, %shift_right_arithmetic3A_713 : vector<16xi32>
    %swap3A_715 = arith.constant 192 : index
    %swap3A_716 = tpu.vector_load %arg9[%swap3A_715] {strides = array<i32>} : memref<512xi32, #tpu.memory_space<vmem>>, vector<16xi32>,
    tpu.vector_store %arg9[%swap3A_715], %shift_right_arithmetic3A_714 {strides = array<i32>} : memref<512xi32, #tpu.memory_space<vmem>>, vector<16xi32>,
    %and3A_717 = arith.constant 7 : i32
    %and3A_718 = vector.broadcast %and3A_717 : i32 to vector<16xi32>
    %and3A_719 = arith.andi %gather3A_685, %and3A_718 : vector<16xi32>
    %and3A_720 = arith.constant 1 : i32
    %and3A_721 = vector.broadcast %and3A_720 : i32 to vector<16xi32>
    %and3A_722 = arith.andi %gather3A_692, %and3A_721 : vector<16xi32>
    %shift_left3A_723 = arith.constant 8 : i32
    %shift_left3A_724 = vector.broadcast %shift_left3A_723 : i32 to vector<16xi32>
    %shift_left3A_725 = arith.shli %and3A_722, %shift_left3A_724 : vector<16xi32>
    %or3A_726 = arith.ori %and3A_719, %shift_left3A_725 : vector<16xi32>
    %and3A_727 = arith.constant 7 : i32
    %and3A_728 = vector.broadcast %and3A_727 : i32 to vector<16xi32>
    %and3A_729 = arith.andi %gather3A_699, %and3A_728 : vector<16xi32>
    %shift_left3A_730 = arith.constant 16 : i32
    %shift_left3A_731 = vector.broadcast %shift_left3A_730 : i32 to vector<16xi32>
    %shift_left3A_732 = arith.shli %and3A_729, %shift_left3A_731 : vector<16xi32>
    %or3A_733 = arith.ori %or3A_726, %shift_left3A_732 : vector<16xi32>
    %swap3A_734 = arith.constant 192 : index
    %swap3A_735 = tpu.vector_load %arg10[%swap3A_734] {strides = array<i32>} : memref<512xi32, #tpu.memory_space<vmem>>, vector<16xi32>,
    tpu.vector_store %arg10[%swap3A_734], %or3A_733 {strides = array<i32>} : memref<512xi32, #tpu.memory_space<vmem>>, vector<16xi32>,
    %mul3A_736 = arith.constant 3 : i32
    %mul3A_737 = vector.broadcast %mul3A_736 : i32 to vector<16xi32>
    %mul3A_738 = arith.muli %iota3A, %mul3A_737 : vector<16xi32>
    %add3A_739 = arith.constant 624 : i32
    %add3A_740 = vector.broadcast %add3A_739 : i32 to vector<16xi32>
    %add3A_741 = arith.addi %mul3A_738, %add3A_740 : vector<16xi32>
    %gather3A_742 = tpu.vector_load_idx %arg6[%add3A_741] : memref<1536xi32, #tpu.memory_space<vmem>>[vector<16xi32>], vector<16xi32>,
    %mul3A_743 = arith.constant 3 : i32
    %mul3A_744 = vector.broadcast %mul3A_743 : i32 to vector<16xi32>
    %mul3A_745 = arith.muli %iota3A, %mul3A_744 : vector<16xi32>
    %add3A_746 = arith.constant 625 : i32
    %add3A_747 = vector.broadcast %add3A_746 : i32 to vector<16xi32>
    %add3A_748 = arith.addi %mul3A_745, %add3A_747 : vector<16xi32>
    %gather3A_749 = tpu.vector_load_idx %arg6[%add3A_748] : memref<1536xi32, #tpu.memory_space<vmem>>[vector<16xi32>], vector<16xi32>,
    %mul3A_750 = arith.constant 3 : i32
    %mul3A_751 = vector.broadcast %mul3A_750 : i32 to vector<16xi32>
    %mul3A_752 = arith.muli %iota3A, %mul3A_751 : vector<16xi32>
    %add3A_753 = arith.constant 626 : i32
    %add3A_754 = vector.broadcast %add3A_753 : i32 to vector<16xi32>
    %add3A_755 = arith.addi %mul3A_752, %add3A_754 : vector<16xi32>
    %gather3A_756 = tpu.vector_load_idx %arg6[%add3A_755] : memref<1536xi32, #tpu.memory_space<vmem>>[vector<16xi32>], vector<16xi32>,
    %shift_right_arithmetic3A_757 = arith.constant 3 : i32
    %shift_right_arithmetic3A_758 = vector.broadcast %shift_right_arithmetic3A_757 : i32 to vector<16xi32>
    %shift_right_arithmetic3A_759 = arith.shrsi %gather3A_742, %shift_right_arithmetic3A_758 : vector<16xi32>
    %swap3A_760 = arith.constant 208 : index
    %swap3A_761 = tpu.vector_load %arg7[%swap3A_760] {strides = array<i32>} : memref<512xi32, #tpu.memory_space<vmem>>, vector<16xi32>,
    tpu.vector_store %arg7[%swap3A_760], %shift_right_arithmetic3A_759 {strides = array<i32>} : memref<512xi32, #tpu.memory_space<vmem>>, vector<16xi32>,
    %shift_right_arithmetic3A_762 = arith.constant 1 : i32
    %shift_right_arithmetic3A_763 = vector.broadcast %shift_right_arithmetic3A_762 : i32 to vector<16xi32>
    %shift_right_arithmetic3A_764 = arith.shrsi %gather3A_749, %shift_right_arithmetic3A_763 : vector<16xi32>
    %swap3A_765 = arith.constant 1 : i32
    %swap3A_766 = arith.index_cast %swap3A_765 : i32 to index
    %swap3A_767 = arith.constant 80 : index
    %swap3A_768 = tpu.vector_load %arg8[%swap3A_766, %swap3A_767] {strides = array<i32>} : memref<4x128xi32, #tpu.memory_space<vmem>>, vector<16xi32>,
    tpu.vector_store %arg8[%swap3A_766, %swap3A_767], %shift_right_arithmetic3A_764 {strides = array<i32>} : memref<4x128xi32, #tpu.memory_space<vmem>>, vector<16xi32>,
    %shift_right_arithmetic3A_769 = arith.constant 3 : i32
    %shift_right_arithmetic3A_770 = vector.broadcast %shift_right_arithmetic3A_769 : i32 to vector<16xi32>
    %shift_right_arithmetic3A_771 = arith.shrsi %gather3A_756, %shift_right_arithmetic3A_770 : vector<16xi32>
    %swap3A_772 = arith.constant 208 : index
    %swap3A_773 = tpu.vector_load %arg9[%swap3A_772] {strides = array<i32>} : memref<512xi32, #tpu.memory_space<vmem>>, vector<16xi32>,
    tpu.vector_store %arg9[%swap3A_772], %shift_right_arithmetic3A_771 {strides = array<i32>} : memref<512xi32, #tpu.memory_space<vmem>>, vector<16xi32>,
    %and3A_774 = arith.constant 7 : i32
    %and3A_775 = vector.broadcast %and3A_774 : i32 to vector<16xi32>
    %and3A_776 = arith.andi %gather3A_742, %and3A_775 : vector<16xi32>
    %and3A_777 = arith.constant 1 : i32
    %and3A_778 = vector.broadcast %and3A_777 : i32 to vector<16xi32>
    %and3A_779 = arith.andi %gather3A_749, %and3A_778 : vector<16xi32>
    %shift_left3A_780 = arith.constant 8 : i32
    %shift_left3A_781 = vector.broadcast %shift_left3A_780 : i32 to vector<16xi32>
    %shift_left3A_782 = arith.shli %and3A_779, %shift_left3A_781 : vector<16xi32>
    %or3A_783 = arith.ori %and3A_776, %shift_left3A_782 : vector<16xi32>
    %and3A_784 = arith.constant 7 : i32
    %and3A_785 = vector.broadcast %and3A_784 : i32 to vector<16xi32>
    %and3A_786 = arith.andi %gather3A_756, %and3A_785 : vector<16xi32>
    %shift_left3A_787 = arith.constant 16 : i32
    %shift_left3A_788 = vector.broadcast %shift_left3A_787 : i32 to vector<16xi32>
    %shift_left3A_789 = arith.shli %and3A_786, %shift_left3A_788 : vector<16xi32>
    %or3A_790 = arith.ori %or3A_783, %shift_left3A_789 : vector<16xi32>
    %swap3A_791 = arith.constant 208 : index
    %swap3A_792 = tpu.vector_load %arg10[%swap3A_791] {strides = array<i32>} : memref<512xi32, #tpu.memory_space<vmem>>, vector<16xi32>,
    tpu.vector_store %arg10[%swap3A_791], %or3A_790 {strides = array<i32>} : memref<512xi32, #tpu.memory_space<vmem>>, vector<16xi32>,
    %mul3A_793 = arith.constant 3 : i32
    %mul3A_794 = vector.broadcast %mul3A_793 : i32 to vector<16xi32>
    %mul3A_795 = arith.muli %iota3A, %mul3A_794 : vector<16xi32>
    %add3A_796 = arith.constant 672 : i32
    %add3A_797 = vector.broadcast %add3A_796 : i32 to vector<16xi32>
    %add3A_798 = arith.addi %mul3A_795, %add3A_797 : vector<16xi32>
    %gather3A_799 = tpu.vector_load_idx %arg6[%add3A_798] : memref<1536xi32, #tpu.memory_space<vmem>>[vector<16xi32>], vector<16xi32>,
    %mul3A_800 = arith.constant 3 : i32
    %mul3A_801 = vector.broadcast %mul3A_800 : i32 to vector<16xi32>
    %mul3A_802 = arith.muli %iota3A, %mul3A_801 : vector<16xi32>
    %add3A_803 = arith.constant 673 : i32
    %add3A_804 = vector.broadcast %add3A_803 : i32 to vector<16xi32>
    %add3A_805 = arith.addi %mul3A_802, %add3A_804 : vector<16xi32>
    %gather3A_806 = tpu.vector_load_idx %arg6[%add3A_805] : memref<1536xi32, #tpu.memory_space<vmem>>[vector<16xi32>], vector<16xi32>,
    %mul3A_807 = arith.constant 3 : i32
    %mul3A_808 = vector.broadcast %mul3A_807 : i32 to vector<16xi32>
    %mul3A_809 = arith.muli %iota3A, %mul3A_808 : vector<16xi32>
    %add3A_810 = arith.constant 674 : i32
    %add3A_811 = vector.broadcast %add3A_810 : i32 to vector<16xi32>
    %add3A_812 = arith.addi %mul3A_809, %add3A_811 : vector<16xi32>
    %gather3A_813 = tpu.vector_load_idx %arg6[%add3A_812] : memref<1536xi32, #tpu.memory_space<vmem>>[vector<16xi32>], vector<16xi32>,
    %shift_right_arithmetic3A_814 = arith.constant 3 : i32
    %shift_right_arithmetic3A_815 = vector.broadcast %shift_right_arithmetic3A_814 : i32 to vector<16xi32>
    %shift_right_arithmetic3A_816 = arith.shrsi %gather3A_799, %shift_right_arithmetic3A_815 : vector<16xi32>
    %swap3A_817 = arith.constant 224 : index
    %swap3A_818 = tpu.vector_load %arg7[%swap3A_817] {strides = array<i32>} : memref<512xi32, #tpu.memory_space<vmem>>, vector<16xi32>,
    tpu.vector_store %arg7[%swap3A_817], %shift_right_arithmetic3A_816 {strides = array<i32>} : memref<512xi32, #tpu.memory_space<vmem>>, vector<16xi32>,
    %shift_right_arithmetic3A_819 = arith.constant 1 : i32
    %shift_right_arithmetic3A_820 = vector.broadcast %shift_right_arithmetic3A_819 : i32 to vector<16xi32>
    %shift_right_arithmetic3A_821 = arith.shrsi %gather3A_806, %shift_right_arithmetic3A_820 : vector<16xi32>
    %swap3A_822 = arith.constant 1 : i32
    %swap3A_823 = arith.index_cast %swap3A_822 : i32 to index
    %swap3A_824 = arith.constant 96 : index
    %swap3A_825 = tpu.vector_load %arg8[%swap3A_823, %swap3A_824] {strides = array<i32>} : memref<4x128xi32, #tpu.memory_space<vmem>>, vector<16xi32>,
    tpu.vector_store %arg8[%swap3A_823, %swap3A_824], %shift_right_arithmetic3A_821 {strides = array<i32>} : memref<4x128xi32, #tpu.memory_space<vmem>>, vector<16xi32>,
    %shift_right_arithmetic3A_826 = arith.constant 3 : i32
    %shift_right_arithmetic3A_827 = vector.broadcast %shift_right_arithmetic3A_826 : i32 to vector<16xi32>
    %shift_right_arithmetic3A_828 = arith.shrsi %gather3A_813, %shift_right_arithmetic3A_827 : vector<16xi32>
    %swap3A_829 = arith.constant 224 : index
    %swap3A_830 = tpu.vector_load %arg9[%swap3A_829] {strides = array<i32>} : memref<512xi32, #tpu.memory_space<vmem>>, vector<16xi32>,
    tpu.vector_store %arg9[%swap3A_829], %shift_right_arithmetic3A_828 {strides = array<i32>} : memref<512xi32, #tpu.memory_space<vmem>>, vector<16xi32>,
    %and3A_831 = arith.constant 7 : i32
    %and3A_832 = vector.broadcast %and3A_831 : i32 to vector<16xi32>
    %and3A_833 = arith.andi %gather3A_799, %and3A_832 : vector<16xi32>
    %and3A_834 = arith.constant 1 : i32
    %and3A_835 = vector.broadcast %and3A_834 : i32 to vector<16xi32>
    %and3A_836 = arith.andi %gather3A_806, %and3A_835 : vector<16xi32>
    %shift_left3A_837 = arith.constant 8 : i32
    %shift_left3A_838 = vector.broadcast %shift_left3A_837 : i32 to vector<16xi32>
    %shift_left3A_839 = arith.shli %and3A_836, %shift_left3A_838 : vector<16xi32>
    %or3A_840 = arith.ori %and3A_833, %shift_left3A_839 : vector<16xi32>
    %and3A_841 = arith.constant 7 : i32
    %and3A_842 = vector.broadcast %and3A_841 : i32 to vector<16xi32>
    %and3A_843 = arith.andi %gather3A_813, %and3A_842 : vector<16xi32>
    %shift_left3A_844 = arith.constant 16 : i32
    %shift_left3A_845 = vector.broadcast %shift_left3A_844 : i32 to vector<16xi32>
    %shift_left3A_846 = arith.shli %and3A_843, %shift_left3A_845 : vector<16xi32>
    %or3A_847 = arith.ori %or3A_840, %shift_left3A_846 : vector<16xi32>
    %swap3A_848 = arith.constant 224 : index
    %swap3A_849 = tpu.vector_load %arg10[%swap3A_848] {strides = array<i32>} : memref<512xi32, #tpu.memory_space<vmem>>, vector<16xi32>,
    tpu.vector_store %arg10[%swap3A_848], %or3A_847 {strides = array<i32>} : memref<512xi32, #tpu.memory_space<vmem>>, vector<16xi32>,
    %mul3A_850 = arith.constant 3 : i32
    %mul3A_851 = vector.broadcast %mul3A_850 : i32 to vector<16xi32>
    %mul3A_852 = arith.muli %iota3A, %mul3A_851 : vector<16xi32>
    %add3A_853 = arith.constant 720 : i32
    %add3A_854 = vector.broadcast %add3A_853 : i32 to vector<16xi32>
    %add3A_855 = arith.addi %mul3A_852, %add3A_854 : vector<16xi32>
    %gather3A_856 = tpu.vector_load_idx %arg6[%add3A_855] : memref<1536xi32, #tpu.memory_space<vmem>>[vector<16xi32>], vector<16xi32>,
    %mul3A_857 = arith.constant 3 : i32
    %mul3A_858 = vector.broadcast %mul3A_857 : i32 to vector<16xi32>
    %mul3A_859 = arith.muli %iota3A, %mul3A_858 : vector<16xi32>
    %add3A_860 = arith.constant 721 : i32
    %add3A_861 = vector.broadcast %add3A_860 : i32 to vector<16xi32>
    %add3A_862 = arith.addi %mul3A_859, %add3A_861 : vector<16xi32>
    %gather3A_863 = tpu.vector_load_idx %arg6[%add3A_862] : memref<1536xi32, #tpu.memory_space<vmem>>[vector<16xi32>], vector<16xi32>,
    %mul3A_864 = arith.constant 3 : i32
    %mul3A_865 = vector.broadcast %mul3A_864 : i32 to vector<16xi32>
    %mul3A_866 = arith.muli %iota3A, %mul3A_865 : vector<16xi32>
    %add3A_867 = arith.constant 722 : i32
    %add3A_868 = vector.broadcast %add3A_867 : i32 to vector<16xi32>
    %add3A_869 = arith.addi %mul3A_866, %add3A_868 : vector<16xi32>
    %gather3A_870 = tpu.vector_load_idx %arg6[%add3A_869] : memref<1536xi32, #tpu.memory_space<vmem>>[vector<16xi32>], vector<16xi32>,
    %shift_right_arithmetic3A_871 = arith.constant 3 : i32
    %shift_right_arithmetic3A_872 = vector.broadcast %shift_right_arithmetic3A_871 : i32 to vector<16xi32>
    %shift_right_arithmetic3A_873 = arith.shrsi %gather3A_856, %shift_right_arithmetic3A_872 : vector<16xi32>
    %swap3A_874 = arith.constant 240 : index
    %swap3A_875 = tpu.vector_load %arg7[%swap3A_874] {strides = array<i32>} : memref<512xi32, #tpu.memory_space<vmem>>, vector<16xi32>,
    tpu.vector_store %arg7[%swap3A_874], %shift_right_arithmetic3A_873 {strides = array<i32>} : memref<512xi32, #tpu.memory_space<vmem>>, vector<16xi32>,
    %shift_right_arithmetic3A_876 = arith.constant 1 : i32
    %shift_right_arithmetic3A_877 = vector.broadcast %shift_right_arithmetic3A_876 : i32 to vector<16xi32>
    %shift_right_arithmetic3A_878 = arith.shrsi %gather3A_863, %shift_right_arithmetic3A_877 : vector<16xi32>
    %swap3A_879 = arith.constant 1 : i32
    %swap3A_880 = arith.index_cast %swap3A_879 : i32 to index
    %swap3A_881 = arith.constant 112 : index
    %swap3A_882 = tpu.vector_load %arg8[%swap3A_880, %swap3A_881] {strides = array<i32>} : memref<4x128xi32, #tpu.memory_space<vmem>>, vector<16xi32>,
    tpu.vector_store %arg8[%swap3A_880, %swap3A_881], %shift_right_arithmetic3A_878 {strides = array<i32>} : memref<4x128xi32, #tpu.memory_space<vmem>>, vector<16xi32>,
    %shift_right_arithmetic3A_883 = arith.constant 3 : i32
    %shift_right_arithmetic3A_884 = vector.broadcast %shift_right_arithmetic3A_883 : i32 to vector<16xi32>
    %shift_right_arithmetic3A_885 = arith.shrsi %gather3A_870, %shift_right_arithmetic3A_884 : vector<16xi32>
    %swap3A_886 = arith.constant 240 : index
    %swap3A_887 = tpu.vector_load %arg9[%swap3A_886] {strides = array<i32>} : memref<512xi32, #tpu.memory_space<vmem>>, vector<16xi32>,
    tpu.vector_store %arg9[%swap3A_886], %shift_right_arithmetic3A_885 {strides = array<i32>} : memref<512xi32, #tpu.memory_space<vmem>>, vector<16xi32>,
    %and3A_888 = arith.constant 7 : i32
    %and3A_889 = vector.broadcast %and3A_888 : i32 to vector<16xi32>
    %and3A_890 = arith.andi %gather3A_856, %and3A_889 : vector<16xi32>
    %and3A_891 = arith.constant 1 : i32
    %and3A_892 = vector.broadcast %and3A_891 : i32 to vector<16xi32>
    %and3A_893 = arith.andi %gather3A_863, %and3A_892 : vector<16xi32>
    %shift_left3A_894 = arith.constant 8 : i32
    %shift_left3A_895 = vector.broadcast %shift_left3A_894 : i32 to vector<16xi32>
    %shift_left3A_896 = arith.shli %and3A_893, %shift_left3A_895 : vector<16xi32>
    %or3A_897 = arith.ori %and3A_890, %shift_left3A_896 : vector<16xi32>
    %and3A_898 = arith.constant 7 : i32
    %and3A_899 = vector.broadcast %and3A_898 : i32 to vector<16xi32>
    %and3A_900 = arith.andi %gather3A_870, %and3A_899 : vector<16xi32>
    %shift_left3A_901 = arith.constant 16 : i32
    %shift_left3A_902 = vector.broadcast %shift_left3A_901 : i32 to vector<16xi32>
    %shift_left3A_903 = arith.shli %and3A_900, %shift_left3A_902 : vector<16xi32>
    %or3A_904 = arith.ori %or3A_897, %shift_left3A_903 : vector<16xi32>
    %swap3A_905 = arith.constant 240 : index
    %swap3A_906 = tpu.vector_load %arg10[%swap3A_905] {strides = array<i32>} : memref<512xi32, #tpu.memory_space<vmem>>, vector<16xi32>,
    tpu.vector_store %arg10[%swap3A_905], %or3A_904 {strides = array<i32>} : memref<512xi32, #tpu.memory_space<vmem>>, vector<16xi32>,
    %mul3A_907 = arith.constant 3 : i32
    %mul3A_908 = vector.broadcast %mul3A_907 : i32 to vector<16xi32>
    %mul3A_909 = arith.muli %iota3A, %mul3A_908 : vector<16xi32>
    %add3A_910 = arith.constant 768 : i32
    %add3A_911 = vector.broadcast %add3A_910 : i32 to vector<16xi32>
    %add3A_912 = arith.addi %mul3A_909, %add3A_911 : vector<16xi32>
    %gather3A_913 = tpu.vector_load_idx %arg6[%add3A_912] : memref<1536xi32, #tpu.memory_space<vmem>>[vector<16xi32>], vector<16xi32>,
    %mul3A_914 = arith.constant 3 : i32
    %mul3A_915 = vector.broadcast %mul3A_914 : i32 to vector<16xi32>
    %mul3A_916 = arith.muli %iota3A, %mul3A_915 : vector<16xi32>
    %add3A_917 = arith.constant 769 : i32
    %add3A_918 = vector.broadcast %add3A_917 : i32 to vector<16xi32>
    %add3A_919 = arith.addi %mul3A_916, %add3A_918 : vector<16xi32>
    %gather3A_920 = tpu.vector_load_idx %arg6[%add3A_919] : memref<1536xi32, #tpu.memory_space<vmem>>[vector<16xi32>], vector<16xi32>,
    %mul3A_921 = arith.constant 3 : i32
    %mul3A_922 = vector.broadcast %mul3A_921 : i32 to vector<16xi32>
    %mul3A_923 = arith.muli %iota3A, %mul3A_922 : vector<16xi32>
    %add3A_924 = arith.constant 770 : i32
    %add3A_925 = vector.broadcast %add3A_924 : i32 to vector<16xi32>
    %add3A_926 = arith.addi %mul3A_923, %add3A_925 : vector<16xi32>
    %gather3A_927 = tpu.vector_load_idx %arg6[%add3A_926] : memref<1536xi32, #tpu.memory_space<vmem>>[vector<16xi32>], vector<16xi32>,
    %shift_right_arithmetic3A_928 = arith.constant 3 : i32
    %shift_right_arithmetic3A_929 = vector.broadcast %shift_right_arithmetic3A_928 : i32 to vector<16xi32>
    %shift_right_arithmetic3A_930 = arith.shrsi %gather3A_913, %shift_right_arithmetic3A_929 : vector<16xi32>
    %swap3A_931 = arith.constant 256 : index
    %swap3A_932 = tpu.vector_load %arg7[%swap3A_931] {strides = array<i32>} : memref<512xi32, #tpu.memory_space<vmem>>, vector<16xi32>,
    tpu.vector_store %arg7[%swap3A_931], %shift_right_arithmetic3A_930 {strides = array<i32>} : memref<512xi32, #tpu.memory_space<vmem>>, vector<16xi32>,
    %shift_right_arithmetic3A_933 = arith.constant 1 : i32
    %shift_right_arithmetic3A_934 = vector.broadcast %shift_right_arithmetic3A_933 : i32 to vector<16xi32>
    %shift_right_arithmetic3A_935 = arith.shrsi %gather3A_920, %shift_right_arithmetic3A_934 : vector<16xi32>
    %swap3A_936 = arith.constant 2 : i32
    %swap3A_937 = arith.index_cast %swap3A_936 : i32 to index
    %swap3A_938 = arith.constant 0 : index
    %swap3A_939 = tpu.vector_load %arg8[%swap3A_937, %swap3A_938] {strides = array<i32>} : memref<4x128xi32, #tpu.memory_space<vmem>>, vector<16xi32>,
    tpu.vector_store %arg8[%swap3A_937, %swap3A_938], %shift_right_arithmetic3A_935 {strides = array<i32>} : memref<4x128xi32, #tpu.memory_space<vmem>>, vector<16xi32>,
    %shift_right_arithmetic3A_940 = arith.constant 3 : i32
    %shift_right_arithmetic3A_941 = vector.broadcast %shift_right_arithmetic3A_940 : i32 to vector<16xi32>
    %shift_right_arithmetic3A_942 = arith.shrsi %gather3A_927, %shift_right_arithmetic3A_941 : vector<16xi32>
    %swap3A_943 = arith.constant 256 : index
    %swap3A_944 = tpu.vector_load %arg9[%swap3A_943] {strides = array<i32>} : memref<512xi32, #tpu.memory_space<vmem>>, vector<16xi32>,
    tpu.vector_store %arg9[%swap3A_943], %shift_right_arithmetic3A_942 {strides = array<i32>} : memref<512xi32, #tpu.memory_space<vmem>>, vector<16xi32>,
    %and3A_945 = arith.constant 7 : i32
    %and3A_946 = vector.broadcast %and3A_945 : i32 to vector<16xi32>
    %and3A_947 = arith.andi %gather3A_913, %and3A_946 : vector<16xi32>
    %and3A_948 = arith.constant 1 : i32
    %and3A_949 = vector.broadcast %and3A_948 : i32 to vector<16xi32>
    %and3A_950 = arith.andi %gather3A_920, %and3A_949 : vector<16xi32>
    %shift_left3A_951 = arith.constant 8 : i32
    %shift_left3A_952 = vector.broadcast %shift_left3A_951 : i32 to vector<16xi32>
    %shift_left3A_953 = arith.shli %and3A_950, %shift_left3A_952 : vector<16xi32>
    %or3A_954 = arith.ori %and3A_947, %shift_left3A_953 : vector<16xi32>
    %and3A_955 = arith.constant 7 : i32
    %and3A_956 = vector.broadcast %and3A_955 : i32 to vector<16xi32>
    %and3A_957 = arith.andi %gather3A_927, %and3A_956 : vector<16xi32>
    %shift_left3A_958 = arith.constant 16 : i32
    %shift_left3A_959 = vector.broadcast %shift_left3A_958 : i32 to vector<16xi32>
    %shift_left3A_960 = arith.shli %and3A_957, %shift_left3A_959 : vector<16xi32>
    %or3A_961 = arith.ori %or3A_954, %shift_left3A_960 : vector<16xi32>
    %swap3A_962 = arith.constant 256 : index
    %swap3A_963 = tpu.vector_load %arg10[%swap3A_962] {strides = array<i32>} : memref<512xi32, #tpu.memory_space<vmem>>, vector<16xi32>,
    tpu.vector_store %arg10[%swap3A_962], %or3A_961 {strides = array<i32>} : memref<512xi32, #tpu.memory_space<vmem>>, vector<16xi32>,
    %mul3A_964 = arith.constant 3 : i32
    %mul3A_965 = vector.broadcast %mul3A_964 : i32 to vector<16xi32>
    %mul3A_966 = arith.muli %iota3A, %mul3A_965 : vector<16xi32>
    %add3A_967 = arith.constant 816 : i32
    %add3A_968 = vector.broadcast %add3A_967 : i32 to vector<16xi32>
    %add3A_969 = arith.addi %mul3A_966, %add3A_968 : vector<16xi32>
    %gather3A_970 = tpu.vector_load_idx %arg6[%add3A_969] : memref<1536xi32, #tpu.memory_space<vmem>>[vector<16xi32>], vector<16xi32>,
    %mul3A_971 = arith.constant 3 : i32
    %mul3A_972 = vector.broadcast %mul3A_971 : i32 to vector<16xi32>
    %mul3A_973 = arith.muli %iota3A, %mul3A_972 : vector<16xi32>
    %add3A_974 = arith.constant 817 : i32
    %add3A_975 = vector.broadcast %add3A_974 : i32 to vector<16xi32>
    %add3A_976 = arith.addi %mul3A_973, %add3A_975 : vector<16xi32>
    %gather3A_977 = tpu.vector_load_idx %arg6[%add3A_976] : memref<1536xi32, #tpu.memory_space<vmem>>[vector<16xi32>], vector<16xi32>,
    %mul3A_978 = arith.constant 3 : i32
    %mul3A_979 = vector.broadcast %mul3A_978 : i32 to vector<16xi32>
    %mul3A_980 = arith.muli %iota3A, %mul3A_979 : vector<16xi32>
    %add3A_981 = arith.constant 818 : i32
    %add3A_982 = vector.broadcast %add3A_981 : i32 to vector<16xi32>
    %add3A_983 = arith.addi %mul3A_980, %add3A_982 : vector<16xi32>
    %gather3A_984 = tpu.vector_load_idx %arg6[%add3A_983] : memref<1536xi32, #tpu.memory_space<vmem>>[vector<16xi32>], vector<16xi32>,
    %shift_right_arithmetic3A_985 = arith.constant 3 : i32
    %shift_right_arithmetic3A_986 = vector.broadcast %shift_right_arithmetic3A_985 : i32 to vector<16xi32>
    %shift_right_arithmetic3A_987 = arith.shrsi %gather3A_970, %shift_right_arithmetic3A_986 : vector<16xi32>
    %swap3A_988 = arith.constant 272 : index
    %swap3A_989 = tpu.vector_load %arg7[%swap3A_988] {strides = array<i32>} : memref<512xi32, #tpu.memory_space<vmem>>, vector<16xi32>,
    tpu.vector_store %arg7[%swap3A_988], %shift_right_arithmetic3A_987 {strides = array<i32>} : memref<512xi32, #tpu.memory_space<vmem>>, vector<16xi32>,
    %shift_right_arithmetic3A_990 = arith.constant 1 : i32
    %shift_right_arithmetic3A_991 = vector.broadcast %shift_right_arithmetic3A_990 : i32 to vector<16xi32>
    %shift_right_arithmetic3A_992 = arith.shrsi %gather3A_977, %shift_right_arithmetic3A_991 : vector<16xi32>
    %swap3A_993 = arith.constant 2 : i32
    %swap3A_994 = arith.index_cast %swap3A_993 : i32 to index
    %swap3A_995 = arith.constant 16 : index
    %swap3A_996 = tpu.vector_load %arg8[%swap3A_994, %swap3A_995] {strides = array<i32>} : memref<4x128xi32, #tpu.memory_space<vmem>>, vector<16xi32>,
    tpu.vector_store %arg8[%swap3A_994, %swap3A_995], %shift_right_arithmetic3A_992 {strides = array<i32>} : memref<4x128xi32, #tpu.memory_space<vmem>>, vector<16xi32>,
    %shift_right_arithmetic3A_997 = arith.constant 3 : i32
    %shift_right_arithmetic3A_998 = vector.broadcast %shift_right_arithmetic3A_997 : i32 to vector<16xi32>
    %shift_right_arithmetic3A_999 = arith.shrsi %gather3A_984, %shift_right_arithmetic3A_998 : vector<16xi32>
    %swap3A_1000 = arith.constant 272 : index
    %swap3A_1001 = tpu.vector_load %arg9[%swap3A_1000] {strides = array<i32>} : memref<512xi32, #tpu.memory_space<vmem>>, vector<16xi32>,
    tpu.vector_store %arg9[%swap3A_1000], %shift_right_arithmetic3A_999 {strides = array<i32>} : memref<512xi32, #tpu.memory_space<vmem>>, vector<16xi32>,
    %and3A_1002 = arith.constant 7 : i32
    %and3A_1003 = vector.broadcast %and3A_1002 : i32 to vector<16xi32>
    %and3A_1004 = arith.andi %gather3A_970, %and3A_1003 : vector<16xi32>
    %and3A_1005 = arith.constant 1 : i32
    %and3A_1006 = vector.broadcast %and3A_1005 : i32 to vector<16xi32>
    %and3A_1007 = arith.andi %gather3A_977, %and3A_1006 : vector<16xi32>
    %shift_left3A_1008 = arith.constant 8 : i32
    %shift_left3A_1009 = vector.broadcast %shift_left3A_1008 : i32 to vector<16xi32>
    %shift_left3A_1010 = arith.shli %and3A_1007, %shift_left3A_1009 : vector<16xi32>
    %or3A_1011 = arith.ori %and3A_1004, %shift_left3A_1010 : vector<16xi32>
    %and3A_1012 = arith.constant 7 : i32
    %and3A_1013 = vector.broadcast %and3A_1012 : i32 to vector<16xi32>
    %and3A_1014 = arith.andi %gather3A_984, %and3A_1013 : vector<16xi32>
    %shift_left3A_1015 = arith.constant 16 : i32
    %shift_left3A_1016 = vector.broadcast %shift_left3A_1015 : i32 to vector<16xi32>
    %shift_left3A_1017 = arith.shli %and3A_1014, %shift_left3A_1016 : vector<16xi32>
    %or3A_1018 = arith.ori %or3A_1011, %shift_left3A_1017 : vector<16xi32>
    %swap3A_1019 = arith.constant 272 : index
    %swap3A_1020 = tpu.vector_load %arg10[%swap3A_1019] {strides = array<i32>} : memref<512xi32, #tpu.memory_space<vmem>>, vector<16xi32>,
    tpu.vector_store %arg10[%swap3A_1019], %or3A_1018 {strides = array<i32>} : memref<512xi32, #tpu.memory_space<vmem>>, vector<16xi32>,
    %mul3A_1021 = arith.constant 3 : i32
    %mul3A_1022 = vector.broadcast %mul3A_1021 : i32 to vector<16xi32>
    %mul3A_1023 = arith.muli %iota3A, %mul3A_1022 : vector<16xi32>
    %add3A_1024 = arith.constant 864 : i32
    %add3A_1025 = vector.broadcast %add3A_1024 : i32 to vector<16xi32>
    %add3A_1026 = arith.addi %mul3A_1023, %add3A_1025 : vector<16xi32>
    %gather3A_1027 = tpu.vector_load_idx %arg6[%add3A_1026] : memref<1536xi32, #tpu.memory_space<vmem>>[vector<16xi32>], vector<16xi32>,
    %mul3A_1028 = arith.constant 3 : i32
    %mul3A_1029 = vector.broadcast %mul3A_1028 : i32 to vector<16xi32>
    %mul3A_1030 = arith.muli %iota3A, %mul3A_1029 : vector<16xi32>
    %add3A_1031 = arith.constant 865 : i32
    %add3A_1032 = vector.broadcast %add3A_1031 : i32 to vector<16xi32>
    %add3A_1033 = arith.addi %mul3A_1030, %add3A_1032 : vector<16xi32>
    %gather3A_1034 = tpu.vector_load_idx %arg6[%add3A_1033] : memref<1536xi32, #tpu.memory_space<vmem>>[vector<16xi32>], vector<16xi32>,
    %mul3A_1035 = arith.constant 3 : i32
    %mul3A_1036 = vector.broadcast %mul3A_1035 : i32 to vector<16xi32>
    %mul3A_1037 = arith.muli %iota3A, %mul3A_1036 : vector<16xi32>
    %add3A_1038 = arith.constant 866 : i32
    %add3A_1039 = vector.broadcast %add3A_1038 : i32 to vector<16xi32>
    %add3A_1040 = arith.addi %mul3A_1037, %add3A_1039 : vector<16xi32>
    %gather3A_1041 = tpu.vector_load_idx %arg6[%add3A_1040] : memref<1536xi32, #tpu.memory_space<vmem>>[vector<16xi32>], vector<16xi32>,
    %shift_right_arithmetic3A_1042 = arith.constant 3 : i32
    %shift_right_arithmetic3A_1043 = vector.broadcast %shift_right_arithmetic3A_1042 : i32 to vector<16xi32>
    %shift_right_arithmetic3A_1044 = arith.shrsi %gather3A_1027, %shift_right_arithmetic3A_1043 : vector<16xi32>
    %swap3A_1045 = arith.constant 288 : index
    %swap3A_1046 = tpu.vector_load %arg7[%swap3A_1045] {strides = array<i32>} : memref<512xi32, #tpu.memory_space<vmem>>, vector<16xi32>,
    tpu.vector_store %arg7[%swap3A_1045], %shift_right_arithmetic3A_1044 {strides = array<i32>} : memref<512xi32, #tpu.memory_space<vmem>>, vector<16xi32>,
    %shift_right_arithmetic3A_1047 = arith.constant 1 : i32
    %shift_right_arithmetic3A_1048 = vector.broadcast %shift_right_arithmetic3A_1047 : i32 to vector<16xi32>
    %shift_right_arithmetic3A_1049 = arith.shrsi %gather3A_1034, %shift_right_arithmetic3A_1048 : vector<16xi32>
    %swap3A_1050 = arith.constant 2 : i32
    %swap3A_1051 = arith.index_cast %swap3A_1050 : i32 to index
    %swap3A_1052 = arith.constant 32 : index
    %swap3A_1053 = tpu.vector_load %arg8[%swap3A_1051, %swap3A_1052] {strides = array<i32>} : memref<4x128xi32, #tpu.memory_space<vmem>>, vector<16xi32>,
    tpu.vector_store %arg8[%swap3A_1051, %swap3A_1052], %shift_right_arithmetic3A_1049 {strides = array<i32>} : memref<4x128xi32, #tpu.memory_space<vmem>>, vector<16xi32>,
    %shift_right_arithmetic3A_1054 = arith.constant 3 : i32
    %shift_right_arithmetic3A_1055 = vector.broadcast %shift_right_arithmetic3A_1054 : i32 to vector<16xi32>
    %shift_right_arithmetic3A_1056 = arith.shrsi %gather3A_1041, %shift_right_arithmetic3A_1055 : vector<16xi32>
    %swap3A_1057 = arith.constant 288 : index
    %swap3A_1058 = tpu.vector_load %arg9[%swap3A_1057] {strides = array<i32>} : memref<512xi32, #tpu.memory_space<vmem>>, vector<16xi32>,
    tpu.vector_store %arg9[%swap3A_1057], %shift_right_arithmetic3A_1056 {strides = array<i32>} : memref<512xi32, #tpu.memory_space<vmem>>, vector<16xi32>,
    %and3A_1059 = arith.constant 7 : i32
    %and3A_1060 = vector.broadcast %and3A_1059 : i32 to vector<16xi32>
    %and3A_1061 = arith.andi %gather3A_1027, %and3A_1060 : vector<16xi32>
    %and3A_1062 = arith.constant 1 : i32
    %and3A_1063 = vector.broadcast %and3A_1062 : i32 to vector<16xi32>
    %and3A_1064 = arith.andi %gather3A_1034, %and3A_1063 : vector<16xi32>
    %shift_left3A_1065 = arith.constant 8 : i32
    %shift_left3A_1066 = vector.broadcast %shift_left3A_1065 : i32 to vector<16xi32>
    %shift_left3A_1067 = arith.shli %and3A_1064, %shift_left3A_1066 : vector<16xi32>
    %or3A_1068 = arith.ori %and3A_1061, %shift_left3A_1067 : vector<16xi32>
    %and3A_1069 = arith.constant 7 : i32
    %and3A_1070 = vector.broadcast %and3A_1069 : i32 to vector<16xi32>
    %and3A_1071 = arith.andi %gather3A_1041, %and3A_1070 : vector<16xi32>
    %shift_left3A_1072 = arith.constant 16 : i32
    %shift_left3A_1073 = vector.broadcast %shift_left3A_1072 : i32 to vector<16xi32>
    %shift_left3A_1074 = arith.shli %and3A_1071, %shift_left3A_1073 : vector<16xi32>
    %or3A_1075 = arith.ori %or3A_1068, %shift_left3A_1074 : vector<16xi32>
    %swap3A_1076 = arith.constant 288 : index
    %swap3A_1077 = tpu.vector_load %arg10[%swap3A_1076] {strides = array<i32>} : memref<512xi32, #tpu.memory_space<vmem>>, vector<16xi32>,
    tpu.vector_store %arg10[%swap3A_1076], %or3A_1075 {strides = array<i32>} : memref<512xi32, #tpu.memory_space<vmem>>, vector<16xi32>,
    %mul3A_1078 = arith.constant 3 : i32
    %mul3A_1079 = vector.broadcast %mul3A_1078 : i32 to vector<16xi32>
    %mul3A_1080 = arith.muli %iota3A, %mul3A_1079 : vector<16xi32>
    %add3A_1081 = arith.constant 912 : i32
    %add3A_1082 = vector.broadcast %add3A_1081 : i32 to vector<16xi32>
    %add3A_1083 = arith.addi %mul3A_1080, %add3A_1082 : vector<16xi32>
    %gather3A_1084 = tpu.vector_load_idx %arg6[%add3A_1083] : memref<1536xi32, #tpu.memory_space<vmem>>[vector<16xi32>], vector<16xi32>,
    %mul3A_1085 = arith.constant 3 : i32
    %mul3A_1086 = vector.broadcast %mul3A_1085 : i32 to vector<16xi32>
    %mul3A_1087 = arith.muli %iota3A, %mul3A_1086 : vector<16xi32>
    %add3A_1088 = arith.constant 913 : i32
    %add3A_1089 = vector.broadcast %add3A_1088 : i32 to vector<16xi32>
    %add3A_1090 = arith.addi %mul3A_1087, %add3A_1089 : vector<16xi32>
    %gather3A_1091 = tpu.vector_load_idx %arg6[%add3A_1090] : memref<1536xi32, #tpu.memory_space<vmem>>[vector<16xi32>], vector<16xi32>,
    %mul3A_1092 = arith.constant 3 : i32
    %mul3A_1093 = vector.broadcast %mul3A_1092 : i32 to vector<16xi32>
    %mul3A_1094 = arith.muli %iota3A, %mul3A_1093 : vector<16xi32>
    %add3A_1095 = arith.constant 914 : i32
    %add3A_1096 = vector.broadcast %add3A_1095 : i32 to vector<16xi32>
    %add3A_1097 = arith.addi %mul3A_1094, %add3A_1096 : vector<16xi32>
    %gather3A_1098 = tpu.vector_load_idx %arg6[%add3A_1097] : memref<1536xi32, #tpu.memory_space<vmem>>[vector<16xi32>], vector<16xi32>,
    %shift_right_arithmetic3A_1099 = arith.constant 3 : i32
    %shift_right_arithmetic3A_1100 = vector.broadcast %shift_right_arithmetic3A_1099 : i32 to vector<16xi32>
    %shift_right_arithmetic3A_1101 = arith.shrsi %gather3A_1084, %shift_right_arithmetic3A_1100 : vector<16xi32>
    %swap3A_1102 = arith.constant 304 : index
    %swap3A_1103 = tpu.vector_load %arg7[%swap3A_1102] {strides = array<i32>} : memref<512xi32, #tpu.memory_space<vmem>>, vector<16xi32>,
    tpu.vector_store %arg7[%swap3A_1102], %shift_right_arithmetic3A_1101 {strides = array<i32>} : memref<512xi32, #tpu.memory_space<vmem>>, vector<16xi32>,
    %shift_right_arithmetic3A_1104 = arith.constant 1 : i32
    %shift_right_arithmetic3A_1105 = vector.broadcast %shift_right_arithmetic3A_1104 : i32 to vector<16xi32>
    %shift_right_arithmetic3A_1106 = arith.shrsi %gather3A_1091, %shift_right_arithmetic3A_1105 : vector<16xi32>
    %swap3A_1107 = arith.constant 2 : i32
    %swap3A_1108 = arith.index_cast %swap3A_1107 : i32 to index
    %swap3A_1109 = arith.constant 48 : index
    %swap3A_1110 = tpu.vector_load %arg8[%swap3A_1108, %swap3A_1109] {strides = array<i32>} : memref<4x128xi32, #tpu.memory_space<vmem>>, vector<16xi32>,
    tpu.vector_store %arg8[%swap3A_1108, %swap3A_1109], %shift_right_arithmetic3A_1106 {strides = array<i32>} : memref<4x128xi32, #tpu.memory_space<vmem>>, vector<16xi32>,
    %shift_right_arithmetic3A_1111 = arith.constant 3 : i32
    %shift_right_arithmetic3A_1112 = vector.broadcast %shift_right_arithmetic3A_1111 : i32 to vector<16xi32>
    %shift_right_arithmetic3A_1113 = arith.shrsi %gather3A_1098, %shift_right_arithmetic3A_1112 : vector<16xi32>
    %swap3A_1114 = arith.constant 304 : index
    %swap3A_1115 = tpu.vector_load %arg9[%swap3A_1114] {strides = array<i32>} : memref<512xi32, #tpu.memory_space<vmem>>, vector<16xi32>,
    tpu.vector_store %arg9[%swap3A_1114], %shift_right_arithmetic3A_1113 {strides = array<i32>} : memref<512xi32, #tpu.memory_space<vmem>>, vector<16xi32>,
    %and3A_1116 = arith.constant 7 : i32
    %and3A_1117 = vector.broadcast %and3A_1116 : i32 to vector<16xi32>
    %and3A_1118 = arith.andi %gather3A_1084, %and3A_1117 : vector<16xi32>
    %and3A_1119 = arith.constant 1 : i32
    %and3A_1120 = vector.broadcast %and3A_1119 : i32 to vector<16xi32>
    %and3A_1121 = arith.andi %gather3A_1091, %and3A_1120 : vector<16xi32>
    %shift_left3A_1122 = arith.constant 8 : i32
    %shift_left3A_1123 = vector.broadcast %shift_left3A_1122 : i32 to vector<16xi32>
    %shift_left3A_1124 = arith.shli %and3A_1121, %shift_left3A_1123 : vector<16xi32>
    %or3A_1125 = arith.ori %and3A_1118, %shift_left3A_1124 : vector<16xi32>
    %and3A_1126 = arith.constant 7 : i32
    %and3A_1127 = vector.broadcast %and3A_1126 : i32 to vector<16xi32>
    %and3A_1128 = arith.andi %gather3A_1098, %and3A_1127 : vector<16xi32>
    %shift_left3A_1129 = arith.constant 16 : i32
    %shift_left3A_1130 = vector.broadcast %shift_left3A_1129 : i32 to vector<16xi32>
    %shift_left3A_1131 = arith.shli %and3A_1128, %shift_left3A_1130 : vector<16xi32>
    %or3A_1132 = arith.ori %or3A_1125, %shift_left3A_1131 : vector<16xi32>
    %swap3A_1133 = arith.constant 304 : index
    %swap3A_1134 = tpu.vector_load %arg10[%swap3A_1133] {strides = array<i32>} : memref<512xi32, #tpu.memory_space<vmem>>, vector<16xi32>,
    tpu.vector_store %arg10[%swap3A_1133], %or3A_1132 {strides = array<i32>} : memref<512xi32, #tpu.memory_space<vmem>>, vector<16xi32>,
    %mul3A_1135 = arith.constant 3 : i32
    %mul3A_1136 = vector.broadcast %mul3A_1135 : i32 to vector<16xi32>
    %mul3A_1137 = arith.muli %iota3A, %mul3A_1136 : vector<16xi32>
    %add3A_1138 = arith.constant 960 : i32
    %add3A_1139 = vector.broadcast %add3A_1138 : i32 to vector<16xi32>
    %add3A_1140 = arith.addi %mul3A_1137, %add3A_1139 : vector<16xi32>
    %gather3A_1141 = tpu.vector_load_idx %arg6[%add3A_1140] : memref<1536xi32, #tpu.memory_space<vmem>>[vector<16xi32>], vector<16xi32>,
    %mul3A_1142 = arith.constant 3 : i32
    %mul3A_1143 = vector.broadcast %mul3A_1142 : i32 to vector<16xi32>
    %mul3A_1144 = arith.muli %iota3A, %mul3A_1143 : vector<16xi32>
    %add3A_1145 = arith.constant 961 : i32
    %add3A_1146 = vector.broadcast %add3A_1145 : i32 to vector<16xi32>
    %add3A_1147 = arith.addi %mul3A_1144, %add3A_1146 : vector<16xi32>
    %gather3A_1148 = tpu.vector_load_idx %arg6[%add3A_1147] : memref<1536xi32, #tpu.memory_space<vmem>>[vector<16xi32>], vector<16xi32>,
    %mul3A_1149 = arith.constant 3 : i32
    %mul3A_1150 = vector.broadcast %mul3A_1149 : i32 to vector<16xi32>
    %mul3A_1151 = arith.muli %iota3A, %mul3A_1150 : vector<16xi32>
    %add3A_1152 = arith.constant 962 : i32
    %add3A_1153 = vector.broadcast %add3A_1152 : i32 to vector<16xi32>
    %add3A_1154 = arith.addi %mul3A_1151, %add3A_1153 : vector<16xi32>
    %gather3A_1155 = tpu.vector_load_idx %arg6[%add3A_1154] : memref<1536xi32, #tpu.memory_space<vmem>>[vector<16xi32>], vector<16xi32>,
    %shift_right_arithmetic3A_1156 = arith.constant 3 : i32
    %shift_right_arithmetic3A_1157 = vector.broadcast %shift_right_arithmetic3A_1156 : i32 to vector<16xi32>
    %shift_right_arithmetic3A_1158 = arith.shrsi %gather3A_1141, %shift_right_arithmetic3A_1157 : vector<16xi32>
    %swap3A_1159 = arith.constant 320 : index
    %swap3A_1160 = tpu.vector_load %arg7[%swap3A_1159] {strides = array<i32>} : memref<512xi32, #tpu.memory_space<vmem>>, vector<16xi32>,
    tpu.vector_store %arg7[%swap3A_1159], %shift_right_arithmetic3A_1158 {strides = array<i32>} : memref<512xi32, #tpu.memory_space<vmem>>, vector<16xi32>,
    %shift_right_arithmetic3A_1161 = arith.constant 1 : i32
    %shift_right_arithmetic3A_1162 = vector.broadcast %shift_right_arithmetic3A_1161 : i32 to vector<16xi32>
    %shift_right_arithmetic3A_1163 = arith.shrsi %gather3A_1148, %shift_right_arithmetic3A_1162 : vector<16xi32>
    %swap3A_1164 = arith.constant 2 : i32
    %swap3A_1165 = arith.index_cast %swap3A_1164 : i32 to index
    %swap3A_1166 = arith.constant 64 : index
    %swap3A_1167 = tpu.vector_load %arg8[%swap3A_1165, %swap3A_1166] {strides = array<i32>} : memref<4x128xi32, #tpu.memory_space<vmem>>, vector<16xi32>,
    tpu.vector_store %arg8[%swap3A_1165, %swap3A_1166], %shift_right_arithmetic3A_1163 {strides = array<i32>} : memref<4x128xi32, #tpu.memory_space<vmem>>, vector<16xi32>,
    %shift_right_arithmetic3A_1168 = arith.constant 3 : i32
    %shift_right_arithmetic3A_1169 = vector.broadcast %shift_right_arithmetic3A_1168 : i32 to vector<16xi32>
    %shift_right_arithmetic3A_1170 = arith.shrsi %gather3A_1155, %shift_right_arithmetic3A_1169 : vector<16xi32>
    %swap3A_1171 = arith.constant 320 : index
    %swap3A_1172 = tpu.vector_load %arg9[%swap3A_1171] {strides = array<i32>} : memref<512xi32, #tpu.memory_space<vmem>>, vector<16xi32>,
    tpu.vector_store %arg9[%swap3A_1171], %shift_right_arithmetic3A_1170 {strides = array<i32>} : memref<512xi32, #tpu.memory_space<vmem>>, vector<16xi32>,
    %and3A_1173 = arith.constant 7 : i32
    %and3A_1174 = vector.broadcast %and3A_1173 : i32 to vector<16xi32>
    %and3A_1175 = arith.andi %gather3A_1141, %and3A_1174 : vector<16xi32>
    %and3A_1176 = arith.constant 1 : i32
    %and3A_1177 = vector.broadcast %and3A_1176 : i32 to vector<16xi32>
    %and3A_1178 = arith.andi %gather3A_1148, %and3A_1177 : vector<16xi32>
    %shift_left3A_1179 = arith.constant 8 : i32
    %shift_left3A_1180 = vector.broadcast %shift_left3A_1179 : i32 to vector<16xi32>
    %shift_left3A_1181 = arith.shli %and3A_1178, %shift_left3A_1180 : vector<16xi32>
    %or3A_1182 = arith.ori %and3A_1175, %shift_left3A_1181 : vector<16xi32>
    %and3A_1183 = arith.constant 7 : i32
    %and3A_1184 = vector.broadcast %and3A_1183 : i32 to vector<16xi32>
    %and3A_1185 = arith.andi %gather3A_1155, %and3A_1184 : vector<16xi32>
    %shift_left3A_1186 = arith.constant 16 : i32
    %shift_left3A_1187 = vector.broadcast %shift_left3A_1186 : i32 to vector<16xi32>
    %shift_left3A_1188 = arith.shli %and3A_1185, %shift_left3A_1187 : vector<16xi32>
    %or3A_1189 = arith.ori %or3A_1182, %shift_left3A_1188 : vector<16xi32>
    %swap3A_1190 = arith.constant 320 : index
    %swap3A_1191 = tpu.vector_load %arg10[%swap3A_1190] {strides = array<i32>} : memref<512xi32, #tpu.memory_space<vmem>>, vector<16xi32>,
    tpu.vector_store %arg10[%swap3A_1190], %or3A_1189 {strides = array<i32>} : memref<512xi32, #tpu.memory_space<vmem>>, vector<16xi32>,
    %mul3A_1192 = arith.constant 3 : i32
    %mul3A_1193 = vector.broadcast %mul3A_1192 : i32 to vector<16xi32>
    %mul3A_1194 = arith.muli %iota3A, %mul3A_1193 : vector<16xi32>
    %add3A_1195 = arith.constant 1008 : i32
    %add3A_1196 = vector.broadcast %add3A_1195 : i32 to vector<16xi32>
    %add3A_1197 = arith.addi %mul3A_1194, %add3A_1196 : vector<16xi32>
    %gather3A_1198 = tpu.vector_load_idx %arg6[%add3A_1197] : memref<1536xi32, #tpu.memory_space<vmem>>[vector<16xi32>], vector<16xi32>,
    %mul3A_1199 = arith.constant 3 : i32
    %mul3A_1200 = vector.broadcast %mul3A_1199 : i32 to vector<16xi32>
    %mul3A_1201 = arith.muli %iota3A, %mul3A_1200 : vector<16xi32>
    %add3A_1202 = arith.constant 1009 : i32
    %add3A_1203 = vector.broadcast %add3A_1202 : i32 to vector<16xi32>
    %add3A_1204 = arith.addi %mul3A_1201, %add3A_1203 : vector<16xi32>
    %gather3A_1205 = tpu.vector_load_idx %arg6[%add3A_1204] : memref<1536xi32, #tpu.memory_space<vmem>>[vector<16xi32>], vector<16xi32>,
    %mul3A_1206 = arith.constant 3 : i32
    %mul3A_1207 = vector.broadcast %mul3A_1206 : i32 to vector<16xi32>
    %mul3A_1208 = arith.muli %iota3A, %mul3A_1207 : vector<16xi32>
    %add3A_1209 = arith.constant 1010 : i32
    %add3A_1210 = vector.broadcast %add3A_1209 : i32 to vector<16xi32>
    %add3A_1211 = arith.addi %mul3A_1208, %add3A_1210 : vector<16xi32>
    %gather3A_1212 = tpu.vector_load_idx %arg6[%add3A_1211] : memref<1536xi32, #tpu.memory_space<vmem>>[vector<16xi32>], vector<16xi32>,
    %shift_right_arithmetic3A_1213 = arith.constant 3 : i32
    %shift_right_arithmetic3A_1214 = vector.broadcast %shift_right_arithmetic3A_1213 : i32 to vector<16xi32>
    %shift_right_arithmetic3A_1215 = arith.shrsi %gather3A_1198, %shift_right_arithmetic3A_1214 : vector<16xi32>
    %swap3A_1216 = arith.constant 336 : index
    %swap3A_1217 = tpu.vector_load %arg7[%swap3A_1216] {strides = array<i32>} : memref<512xi32, #tpu.memory_space<vmem>>, vector<16xi32>,
    tpu.vector_store %arg7[%swap3A_1216], %shift_right_arithmetic3A_1215 {strides = array<i32>} : memref<512xi32, #tpu.memory_space<vmem>>, vector<16xi32>,
    %shift_right_arithmetic3A_1218 = arith.constant 1 : i32
    %shift_right_arithmetic3A_1219 = vector.broadcast %shift_right_arithmetic3A_1218 : i32 to vector<16xi32>
    %shift_right_arithmetic3A_1220 = arith.shrsi %gather3A_1205, %shift_right_arithmetic3A_1219 : vector<16xi32>
    %swap3A_1221 = arith.constant 2 : i32
    %swap3A_1222 = arith.index_cast %swap3A_1221 : i32 to index
    %swap3A_1223 = arith.constant 80 : index
    %swap3A_1224 = tpu.vector_load %arg8[%swap3A_1222, %swap3A_1223] {strides = array<i32>} : memref<4x128xi32, #tpu.memory_space<vmem>>, vector<16xi32>,
    tpu.vector_store %arg8[%swap3A_1222, %swap3A_1223], %shift_right_arithmetic3A_1220 {strides = array<i32>} : memref<4x128xi32, #tpu.memory_space<vmem>>, vector<16xi32>,
    %shift_right_arithmetic3A_1225 = arith.constant 3 : i32
    %shift_right_arithmetic3A_1226 = vector.broadcast %shift_right_arithmetic3A_1225 : i32 to vector<16xi32>
    %shift_right_arithmetic3A_1227 = arith.shrsi %gather3A_1212, %shift_right_arithmetic3A_1226 : vector<16xi32>
    %swap3A_1228 = arith.constant 336 : index
    %swap3A_1229 = tpu.vector_load %arg9[%swap3A_1228] {strides = array<i32>} : memref<512xi32, #tpu.memory_space<vmem>>, vector<16xi32>,
    tpu.vector_store %arg9[%swap3A_1228], %shift_right_arithmetic3A_1227 {strides = array<i32>} : memref<512xi32, #tpu.memory_space<vmem>>, vector<16xi32>,
    %and3A_1230 = arith.constant 7 : i32
    %and3A_1231 = vector.broadcast %and3A_1230 : i32 to vector<16xi32>
    %and3A_1232 = arith.andi %gather3A_1198, %and3A_1231 : vector<16xi32>
    %and3A_1233 = arith.constant 1 : i32
    %and3A_1234 = vector.broadcast %and3A_1233 : i32 to vector<16xi32>
    %and3A_1235 = arith.andi %gather3A_1205, %and3A_1234 : vector<16xi32>
    %shift_left3A_1236 = arith.constant 8 : i32
    %shift_left3A_1237 = vector.broadcast %shift_left3A_1236 : i32 to vector<16xi32>
    %shift_left3A_1238 = arith.shli %and3A_1235, %shift_left3A_1237 : vector<16xi32>
    %or3A_1239 = arith.ori %and3A_1232, %shift_left3A_1238 : vector<16xi32>
    %and3A_1240 = arith.constant 7 : i32
    %and3A_1241 = vector.broadcast %and3A_1240 : i32 to vector<16xi32>
    %and3A_1242 = arith.andi %gather3A_1212, %and3A_1241 : vector<16xi32>
    %shift_left3A_1243 = arith.constant 16 : i32
    %shift_left3A_1244 = vector.broadcast %shift_left3A_1243 : i32 to vector<16xi32>
    %shift_left3A_1245 = arith.shli %and3A_1242, %shift_left3A_1244 : vector<16xi32>
    %or3A_1246 = arith.ori %or3A_1239, %shift_left3A_1245 : vector<16xi32>
    %swap3A_1247 = arith.constant 336 : index
    %swap3A_1248 = tpu.vector_load %arg10[%swap3A_1247] {strides = array<i32>} : memref<512xi32, #tpu.memory_space<vmem>>, vector<16xi32>,
    tpu.vector_store %arg10[%swap3A_1247], %or3A_1246 {strides = array<i32>} : memref<512xi32, #tpu.memory_space<vmem>>, vector<16xi32>,
    %mul3A_1249 = arith.constant 3 : i32
    %mul3A_1250 = vector.broadcast %mul3A_1249 : i32 to vector<16xi32>
    %mul3A_1251 = arith.muli %iota3A, %mul3A_1250 : vector<16xi32>
    %add3A_1252 = arith.constant 1056 : i32
    %add3A_1253 = vector.broadcast %add3A_1252 : i32 to vector<16xi32>
    %add3A_1254 = arith.addi %mul3A_1251, %add3A_1253 : vector<16xi32>
    %gather3A_1255 = tpu.vector_load_idx %arg6[%add3A_1254] : memref<1536xi32, #tpu.memory_space<vmem>>[vector<16xi32>], vector<16xi32>,
    %mul3A_1256 = arith.constant 3 : i32
    %mul3A_1257 = vector.broadcast %mul3A_1256 : i32 to vector<16xi32>
    %mul3A_1258 = arith.muli %iota3A, %mul3A_1257 : vector<16xi32>
    %add3A_1259 = arith.constant 1057 : i32
    %add3A_1260 = vector.broadcast %add3A_1259 : i32 to vector<16xi32>
    %add3A_1261 = arith.addi %mul3A_1258, %add3A_1260 : vector<16xi32>
    %gather3A_1262 = tpu.vector_load_idx %arg6[%add3A_1261] : memref<1536xi32, #tpu.memory_space<vmem>>[vector<16xi32>], vector<16xi32>,
    %mul3A_1263 = arith.constant 3 : i32
    %mul3A_1264 = vector.broadcast %mul3A_1263 : i32 to vector<16xi32>
    %mul3A_1265 = arith.muli %iota3A, %mul3A_1264 : vector<16xi32>
    %add3A_1266 = arith.constant 1058 : i32
    %add3A_1267 = vector.broadcast %add3A_1266 : i32 to vector<16xi32>
    %add3A_1268 = arith.addi %mul3A_1265, %add3A_1267 : vector<16xi32>
    %gather3A_1269 = tpu.vector_load_idx %arg6[%add3A_1268] : memref<1536xi32, #tpu.memory_space<vmem>>[vector<16xi32>], vector<16xi32>,
    %shift_right_arithmetic3A_1270 = arith.constant 3 : i32
    %shift_right_arithmetic3A_1271 = vector.broadcast %shift_right_arithmetic3A_1270 : i32 to vector<16xi32>
    %shift_right_arithmetic3A_1272 = arith.shrsi %gather3A_1255, %shift_right_arithmetic3A_1271 : vector<16xi32>
    %swap3A_1273 = arith.constant 352 : index
    %swap3A_1274 = tpu.vector_load %arg7[%swap3A_1273] {strides = array<i32>} : memref<512xi32, #tpu.memory_space<vmem>>, vector<16xi32>,
    tpu.vector_store %arg7[%swap3A_1273], %shift_right_arithmetic3A_1272 {strides = array<i32>} : memref<512xi32, #tpu.memory_space<vmem>>, vector<16xi32>,
    %shift_right_arithmetic3A_1275 = arith.constant 1 : i32
    %shift_right_arithmetic3A_1276 = vector.broadcast %shift_right_arithmetic3A_1275 : i32 to vector<16xi32>
    %shift_right_arithmetic3A_1277 = arith.shrsi %gather3A_1262, %shift_right_arithmetic3A_1276 : vector<16xi32>
    %swap3A_1278 = arith.constant 2 : i32
    %swap3A_1279 = arith.index_cast %swap3A_1278 : i32 to index
    %swap3A_1280 = arith.constant 96 : index
    %swap3A_1281 = tpu.vector_load %arg8[%swap3A_1279, %swap3A_1280] {strides = array<i32>} : memref<4x128xi32, #tpu.memory_space<vmem>>, vector<16xi32>,
    tpu.vector_store %arg8[%swap3A_1279, %swap3A_1280], %shift_right_arithmetic3A_1277 {strides = array<i32>} : memref<4x128xi32, #tpu.memory_space<vmem>>, vector<16xi32>,
    %shift_right_arithmetic3A_1282 = arith.constant 3 : i32
    %shift_right_arithmetic3A_1283 = vector.broadcast %shift_right_arithmetic3A_1282 : i32 to vector<16xi32>
    %shift_right_arithmetic3A_1284 = arith.shrsi %gather3A_1269, %shift_right_arithmetic3A_1283 : vector<16xi32>
    %swap3A_1285 = arith.constant 352 : index
    %swap3A_1286 = tpu.vector_load %arg9[%swap3A_1285] {strides = array<i32>} : memref<512xi32, #tpu.memory_space<vmem>>, vector<16xi32>,
    tpu.vector_store %arg9[%swap3A_1285], %shift_right_arithmetic3A_1284 {strides = array<i32>} : memref<512xi32, #tpu.memory_space<vmem>>, vector<16xi32>,
    %and3A_1287 = arith.constant 7 : i32
    %and3A_1288 = vector.broadcast %and3A_1287 : i32 to vector<16xi32>
    %and3A_1289 = arith.andi %gather3A_1255, %and3A_1288 : vector<16xi32>
    %and3A_1290 = arith.constant 1 : i32
    %and3A_1291 = vector.broadcast %and3A_1290 : i32 to vector<16xi32>
    %and3A_1292 = arith.andi %gather3A_1262, %and3A_1291 : vector<16xi32>
    %shift_left3A_1293 = arith.constant 8 : i32
    %shift_left3A_1294 = vector.broadcast %shift_left3A_1293 : i32 to vector<16xi32>
    %shift_left3A_1295 = arith.shli %and3A_1292, %shift_left3A_1294 : vector<16xi32>
    %or3A_1296 = arith.ori %and3A_1289, %shift_left3A_1295 : vector<16xi32>
    %and3A_1297 = arith.constant 7 : i32
    %and3A_1298 = vector.broadcast %and3A_1297 : i32 to vector<16xi32>
    %and3A_1299 = arith.andi %gather3A_1269, %and3A_1298 : vector<16xi32>
    %shift_left3A_1300 = arith.constant 16 : i32
    %shift_left3A_1301 = vector.broadcast %shift_left3A_1300 : i32 to vector<16xi32>
    %shift_left3A_1302 = arith.shli %and3A_1299, %shift_left3A_1301 : vector<16xi32>
    %or3A_1303 = arith.ori %or3A_1296, %shift_left3A_1302 : vector<16xi32>
    %swap3A_1304 = arith.constant 352 : index
    %swap3A_1305 = tpu.vector_load %arg10[%swap3A_1304] {strides = array<i32>} : memref<512xi32, #tpu.memory_space<vmem>>, vector<16xi32>,
    tpu.vector_store %arg10[%swap3A_1304], %or3A_1303 {strides = array<i32>} : memref<512xi32, #tpu.memory_space<vmem>>, vector<16xi32>,
    %mul3A_1306 = arith.constant 3 : i32
    %mul3A_1307 = vector.broadcast %mul3A_1306 : i32 to vector<16xi32>
    %mul3A_1308 = arith.muli %iota3A, %mul3A_1307 : vector<16xi32>
    %add3A_1309 = arith.constant 1104 : i32
    %add3A_1310 = vector.broadcast %add3A_1309 : i32 to vector<16xi32>
    %add3A_1311 = arith.addi %mul3A_1308, %add3A_1310 : vector<16xi32>
    %gather3A_1312 = tpu.vector_load_idx %arg6[%add3A_1311] : memref<1536xi32, #tpu.memory_space<vmem>>[vector<16xi32>], vector<16xi32>,
    %mul3A_1313 = arith.constant 3 : i32
    %mul3A_1314 = vector.broadcast %mul3A_1313 : i32 to vector<16xi32>
    %mul3A_1315 = arith.muli %iota3A, %mul3A_1314 : vector<16xi32>
    %add3A_1316 = arith.constant 1105 : i32
    %add3A_1317 = vector.broadcast %add3A_1316 : i32 to vector<16xi32>
    %add3A_1318 = arith.addi %mul3A_1315, %add3A_1317 : vector<16xi32>
    %gather3A_1319 = tpu.vector_load_idx %arg6[%add3A_1318] : memref<1536xi32, #tpu.memory_space<vmem>>[vector<16xi32>], vector<16xi32>,
    %mul3A_1320 = arith.constant 3 : i32
    %mul3A_1321 = vector.broadcast %mul3A_1320 : i32 to vector<16xi32>
    %mul3A_1322 = arith.muli %iota3A, %mul3A_1321 : vector<16xi32>
    %add3A_1323 = arith.constant 1106 : i32
    %add3A_1324 = vector.broadcast %add3A_1323 : i32 to vector<16xi32>
    %add3A_1325 = arith.addi %mul3A_1322, %add3A_1324 : vector<16xi32>
    %gather3A_1326 = tpu.vector_load_idx %arg6[%add3A_1325] : memref<1536xi32, #tpu.memory_space<vmem>>[vector<16xi32>], vector<16xi32>,
    %shift_right_arithmetic3A_1327 = arith.constant 3 : i32
    %shift_right_arithmetic3A_1328 = vector.broadcast %shift_right_arithmetic3A_1327 : i32 to vector<16xi32>
    %shift_right_arithmetic3A_1329 = arith.shrsi %gather3A_1312, %shift_right_arithmetic3A_1328 : vector<16xi32>
    %swap3A_1330 = arith.constant 368 : index
    %swap3A_1331 = tpu.vector_load %arg7[%swap3A_1330] {strides = array<i32>} : memref<512xi32, #tpu.memory_space<vmem>>, vector<16xi32>,
    tpu.vector_store %arg7[%swap3A_1330], %shift_right_arithmetic3A_1329 {strides = array<i32>} : memref<512xi32, #tpu.memory_space<vmem>>, vector<16xi32>,
    %shift_right_arithmetic3A_1332 = arith.constant 1 : i32
    %shift_right_arithmetic3A_1333 = vector.broadcast %shift_right_arithmetic3A_1332 : i32 to vector<16xi32>
    %shift_right_arithmetic3A_1334 = arith.shrsi %gather3A_1319, %shift_right_arithmetic3A_1333 : vector<16xi32>
    %swap3A_1335 = arith.constant 2 : i32
    %swap3A_1336 = arith.index_cast %swap3A_1335 : i32 to index
    %swap3A_1337 = arith.constant 112 : index
    %swap3A_1338 = tpu.vector_load %arg8[%swap3A_1336, %swap3A_1337] {strides = array<i32>} : memref<4x128xi32, #tpu.memory_space<vmem>>, vector<16xi32>,
    tpu.vector_store %arg8[%swap3A_1336, %swap3A_1337], %shift_right_arithmetic3A_1334 {strides = array<i32>} : memref<4x128xi32, #tpu.memory_space<vmem>>, vector<16xi32>,
    %shift_right_arithmetic3A_1339 = arith.constant 3 : i32
    %shift_right_arithmetic3A_1340 = vector.broadcast %shift_right_arithmetic3A_1339 : i32 to vector<16xi32>
    %shift_right_arithmetic3A_1341 = arith.shrsi %gather3A_1326, %shift_right_arithmetic3A_1340 : vector<16xi32>
    %swap3A_1342 = arith.constant 368 : index
    %swap3A_1343 = tpu.vector_load %arg9[%swap3A_1342] {strides = array<i32>} : memref<512xi32, #tpu.memory_space<vmem>>, vector<16xi32>,
    tpu.vector_store %arg9[%swap3A_1342], %shift_right_arithmetic3A_1341 {strides = array<i32>} : memref<512xi32, #tpu.memory_space<vmem>>, vector<16xi32>,
    %and3A_1344 = arith.constant 7 : i32
    %and3A_1345 = vector.broadcast %and3A_1344 : i32 to vector<16xi32>
    %and3A_1346 = arith.andi %gather3A_1312, %and3A_1345 : vector<16xi32>
    %and3A_1347 = arith.constant 1 : i32
    %and3A_1348 = vector.broadcast %and3A_1347 : i32 to vector<16xi32>
    %and3A_1349 = arith.andi %gather3A_1319, %and3A_1348 : vector<16xi32>
    %shift_left3A_1350 = arith.constant 8 : i32
    %shift_left3A_1351 = vector.broadcast %shift_left3A_1350 : i32 to vector<16xi32>
    %shift_left3A_1352 = arith.shli %and3A_1349, %shift_left3A_1351 : vector<16xi32>
    %or3A_1353 = arith.ori %and3A_1346, %shift_left3A_1352 : vector<16xi32>
    %and3A_1354 = arith.constant 7 : i32
    %and3A_1355 = vector.broadcast %and3A_1354 : i32 to vector<16xi32>
    %and3A_1356 = arith.andi %gather3A_1326, %and3A_1355 : vector<16xi32>
    %shift_left3A_1357 = arith.constant 16 : i32
    %shift_left3A_1358 = vector.broadcast %shift_left3A_1357 : i32 to vector<16xi32>
    %shift_left3A_1359 = arith.shli %and3A_1356, %shift_left3A_1358 : vector<16xi32>
    %or3A_1360 = arith.ori %or3A_1353, %shift_left3A_1359 : vector<16xi32>
    %swap3A_1361 = arith.constant 368 : index
    %swap3A_1362 = tpu.vector_load %arg10[%swap3A_1361] {strides = array<i32>} : memref<512xi32, #tpu.memory_space<vmem>>, vector<16xi32>,
    tpu.vector_store %arg10[%swap3A_1361], %or3A_1360 {strides = array<i32>} : memref<512xi32, #tpu.memory_space<vmem>>, vector<16xi32>,
    %mul3A_1363 = arith.constant 3 : i32
    %mul3A_1364 = vector.broadcast %mul3A_1363 : i32 to vector<16xi32>
    %mul3A_1365 = arith.muli %iota3A, %mul3A_1364 : vector<16xi32>
    %add3A_1366 = arith.constant 1152 : i32
    %add3A_1367 = vector.broadcast %add3A_1366 : i32 to vector<16xi32>
    %add3A_1368 = arith.addi %mul3A_1365, %add3A_1367 : vector<16xi32>
    %gather3A_1369 = tpu.vector_load_idx %arg6[%add3A_1368] : memref<1536xi32, #tpu.memory_space<vmem>>[vector<16xi32>], vector<16xi32>,
    %mul3A_1370 = arith.constant 3 : i32
    %mul3A_1371 = vector.broadcast %mul3A_1370 : i32 to vector<16xi32>
    %mul3A_1372 = arith.muli %iota3A, %mul3A_1371 : vector<16xi32>
    %add3A_1373 = arith.constant 1153 : i32
    %add3A_1374 = vector.broadcast %add3A_1373 : i32 to vector<16xi32>
    %add3A_1375 = arith.addi %mul3A_1372, %add3A_1374 : vector<16xi32>
    %gather3A_1376 = tpu.vector_load_idx %arg6[%add3A_1375] : memref<1536xi32, #tpu.memory_space<vmem>>[vector<16xi32>], vector<16xi32>,
    %mul3A_1377 = arith.constant 3 : i32
    %mul3A_1378 = vector.broadcast %mul3A_1377 : i32 to vector<16xi32>
    %mul3A_1379 = arith.muli %iota3A, %mul3A_1378 : vector<16xi32>
    %add3A_1380 = arith.constant 1154 : i32
    %add3A_1381 = vector.broadcast %add3A_1380 : i32 to vector<16xi32>
    %add3A_1382 = arith.addi %mul3A_1379, %add3A_1381 : vector<16xi32>
    %gather3A_1383 = tpu.vector_load_idx %arg6[%add3A_1382] : memref<1536xi32, #tpu.memory_space<vmem>>[vector<16xi32>], vector<16xi32>,
    %shift_right_arithmetic3A_1384 = arith.constant 3 : i32
    %shift_right_arithmetic3A_1385 = vector.broadcast %shift_right_arithmetic3A_1384 : i32 to vector<16xi32>
    %shift_right_arithmetic3A_1386 = arith.shrsi %gather3A_1369, %shift_right_arithmetic3A_1385 : vector<16xi32>
    %swap3A_1387 = arith.constant 384 : index
    %swap3A_1388 = tpu.vector_load %arg7[%swap3A_1387] {strides = array<i32>} : memref<512xi32, #tpu.memory_space<vmem>>, vector<16xi32>,
    tpu.vector_store %arg7[%swap3A_1387], %shift_right_arithmetic3A_1386 {strides = array<i32>} : memref<512xi32, #tpu.memory_space<vmem>>, vector<16xi32>,
    %shift_right_arithmetic3A_1389 = arith.constant 1 : i32
    %shift_right_arithmetic3A_1390 = vector.broadcast %shift_right_arithmetic3A_1389 : i32 to vector<16xi32>
    %shift_right_arithmetic3A_1391 = arith.shrsi %gather3A_1376, %shift_right_arithmetic3A_1390 : vector<16xi32>
    %swap3A_1392 = arith.constant 3 : i32
    %swap3A_1393 = arith.index_cast %swap3A_1392 : i32 to index
    %swap3A_1394 = arith.constant 0 : index
    %swap3A_1395 = tpu.vector_load %arg8[%swap3A_1393, %swap3A_1394] {strides = array<i32>} : memref<4x128xi32, #tpu.memory_space<vmem>>, vector<16xi32>,
    tpu.vector_store %arg8[%swap3A_1393, %swap3A_1394], %shift_right_arithmetic3A_1391 {strides = array<i32>} : memref<4x128xi32, #tpu.memory_space<vmem>>, vector<16xi32>,
    %shift_right_arithmetic3A_1396 = arith.constant 3 : i32
    %shift_right_arithmetic3A_1397 = vector.broadcast %shift_right_arithmetic3A_1396 : i32 to vector<16xi32>
    %shift_right_arithmetic3A_1398 = arith.shrsi %gather3A_1383, %shift_right_arithmetic3A_1397 : vector<16xi32>
    %swap3A_1399 = arith.constant 384 : index
    %swap3A_1400 = tpu.vector_load %arg9[%swap3A_1399] {strides = array<i32>} : memref<512xi32, #tpu.memory_space<vmem>>, vector<16xi32>,
    tpu.vector_store %arg9[%swap3A_1399], %shift_right_arithmetic3A_1398 {strides = array<i32>} : memref<512xi32, #tpu.memory_space<vmem>>, vector<16xi32>,
    %and3A_1401 = arith.constant 7 : i32
    %and3A_1402 = vector.broadcast %and3A_1401 : i32 to vector<16xi32>
    %and3A_1403 = arith.andi %gather3A_1369, %and3A_1402 : vector<16xi32>
    %and3A_1404 = arith.constant 1 : i32
    %and3A_1405 = vector.broadcast %and3A_1404 : i32 to vector<16xi32>
    %and3A_1406 = arith.andi %gather3A_1376, %and3A_1405 : vector<16xi32>
    %shift_left3A_1407 = arith.constant 8 : i32
    %shift_left3A_1408 = vector.broadcast %shift_left3A_1407 : i32 to vector<16xi32>
    %shift_left3A_1409 = arith.shli %and3A_1406, %shift_left3A_1408 : vector<16xi32>
    %or3A_1410 = arith.ori %and3A_1403, %shift_left3A_1409 : vector<16xi32>
    %and3A_1411 = arith.constant 7 : i32
    %and3A_1412 = vector.broadcast %and3A_1411 : i32 to vector<16xi32>
    %and3A_1413 = arith.andi %gather3A_1383, %and3A_1412 : vector<16xi32>
    %shift_left3A_1414 = arith.constant 16 : i32
    %shift_left3A_1415 = vector.broadcast %shift_left3A_1414 : i32 to vector<16xi32>
    %shift_left3A_1416 = arith.shli %and3A_1413, %shift_left3A_1415 : vector<16xi32>
    %or3A_1417 = arith.ori %or3A_1410, %shift_left3A_1416 : vector<16xi32>
    %swap3A_1418 = arith.constant 384 : index
    %swap3A_1419 = tpu.vector_load %arg10[%swap3A_1418] {strides = array<i32>} : memref<512xi32, #tpu.memory_space<vmem>>, vector<16xi32>,
    tpu.vector_store %arg10[%swap3A_1418], %or3A_1417 {strides = array<i32>} : memref<512xi32, #tpu.memory_space<vmem>>, vector<16xi32>,
    %mul3A_1420 = arith.constant 3 : i32
    %mul3A_1421 = vector.broadcast %mul3A_1420 : i32 to vector<16xi32>
    %mul3A_1422 = arith.muli %iota3A, %mul3A_1421 : vector<16xi32>
    %add3A_1423 = arith.constant 1200 : i32
    %add3A_1424 = vector.broadcast %add3A_1423 : i32 to vector<16xi32>
    %add3A_1425 = arith.addi %mul3A_1422, %add3A_1424 : vector<16xi32>
    %gather3A_1426 = tpu.vector_load_idx %arg6[%add3A_1425] : memref<1536xi32, #tpu.memory_space<vmem>>[vector<16xi32>], vector<16xi32>,
    %mul3A_1427 = arith.constant 3 : i32
    %mul3A_1428 = vector.broadcast %mul3A_1427 : i32 to vector<16xi32>
    %mul3A_1429 = arith.muli %iota3A, %mul3A_1428 : vector<16xi32>
    %add3A_1430 = arith.constant 1201 : i32
    %add3A_1431 = vector.broadcast %add3A_1430 : i32 to vector<16xi32>
    %add3A_1432 = arith.addi %mul3A_1429, %add3A_1431 : vector<16xi32>
    %gather3A_1433 = tpu.vector_load_idx %arg6[%add3A_1432] : memref<1536xi32, #tpu.memory_space<vmem>>[vector<16xi32>], vector<16xi32>,
    %mul3A_1434 = arith.constant 3 : i32
    %mul3A_1435 = vector.broadcast %mul3A_1434 : i32 to vector<16xi32>
    %mul3A_1436 = arith.muli %iota3A, %mul3A_1435 : vector<16xi32>
    %add3A_1437 = arith.constant 1202 : i32
    %add3A_1438 = vector.broadcast %add3A_1437 : i32 to vector<16xi32>
    %add3A_1439 = arith.addi %mul3A_1436, %add3A_1438 : vector<16xi32>
    %gather3A_1440 = tpu.vector_load_idx %arg6[%add3A_1439] : memref<1536xi32, #tpu.memory_space<vmem>>[vector<16xi32>], vector<16xi32>,
    %shift_right_arithmetic3A_1441 = arith.constant 3 : i32
    %shift_right_arithmetic3A_1442 = vector.broadcast %shift_right_arithmetic3A_1441 : i32 to vector<16xi32>
    %shift_right_arithmetic3A_1443 = arith.shrsi %gather3A_1426, %shift_right_arithmetic3A_1442 : vector<16xi32>
    %swap3A_1444 = arith.constant 400 : index
    %swap3A_1445 = tpu.vector_load %arg7[%swap3A_1444] {strides = array<i32>} : memref<512xi32, #tpu.memory_space<vmem>>, vector<16xi32>,
    tpu.vector_store %arg7[%swap3A_1444], %shift_right_arithmetic3A_1443 {strides = array<i32>} : memref<512xi32, #tpu.memory_space<vmem>>, vector<16xi32>,
    %shift_right_arithmetic3A_1446 = arith.constant 1 : i32
    %shift_right_arithmetic3A_1447 = vector.broadcast %shift_right_arithmetic3A_1446 : i32 to vector<16xi32>
    %shift_right_arithmetic3A_1448 = arith.shrsi %gather3A_1433, %shift_right_arithmetic3A_1447 : vector<16xi32>
    %swap3A_1449 = arith.constant 3 : i32
    %swap3A_1450 = arith.index_cast %swap3A_1449 : i32 to index
    %swap3A_1451 = arith.constant 16 : index
    %swap3A_1452 = tpu.vector_load %arg8[%swap3A_1450, %swap3A_1451] {strides = array<i32>} : memref<4x128xi32, #tpu.memory_space<vmem>>, vector<16xi32>,
    tpu.vector_store %arg8[%swap3A_1450, %swap3A_1451], %shift_right_arithmetic3A_1448 {strides = array<i32>} : memref<4x128xi32, #tpu.memory_space<vmem>>, vector<16xi32>,
    %shift_right_arithmetic3A_1453 = arith.constant 3 : i32
    %shift_right_arithmetic3A_1454 = vector.broadcast %shift_right_arithmetic3A_1453 : i32 to vector<16xi32>
    %shift_right_arithmetic3A_1455 = arith.shrsi %gather3A_1440, %shift_right_arithmetic3A_1454 : vector<16xi32>
    %swap3A_1456 = arith.constant 400 : index
    %swap3A_1457 = tpu.vector_load %arg9[%swap3A_1456] {strides = array<i32>} : memref<512xi32, #tpu.memory_space<vmem>>, vector<16xi32>,
    tpu.vector_store %arg9[%swap3A_1456], %shift_right_arithmetic3A_1455 {strides = array<i32>} : memref<512xi32, #tpu.memory_space<vmem>>, vector<16xi32>,
    %and3A_1458 = arith.constant 7 : i32
    %and3A_1459 = vector.broadcast %and3A_1458 : i32 to vector<16xi32>
    %and3A_1460 = arith.andi %gather3A_1426, %and3A_1459 : vector<16xi32>
    %and3A_1461 = arith.constant 1 : i32
    %and3A_1462 = vector.broadcast %and3A_1461 : i32 to vector<16xi32>
    %and3A_1463 = arith.andi %gather3A_1433, %and3A_1462 : vector<16xi32>
    %shift_left3A_1464 = arith.constant 8 : i32
    %shift_left3A_1465 = vector.broadcast %shift_left3A_1464 : i32 to vector<16xi32>
    %shift_left3A_1466 = arith.shli %and3A_1463, %shift_left3A_1465 : vector<16xi32>
    %or3A_1467 = arith.ori %and3A_1460, %shift_left3A_1466 : vector<16xi32>
    %and3A_1468 = arith.constant 7 : i32
    %and3A_1469 = vector.broadcast %and3A_1468 : i32 to vector<16xi32>
    %and3A_1470 = arith.andi %gather3A_1440, %and3A_1469 : vector<16xi32>
    %shift_left3A_1471 = arith.constant 16 : i32
    %shift_left3A_1472 = vector.broadcast %shift_left3A_1471 : i32 to vector<16xi32>
    %shift_left3A_1473 = arith.shli %and3A_1470, %shift_left3A_1472 : vector<16xi32>
    %or3A_1474 = arith.ori %or3A_1467, %shift_left3A_1473 : vector<16xi32>
    %swap3A_1475 = arith.constant 400 : index
    %swap3A_1476 = tpu.vector_load %arg10[%swap3A_1475] {strides = array<i32>} : memref<512xi32, #tpu.memory_space<vmem>>, vector<16xi32>,
    tpu.vector_store %arg10[%swap3A_1475], %or3A_1474 {strides = array<i32>} : memref<512xi32, #tpu.memory_space<vmem>>, vector<16xi32>,
    %mul3A_1477 = arith.constant 3 : i32
    %mul3A_1478 = vector.broadcast %mul3A_1477 : i32 to vector<16xi32>
    %mul3A_1479 = arith.muli %iota3A, %mul3A_1478 : vector<16xi32>
    %add3A_1480 = arith.constant 1248 : i32
    %add3A_1481 = vector.broadcast %add3A_1480 : i32 to vector<16xi32>
    %add3A_1482 = arith.addi %mul3A_1479, %add3A_1481 : vector<16xi32>
    %gather3A_1483 = tpu.vector_load_idx %arg6[%add3A_1482] : memref<1536xi32, #tpu.memory_space<vmem>>[vector<16xi32>], vector<16xi32>,
    %mul3A_1484 = arith.constant 3 : i32
    %mul3A_1485 = vector.broadcast %mul3A_1484 : i32 to vector<16xi32>
    %mul3A_1486 = arith.muli %iota3A, %mul3A_1485 : vector<16xi32>
    %add3A_1487 = arith.constant 1249 : i32
    %add3A_1488 = vector.broadcast %add3A_1487 : i32 to vector<16xi32>
    %add3A_1489 = arith.addi %mul3A_1486, %add3A_1488 : vector<16xi32>
    %gather3A_1490 = tpu.vector_load_idx %arg6[%add3A_1489] : memref<1536xi32, #tpu.memory_space<vmem>>[vector<16xi32>], vector<16xi32>,
    %mul3A_1491 = arith.constant 3 : i32
    %mul3A_1492 = vector.broadcast %mul3A_1491 : i32 to vector<16xi32>
    %mul3A_1493 = arith.muli %iota3A, %mul3A_1492 : vector<16xi32>
    %add3A_1494 = arith.constant 1250 : i32
    %add3A_1495 = vector.broadcast %add3A_1494 : i32 to vector<16xi32>
    %add3A_1496 = arith.addi %mul3A_1493, %add3A_1495 : vector<16xi32>
    %gather3A_1497 = tpu.vector_load_idx %arg6[%add3A_1496] : memref<1536xi32, #tpu.memory_space<vmem>>[vector<16xi32>], vector<16xi32>,
    %shift_right_arithmetic3A_1498 = arith.constant 3 : i32
    %shift_right_arithmetic3A_1499 = vector.broadcast %shift_right_arithmetic3A_1498 : i32 to vector<16xi32>
    %shift_right_arithmetic3A_1500 = arith.shrsi %gather3A_1483, %shift_right_arithmetic3A_1499 : vector<16xi32>
    %swap3A_1501 = arith.constant 416 : index
    %swap3A_1502 = tpu.vector_load %arg7[%swap3A_1501] {strides = array<i32>} : memref<512xi32, #tpu.memory_space<vmem>>, vector<16xi32>,
    tpu.vector_store %arg7[%swap3A_1501], %shift_right_arithmetic3A_1500 {strides = array<i32>} : memref<512xi32, #tpu.memory_space<vmem>>, vector<16xi32>,
    %shift_right_arithmetic3A_1503 = arith.constant 1 : i32
    %shift_right_arithmetic3A_1504 = vector.broadcast %shift_right_arithmetic3A_1503 : i32 to vector<16xi32>
    %shift_right_arithmetic3A_1505 = arith.shrsi %gather3A_1490, %shift_right_arithmetic3A_1504 : vector<16xi32>
    %swap3A_1506 = arith.constant 3 : i32
    %swap3A_1507 = arith.index_cast %swap3A_1506 : i32 to index
    %swap3A_1508 = arith.constant 32 : index
    %swap3A_1509 = tpu.vector_load %arg8[%swap3A_1507, %swap3A_1508] {strides = array<i32>} : memref<4x128xi32, #tpu.memory_space<vmem>>, vector<16xi32>,
    tpu.vector_store %arg8[%swap3A_1507, %swap3A_1508], %shift_right_arithmetic3A_1505 {strides = array<i32>} : memref<4x128xi32, #tpu.memory_space<vmem>>, vector<16xi32>,
    %shift_right_arithmetic3A_1510 = arith.constant 3 : i32
    %shift_right_arithmetic3A_1511 = vector.broadcast %shift_right_arithmetic3A_1510 : i32 to vector<16xi32>
    %shift_right_arithmetic3A_1512 = arith.shrsi %gather3A_1497, %shift_right_arithmetic3A_1511 : vector<16xi32>
    %swap3A_1513 = arith.constant 416 : index
    %swap3A_1514 = tpu.vector_load %arg9[%swap3A_1513] {strides = array<i32>} : memref<512xi32, #tpu.memory_space<vmem>>, vector<16xi32>,
    tpu.vector_store %arg9[%swap3A_1513], %shift_right_arithmetic3A_1512 {strides = array<i32>} : memref<512xi32, #tpu.memory_space<vmem>>, vector<16xi32>,
    %and3A_1515 = arith.constant 7 : i32
    %and3A_1516 = vector.broadcast %and3A_1515 : i32 to vector<16xi32>
    %and3A_1517 = arith.andi %gather3A_1483, %and3A_1516 : vector<16xi32>
    %and3A_1518 = arith.constant 1 : i32
    %and3A_1519 = vector.broadcast %and3A_1518 : i32 to vector<16xi32>
    %and3A_1520 = arith.andi %gather3A_1490, %and3A_1519 : vector<16xi32>
    %shift_left3A_1521 = arith.constant 8 : i32
    %shift_left3A_1522 = vector.broadcast %shift_left3A_1521 : i32 to vector<16xi32>
    %shift_left3A_1523 = arith.shli %and3A_1520, %shift_left3A_1522 : vector<16xi32>
    %or3A_1524 = arith.ori %and3A_1517, %shift_left3A_1523 : vector<16xi32>
    %and3A_1525 = arith.constant 7 : i32
    %and3A_1526 = vector.broadcast %and3A_1525 : i32 to vector<16xi32>
    %and3A_1527 = arith.andi %gather3A_1497, %and3A_1526 : vector<16xi32>
    %shift_left3A_1528 = arith.constant 16 : i32
    %shift_left3A_1529 = vector.broadcast %shift_left3A_1528 : i32 to vector<16xi32>
    %shift_left3A_1530 = arith.shli %and3A_1527, %shift_left3A_1529 : vector<16xi32>
    %or3A_1531 = arith.ori %or3A_1524, %shift_left3A_1530 : vector<16xi32>
    %swap3A_1532 = arith.constant 416 : index
    %swap3A_1533 = tpu.vector_load %arg10[%swap3A_1532] {strides = array<i32>} : memref<512xi32, #tpu.memory_space<vmem>>, vector<16xi32>,
    tpu.vector_store %arg10[%swap3A_1532], %or3A_1531 {strides = array<i32>} : memref<512xi32, #tpu.memory_space<vmem>>, vector<16xi32>,
    %mul3A_1534 = arith.constant 3 : i32
    %mul3A_1535 = vector.broadcast %mul3A_1534 : i32 to vector<16xi32>
    %mul3A_1536 = arith.muli %iota3A, %mul3A_1535 : vector<16xi32>
    %add3A_1537 = arith.constant 1296 : i32
    %add3A_1538 = vector.broadcast %add3A_1537 : i32 to vector<16xi32>
    %add3A_1539 = arith.addi %mul3A_1536, %add3A_1538 : vector<16xi32>
    %gather3A_1540 = tpu.vector_load_idx %arg6[%add3A_1539] : memref<1536xi32, #tpu.memory_space<vmem>>[vector<16xi32>], vector<16xi32>,
    %mul3A_1541 = arith.constant 3 : i32
    %mul3A_1542 = vector.broadcast %mul3A_1541 : i32 to vector<16xi32>
    %mul3A_1543 = arith.muli %iota3A, %mul3A_1542 : vector<16xi32>
    %add3A_1544 = arith.constant 1297 : i32
    %add3A_1545 = vector.broadcast %add3A_1544 : i32 to vector<16xi32>
    %add3A_1546 = arith.addi %mul3A_1543, %add3A_1545 : vector<16xi32>
    %gather3A_1547 = tpu.vector_load_idx %arg6[%add3A_1546] : memref<1536xi32, #tpu.memory_space<vmem>>[vector<16xi32>], vector<16xi32>,
    %mul3A_1548 = arith.constant 3 : i32
    %mul3A_1549 = vector.broadcast %mul3A_1548 : i32 to vector<16xi32>
    %mul3A_1550 = arith.muli %iota3A, %mul3A_1549 : vector<16xi32>
    %add3A_1551 = arith.constant 1298 : i32
    %add3A_1552 = vector.broadcast %add3A_1551 : i32 to vector<16xi32>
    %add3A_1553 = arith.addi %mul3A_1550, %add3A_1552 : vector<16xi32>
    %gather3A_1554 = tpu.vector_load_idx %arg6[%add3A_1553] : memref<1536xi32, #tpu.memory_space<vmem>>[vector<16xi32>], vector<16xi32>,
    %shift_right_arithmetic3A_1555 = arith.constant 3 : i32
    %shift_right_arithmetic3A_1556 = vector.broadcast %shift_right_arithmetic3A_1555 : i32 to vector<16xi32>
    %shift_right_arithmetic3A_1557 = arith.shrsi %gather3A_1540, %shift_right_arithmetic3A_1556 : vector<16xi32>
    %swap3A_1558 = arith.constant 432 : index
    %swap3A_1559 = tpu.vector_load %arg7[%swap3A_1558] {strides = array<i32>} : memref<512xi32, #tpu.memory_space<vmem>>, vector<16xi32>,
    tpu.vector_store %arg7[%swap3A_1558], %shift_right_arithmetic3A_1557 {strides = array<i32>} : memref<512xi32, #tpu.memory_space<vmem>>, vector<16xi32>,
    %shift_right_arithmetic3A_1560 = arith.constant 1 : i32
    %shift_right_arithmetic3A_1561 = vector.broadcast %shift_right_arithmetic3A_1560 : i32 to vector<16xi32>
    %shift_right_arithmetic3A_1562 = arith.shrsi %gather3A_1547, %shift_right_arithmetic3A_1561 : vector<16xi32>
    %swap3A_1563 = arith.constant 3 : i32
    %swap3A_1564 = arith.index_cast %swap3A_1563 : i32 to index
    %swap3A_1565 = arith.constant 48 : index
    %swap3A_1566 = tpu.vector_load %arg8[%swap3A_1564, %swap3A_1565] {strides = array<i32>} : memref<4x128xi32, #tpu.memory_space<vmem>>, vector<16xi32>,
    tpu.vector_store %arg8[%swap3A_1564, %swap3A_1565], %shift_right_arithmetic3A_1562 {strides = array<i32>} : memref<4x128xi32, #tpu.memory_space<vmem>>, vector<16xi32>,
    %shift_right_arithmetic3A_1567 = arith.constant 3 : i32
    %shift_right_arithmetic3A_1568 = vector.broadcast %shift_right_arithmetic3A_1567 : i32 to vector<16xi32>
    %shift_right_arithmetic3A_1569 = arith.shrsi %gather3A_1554, %shift_right_arithmetic3A_1568 : vector<16xi32>
    %swap3A_1570 = arith.constant 432 : index
    %swap3A_1571 = tpu.vector_load %arg9[%swap3A_1570] {strides = array<i32>} : memref<512xi32, #tpu.memory_space<vmem>>, vector<16xi32>,
    tpu.vector_store %arg9[%swap3A_1570], %shift_right_arithmetic3A_1569 {strides = array<i32>} : memref<512xi32, #tpu.memory_space<vmem>>, vector<16xi32>,
    %and3A_1572 = arith.constant 7 : i32
    %and3A_1573 = vector.broadcast %and3A_1572 : i32 to vector<16xi32>
    %and3A_1574 = arith.andi %gather3A_1540, %and3A_1573 : vector<16xi32>
    %and3A_1575 = arith.constant 1 : i32
    %and3A_1576 = vector.broadcast %and3A_1575 : i32 to vector<16xi32>
    %and3A_1577 = arith.andi %gather3A_1547, %and3A_1576 : vector<16xi32>
    %shift_left3A_1578 = arith.constant 8 : i32
    %shift_left3A_1579 = vector.broadcast %shift_left3A_1578 : i32 to vector<16xi32>
    %shift_left3A_1580 = arith.shli %and3A_1577, %shift_left3A_1579 : vector<16xi32>
    %or3A_1581 = arith.ori %and3A_1574, %shift_left3A_1580 : vector<16xi32>
    %and3A_1582 = arith.constant 7 : i32
    %and3A_1583 = vector.broadcast %and3A_1582 : i32 to vector<16xi32>
    %and3A_1584 = arith.andi %gather3A_1554, %and3A_1583 : vector<16xi32>
    %shift_left3A_1585 = arith.constant 16 : i32
    %shift_left3A_1586 = vector.broadcast %shift_left3A_1585 : i32 to vector<16xi32>
    %shift_left3A_1587 = arith.shli %and3A_1584, %shift_left3A_1586 : vector<16xi32>
    %or3A_1588 = arith.ori %or3A_1581, %shift_left3A_1587 : vector<16xi32>
    %swap3A_1589 = arith.constant 432 : index
    %swap3A_1590 = tpu.vector_load %arg10[%swap3A_1589] {strides = array<i32>} : memref<512xi32, #tpu.memory_space<vmem>>, vector<16xi32>,
    tpu.vector_store %arg10[%swap3A_1589], %or3A_1588 {strides = array<i32>} : memref<512xi32, #tpu.memory_space<vmem>>, vector<16xi32>,
    %mul3A_1591 = arith.constant 3 : i32
    %mul3A_1592 = vector.broadcast %mul3A_1591 : i32 to vector<16xi32>
    %mul3A_1593 = arith.muli %iota3A, %mul3A_1592 : vector<16xi32>
    %add3A_1594 = arith.constant 1344 : i32
    %add3A_1595 = vector.broadcast %add3A_1594 : i32 to vector<16xi32>
    %add3A_1596 = arith.addi %mul3A_1593, %add3A_1595 : vector<16xi32>
    %gather3A_1597 = tpu.vector_load_idx %arg6[%add3A_1596] : memref<1536xi32, #tpu.memory_space<vmem>>[vector<16xi32>], vector<16xi32>,
    %mul3A_1598 = arith.constant 3 : i32
    %mul3A_1599 = vector.broadcast %mul3A_1598 : i32 to vector<16xi32>
    %mul3A_1600 = arith.muli %iota3A, %mul3A_1599 : vector<16xi32>
    %add3A_1601 = arith.constant 1345 : i32
    %add3A_1602 = vector.broadcast %add3A_1601 : i32 to vector<16xi32>
    %add3A_1603 = arith.addi %mul3A_1600, %add3A_1602 : vector<16xi32>
    %gather3A_1604 = tpu.vector_load_idx %arg6[%add3A_1603] : memref<1536xi32, #tpu.memory_space<vmem>>[vector<16xi32>], vector<16xi32>,
    %mul3A_1605 = arith.constant 3 : i32
    %mul3A_1606 = vector.broadcast %mul3A_1605 : i32 to vector<16xi32>
    %mul3A_1607 = arith.muli %iota3A, %mul3A_1606 : vector<16xi32>
    %add3A_1608 = arith.constant 1346 : i32
    %add3A_1609 = vector.broadcast %add3A_1608 : i32 to vector<16xi32>
    %add3A_1610 = arith.addi %mul3A_1607, %add3A_1609 : vector<16xi32>
    %gather3A_1611 = tpu.vector_load_idx %arg6[%add3A_1610] : memref<1536xi32, #tpu.memory_space<vmem>>[vector<16xi32>], vector<16xi32>,
    %shift_right_arithmetic3A_1612 = arith.constant 3 : i32
    %shift_right_arithmetic3A_1613 = vector.broadcast %shift_right_arithmetic3A_1612 : i32 to vector<16xi32>
    %shift_right_arithmetic3A_1614 = arith.shrsi %gather3A_1597, %shift_right_arithmetic3A_1613 : vector<16xi32>
    %swap3A_1615 = arith.constant 448 : index
    %swap3A_1616 = tpu.vector_load %arg7[%swap3A_1615] {strides = array<i32>} : memref<512xi32, #tpu.memory_space<vmem>>, vector<16xi32>,
    tpu.vector_store %arg7[%swap3A_1615], %shift_right_arithmetic3A_1614 {strides = array<i32>} : memref<512xi32, #tpu.memory_space<vmem>>, vector<16xi32>,
    %shift_right_arithmetic3A_1617 = arith.constant 1 : i32
    %shift_right_arithmetic3A_1618 = vector.broadcast %shift_right_arithmetic3A_1617 : i32 to vector<16xi32>
    %shift_right_arithmetic3A_1619 = arith.shrsi %gather3A_1604, %shift_right_arithmetic3A_1618 : vector<16xi32>
    %swap3A_1620 = arith.constant 3 : i32
    %swap3A_1621 = arith.index_cast %swap3A_1620 : i32 to index
    %swap3A_1622 = arith.constant 64 : index
    %swap3A_1623 = tpu.vector_load %arg8[%swap3A_1621, %swap3A_1622] {strides = array<i32>} : memref<4x128xi32, #tpu.memory_space<vmem>>, vector<16xi32>,
    tpu.vector_store %arg8[%swap3A_1621, %swap3A_1622], %shift_right_arithmetic3A_1619 {strides = array<i32>} : memref<4x128xi32, #tpu.memory_space<vmem>>, vector<16xi32>,
    %shift_right_arithmetic3A_1624 = arith.constant 3 : i32
    %shift_right_arithmetic3A_1625 = vector.broadcast %shift_right_arithmetic3A_1624 : i32 to vector<16xi32>
    %shift_right_arithmetic3A_1626 = arith.shrsi %gather3A_1611, %shift_right_arithmetic3A_1625 : vector<16xi32>
    %swap3A_1627 = arith.constant 448 : index
    %swap3A_1628 = tpu.vector_load %arg9[%swap3A_1627] {strides = array<i32>} : memref<512xi32, #tpu.memory_space<vmem>>, vector<16xi32>,
    tpu.vector_store %arg9[%swap3A_1627], %shift_right_arithmetic3A_1626 {strides = array<i32>} : memref<512xi32, #tpu.memory_space<vmem>>, vector<16xi32>,
    %and3A_1629 = arith.constant 7 : i32
    %and3A_1630 = vector.broadcast %and3A_1629 : i32 to vector<16xi32>
    %and3A_1631 = arith.andi %gather3A_1597, %and3A_1630 : vector<16xi32>
    %and3A_1632 = arith.constant 1 : i32
    %and3A_1633 = vector.broadcast %and3A_1632 : i32 to vector<16xi32>
    %and3A_1634 = arith.andi %gather3A_1604, %and3A_1633 : vector<16xi32>
    %shift_left3A_1635 = arith.constant 8 : i32
    %shift_left3A_1636 = vector.broadcast %shift_left3A_1635 : i32 to vector<16xi32>
    %shift_left3A_1637 = arith.shli %and3A_1634, %shift_left3A_1636 : vector<16xi32>
    %or3A_1638 = arith.ori %and3A_1631, %shift_left3A_1637 : vector<16xi32>
    %and3A_1639 = arith.constant 7 : i32
    %and3A_1640 = vector.broadcast %and3A_1639 : i32 to vector<16xi32>
    %and3A_1641 = arith.andi %gather3A_1611, %and3A_1640 : vector<16xi32>
    %shift_left3A_1642 = arith.constant 16 : i32
    %shift_left3A_1643 = vector.broadcast %shift_left3A_1642 : i32 to vector<16xi32>
    %shift_left3A_1644 = arith.shli %and3A_1641, %shift_left3A_1643 : vector<16xi32>
    %or3A_1645 = arith.ori %or3A_1638, %shift_left3A_1644 : vector<16xi32>
    %swap3A_1646 = arith.constant 448 : index
    %swap3A_1647 = tpu.vector_load %arg10[%swap3A_1646] {strides = array<i32>} : memref<512xi32, #tpu.memory_space<vmem>>, vector<16xi32>,
    tpu.vector_store %arg10[%swap3A_1646], %or3A_1645 {strides = array<i32>} : memref<512xi32, #tpu.memory_space<vmem>>, vector<16xi32>,
    %mul3A_1648 = arith.constant 3 : i32
    %mul3A_1649 = vector.broadcast %mul3A_1648 : i32 to vector<16xi32>
    %mul3A_1650 = arith.muli %iota3A, %mul3A_1649 : vector<16xi32>
    %add3A_1651 = arith.constant 1392 : i32
    %add3A_1652 = vector.broadcast %add3A_1651 : i32 to vector<16xi32>
    %add3A_1653 = arith.addi %mul3A_1650, %add3A_1652 : vector<16xi32>
    %gather3A_1654 = tpu.vector_load_idx %arg6[%add3A_1653] : memref<1536xi32, #tpu.memory_space<vmem>>[vector<16xi32>], vector<16xi32>,
    %mul3A_1655 = arith.constant 3 : i32
    %mul3A_1656 = vector.broadcast %mul3A_1655 : i32 to vector<16xi32>
    %mul3A_1657 = arith.muli %iota3A, %mul3A_1656 : vector<16xi32>
    %add3A_1658 = arith.constant 1393 : i32
    %add3A_1659 = vector.broadcast %add3A_1658 : i32 to vector<16xi32>
    %add3A_1660 = arith.addi %mul3A_1657, %add3A_1659 : vector<16xi32>
    %gather3A_1661 = tpu.vector_load_idx %arg6[%add3A_1660] : memref<1536xi32, #tpu.memory_space<vmem>>[vector<16xi32>], vector<16xi32>,
    %mul3A_1662 = arith.constant 3 : i32
    %mul3A_1663 = vector.broadcast %mul3A_1662 : i32 to vector<16xi32>
    %mul3A_1664 = arith.muli %iota3A, %mul3A_1663 : vector<16xi32>
    %add3A_1665 = arith.constant 1394 : i32
    %add3A_1666 = vector.broadcast %add3A_1665 : i32 to vector<16xi32>
    %add3A_1667 = arith.addi %mul3A_1664, %add3A_1666 : vector<16xi32>
    %gather3A_1668 = tpu.vector_load_idx %arg6[%add3A_1667] : memref<1536xi32, #tpu.memory_space<vmem>>[vector<16xi32>], vector<16xi32>,
    %shift_right_arithmetic3A_1669 = arith.constant 3 : i32
    %shift_right_arithmetic3A_1670 = vector.broadcast %shift_right_arithmetic3A_1669 : i32 to vector<16xi32>
    %shift_right_arithmetic3A_1671 = arith.shrsi %gather3A_1654, %shift_right_arithmetic3A_1670 : vector<16xi32>
    %swap3A_1672 = arith.constant 464 : index
    %swap3A_1673 = tpu.vector_load %arg7[%swap3A_1672] {strides = array<i32>} : memref<512xi32, #tpu.memory_space<vmem>>, vector<16xi32>,
    tpu.vector_store %arg7[%swap3A_1672], %shift_right_arithmetic3A_1671 {strides = array<i32>} : memref<512xi32, #tpu.memory_space<vmem>>, vector<16xi32>,
    %shift_right_arithmetic3A_1674 = arith.constant 1 : i32
    %shift_right_arithmetic3A_1675 = vector.broadcast %shift_right_arithmetic3A_1674 : i32 to vector<16xi32>
    %shift_right_arithmetic3A_1676 = arith.shrsi %gather3A_1661, %shift_right_arithmetic3A_1675 : vector<16xi32>
    %swap3A_1677 = arith.constant 3 : i32
    %swap3A_1678 = arith.index_cast %swap3A_1677 : i32 to index
    %swap3A_1679 = arith.constant 80 : index
    %swap3A_1680 = tpu.vector_load %arg8[%swap3A_1678, %swap3A_1679] {strides = array<i32>} : memref<4x128xi32, #tpu.memory_space<vmem>>, vector<16xi32>,
    tpu.vector_store %arg8[%swap3A_1678, %swap3A_1679], %shift_right_arithmetic3A_1676 {strides = array<i32>} : memref<4x128xi32, #tpu.memory_space<vmem>>, vector<16xi32>,
    %shift_right_arithmetic3A_1681 = arith.constant 3 : i32
    %shift_right_arithmetic3A_1682 = vector.broadcast %shift_right_arithmetic3A_1681 : i32 to vector<16xi32>
    %shift_right_arithmetic3A_1683 = arith.shrsi %gather3A_1668, %shift_right_arithmetic3A_1682 : vector<16xi32>
    %swap3A_1684 = arith.constant 464 : index
    %swap3A_1685 = tpu.vector_load %arg9[%swap3A_1684] {strides = array<i32>} : memref<512xi32, #tpu.memory_space<vmem>>, vector<16xi32>,
    tpu.vector_store %arg9[%swap3A_1684], %shift_right_arithmetic3A_1683 {strides = array<i32>} : memref<512xi32, #tpu.memory_space<vmem>>, vector<16xi32>,
    %and3A_1686 = arith.constant 7 : i32
    %and3A_1687 = vector.broadcast %and3A_1686 : i32 to vector<16xi32>
    %and3A_1688 = arith.andi %gather3A_1654, %and3A_1687 : vector<16xi32>
    %and3A_1689 = arith.constant 1 : i32
    %and3A_1690 = vector.broadcast %and3A_1689 : i32 to vector<16xi32>
    %and3A_1691 = arith.andi %gather3A_1661, %and3A_1690 : vector<16xi32>
    %shift_left3A_1692 = arith.constant 8 : i32
    %shift_left3A_1693 = vector.broadcast %shift_left3A_1692 : i32 to vector<16xi32>
    %shift_left3A_1694 = arith.shli %and3A_1691, %shift_left3A_1693 : vector<16xi32>
    %or3A_1695 = arith.ori %and3A_1688, %shift_left3A_1694 : vector<16xi32>
    %and3A_1696 = arith.constant 7 : i32
    %and3A_1697 = vector.broadcast %and3A_1696 : i32 to vector<16xi32>
    %and3A_1698 = arith.andi %gather3A_1668, %and3A_1697 : vector<16xi32>
    %shift_left3A_1699 = arith.constant 16 : i32
    %shift_left3A_1700 = vector.broadcast %shift_left3A_1699 : i32 to vector<16xi32>
    %shift_left3A_1701 = arith.shli %and3A_1698, %shift_left3A_1700 : vector<16xi32>
    %or3A_1702 = arith.ori %or3A_1695, %shift_left3A_1701 : vector<16xi32>
    %swap3A_1703 = arith.constant 464 : index
    %swap3A_1704 = tpu.vector_load %arg10[%swap3A_1703] {strides = array<i32>} : memref<512xi32, #tpu.memory_space<vmem>>, vector<16xi32>,
    tpu.vector_store %arg10[%swap3A_1703], %or3A_1702 {strides = array<i32>} : memref<512xi32, #tpu.memory_space<vmem>>, vector<16xi32>,
    %mul3A_1705 = arith.constant 3 : i32
    %mul3A_1706 = vector.broadcast %mul3A_1705 : i32 to vector<16xi32>
    %mul3A_1707 = arith.muli %iota3A, %mul3A_1706 : vector<16xi32>
    %add3A_1708 = arith.constant 1440 : i32
    %add3A_1709 = vector.broadcast %add3A_1708 : i32 to vector<16xi32>
    %add3A_1710 = arith.addi %mul3A_1707, %add3A_1709 : vector<16xi32>
    %gather3A_1711 = tpu.vector_load_idx %arg6[%add3A_1710] : memref<1536xi32, #tpu.memory_space<vmem>>[vector<16xi32>], vector<16xi32>,
    %mul3A_1712 = arith.constant 3 : i32
    %mul3A_1713 = vector.broadcast %mul3A_1712 : i32 to vector<16xi32>
    %mul3A_1714 = arith.muli %iota3A, %mul3A_1713 : vector<16xi32>
    %add3A_1715 = arith.constant 1441 : i32
    %add3A_1716 = vector.broadcast %add3A_1715 : i32 to vector<16xi32>
    %add3A_1717 = arith.addi %mul3A_1714, %add3A_1716 : vector<16xi32>
    %gather3A_1718 = tpu.vector_load_idx %arg6[%add3A_1717] : memref<1536xi32, #tpu.memory_space<vmem>>[vector<16xi32>], vector<16xi32>,
    %mul3A_1719 = arith.constant 3 : i32
    %mul3A_1720 = vector.broadcast %mul3A_1719 : i32 to vector<16xi32>
    %mul3A_1721 = arith.muli %iota3A, %mul3A_1720 : vector<16xi32>
    %add3A_1722 = arith.constant 1442 : i32
    %add3A_1723 = vector.broadcast %add3A_1722 : i32 to vector<16xi32>
    %add3A_1724 = arith.addi %mul3A_1721, %add3A_1723 : vector<16xi32>
    %gather3A_1725 = tpu.vector_load_idx %arg6[%add3A_1724] : memref<1536xi32, #tpu.memory_space<vmem>>[vector<16xi32>], vector<16xi32>,
    %shift_right_arithmetic3A_1726 = arith.constant 3 : i32
    %shift_right_arithmetic3A_1727 = vector.broadcast %shift_right_arithmetic3A_1726 : i32 to vector<16xi32>
    %shift_right_arithmetic3A_1728 = arith.shrsi %gather3A_1711, %shift_right_arithmetic3A_1727 : vector<16xi32>
    %swap3A_1729 = arith.constant 480 : index
    %swap3A_1730 = tpu.vector_load %arg7[%swap3A_1729] {strides = array<i32>} : memref<512xi32, #tpu.memory_space<vmem>>, vector<16xi32>,
    tpu.vector_store %arg7[%swap3A_1729], %shift_right_arithmetic3A_1728 {strides = array<i32>} : memref<512xi32, #tpu.memory_space<vmem>>, vector<16xi32>,
    %shift_right_arithmetic3A_1731 = arith.constant 1 : i32
    %shift_right_arithmetic3A_1732 = vector.broadcast %shift_right_arithmetic3A_1731 : i32 to vector<16xi32>
    %shift_right_arithmetic3A_1733 = arith.shrsi %gather3A_1718, %shift_right_arithmetic3A_1732 : vector<16xi32>
    %swap3A_1734 = arith.constant 3 : i32
    %swap3A_1735 = arith.index_cast %swap3A_1734 : i32 to index
    %swap3A_1736 = arith.constant 96 : index
    %swap3A_1737 = tpu.vector_load %arg8[%swap3A_1735, %swap3A_1736] {strides = array<i32>} : memref<4x128xi32, #tpu.memory_space<vmem>>, vector<16xi32>,
    tpu.vector_store %arg8[%swap3A_1735, %swap3A_1736], %shift_right_arithmetic3A_1733 {strides = array<i32>} : memref<4x128xi32, #tpu.memory_space<vmem>>, vector<16xi32>,
    %shift_right_arithmetic3A_1738 = arith.constant 3 : i32
    %shift_right_arithmetic3A_1739 = vector.broadcast %shift_right_arithmetic3A_1738 : i32 to vector<16xi32>
    %shift_right_arithmetic3A_1740 = arith.shrsi %gather3A_1725, %shift_right_arithmetic3A_1739 : vector<16xi32>
    %swap3A_1741 = arith.constant 480 : index
    %swap3A_1742 = tpu.vector_load %arg9[%swap3A_1741] {strides = array<i32>} : memref<512xi32, #tpu.memory_space<vmem>>, vector<16xi32>,
    tpu.vector_store %arg9[%swap3A_1741], %shift_right_arithmetic3A_1740 {strides = array<i32>} : memref<512xi32, #tpu.memory_space<vmem>>, vector<16xi32>,
    %and3A_1743 = arith.constant 7 : i32
    %and3A_1744 = vector.broadcast %and3A_1743 : i32 to vector<16xi32>
    %and3A_1745 = arith.andi %gather3A_1711, %and3A_1744 : vector<16xi32>
    %and3A_1746 = arith.constant 1 : i32
    %and3A_1747 = vector.broadcast %and3A_1746 : i32 to vector<16xi32>
    %and3A_1748 = arith.andi %gather3A_1718, %and3A_1747 : vector<16xi32>
    %shift_left3A_1749 = arith.constant 8 : i32
    %shift_left3A_1750 = vector.broadcast %shift_left3A_1749 : i32 to vector<16xi32>
    %shift_left3A_1751 = arith.shli %and3A_1748, %shift_left3A_1750 : vector<16xi32>
    %or3A_1752 = arith.ori %and3A_1745, %shift_left3A_1751 : vector<16xi32>
    %and3A_1753 = arith.constant 7 : i32
    %and3A_1754 = vector.broadcast %and3A_1753 : i32 to vector<16xi32>
    %and3A_1755 = arith.andi %gather3A_1725, %and3A_1754 : vector<16xi32>
    %shift_left3A_1756 = arith.constant 16 : i32
    %shift_left3A_1757 = vector.broadcast %shift_left3A_1756 : i32 to vector<16xi32>
    %shift_left3A_1758 = arith.shli %and3A_1755, %shift_left3A_1757 : vector<16xi32>
    %or3A_1759 = arith.ori %or3A_1752, %shift_left3A_1758 : vector<16xi32>
    %swap3A_1760 = arith.constant 480 : index
    %swap3A_1761 = tpu.vector_load %arg10[%swap3A_1760] {strides = array<i32>} : memref<512xi32, #tpu.memory_space<vmem>>, vector<16xi32>,
    tpu.vector_store %arg10[%swap3A_1760], %or3A_1759 {strides = array<i32>} : memref<512xi32, #tpu.memory_space<vmem>>, vector<16xi32>,
    %mul3A_1762 = arith.constant 3 : i32
    %mul3A_1763 = vector.broadcast %mul3A_1762 : i32 to vector<16xi32>
    %mul3A_1764 = arith.muli %iota3A, %mul3A_1763 : vector<16xi32>
    %add3A_1765 = arith.constant 1488 : i32
    %add3A_1766 = vector.broadcast %add3A_1765 : i32 to vector<16xi32>
    %add3A_1767 = arith.addi %mul3A_1764, %add3A_1766 : vector<16xi32>
    %gather3A_1768 = tpu.vector_load_idx %arg6[%add3A_1767] : memref<1536xi32, #tpu.memory_space<vmem>>[vector<16xi32>], vector<16xi32>,
    %mul3A_1769 = arith.constant 3 : i32
    %mul3A_1770 = vector.broadcast %mul3A_1769 : i32 to vector<16xi32>
    %mul3A_1771 = arith.muli %iota3A, %mul3A_1770 : vector<16xi32>
    %add3A_1772 = arith.constant 1489 : i32
    %add3A_1773 = vector.broadcast %add3A_1772 : i32 to vector<16xi32>
    %add3A_1774 = arith.addi %mul3A_1771, %add3A_1773 : vector<16xi32>
    %gather3A_1775 = tpu.vector_load_idx %arg6[%add3A_1774] : memref<1536xi32, #tpu.memory_space<vmem>>[vector<16xi32>], vector<16xi32>,
    %mul3A_1776 = arith.constant 3 : i32
    %mul3A_1777 = vector.broadcast %mul3A_1776 : i32 to vector<16xi32>
    %mul3A_1778 = arith.muli %iota3A, %mul3A_1777 : vector<16xi32>
    %add3A_1779 = arith.constant 1490 : i32
    %add3A_1780 = vector.broadcast %add3A_1779 : i32 to vector<16xi32>
    %add3A_1781 = arith.addi %mul3A_1778, %add3A_1780 : vector<16xi32>
    %gather3A_1782 = tpu.vector_load_idx %arg6[%add3A_1781] : memref<1536xi32, #tpu.memory_space<vmem>>[vector<16xi32>], vector<16xi32>,
    %shift_right_arithmetic3A_1783 = arith.constant 3 : i32
    %shift_right_arithmetic3A_1784 = vector.broadcast %shift_right_arithmetic3A_1783 : i32 to vector<16xi32>
    %shift_right_arithmetic3A_1785 = arith.shrsi %gather3A_1768, %shift_right_arithmetic3A_1784 : vector<16xi32>
    %swap3A_1786 = arith.constant 496 : index
    %swap3A_1787 = tpu.vector_load %arg7[%swap3A_1786] {strides = array<i32>} : memref<512xi32, #tpu.memory_space<vmem>>, vector<16xi32>,
    tpu.vector_store %arg7[%swap3A_1786], %shift_right_arithmetic3A_1785 {strides = array<i32>} : memref<512xi32, #tpu.memory_space<vmem>>, vector<16xi32>,
    %shift_right_arithmetic3A_1788 = arith.constant 1 : i32
    %shift_right_arithmetic3A_1789 = vector.broadcast %shift_right_arithmetic3A_1788 : i32 to vector<16xi32>
    %shift_right_arithmetic3A_1790 = arith.shrsi %gather3A_1775, %shift_right_arithmetic3A_1789 : vector<16xi32>
    %swap3A_1791 = arith.constant 3 : i32
    %swap3A_1792 = arith.index_cast %swap3A_1791 : i32 to index
    %swap3A_1793 = arith.constant 112 : index
    %swap3A_1794 = tpu.vector_load %arg8[%swap3A_1792, %swap3A_1793] {strides = array<i32>} : memref<4x128xi32, #tpu.memory_space<vmem>>, vector<16xi32>,
    tpu.vector_store %arg8[%swap3A_1792, %swap3A_1793], %shift_right_arithmetic3A_1790 {strides = array<i32>} : memref<4x128xi32, #tpu.memory_space<vmem>>, vector<16xi32>,
    %shift_right_arithmetic3A_1795 = arith.constant 3 : i32
    %shift_right_arithmetic3A_1796 = vector.broadcast %shift_right_arithmetic3A_1795 : i32 to vector<16xi32>
    %shift_right_arithmetic3A_1797 = arith.shrsi %gather3A_1782, %shift_right_arithmetic3A_1796 : vector<16xi32>
    %swap3A_1798 = arith.constant 496 : index
    %swap3A_1799 = tpu.vector_load %arg9[%swap3A_1798] {strides = array<i32>} : memref<512xi32, #tpu.memory_space<vmem>>, vector<16xi32>,
    tpu.vector_store %arg9[%swap3A_1798], %shift_right_arithmetic3A_1797 {strides = array<i32>} : memref<512xi32, #tpu.memory_space<vmem>>, vector<16xi32>,
    %and3A_1800 = arith.constant 7 : i32
    %and3A_1801 = vector.broadcast %and3A_1800 : i32 to vector<16xi32>
    %and3A_1802 = arith.andi %gather3A_1768, %and3A_1801 : vector<16xi32>
    %and3A_1803 = arith.constant 1 : i32
    %and3A_1804 = vector.broadcast %and3A_1803 : i32 to vector<16xi32>
    %and3A_1805 = arith.andi %gather3A_1775, %and3A_1804 : vector<16xi32>
    %shift_left3A_1806 = arith.constant 8 : i32
    %shift_left3A_1807 = vector.broadcast %shift_left3A_1806 : i32 to vector<16xi32>
    %shift_left3A_1808 = arith.shli %and3A_1805, %shift_left3A_1807 : vector<16xi32>
    %or3A_1809 = arith.ori %and3A_1802, %shift_left3A_1808 : vector<16xi32>
    %and3A_1810 = arith.constant 7 : i32
    %and3A_1811 = vector.broadcast %and3A_1810 : i32 to vector<16xi32>
    %and3A_1812 = arith.andi %gather3A_1782, %and3A_1811 : vector<16xi32>
    %shift_left3A_1813 = arith.constant 16 : i32
    %shift_left3A_1814 = vector.broadcast %shift_left3A_1813 : i32 to vector<16xi32>
    %shift_left3A_1815 = arith.shli %and3A_1812, %shift_left3A_1814 : vector<16xi32>
    %or3A_1816 = arith.ori %or3A_1809, %shift_left3A_1815 : vector<16xi32>
    %swap3A_1817 = arith.constant 496 : index
    %swap3A_1818 = tpu.vector_load %arg10[%swap3A_1817] {strides = array<i32>} : memref<512xi32, #tpu.memory_space<vmem>>, vector<16xi32>,
    tpu.vector_store %arg10[%swap3A_1817], %or3A_1816 {strides = array<i32>} : memref<512xi32, #tpu.memory_space<vmem>>, vector<16xi32>,
    %dma_start3A = arith.constant 0 : i32
    %dma_start3A_1819 = arith.constant 0 : i32
    %dma_start3A_1820 = arith.constant 0 : i32
    %dma_start3A_1821 = arith.constant 0 : i32
    %dma_start3A_1822 = tpu.memref_slice %arg12[%dma_start3A_1819, %dma_start3A_1820, %dma_start3A_1821] : memref<4x128x128xf32, #tpu.memory_space<vmem>> -> memref<1x128x128xf32, #tpu.memory_space<vmem>>
    %dma_start3A_1823 = tpu.memref_squeeze %dma_start3A_1822 : memref<1x128x128xf32, #tpu.memory_space<vmem>> -> memref<128x128xf32, #tpu.memory_space<vmem>>
    %dma_start3A_1824 = arith.constant 0 : i32
    %dma_start3A_1825 = tpu.memref_slice %arg8[%dma_start3A, %dma_start3A_1824] : memref<4x128xi32, #tpu.memory_space<vmem>> -> memref<1x128xi32, #tpu.memory_space<vmem>>
    %dma_start3A_1826 = tpu.memref_squeeze %dma_start3A_1825 : memref<1x128xi32, #tpu.memory_space<vmem>> -> memref<128xi32, #tpu.memory_space<vmem>>
    %dma_start3A_1827 = arith.constant 0 : i32
    %dma_start3A_1828 = arith.constant 0 : i32
    %dma_start3A_1829 = tpu.memref_slice %arg4[%dma_start3A_1827, %dma_start3A_1828] : memref<500000x128xf32, #tpu.memory_space<hbm>> -> memref<500000x128xf32, #tpu.memory_space<hbm>>
    tpu.enqueue_indirect_dma source(%dma_start3A_1829 : memref<500000x128xf32, #tpu.memory_space<hbm>>) target(%dma_start3A_1823 : memref<128x128xf32, #tpu.memory_space<vmem>>) offsets(%dma_start3A_1826 : memref<128xi32, #tpu.memory_space<vmem>>) semaphore(%arg16 : memref<!tpu.dma_semaphore, #tpu.memory_space<semaphore_mem>>)
    %dma_start3A_1830 = arith.constant 1 : i32
    %dma_start3A_1831 = arith.constant 1 : i32
    %dma_start3A_1832 = arith.constant 0 : i32
    %dma_start3A_1833 = arith.constant 0 : i32
    %dma_start3A_1834 = tpu.memref_slice %arg12[%dma_start3A_1831, %dma_start3A_1832, %dma_start3A_1833] : memref<4x128x128xf32, #tpu.memory_space<vmem>> -> memref<1x128x128xf32, #tpu.memory_space<vmem>>
    %dma_start3A_1835 = tpu.memref_squeeze %dma_start3A_1834 : memref<1x128x128xf32, #tpu.memory_space<vmem>> -> memref<128x128xf32, #tpu.memory_space<vmem>>
    %dma_start3A_1836 = arith.constant 0 : i32
    %dma_start3A_1837 = tpu.memref_slice %arg8[%dma_start3A_1830, %dma_start3A_1836] : memref<4x128xi32, #tpu.memory_space<vmem>> -> memref<1x128xi32, #tpu.memory_space<vmem>>
    %dma_start3A_1838 = tpu.memref_squeeze %dma_start3A_1837 : memref<1x128xi32, #tpu.memory_space<vmem>> -> memref<128xi32, #tpu.memory_space<vmem>>
    %dma_start3A_1839 = arith.constant 0 : i32
    %dma_start3A_1840 = arith.constant 0 : i32
    %dma_start3A_1841 = tpu.memref_slice %arg4[%dma_start3A_1839, %dma_start3A_1840] : memref<500000x128xf32, #tpu.memory_space<hbm>> -> memref<500000x128xf32, #tpu.memory_space<hbm>>
    tpu.enqueue_indirect_dma source(%dma_start3A_1841 : memref<500000x128xf32, #tpu.memory_space<hbm>>) target(%dma_start3A_1835 : memref<128x128xf32, #tpu.memory_space<vmem>>) offsets(%dma_start3A_1838 : memref<128xi32, #tpu.memory_space<vmem>>) semaphore(%arg16 : memref<!tpu.dma_semaphore, #tpu.memory_space<semaphore_mem>>)
    %dma_start3A_1842 = arith.constant 2 : i32
    %dma_start3A_1843 = arith.constant 2 : i32
    %dma_start3A_1844 = arith.constant 0 : i32
    %dma_start3A_1845 = arith.constant 0 : i32
    %dma_start3A_1846 = tpu.memref_slice %arg12[%dma_start3A_1843, %dma_start3A_1844, %dma_start3A_1845] : memref<4x128x128xf32, #tpu.memory_space<vmem>> -> memref<1x128x128xf32, #tpu.memory_space<vmem>>
    %dma_start3A_1847 = tpu.memref_squeeze %dma_start3A_1846 : memref<1x128x128xf32, #tpu.memory_space<vmem>> -> memref<128x128xf32, #tpu.memory_space<vmem>>
    %dma_start3A_1848 = arith.constant 0 : i32
    %dma_start3A_1849 = tpu.memref_slice %arg8[%dma_start3A_1842, %dma_start3A_1848] : memref<4x128xi32, #tpu.memory_space<vmem>> -> memref<1x128xi32, #tpu.memory_space<vmem>>
    %dma_start3A_1850 = tpu.memref_squeeze %dma_start3A_1849 : memref<1x128xi32, #tpu.memory_space<vmem>> -> memref<128xi32, #tpu.memory_space<vmem>>
    %dma_start3A_1851 = arith.constant 0 : i32
    %dma_start3A_1852 = arith.constant 0 : i32
    %dma_start3A_1853 = tpu.memref_slice %arg4[%dma_start3A_1851, %dma_start3A_1852] : memref<500000x128xf32, #tpu.memory_space<hbm>> -> memref<500000x128xf32, #tpu.memory_space<hbm>>
    tpu.enqueue_indirect_dma source(%dma_start3A_1853 : memref<500000x128xf32, #tpu.memory_space<hbm>>) target(%dma_start3A_1847 : memref<128x128xf32, #tpu.memory_space<vmem>>) offsets(%dma_start3A_1850 : memref<128xi32, #tpu.memory_space<vmem>>) semaphore(%arg16 : memref<!tpu.dma_semaphore, #tpu.memory_space<semaphore_mem>>)
    %dma_start3A_1854 = arith.constant 3 : i32
    %dma_start3A_1855 = arith.constant 3 : i32
    %dma_start3A_1856 = arith.constant 0 : i32
    %dma_start3A_1857 = arith.constant 0 : i32
    %dma_start3A_1858 = tpu.memref_slice %arg12[%dma_start3A_1855, %dma_start3A_1856, %dma_start3A_1857] : memref<4x128x128xf32, #tpu.memory_space<vmem>> -> memref<1x128x128xf32, #tpu.memory_space<vmem>>
    %dma_start3A_1859 = tpu.memref_squeeze %dma_start3A_1858 : memref<1x128x128xf32, #tpu.memory_space<vmem>> -> memref<128x128xf32, #tpu.memory_space<vmem>>
    %dma_start3A_1860 = arith.constant 0 : i32
    %dma_start3A_1861 = tpu.memref_slice %arg8[%dma_start3A_1854, %dma_start3A_1860] : memref<4x128xi32, #tpu.memory_space<vmem>> -> memref<1x128xi32, #tpu.memory_space<vmem>>
    %dma_start3A_1862 = tpu.memref_squeeze %dma_start3A_1861 : memref<1x128xi32, #tpu.memory_space<vmem>> -> memref<128xi32, #tpu.memory_space<vmem>>
    %dma_start3A_1863 = arith.constant 0 : i32
    %dma_start3A_1864 = arith.constant 0 : i32
    %dma_start3A_1865 = tpu.memref_slice %arg4[%dma_start3A_1863, %dma_start3A_1864] : memref<500000x128xf32, #tpu.memory_space<hbm>> -> memref<500000x128xf32, #tpu.memory_space<hbm>>
    tpu.enqueue_indirect_dma source(%dma_start3A_1865 : memref<500000x128xf32, #tpu.memory_space<hbm>>) target(%dma_start3A_1859 : memref<128x128xf32, #tpu.memory_space<vmem>>) offsets(%dma_start3A_1862 : memref<128xi32, #tpu.memory_space<vmem>>) semaphore(%arg16 : memref<!tpu.dma_semaphore, #tpu.memory_space<semaphore_mem>>)
    %dma_wait3A = arith.constant 0 : i32
    %dma_wait3A_1866 = arith.constant 0 : i32
    %dma_wait3A_1867 = arith.constant 0 : i32
    %dma_wait3A_1868 = arith.constant 0 : i32
    %dma_wait3A_1869 = tpu.memref_slice %arg12[%dma_wait3A_1866, %dma_wait3A_1867, %dma_wait3A_1868] : memref<4x128x128xf32, #tpu.memory_space<vmem>> -> memref<1x128x128xf32, #tpu.memory_space<vmem>>
    %dma_wait3A_1870 = tpu.memref_squeeze %dma_wait3A_1869 : memref<1x128x128xf32, #tpu.memory_space<vmem>> -> memref<128x128xf32, #tpu.memory_space<vmem>>
    %dma_wait3A_1871 = arith.constant 0 : i32
    %dma_wait3A_1872 = tpu.memref_slice %arg8[%dma_wait3A, %dma_wait3A_1871] : memref<4x128xi32, #tpu.memory_space<vmem>> -> memref<1x128xi32, #tpu.memory_space<vmem>>
    %dma_wait3A_1873 = tpu.memref_squeeze %dma_wait3A_1872 : memref<1x128xi32, #tpu.memory_space<vmem>> -> memref<128xi32, #tpu.memory_space<vmem>>
    %dma_wait3A_1874 = arith.constant 0 : i32
    %dma_wait3A_1875 = arith.constant 0 : i32
    %dma_wait3A_1876 = tpu.memref_slice %arg4[%dma_wait3A_1874, %dma_wait3A_1875] : memref<500000x128xf32, #tpu.memory_space<hbm>> -> memref<500000x128xf32, #tpu.memory_space<hbm>>
    tpu.wait_indirect_dma semaphore(%arg16 : memref<!tpu.dma_semaphore, #tpu.memory_space<semaphore_mem>>) src(%dma_wait3A_1876 : memref<500000x128xf32, #tpu.memory_space<hbm>>) dst(%dma_wait3A_1870 : memref<128x128xf32, #tpu.memory_space<vmem>>)
    %dma_wait3A_1877 = arith.constant 1 : i32
    %dma_wait3A_1878 = arith.constant 1 : i32
    %dma_wait3A_1879 = arith.constant 0 : i32
    %dma_wait3A_1880 = arith.constant 0 : i32
    %dma_wait3A_1881 = tpu.memref_slice %arg12[%dma_wait3A_1878, %dma_wait3A_1879, %dma_wait3A_1880] : memref<4x128x128xf32, #tpu.memory_space<vmem>> -> memref<1x128x128xf32, #tpu.memory_space<vmem>>
    %dma_wait3A_1882 = tpu.memref_squeeze %dma_wait3A_1881 : memref<1x128x128xf32, #tpu.memory_space<vmem>> -> memref<128x128xf32, #tpu.memory_space<vmem>>
    %dma_wait3A_1883 = arith.constant 0 : i32
    %dma_wait3A_1884 = tpu.memref_slice %arg8[%dma_wait3A_1877, %dma_wait3A_1883] : memref<4x128xi32, #tpu.memory_space<vmem>> -> memref<1x128xi32, #tpu.memory_space<vmem>>
    %dma_wait3A_1885 = tpu.memref_squeeze %dma_wait3A_1884 : memref<1x128xi32, #tpu.memory_space<vmem>> -> memref<128xi32, #tpu.memory_space<vmem>>
    %dma_wait3A_1886 = arith.constant 0 : i32
    %dma_wait3A_1887 = arith.constant 0 : i32
    %dma_wait3A_1888 = tpu.memref_slice %arg4[%dma_wait3A_1886, %dma_wait3A_1887] : memref<500000x128xf32, #tpu.memory_space<hbm>> -> memref<500000x128xf32, #tpu.memory_space<hbm>>
    tpu.wait_indirect_dma semaphore(%arg16 : memref<!tpu.dma_semaphore, #tpu.memory_space<semaphore_mem>>) src(%dma_wait3A_1888 : memref<500000x128xf32, #tpu.memory_space<hbm>>) dst(%dma_wait3A_1882 : memref<128x128xf32, #tpu.memory_space<vmem>>)
    %dma_wait3A_1889 = arith.constant 2 : i32
    %dma_wait3A_1890 = arith.constant 2 : i32
    %dma_wait3A_1891 = arith.constant 0 : i32
    %dma_wait3A_1892 = arith.constant 0 : i32
    %dma_wait3A_1893 = tpu.memref_slice %arg12[%dma_wait3A_1890, %dma_wait3A_1891, %dma_wait3A_1892] : memref<4x128x128xf32, #tpu.memory_space<vmem>> -> memref<1x128x128xf32, #tpu.memory_space<vmem>>
    %dma_wait3A_1894 = tpu.memref_squeeze %dma_wait3A_1893 : memref<1x128x128xf32, #tpu.memory_space<vmem>> -> memref<128x128xf32, #tpu.memory_space<vmem>>
    %dma_wait3A_1895 = arith.constant 0 : i32
    %dma_wait3A_1896 = tpu.memref_slice %arg8[%dma_wait3A_1889, %dma_wait3A_1895] : memref<4x128xi32, #tpu.memory_space<vmem>> -> memref<1x128xi32, #tpu.memory_space<vmem>>
    %dma_wait3A_1897 = tpu.memref_squeeze %dma_wait3A_1896 : memref<1x128xi32, #tpu.memory_space<vmem>> -> memref<128xi32, #tpu.memory_space<vmem>>
    %dma_wait3A_1898 = arith.constant 0 : i32
    %dma_wait3A_1899 = arith.constant 0 : i32
    %dma_wait3A_1900 = tpu.memref_slice %arg4[%dma_wait3A_1898, %dma_wait3A_1899] : memref<500000x128xf32, #tpu.memory_space<hbm>> -> memref<500000x128xf32, #tpu.memory_space<hbm>>
    tpu.wait_indirect_dma semaphore(%arg16 : memref<!tpu.dma_semaphore, #tpu.memory_space<semaphore_mem>>) src(%dma_wait3A_1900 : memref<500000x128xf32, #tpu.memory_space<hbm>>) dst(%dma_wait3A_1894 : memref<128x128xf32, #tpu.memory_space<vmem>>)
    %dma_wait3A_1901 = arith.constant 3 : i32
    %dma_wait3A_1902 = arith.constant 3 : i32
    %dma_wait3A_1903 = arith.constant 0 : i32
    %dma_wait3A_1904 = arith.constant 0 : i32
    %dma_wait3A_1905 = tpu.memref_slice %arg12[%dma_wait3A_1902, %dma_wait3A_1903, %dma_wait3A_1904] : memref<4x128x128xf32, #tpu.memory_space<vmem>> -> memref<1x128x128xf32, #tpu.memory_space<vmem>>
    %dma_wait3A_1906 = tpu.memref_squeeze %dma_wait3A_1905 : memref<1x128x128xf32, #tpu.memory_space<vmem>> -> memref<128x128xf32, #tpu.memory_space<vmem>>
    %dma_wait3A_1907 = arith.constant 0 : i32
    %dma_wait3A_1908 = tpu.memref_slice %arg8[%dma_wait3A_1901, %dma_wait3A_1907] : memref<4x128xi32, #tpu.memory_space<vmem>> -> memref<1x128xi32, #tpu.memory_space<vmem>>
    %dma_wait3A_1909 = tpu.memref_squeeze %dma_wait3A_1908 : memref<1x128xi32, #tpu.memory_space<vmem>> -> memref<128xi32, #tpu.memory_space<vmem>>
    %dma_wait3A_1910 = arith.constant 0 : i32
    %dma_wait3A_1911 = arith.constant 0 : i32
    %dma_wait3A_1912 = tpu.memref_slice %arg4[%dma_wait3A_1910, %dma_wait3A_1911] : memref<500000x128xf32, #tpu.memory_space<hbm>> -> memref<500000x128xf32, #tpu.memory_space<hbm>>
    tpu.wait_indirect_dma semaphore(%arg16 : memref<!tpu.dma_semaphore, #tpu.memory_space<semaphore_mem>>) src(%dma_wait3A_1912 : memref<500000x128xf32, #tpu.memory_space<hbm>>) dst(%dma_wait3A_1906 : memref<128x128xf32, #tpu.memory_space<vmem>>)
    %scan3A = arith.constant 0 : i32
    %scan3A_1913 = arith.constant 0 : i32
    %scan3A_1914 = arith.constant 32 : i32
    %scan3A_1915 = arith.addi %scan3A_1913, %scan3A_1914 : i32
    %scan3A_1916 = arith.constant 1 : i32
    scf.for %scan3A_1918 = %scan3A_1913 to %scan3A_1915 step %scan3A_1916  : i32 {
      %mul3A_1919 = arith.constant 16 : i32
      %mul3A_1920 = arith.muli %scan3A_1918, %mul3A_1919 : i32
      %get3A = arith.index_cast %mul3A_1920 : i32 to index
      %get3A_1921 = tpu.vector_load %arg7[%get3A] {strides = array<i32>} : memref<512xi32, #tpu.memory_space<vmem>>, vector<16xi32>,
      %get3A_1922 = arith.index_cast %mul3A_1920 : i32 to index
      %get3A_1923 = tpu.vector_load %arg9[%get3A_1922] {strides = array<i32>} : memref<512xi32, #tpu.memory_space<vmem>>, vector<16xi32>,
      %slice3A = vector.extract_strided_slice %get3A_1921 {offsets = [0], sizes = [1], strides = [1]} : vector<16xi32> to vector<1xi32>
      %squeeze3A = vector.extract %slice3A[0] : i32 from vector<1xi32>
      %dma_start3A_1924 = arith.constant 0 : i32
      %dma_start3A_1925 = arith.constant 0 : i32
      %dma_start3A_1926 = arith.constant 0 : i32
      %dma_start3A_1927 = tpu.memref_slice %arg11[%dma_start3A_1924, %dma_start3A_1925, %dma_start3A_1926] : memref<16x8x64xf32, #tpu.memory_space<vmem>> -> memref<1x8x64xf32, #tpu.memory_space<vmem>>
      %dma_start3A_1928 = tpu.memref_squeeze %dma_start3A_1927 : memref<1x8x64xf32, #tpu.memory_space<vmem>> -> memref<8x64xf32, #tpu.memory_space<vmem>>
      %dma_start3A_1929 = arith.constant 0 : i32
      %dma_start3A_1930 = arith.constant 0 : i32
      %dma_start3A_1931 = tpu.memref_slice %arg3[%squeeze3A, %dma_start3A_1929, %dma_start3A_1930] : memref<125000x8x64xf32, #tpu.memory_space<hbm>> -> memref<1x8x64xf32, #tpu.memory_space<hbm>>
      %dma_start3A_1932 = tpu.memref_squeeze %dma_start3A_1931 : memref<1x8x64xf32, #tpu.memory_space<hbm>> -> memref<8x64xf32, #tpu.memory_space<hbm>>
      %dma_start3A_1933 = arith.constant 0 : i32
      %dma_start3A_1934 = arith.constant 0 : i32
      %dma_start3A_1935 = tpu.memref_slice %arg11[%dma_start3A_1924, %dma_start3A_1933, %dma_start3A_1934] : memref<16x8x64xf32, #tpu.memory_space<vmem>> -> memref<1x8x64xf32, #tpu.memory_space<vmem>>
      %dma_start3A_1936 = tpu.memref_squeeze %dma_start3A_1935 : memref<1x8x64xf32, #tpu.memory_space<vmem>> -> memref<8x64xf32, #tpu.memory_space<vmem>>
      %dma_start3A_1937 = arith.constant 0 : i32
      %dma_start3A_1938 = arith.constant 0 : i32
      %dma_start3A_1939 = tpu.memref_slice %arg3[%squeeze3A, %dma_start3A_1937, %dma_start3A_1938] : memref<125000x8x64xf32, #tpu.memory_space<hbm>> -> memref<1x8x64xf32, #tpu.memory_space<hbm>>
      %dma_start3A_1940 = tpu.memref_squeeze %dma_start3A_1939 : memref<1x8x64xf32, #tpu.memory_space<hbm>> -> memref<8x64xf32, #tpu.memory_space<hbm>>
      tpu.enqueue_dma source(%dma_start3A_1940 : memref<8x64xf32, #tpu.memory_space<hbm>>) target(%dma_start3A_1936 : memref<8x64xf32, #tpu.memory_space<vmem>>) target_semaphore(%arg16 : memref<!tpu.dma_semaphore, #tpu.memory_space<semaphore_mem>>)
      %slice3A_1941 = vector.extract_strided_slice %get3A_1923 {offsets = [0], sizes = [1], strides = [1]} : vector<16xi32> to vector<1xi32>
      %squeeze3A_1942 = vector.extract %slice3A_1941[0] : i32 from vector<1xi32>
      %dma_start3A_1943 = arith.constant 0 : i32
      %dma_start3A_1944 = arith.constant 0 : i32
      %dma_start3A_1945 = arith.constant 0 : i32
      %dma_start3A_1946 = tpu.memref_slice %arg13[%dma_start3A_1943, %dma_start3A_1944, %dma_start3A_1945] : memref<16x8x64xf32, #tpu.memory_space<vmem>> -> memref<1x8x64xf32, #tpu.memory_space<vmem>>
      %dma_start3A_1947 = tpu.memref_squeeze %dma_start3A_1946 : memref<1x8x64xf32, #tpu.memory_space<vmem>> -> memref<8x64xf32, #tpu.memory_space<vmem>>
      %dma_start3A_1948 = arith.constant 0 : i32
      %dma_start3A_1949 = arith.constant 0 : i32
      %dma_start3A_1950 = tpu.memref_slice %arg3[%squeeze3A_1942, %dma_start3A_1948, %dma_start3A_1949] : memref<125000x8x64xf32, #tpu.memory_space<hbm>> -> memref<1x8x64xf32, #tpu.memory_space<hbm>>
      %dma_start3A_1951 = tpu.memref_squeeze %dma_start3A_1950 : memref<1x8x64xf32, #tpu.memory_space<hbm>> -> memref<8x64xf32, #tpu.memory_space<hbm>>
      %dma_start3A_1952 = arith.constant 0 : i32
      %dma_start3A_1953 = arith.constant 0 : i32
      %dma_start3A_1954 = tpu.memref_slice %arg13[%dma_start3A_1943, %dma_start3A_1952, %dma_start3A_1953] : memref<16x8x64xf32, #tpu.memory_space<vmem>> -> memref<1x8x64xf32, #tpu.memory_space<vmem>>
      %dma_start3A_1955 = tpu.memref_squeeze %dma_start3A_1954 : memref<1x8x64xf32, #tpu.memory_space<vmem>> -> memref<8x64xf32, #tpu.memory_space<vmem>>
      %dma_start3A_1956 = arith.constant 0 : i32
      %dma_start3A_1957 = arith.constant 0 : i32
      %dma_start3A_1958 = tpu.memref_slice %arg3[%squeeze3A_1942, %dma_start3A_1956, %dma_start3A_1957] : memref<125000x8x64xf32, #tpu.memory_space<hbm>> -> memref<1x8x64xf32, #tpu.memory_space<hbm>>
      %dma_start3A_1959 = tpu.memref_squeeze %dma_start3A_1958 : memref<1x8x64xf32, #tpu.memory_space<hbm>> -> memref<8x64xf32, #tpu.memory_space<hbm>>
      tpu.enqueue_dma source(%dma_start3A_1959 : memref<8x64xf32, #tpu.memory_space<hbm>>) target(%dma_start3A_1955 : memref<8x64xf32, #tpu.memory_space<vmem>>) target_semaphore(%arg16 : memref<!tpu.dma_semaphore, #tpu.memory_space<semaphore_mem>>)
      %slice3A_1960 = vector.extract_strided_slice %get3A_1921 {offsets = [1], sizes = [1], strides = [1]} : vector<16xi32> to vector<1xi32>
      %squeeze3A_1961 = vector.extract %slice3A_1960[0] : i32 from vector<1xi32>
      %dma_start3A_1962 = arith.constant 1 : i32
      %dma_start3A_1963 = arith.constant 0 : i32
      %dma_start3A_1964 = arith.constant 0 : i32
      %dma_start3A_1965 = tpu.memref_slice %arg11[%dma_start3A_1962, %dma_start3A_1963, %dma_start3A_1964] : memref<16x8x64xf32, #tpu.memory_space<vmem>> -> memref<1x8x64xf32, #tpu.memory_space<vmem>>
      %dma_start3A_1966 = tpu.memref_squeeze %dma_start3A_1965 : memref<1x8x64xf32, #tpu.memory_space<vmem>> -> memref<8x64xf32, #tpu.memory_space<vmem>>
      %dma_start3A_1967 = arith.constant 0 : i32
      %dma_start3A_1968 = arith.constant 0 : i32
      %dma_start3A_1969 = tpu.memref_slice %arg3[%squeeze3A_1961, %dma_start3A_1967, %dma_start3A_1968] : memref<125000x8x64xf32, #tpu.memory_space<hbm>> -> memref<1x8x64xf32, #tpu.memory_space<hbm>>
      %dma_start3A_1970 = tpu.memref_squeeze %dma_start3A_1969 : memref<1x8x64xf32, #tpu.memory_space<hbm>> -> memref<8x64xf32, #tpu.memory_space<hbm>>
      %dma_start3A_1971 = arith.constant 0 : i32
      %dma_start3A_1972 = arith.constant 0 : i32
      %dma_start3A_1973 = tpu.memref_slice %arg11[%dma_start3A_1962, %dma_start3A_1971, %dma_start3A_1972] : memref<16x8x64xf32, #tpu.memory_space<vmem>> -> memref<1x8x64xf32, #tpu.memory_space<vmem>>
      %dma_start3A_1974 = tpu.memref_squeeze %dma_start3A_1973 : memref<1x8x64xf32, #tpu.memory_space<vmem>> -> memref<8x64xf32, #tpu.memory_space<vmem>>
      %dma_start3A_1975 = arith.constant 0 : i32
      %dma_start3A_1976 = arith.constant 0 : i32
      %dma_start3A_1977 = tpu.memref_slice %arg3[%squeeze3A_1961, %dma_start3A_1975, %dma_start3A_1976] : memref<125000x8x64xf32, #tpu.memory_space<hbm>> -> memref<1x8x64xf32, #tpu.memory_space<hbm>>
      %dma_start3A_1978 = tpu.memref_squeeze %dma_start3A_1977 : memref<1x8x64xf32, #tpu.memory_space<hbm>> -> memref<8x64xf32, #tpu.memory_space<hbm>>
      tpu.enqueue_dma source(%dma_start3A_1978 : memref<8x64xf32, #tpu.memory_space<hbm>>) target(%dma_start3A_1974 : memref<8x64xf32, #tpu.memory_space<vmem>>) target_semaphore(%arg16 : memref<!tpu.dma_semaphore, #tpu.memory_space<semaphore_mem>>)
      %slice3A_1979 = vector.extract_strided_slice %get3A_1923 {offsets = [1], sizes = [1], strides = [1]} : vector<16xi32> to vector<1xi32>
      %squeeze3A_1980 = vector.extract %slice3A_1979[0] : i32 from vector<1xi32>
      %dma_start3A_1981 = arith.constant 1 : i32
      %dma_start3A_1982 = arith.constant 0 : i32
      %dma_start3A_1983 = arith.constant 0 : i32
      %dma_start3A_1984 = tpu.memref_slice %arg13[%dma_start3A_1981, %dma_start3A_1982, %dma_start3A_1983] : memref<16x8x64xf32, #tpu.memory_space<vmem>> -> memref<1x8x64xf32, #tpu.memory_space<vmem>>
      %dma_start3A_1985 = tpu.memref_squeeze %dma_start3A_1984 : memref<1x8x64xf32, #tpu.memory_space<vmem>> -> memref<8x64xf32, #tpu.memory_space<vmem>>
      %dma_start3A_1986 = arith.constant 0 : i32
      %dma_start3A_1987 = arith.constant 0 : i32
      %dma_start3A_1988 = tpu.memref_slice %arg3[%squeeze3A_1980, %dma_start3A_1986, %dma_start3A_1987] : memref<125000x8x64xf32, #tpu.memory_space<hbm>> -> memref<1x8x64xf32, #tpu.memory_space<hbm>>
      %dma_start3A_1989 = tpu.memref_squeeze %dma_start3A_1988 : memref<1x8x64xf32, #tpu.memory_space<hbm>> -> memref<8x64xf32, #tpu.memory_space<hbm>>
      %dma_start3A_1990 = arith.constant 0 : i32
      %dma_start3A_1991 = arith.constant 0 : i32
      %dma_start3A_1992 = tpu.memref_slice %arg13[%dma_start3A_1981, %dma_start3A_1990, %dma_start3A_1991] : memref<16x8x64xf32, #tpu.memory_space<vmem>> -> memref<1x8x64xf32, #tpu.memory_space<vmem>>
      %dma_start3A_1993 = tpu.memref_squeeze %dma_start3A_1992 : memref<1x8x64xf32, #tpu.memory_space<vmem>> -> memref<8x64xf32, #tpu.memory_space<vmem>>
      %dma_start3A_1994 = arith.constant 0 : i32
      %dma_start3A_1995 = arith.constant 0 : i32
      %dma_start3A_1996 = tpu.memref_slice %arg3[%squeeze3A_1980, %dma_start3A_1994, %dma_start3A_1995] : memref<125000x8x64xf32, #tpu.memory_space<hbm>> -> memref<1x8x64xf32, #tpu.memory_space<hbm>>
      %dma_start3A_1997 = tpu.memref_squeeze %dma_start3A_1996 : memref<1x8x64xf32, #tpu.memory_space<hbm>> -> memref<8x64xf32, #tpu.memory_space<hbm>>
      tpu.enqueue_dma source(%dma_start3A_1997 : memref<8x64xf32, #tpu.memory_space<hbm>>) target(%dma_start3A_1993 : memref<8x64xf32, #tpu.memory_space<vmem>>) target_semaphore(%arg16 : memref<!tpu.dma_semaphore, #tpu.memory_space<semaphore_mem>>)
      %slice3A_1998 = vector.extract_strided_slice %get3A_1921 {offsets = [2], sizes = [1], strides = [1]} : vector<16xi32> to vector<1xi32>
      %squeeze3A_1999 = vector.extract %slice3A_1998[0] : i32 from vector<1xi32>
      %dma_start3A_2000 = arith.constant 2 : i32
      %dma_start3A_2001 = arith.constant 0 : i32
      %dma_start3A_2002 = arith.constant 0 : i32
      %dma_start3A_2003 = tpu.memref_slice %arg11[%dma_start3A_2000, %dma_start3A_2001, %dma_start3A_2002] : memref<16x8x64xf32, #tpu.memory_space<vmem>> -> memref<1x8x64xf32, #tpu.memory_space<vmem>>
      %dma_start3A_2004 = tpu.memref_squeeze %dma_start3A_2003 : memref<1x8x64xf32, #tpu.memory_space<vmem>> -> memref<8x64xf32, #tpu.memory_space<vmem>>
      %dma_start3A_2005 = arith.constant 0 : i32
      %dma_start3A_2006 = arith.constant 0 : i32
      %dma_start3A_2007 = tpu.memref_slice %arg3[%squeeze3A_1999, %dma_start3A_2005, %dma_start3A_2006] : memref<125000x8x64xf32, #tpu.memory_space<hbm>> -> memref<1x8x64xf32, #tpu.memory_space<hbm>>
      %dma_start3A_2008 = tpu.memref_squeeze %dma_start3A_2007 : memref<1x8x64xf32, #tpu.memory_space<hbm>> -> memref<8x64xf32, #tpu.memory_space<hbm>>
      %dma_start3A_2009 = arith.constant 0 : i32
      %dma_start3A_2010 = arith.constant 0 : i32
      %dma_start3A_2011 = tpu.memref_slice %arg11[%dma_start3A_2000, %dma_start3A_2009, %dma_start3A_2010] : memref<16x8x64xf32, #tpu.memory_space<vmem>> -> memref<1x8x64xf32, #tpu.memory_space<vmem>>
      %dma_start3A_2012 = tpu.memref_squeeze %dma_start3A_2011 : memref<1x8x64xf32, #tpu.memory_space<vmem>> -> memref<8x64xf32, #tpu.memory_space<vmem>>
      %dma_start3A_2013 = arith.constant 0 : i32
      %dma_start3A_2014 = arith.constant 0 : i32
      %dma_start3A_2015 = tpu.memref_slice %arg3[%squeeze3A_1999, %dma_start3A_2013, %dma_start3A_2014] : memref<125000x8x64xf32, #tpu.memory_space<hbm>> -> memref<1x8x64xf32, #tpu.memory_space<hbm>>
      %dma_start3A_2016 = tpu.memref_squeeze %dma_start3A_2015 : memref<1x8x64xf32, #tpu.memory_space<hbm>> -> memref<8x64xf32, #tpu.memory_space<hbm>>
      tpu.enqueue_dma source(%dma_start3A_2016 : memref<8x64xf32, #tpu.memory_space<hbm>>) target(%dma_start3A_2012 : memref<8x64xf32, #tpu.memory_space<vmem>>) target_semaphore(%arg16 : memref<!tpu.dma_semaphore, #tpu.memory_space<semaphore_mem>>)
      %slice3A_2017 = vector.extract_strided_slice %get3A_1923 {offsets = [2], sizes = [1], strides = [1]} : vector<16xi32> to vector<1xi32>
      %squeeze3A_2018 = vector.extract %slice3A_2017[0] : i32 from vector<1xi32>
      %dma_start3A_2019 = arith.constant 2 : i32
      %dma_start3A_2020 = arith.constant 0 : i32
      %dma_start3A_2021 = arith.constant 0 : i32
      %dma_start3A_2022 = tpu.memref_slice %arg13[%dma_start3A_2019, %dma_start3A_2020, %dma_start3A_2021] : memref<16x8x64xf32, #tpu.memory_space<vmem>> -> memref<1x8x64xf32, #tpu.memory_space<vmem>>
      %dma_start3A_2023 = tpu.memref_squeeze %dma_start3A_2022 : memref<1x8x64xf32, #tpu.memory_space<vmem>> -> memref<8x64xf32, #tpu.memory_space<vmem>>
      %dma_start3A_2024 = arith.constant 0 : i32
      %dma_start3A_2025 = arith.constant 0 : i32
      %dma_start3A_2026 = tpu.memref_slice %arg3[%squeeze3A_2018, %dma_start3A_2024, %dma_start3A_2025] : memref<125000x8x64xf32, #tpu.memory_space<hbm>> -> memref<1x8x64xf32, #tpu.memory_space<hbm>>
      %dma_start3A_2027 = tpu.memref_squeeze %dma_start3A_2026 : memref<1x8x64xf32, #tpu.memory_space<hbm>> -> memref<8x64xf32, #tpu.memory_space<hbm>>
      %dma_start3A_2028 = arith.constant 0 : i32
      %dma_start3A_2029 = arith.constant 0 : i32
      %dma_start3A_2030 = tpu.memref_slice %arg13[%dma_start3A_2019, %dma_start3A_2028, %dma_start3A_2029] : memref<16x8x64xf32, #tpu.memory_space<vmem>> -> memref<1x8x64xf32, #tpu.memory_space<vmem>>
      %dma_start3A_2031 = tpu.memref_squeeze %dma_start3A_2030 : memref<1x8x64xf32, #tpu.memory_space<vmem>> -> memref<8x64xf32, #tpu.memory_space<vmem>>
      %dma_start3A_2032 = arith.constant 0 : i32
      %dma_start3A_2033 = arith.constant 0 : i32
      %dma_start3A_2034 = tpu.memref_slice %arg3[%squeeze3A_2018, %dma_start3A_2032, %dma_start3A_2033] : memref<125000x8x64xf32, #tpu.memory_space<hbm>> -> memref<1x8x64xf32, #tpu.memory_space<hbm>>
      %dma_start3A_2035 = tpu.memref_squeeze %dma_start3A_2034 : memref<1x8x64xf32, #tpu.memory_space<hbm>> -> memref<8x64xf32, #tpu.memory_space<hbm>>
      tpu.enqueue_dma source(%dma_start3A_2035 : memref<8x64xf32, #tpu.memory_space<hbm>>) target(%dma_start3A_2031 : memref<8x64xf32, #tpu.memory_space<vmem>>) target_semaphore(%arg16 : memref<!tpu.dma_semaphore, #tpu.memory_space<semaphore_mem>>)
      %slice3A_2036 = vector.extract_strided_slice %get3A_1921 {offsets = [3], sizes = [1], strides = [1]} : vector<16xi32> to vector<1xi32>
      %squeeze3A_2037 = vector.extract %slice3A_2036[0] : i32 from vector<1xi32>
      %dma_start3A_2038 = arith.constant 3 : i32
      %dma_start3A_2039 = arith.constant 0 : i32
      %dma_start3A_2040 = arith.constant 0 : i32
      %dma_start3A_2041 = tpu.memref_slice %arg11[%dma_start3A_2038, %dma_start3A_2039, %dma_start3A_2040] : memref<16x8x64xf32, #tpu.memory_space<vmem>> -> memref<1x8x64xf32, #tpu.memory_space<vmem>>
      %dma_start3A_2042 = tpu.memref_squeeze %dma_start3A_2041 : memref<1x8x64xf32, #tpu.memory_space<vmem>> -> memref<8x64xf32, #tpu.memory_space<vmem>>
      %dma_start3A_2043 = arith.constant 0 : i32
      %dma_start3A_2044 = arith.constant 0 : i32
      %dma_start3A_2045 = tpu.memref_slice %arg3[%squeeze3A_2037, %dma_start3A_2043, %dma_start3A_2044] : memref<125000x8x64xf32, #tpu.memory_space<hbm>> -> memref<1x8x64xf32, #tpu.memory_space<hbm>>
      %dma_start3A_2046 = tpu.memref_squeeze %dma_start3A_2045 : memref<1x8x64xf32, #tpu.memory_space<hbm>> -> memref<8x64xf32, #tpu.memory_space<hbm>>
      %dma_start3A_2047 = arith.constant 0 : i32
      %dma_start3A_2048 = arith.constant 0 : i32
      %dma_start3A_2049 = tpu.memref_slice %arg11[%dma_start3A_2038, %dma_start3A_2047, %dma_start3A_2048] : memref<16x8x64xf32, #tpu.memory_space<vmem>> -> memref<1x8x64xf32, #tpu.memory_space<vmem>>
      %dma_start3A_2050 = tpu.memref_squeeze %dma_start3A_2049 : memref<1x8x64xf32, #tpu.memory_space<vmem>> -> memref<8x64xf32, #tpu.memory_space<vmem>>
      %dma_start3A_2051 = arith.constant 0 : i32
      %dma_start3A_2052 = arith.constant 0 : i32
      %dma_start3A_2053 = tpu.memref_slice %arg3[%squeeze3A_2037, %dma_start3A_2051, %dma_start3A_2052] : memref<125000x8x64xf32, #tpu.memory_space<hbm>> -> memref<1x8x64xf32, #tpu.memory_space<hbm>>
      %dma_start3A_2054 = tpu.memref_squeeze %dma_start3A_2053 : memref<1x8x64xf32, #tpu.memory_space<hbm>> -> memref<8x64xf32, #tpu.memory_space<hbm>>
      tpu.enqueue_dma source(%dma_start3A_2054 : memref<8x64xf32, #tpu.memory_space<hbm>>) target(%dma_start3A_2050 : memref<8x64xf32, #tpu.memory_space<vmem>>) target_semaphore(%arg16 : memref<!tpu.dma_semaphore, #tpu.memory_space<semaphore_mem>>)
      %slice3A_2055 = vector.extract_strided_slice %get3A_1923 {offsets = [3], sizes = [1], strides = [1]} : vector<16xi32> to vector<1xi32>
      %squeeze3A_2056 = vector.extract %slice3A_2055[0] : i32 from vector<1xi32>
      %dma_start3A_2057 = arith.constant 3 : i32
      %dma_start3A_2058 = arith.constant 0 : i32
      %dma_start3A_2059 = arith.constant 0 : i32
      %dma_start3A_2060 = tpu.memref_slice %arg13[%dma_start3A_2057, %dma_start3A_2058, %dma_start3A_2059] : memref<16x8x64xf32, #tpu.memory_space<vmem>> -> memref<1x8x64xf32, #tpu.memory_space<vmem>>
      %dma_start3A_2061 = tpu.memref_squeeze %dma_start3A_2060 : memref<1x8x64xf32, #tpu.memory_space<vmem>> -> memref<8x64xf32, #tpu.memory_space<vmem>>
      %dma_start3A_2062 = arith.constant 0 : i32
      %dma_start3A_2063 = arith.constant 0 : i32
      %dma_start3A_2064 = tpu.memref_slice %arg3[%squeeze3A_2056, %dma_start3A_2062, %dma_start3A_2063] : memref<125000x8x64xf32, #tpu.memory_space<hbm>> -> memref<1x8x64xf32, #tpu.memory_space<hbm>>
      %dma_start3A_2065 = tpu.memref_squeeze %dma_start3A_2064 : memref<1x8x64xf32, #tpu.memory_space<hbm>> -> memref<8x64xf32, #tpu.memory_space<hbm>>
      %dma_start3A_2066 = arith.constant 0 : i32
      %dma_start3A_2067 = arith.constant 0 : i32
      %dma_start3A_2068 = tpu.memref_slice %arg13[%dma_start3A_2057, %dma_start3A_2066, %dma_start3A_2067] : memref<16x8x64xf32, #tpu.memory_space<vmem>> -> memref<1x8x64xf32, #tpu.memory_space<vmem>>
      %dma_start3A_2069 = tpu.memref_squeeze %dma_start3A_2068 : memref<1x8x64xf32, #tpu.memory_space<vmem>> -> memref<8x64xf32, #tpu.memory_space<vmem>>
      %dma_start3A_2070 = arith.constant 0 : i32
      %dma_start3A_2071 = arith.constant 0 : i32
      %dma_start3A_2072 = tpu.memref_slice %arg3[%squeeze3A_2056, %dma_start3A_2070, %dma_start3A_2071] : memref<125000x8x64xf32, #tpu.memory_space<hbm>> -> memref<1x8x64xf32, #tpu.memory_space<hbm>>
      %dma_start3A_2073 = tpu.memref_squeeze %dma_start3A_2072 : memref<1x8x64xf32, #tpu.memory_space<hbm>> -> memref<8x64xf32, #tpu.memory_space<hbm>>
      tpu.enqueue_dma source(%dma_start3A_2073 : memref<8x64xf32, #tpu.memory_space<hbm>>) target(%dma_start3A_2069 : memref<8x64xf32, #tpu.memory_space<vmem>>) target_semaphore(%arg16 : memref<!tpu.dma_semaphore, #tpu.memory_space<semaphore_mem>>)
      %slice3A_2074 = vector.extract_strided_slice %get3A_1921 {offsets = [4], sizes = [1], strides = [1]} : vector<16xi32> to vector<1xi32>
      %squeeze3A_2075 = vector.extract %slice3A_2074[0] : i32 from vector<1xi32>
      %dma_start3A_2076 = arith.constant 4 : i32
      %dma_start3A_2077 = arith.constant 0 : i32
      %dma_start3A_2078 = arith.constant 0 : i32
      %dma_start3A_2079 = tpu.memref_slice %arg11[%dma_start3A_2076, %dma_start3A_2077, %dma_start3A_2078] : memref<16x8x64xf32, #tpu.memory_space<vmem>> -> memref<1x8x64xf32, #tpu.memory_space<vmem>>
      %dma_start3A_2080 = tpu.memref_squeeze %dma_start3A_2079 : memref<1x8x64xf32, #tpu.memory_space<vmem>> -> memref<8x64xf32, #tpu.memory_space<vmem>>
      %dma_start3A_2081 = arith.constant 0 : i32
      %dma_start3A_2082 = arith.constant 0 : i32
      %dma_start3A_2083 = tpu.memref_slice %arg3[%squeeze3A_2075, %dma_start3A_2081, %dma_start3A_2082] : memref<125000x8x64xf32, #tpu.memory_space<hbm>> -> memref<1x8x64xf32, #tpu.memory_space<hbm>>
      %dma_start3A_2084 = tpu.memref_squeeze %dma_start3A_2083 : memref<1x8x64xf32, #tpu.memory_space<hbm>> -> memref<8x64xf32, #tpu.memory_space<hbm>>
      %dma_start3A_2085 = arith.constant 0 : i32
      %dma_start3A_2086 = arith.constant 0 : i32
      %dma_start3A_2087 = tpu.memref_slice %arg11[%dma_start3A_2076, %dma_start3A_2085, %dma_start3A_2086] : memref<16x8x64xf32, #tpu.memory_space<vmem>> -> memref<1x8x64xf32, #tpu.memory_space<vmem>>
      %dma_start3A_2088 = tpu.memref_squeeze %dma_start3A_2087 : memref<1x8x64xf32, #tpu.memory_space<vmem>> -> memref<8x64xf32, #tpu.memory_space<vmem>>
      %dma_start3A_2089 = arith.constant 0 : i32
      %dma_start3A_2090 = arith.constant 0 : i32
      %dma_start3A_2091 = tpu.memref_slice %arg3[%squeeze3A_2075, %dma_start3A_2089, %dma_start3A_2090] : memref<125000x8x64xf32, #tpu.memory_space<hbm>> -> memref<1x8x64xf32, #tpu.memory_space<hbm>>
      %dma_start3A_2092 = tpu.memref_squeeze %dma_start3A_2091 : memref<1x8x64xf32, #tpu.memory_space<hbm>> -> memref<8x64xf32, #tpu.memory_space<hbm>>
      tpu.enqueue_dma source(%dma_start3A_2092 : memref<8x64xf32, #tpu.memory_space<hbm>>) target(%dma_start3A_2088 : memref<8x64xf32, #tpu.memory_space<vmem>>) target_semaphore(%arg16 : memref<!tpu.dma_semaphore, #tpu.memory_space<semaphore_mem>>)
      %slice3A_2093 = vector.extract_strided_slice %get3A_1923 {offsets = [4], sizes = [1], strides = [1]} : vector<16xi32> to vector<1xi32>
      %squeeze3A_2094 = vector.extract %slice3A_2093[0] : i32 from vector<1xi32>
      %dma_start3A_2095 = arith.constant 4 : i32
      %dma_start3A_2096 = arith.constant 0 : i32
      %dma_start3A_2097 = arith.constant 0 : i32
      %dma_start3A_2098 = tpu.memref_slice %arg13[%dma_start3A_2095, %dma_start3A_2096, %dma_start3A_2097] : memref<16x8x64xf32, #tpu.memory_space<vmem>> -> memref<1x8x64xf32, #tpu.memory_space<vmem>>
      %dma_start3A_2099 = tpu.memref_squeeze %dma_start3A_2098 : memref<1x8x64xf32, #tpu.memory_space<vmem>> -> memref<8x64xf32, #tpu.memory_space<vmem>>
      %dma_start3A_2100 = arith.constant 0 : i32
      %dma_start3A_2101 = arith.constant 0 : i32
      %dma_start3A_2102 = tpu.memref_slice %arg3[%squeeze3A_2094, %dma_start3A_2100, %dma_start3A_2101] : memref<125000x8x64xf32, #tpu.memory_space<hbm>> -> memref<1x8x64xf32, #tpu.memory_space<hbm>>
      %dma_start3A_2103 = tpu.memref_squeeze %dma_start3A_2102 : memref<1x8x64xf32, #tpu.memory_space<hbm>> -> memref<8x64xf32, #tpu.memory_space<hbm>>
      %dma_start3A_2104 = arith.constant 0 : i32
      %dma_start3A_2105 = arith.constant 0 : i32
      %dma_start3A_2106 = tpu.memref_slice %arg13[%dma_start3A_2095, %dma_start3A_2104, %dma_start3A_2105] : memref<16x8x64xf32, #tpu.memory_space<vmem>> -> memref<1x8x64xf32, #tpu.memory_space<vmem>>
      %dma_start3A_2107 = tpu.memref_squeeze %dma_start3A_2106 : memref<1x8x64xf32, #tpu.memory_space<vmem>> -> memref<8x64xf32, #tpu.memory_space<vmem>>
      %dma_start3A_2108 = arith.constant 0 : i32
      %dma_start3A_2109 = arith.constant 0 : i32
      %dma_start3A_2110 = tpu.memref_slice %arg3[%squeeze3A_2094, %dma_start3A_2108, %dma_start3A_2109] : memref<125000x8x64xf32, #tpu.memory_space<hbm>> -> memref<1x8x64xf32, #tpu.memory_space<hbm>>
      %dma_start3A_2111 = tpu.memref_squeeze %dma_start3A_2110 : memref<1x8x64xf32, #tpu.memory_space<hbm>> -> memref<8x64xf32, #tpu.memory_space<hbm>>
      tpu.enqueue_dma source(%dma_start3A_2111 : memref<8x64xf32, #tpu.memory_space<hbm>>) target(%dma_start3A_2107 : memref<8x64xf32, #tpu.memory_space<vmem>>) target_semaphore(%arg16 : memref<!tpu.dma_semaphore, #tpu.memory_space<semaphore_mem>>)
      %slice3A_2112 = vector.extract_strided_slice %get3A_1921 {offsets = [5], sizes = [1], strides = [1]} : vector<16xi32> to vector<1xi32>
      %squeeze3A_2113 = vector.extract %slice3A_2112[0] : i32 from vector<1xi32>
      %dma_start3A_2114 = arith.constant 5 : i32
      %dma_start3A_2115 = arith.constant 0 : i32
      %dma_start3A_2116 = arith.constant 0 : i32
      %dma_start3A_2117 = tpu.memref_slice %arg11[%dma_start3A_2114, %dma_start3A_2115, %dma_start3A_2116] : memref<16x8x64xf32, #tpu.memory_space<vmem>> -> memref<1x8x64xf32, #tpu.memory_space<vmem>>
      %dma_start3A_2118 = tpu.memref_squeeze %dma_start3A_2117 : memref<1x8x64xf32, #tpu.memory_space<vmem>> -> memref<8x64xf32, #tpu.memory_space<vmem>>
      %dma_start3A_2119 = arith.constant 0 : i32
      %dma_start3A_2120 = arith.constant 0 : i32
      %dma_start3A_2121 = tpu.memref_slice %arg3[%squeeze3A_2113, %dma_start3A_2119, %dma_start3A_2120] : memref<125000x8x64xf32, #tpu.memory_space<hbm>> -> memref<1x8x64xf32, #tpu.memory_space<hbm>>
      %dma_start3A_2122 = tpu.memref_squeeze %dma_start3A_2121 : memref<1x8x64xf32, #tpu.memory_space<hbm>> -> memref<8x64xf32, #tpu.memory_space<hbm>>
      %dma_start3A_2123 = arith.constant 0 : i32
      %dma_start3A_2124 = arith.constant 0 : i32
      %dma_start3A_2125 = tpu.memref_slice %arg11[%dma_start3A_2114, %dma_start3A_2123, %dma_start3A_2124] : memref<16x8x64xf32, #tpu.memory_space<vmem>> -> memref<1x8x64xf32, #tpu.memory_space<vmem>>
      %dma_start3A_2126 = tpu.memref_squeeze %dma_start3A_2125 : memref<1x8x64xf32, #tpu.memory_space<vmem>> -> memref<8x64xf32, #tpu.memory_space<vmem>>
      %dma_start3A_2127 = arith.constant 0 : i32
      %dma_start3A_2128 = arith.constant 0 : i32
      %dma_start3A_2129 = tpu.memref_slice %arg3[%squeeze3A_2113, %dma_start3A_2127, %dma_start3A_2128] : memref<125000x8x64xf32, #tpu.memory_space<hbm>> -> memref<1x8x64xf32, #tpu.memory_space<hbm>>
      %dma_start3A_2130 = tpu.memref_squeeze %dma_start3A_2129 : memref<1x8x64xf32, #tpu.memory_space<hbm>> -> memref<8x64xf32, #tpu.memory_space<hbm>>
      tpu.enqueue_dma source(%dma_start3A_2130 : memref<8x64xf32, #tpu.memory_space<hbm>>) target(%dma_start3A_2126 : memref<8x64xf32, #tpu.memory_space<vmem>>) target_semaphore(%arg16 : memref<!tpu.dma_semaphore, #tpu.memory_space<semaphore_mem>>)
      %slice3A_2131 = vector.extract_strided_slice %get3A_1923 {offsets = [5], sizes = [1], strides = [1]} : vector<16xi32> to vector<1xi32>
      %squeeze3A_2132 = vector.extract %slice3A_2131[0] : i32 from vector<1xi32>
      %dma_start3A_2133 = arith.constant 5 : i32
      %dma_start3A_2134 = arith.constant 0 : i32
      %dma_start3A_2135 = arith.constant 0 : i32
      %dma_start3A_2136 = tpu.memref_slice %arg13[%dma_start3A_2133, %dma_start3A_2134, %dma_start3A_2135] : memref<16x8x64xf32, #tpu.memory_space<vmem>> -> memref<1x8x64xf32, #tpu.memory_space<vmem>>
      %dma_start3A_2137 = tpu.memref_squeeze %dma_start3A_2136 : memref<1x8x64xf32, #tpu.memory_space<vmem>> -> memref<8x64xf32, #tpu.memory_space<vmem>>
      %dma_start3A_2138 = arith.constant 0 : i32
      %dma_start3A_2139 = arith.constant 0 : i32
      %dma_start3A_2140 = tpu.memref_slice %arg3[%squeeze3A_2132, %dma_start3A_2138, %dma_start3A_2139] : memref<125000x8x64xf32, #tpu.memory_space<hbm>> -> memref<1x8x64xf32, #tpu.memory_space<hbm>>
      %dma_start3A_2141 = tpu.memref_squeeze %dma_start3A_2140 : memref<1x8x64xf32, #tpu.memory_space<hbm>> -> memref<8x64xf32, #tpu.memory_space<hbm>>
      %dma_start3A_2142 = arith.constant 0 : i32
      %dma_start3A_2143 = arith.constant 0 : i32
      %dma_start3A_2144 = tpu.memref_slice %arg13[%dma_start3A_2133, %dma_start3A_2142, %dma_start3A_2143] : memref<16x8x64xf32, #tpu.memory_space<vmem>> -> memref<1x8x64xf32, #tpu.memory_space<vmem>>
      %dma_start3A_2145 = tpu.memref_squeeze %dma_start3A_2144 : memref<1x8x64xf32, #tpu.memory_space<vmem>> -> memref<8x64xf32, #tpu.memory_space<vmem>>
      %dma_start3A_2146 = arith.constant 0 : i32
      %dma_start3A_2147 = arith.constant 0 : i32
      %dma_start3A_2148 = tpu.memref_slice %arg3[%squeeze3A_2132, %dma_start3A_2146, %dma_start3A_2147] : memref<125000x8x64xf32, #tpu.memory_space<hbm>> -> memref<1x8x64xf32, #tpu.memory_space<hbm>>
      %dma_start3A_2149 = tpu.memref_squeeze %dma_start3A_2148 : memref<1x8x64xf32, #tpu.memory_space<hbm>> -> memref<8x64xf32, #tpu.memory_space<hbm>>
      tpu.enqueue_dma source(%dma_start3A_2149 : memref<8x64xf32, #tpu.memory_space<hbm>>) target(%dma_start3A_2145 : memref<8x64xf32, #tpu.memory_space<vmem>>) target_semaphore(%arg16 : memref<!tpu.dma_semaphore, #tpu.memory_space<semaphore_mem>>)
      %slice3A_2150 = vector.extract_strided_slice %get3A_1921 {offsets = [6], sizes = [1], strides = [1]} : vector<16xi32> to vector<1xi32>
      %squeeze3A_2151 = vector.extract %slice3A_2150[0] : i32 from vector<1xi32>
      %dma_start3A_2152 = arith.constant 6 : i32
      %dma_start3A_2153 = arith.constant 0 : i32
      %dma_start3A_2154 = arith.constant 0 : i32
      %dma_start3A_2155 = tpu.memref_slice %arg11[%dma_start3A_2152, %dma_start3A_2153, %dma_start3A_2154] : memref<16x8x64xf32, #tpu.memory_space<vmem>> -> memref<1x8x64xf32, #tpu.memory_space<vmem>>
      %dma_start3A_2156 = tpu.memref_squeeze %dma_start3A_2155 : memref<1x8x64xf32, #tpu.memory_space<vmem>> -> memref<8x64xf32, #tpu.memory_space<vmem>>
      %dma_start3A_2157 = arith.constant 0 : i32
      %dma_start3A_2158 = arith.constant 0 : i32
      %dma_start3A_2159 = tpu.memref_slice %arg3[%squeeze3A_2151, %dma_start3A_2157, %dma_start3A_2158] : memref<125000x8x64xf32, #tpu.memory_space<hbm>> -> memref<1x8x64xf32, #tpu.memory_space<hbm>>
      %dma_start3A_2160 = tpu.memref_squeeze %dma_start3A_2159 : memref<1x8x64xf32, #tpu.memory_space<hbm>> -> memref<8x64xf32, #tpu.memory_space<hbm>>
      %dma_start3A_2161 = arith.constant 0 : i32
      %dma_start3A_2162 = arith.constant 0 : i32
      %dma_start3A_2163 = tpu.memref_slice %arg11[%dma_start3A_2152, %dma_start3A_2161, %dma_start3A_2162] : memref<16x8x64xf32, #tpu.memory_space<vmem>> -> memref<1x8x64xf32, #tpu.memory_space<vmem>>
      %dma_start3A_2164 = tpu.memref_squeeze %dma_start3A_2163 : memref<1x8x64xf32, #tpu.memory_space<vmem>> -> memref<8x64xf32, #tpu.memory_space<vmem>>
      %dma_start3A_2165 = arith.constant 0 : i32
      %dma_start3A_2166 = arith.constant 0 : i32
      %dma_start3A_2167 = tpu.memref_slice %arg3[%squeeze3A_2151, %dma_start3A_2165, %dma_start3A_2166] : memref<125000x8x64xf32, #tpu.memory_space<hbm>> -> memref<1x8x64xf32, #tpu.memory_space<hbm>>
      %dma_start3A_2168 = tpu.memref_squeeze %dma_start3A_2167 : memref<1x8x64xf32, #tpu.memory_space<hbm>> -> memref<8x64xf32, #tpu.memory_space<hbm>>
      tpu.enqueue_dma source(%dma_start3A_2168 : memref<8x64xf32, #tpu.memory_space<hbm>>) target(%dma_start3A_2164 : memref<8x64xf32, #tpu.memory_space<vmem>>) target_semaphore(%arg16 : memref<!tpu.dma_semaphore, #tpu.memory_space<semaphore_mem>>)
      %slice3A_2169 = vector.extract_strided_slice %get3A_1923 {offsets = [6], sizes = [1], strides = [1]} : vector<16xi32> to vector<1xi32>
      %squeeze3A_2170 = vector.extract %slice3A_2169[0] : i32 from vector<1xi32>
      %dma_start3A_2171 = arith.constant 6 : i32
      %dma_start3A_2172 = arith.constant 0 : i32
      %dma_start3A_2173 = arith.constant 0 : i32
      %dma_start3A_2174 = tpu.memref_slice %arg13[%dma_start3A_2171, %dma_start3A_2172, %dma_start3A_2173] : memref<16x8x64xf32, #tpu.memory_space<vmem>> -> memref<1x8x64xf32, #tpu.memory_space<vmem>>
      %dma_start3A_2175 = tpu.memref_squeeze %dma_start3A_2174 : memref<1x8x64xf32, #tpu.memory_space<vmem>> -> memref<8x64xf32, #tpu.memory_space<vmem>>
      %dma_start3A_2176 = arith.constant 0 : i32
      %dma_start3A_2177 = arith.constant 0 : i32
      %dma_start3A_2178 = tpu.memref_slice %arg3[%squeeze3A_2170, %dma_start3A_2176, %dma_start3A_2177] : memref<125000x8x64xf32, #tpu.memory_space<hbm>> -> memref<1x8x64xf32, #tpu.memory_space<hbm>>
      %dma_start3A_2179 = tpu.memref_squeeze %dma_start3A_2178 : memref<1x8x64xf32, #tpu.memory_space<hbm>> -> memref<8x64xf32, #tpu.memory_space<hbm>>
      %dma_start3A_2180 = arith.constant 0 : i32
      %dma_start3A_2181 = arith.constant 0 : i32
      %dma_start3A_2182 = tpu.memref_slice %arg13[%dma_start3A_2171, %dma_start3A_2180, %dma_start3A_2181] : memref<16x8x64xf32, #tpu.memory_space<vmem>> -> memref<1x8x64xf32, #tpu.memory_space<vmem>>
      %dma_start3A_2183 = tpu.memref_squeeze %dma_start3A_2182 : memref<1x8x64xf32, #tpu.memory_space<vmem>> -> memref<8x64xf32, #tpu.memory_space<vmem>>
      %dma_start3A_2184 = arith.constant 0 : i32
      %dma_start3A_2185 = arith.constant 0 : i32
      %dma_start3A_2186 = tpu.memref_slice %arg3[%squeeze3A_2170, %dma_start3A_2184, %dma_start3A_2185] : memref<125000x8x64xf32, #tpu.memory_space<hbm>> -> memref<1x8x64xf32, #tpu.memory_space<hbm>>
      %dma_start3A_2187 = tpu.memref_squeeze %dma_start3A_2186 : memref<1x8x64xf32, #tpu.memory_space<hbm>> -> memref<8x64xf32, #tpu.memory_space<hbm>>
      tpu.enqueue_dma source(%dma_start3A_2187 : memref<8x64xf32, #tpu.memory_space<hbm>>) target(%dma_start3A_2183 : memref<8x64xf32, #tpu.memory_space<vmem>>) target_semaphore(%arg16 : memref<!tpu.dma_semaphore, #tpu.memory_space<semaphore_mem>>)
      %slice3A_2188 = vector.extract_strided_slice %get3A_1921 {offsets = [7], sizes = [1], strides = [1]} : vector<16xi32> to vector<1xi32>
      %squeeze3A_2189 = vector.extract %slice3A_2188[0] : i32 from vector<1xi32>
      %dma_start3A_2190 = arith.constant 7 : i32
      %dma_start3A_2191 = arith.constant 0 : i32
      %dma_start3A_2192 = arith.constant 0 : i32
      %dma_start3A_2193 = tpu.memref_slice %arg11[%dma_start3A_2190, %dma_start3A_2191, %dma_start3A_2192] : memref<16x8x64xf32, #tpu.memory_space<vmem>> -> memref<1x8x64xf32, #tpu.memory_space<vmem>>
      %dma_start3A_2194 = tpu.memref_squeeze %dma_start3A_2193 : memref<1x8x64xf32, #tpu.memory_space<vmem>> -> memref<8x64xf32, #tpu.memory_space<vmem>>
      %dma_start3A_2195 = arith.constant 0 : i32
      %dma_start3A_2196 = arith.constant 0 : i32
      %dma_start3A_2197 = tpu.memref_slice %arg3[%squeeze3A_2189, %dma_start3A_2195, %dma_start3A_2196] : memref<125000x8x64xf32, #tpu.memory_space<hbm>> -> memref<1x8x64xf32, #tpu.memory_space<hbm>>
      %dma_start3A_2198 = tpu.memref_squeeze %dma_start3A_2197 : memref<1x8x64xf32, #tpu.memory_space<hbm>> -> memref<8x64xf32, #tpu.memory_space<hbm>>
      %dma_start3A_2199 = arith.constant 0 : i32
      %dma_start3A_2200 = arith.constant 0 : i32
      %dma_start3A_2201 = tpu.memref_slice %arg11[%dma_start3A_2190, %dma_start3A_2199, %dma_start3A_2200] : memref<16x8x64xf32, #tpu.memory_space<vmem>> -> memref<1x8x64xf32, #tpu.memory_space<vmem>>
      %dma_start3A_2202 = tpu.memref_squeeze %dma_start3A_2201 : memref<1x8x64xf32, #tpu.memory_space<vmem>> -> memref<8x64xf32, #tpu.memory_space<vmem>>
      %dma_start3A_2203 = arith.constant 0 : i32
      %dma_start3A_2204 = arith.constant 0 : i32
      %dma_start3A_2205 = tpu.memref_slice %arg3[%squeeze3A_2189, %dma_start3A_2203, %dma_start3A_2204] : memref<125000x8x64xf32, #tpu.memory_space<hbm>> -> memref<1x8x64xf32, #tpu.memory_space<hbm>>
      %dma_start3A_2206 = tpu.memref_squeeze %dma_start3A_2205 : memref<1x8x64xf32, #tpu.memory_space<hbm>> -> memref<8x64xf32, #tpu.memory_space<hbm>>
      tpu.enqueue_dma source(%dma_start3A_2206 : memref<8x64xf32, #tpu.memory_space<hbm>>) target(%dma_start3A_2202 : memref<8x64xf32, #tpu.memory_space<vmem>>) target_semaphore(%arg16 : memref<!tpu.dma_semaphore, #tpu.memory_space<semaphore_mem>>)
      %slice3A_2207 = vector.extract_strided_slice %get3A_1923 {offsets = [7], sizes = [1], strides = [1]} : vector<16xi32> to vector<1xi32>
      %squeeze3A_2208 = vector.extract %slice3A_2207[0] : i32 from vector<1xi32>
      %dma_start3A_2209 = arith.constant 7 : i32
      %dma_start3A_2210 = arith.constant 0 : i32
      %dma_start3A_2211 = arith.constant 0 : i32
      %dma_start3A_2212 = tpu.memref_slice %arg13[%dma_start3A_2209, %dma_start3A_2210, %dma_start3A_2211] : memref<16x8x64xf32, #tpu.memory_space<vmem>> -> memref<1x8x64xf32, #tpu.memory_space<vmem>>
      %dma_start3A_2213 = tpu.memref_squeeze %dma_start3A_2212 : memref<1x8x64xf32, #tpu.memory_space<vmem>> -> memref<8x64xf32, #tpu.memory_space<vmem>>
      %dma_start3A_2214 = arith.constant 0 : i32
      %dma_start3A_2215 = arith.constant 0 : i32
      %dma_start3A_2216 = tpu.memref_slice %arg3[%squeeze3A_2208, %dma_start3A_2214, %dma_start3A_2215] : memref<125000x8x64xf32, #tpu.memory_space<hbm>> -> memref<1x8x64xf32, #tpu.memory_space<hbm>>
      %dma_start3A_2217 = tpu.memref_squeeze %dma_start3A_2216 : memref<1x8x64xf32, #tpu.memory_space<hbm>> -> memref<8x64xf32, #tpu.memory_space<hbm>>
      %dma_start3A_2218 = arith.constant 0 : i32
      %dma_start3A_2219 = arith.constant 0 : i32
      %dma_start3A_2220 = tpu.memref_slice %arg13[%dma_start3A_2209, %dma_start3A_2218, %dma_start3A_2219] : memref<16x8x64xf32, #tpu.memory_space<vmem>> -> memref<1x8x64xf32, #tpu.memory_space<vmem>>
      %dma_start3A_2221 = tpu.memref_squeeze %dma_start3A_2220 : memref<1x8x64xf32, #tpu.memory_space<vmem>> -> memref<8x64xf32, #tpu.memory_space<vmem>>
      %dma_start3A_2222 = arith.constant 0 : i32
      %dma_start3A_2223 = arith.constant 0 : i32
      %dma_start3A_2224 = tpu.memref_slice %arg3[%squeeze3A_2208, %dma_start3A_2222, %dma_start3A_2223] : memref<125000x8x64xf32, #tpu.memory_space<hbm>> -> memref<1x8x64xf32, #tpu.memory_space<hbm>>
      %dma_start3A_2225 = tpu.memref_squeeze %dma_start3A_2224 : memref<1x8x64xf32, #tpu.memory_space<hbm>> -> memref<8x64xf32, #tpu.memory_space<hbm>>
      tpu.enqueue_dma source(%dma_start3A_2225 : memref<8x64xf32, #tpu.memory_space<hbm>>) target(%dma_start3A_2221 : memref<8x64xf32, #tpu.memory_space<vmem>>) target_semaphore(%arg16 : memref<!tpu.dma_semaphore, #tpu.memory_space<semaphore_mem>>)
      %slice3A_2226 = vector.extract_strided_slice %get3A_1921 {offsets = [8], sizes = [1], strides = [1]} : vector<16xi32> to vector<1xi32>
      %squeeze3A_2227 = vector.extract %slice3A_2226[0] : i32 from vector<1xi32>
      %dma_start3A_2228 = arith.constant 8 : i32
      %dma_start3A_2229 = arith.constant 0 : i32
      %dma_start3A_2230 = arith.constant 0 : i32
      %dma_start3A_2231 = tpu.memref_slice %arg11[%dma_start3A_2228, %dma_start3A_2229, %dma_start3A_2230] : memref<16x8x64xf32, #tpu.memory_space<vmem>> -> memref<1x8x64xf32, #tpu.memory_space<vmem>>
      %dma_start3A_2232 = tpu.memref_squeeze %dma_start3A_2231 : memref<1x8x64xf32, #tpu.memory_space<vmem>> -> memref<8x64xf32, #tpu.memory_space<vmem>>
      %dma_start3A_2233 = arith.constant 0 : i32
      %dma_start3A_2234 = arith.constant 0 : i32
      %dma_start3A_2235 = tpu.memref_slice %arg3[%squeeze3A_2227, %dma_start3A_2233, %dma_start3A_2234] : memref<125000x8x64xf32, #tpu.memory_space<hbm>> -> memref<1x8x64xf32, #tpu.memory_space<hbm>>
      %dma_start3A_2236 = tpu.memref_squeeze %dma_start3A_2235 : memref<1x8x64xf32, #tpu.memory_space<hbm>> -> memref<8x64xf32, #tpu.memory_space<hbm>>
      %dma_start3A_2237 = arith.constant 0 : i32
      %dma_start3A_2238 = arith.constant 0 : i32
      %dma_start3A_2239 = tpu.memref_slice %arg11[%dma_start3A_2228, %dma_start3A_2237, %dma_start3A_2238] : memref<16x8x64xf32, #tpu.memory_space<vmem>> -> memref<1x8x64xf32, #tpu.memory_space<vmem>>
      %dma_start3A_2240 = tpu.memref_squeeze %dma_start3A_2239 : memref<1x8x64xf32, #tpu.memory_space<vmem>> -> memref<8x64xf32, #tpu.memory_space<vmem>>
      %dma_start3A_2241 = arith.constant 0 : i32
      %dma_start3A_2242 = arith.constant 0 : i32
      %dma_start3A_2243 = tpu.memref_slice %arg3[%squeeze3A_2227, %dma_start3A_2241, %dma_start3A_2242] : memref<125000x8x64xf32, #tpu.memory_space<hbm>> -> memref<1x8x64xf32, #tpu.memory_space<hbm>>
      %dma_start3A_2244 = tpu.memref_squeeze %dma_start3A_2243 : memref<1x8x64xf32, #tpu.memory_space<hbm>> -> memref<8x64xf32, #tpu.memory_space<hbm>>
      tpu.enqueue_dma source(%dma_start3A_2244 : memref<8x64xf32, #tpu.memory_space<hbm>>) target(%dma_start3A_2240 : memref<8x64xf32, #tpu.memory_space<vmem>>) target_semaphore(%arg16 : memref<!tpu.dma_semaphore, #tpu.memory_space<semaphore_mem>>)
      %slice3A_2245 = vector.extract_strided_slice %get3A_1923 {offsets = [8], sizes = [1], strides = [1]} : vector<16xi32> to vector<1xi32>
      %squeeze3A_2246 = vector.extract %slice3A_2245[0] : i32 from vector<1xi32>
      %dma_start3A_2247 = arith.constant 8 : i32
      %dma_start3A_2248 = arith.constant 0 : i32
      %dma_start3A_2249 = arith.constant 0 : i32
      %dma_start3A_2250 = tpu.memref_slice %arg13[%dma_start3A_2247, %dma_start3A_2248, %dma_start3A_2249] : memref<16x8x64xf32, #tpu.memory_space<vmem>> -> memref<1x8x64xf32, #tpu.memory_space<vmem>>
      %dma_start3A_2251 = tpu.memref_squeeze %dma_start3A_2250 : memref<1x8x64xf32, #tpu.memory_space<vmem>> -> memref<8x64xf32, #tpu.memory_space<vmem>>
      %dma_start3A_2252 = arith.constant 0 : i32
      %dma_start3A_2253 = arith.constant 0 : i32
      %dma_start3A_2254 = tpu.memref_slice %arg3[%squeeze3A_2246, %dma_start3A_2252, %dma_start3A_2253] : memref<125000x8x64xf32, #tpu.memory_space<hbm>> -> memref<1x8x64xf32, #tpu.memory_space<hbm>>
      %dma_start3A_2255 = tpu.memref_squeeze %dma_start3A_2254 : memref<1x8x64xf32, #tpu.memory_space<hbm>> -> memref<8x64xf32, #tpu.memory_space<hbm>>
      %dma_start3A_2256 = arith.constant 0 : i32
      %dma_start3A_2257 = arith.constant 0 : i32
      %dma_start3A_2258 = tpu.memref_slice %arg13[%dma_start3A_2247, %dma_start3A_2256, %dma_start3A_2257] : memref<16x8x64xf32, #tpu.memory_space<vmem>> -> memref<1x8x64xf32, #tpu.memory_space<vmem>>
      %dma_start3A_2259 = tpu.memref_squeeze %dma_start3A_2258 : memref<1x8x64xf32, #tpu.memory_space<vmem>> -> memref<8x64xf32, #tpu.memory_space<vmem>>
      %dma_start3A_2260 = arith.constant 0 : i32
      %dma_start3A_2261 = arith.constant 0 : i32
      %dma_start3A_2262 = tpu.memref_slice %arg3[%squeeze3A_2246, %dma_start3A_2260, %dma_start3A_2261] : memref<125000x8x64xf32, #tpu.memory_space<hbm>> -> memref<1x8x64xf32, #tpu.memory_space<hbm>>
      %dma_start3A_2263 = tpu.memref_squeeze %dma_start3A_2262 : memref<1x8x64xf32, #tpu.memory_space<hbm>> -> memref<8x64xf32, #tpu.memory_space<hbm>>
      tpu.enqueue_dma source(%dma_start3A_2263 : memref<8x64xf32, #tpu.memory_space<hbm>>) target(%dma_start3A_2259 : memref<8x64xf32, #tpu.memory_space<vmem>>) target_semaphore(%arg16 : memref<!tpu.dma_semaphore, #tpu.memory_space<semaphore_mem>>)
      %slice3A_2264 = vector.extract_strided_slice %get3A_1921 {offsets = [9], sizes = [1], strides = [1]} : vector<16xi32> to vector<1xi32>
      %squeeze3A_2265 = vector.extract %slice3A_2264[0] : i32 from vector<1xi32>
      %dma_start3A_2266 = arith.constant 9 : i32
      %dma_start3A_2267 = arith.constant 0 : i32
      %dma_start3A_2268 = arith.constant 0 : i32
      %dma_start3A_2269 = tpu.memref_slice %arg11[%dma_start3A_2266, %dma_start3A_2267, %dma_start3A_2268] : memref<16x8x64xf32, #tpu.memory_space<vmem>> -> memref<1x8x64xf32, #tpu.memory_space<vmem>>
      %dma_start3A_2270 = tpu.memref_squeeze %dma_start3A_2269 : memref<1x8x64xf32, #tpu.memory_space<vmem>> -> memref<8x64xf32, #tpu.memory_space<vmem>>
      %dma_start3A_2271 = arith.constant 0 : i32
      %dma_start3A_2272 = arith.constant 0 : i32
      %dma_start3A_2273 = tpu.memref_slice %arg3[%squeeze3A_2265, %dma_start3A_2271, %dma_start3A_2272] : memref<125000x8x64xf32, #tpu.memory_space<hbm>> -> memref<1x8x64xf32, #tpu.memory_space<hbm>>
      %dma_start3A_2274 = tpu.memref_squeeze %dma_start3A_2273 : memref<1x8x64xf32, #tpu.memory_space<hbm>> -> memref<8x64xf32, #tpu.memory_space<hbm>>
      %dma_start3A_2275 = arith.constant 0 : i32
      %dma_start3A_2276 = arith.constant 0 : i32
      %dma_start3A_2277 = tpu.memref_slice %arg11[%dma_start3A_2266, %dma_start3A_2275, %dma_start3A_2276] : memref<16x8x64xf32, #tpu.memory_space<vmem>> -> memref<1x8x64xf32, #tpu.memory_space<vmem>>
      %dma_start3A_2278 = tpu.memref_squeeze %dma_start3A_2277 : memref<1x8x64xf32, #tpu.memory_space<vmem>> -> memref<8x64xf32, #tpu.memory_space<vmem>>
      %dma_start3A_2279 = arith.constant 0 : i32
      %dma_start3A_2280 = arith.constant 0 : i32
      %dma_start3A_2281 = tpu.memref_slice %arg3[%squeeze3A_2265, %dma_start3A_2279, %dma_start3A_2280] : memref<125000x8x64xf32, #tpu.memory_space<hbm>> -> memref<1x8x64xf32, #tpu.memory_space<hbm>>
      %dma_start3A_2282 = tpu.memref_squeeze %dma_start3A_2281 : memref<1x8x64xf32, #tpu.memory_space<hbm>> -> memref<8x64xf32, #tpu.memory_space<hbm>>
      tpu.enqueue_dma source(%dma_start3A_2282 : memref<8x64xf32, #tpu.memory_space<hbm>>) target(%dma_start3A_2278 : memref<8x64xf32, #tpu.memory_space<vmem>>) target_semaphore(%arg16 : memref<!tpu.dma_semaphore, #tpu.memory_space<semaphore_mem>>)
      %slice3A_2283 = vector.extract_strided_slice %get3A_1923 {offsets = [9], sizes = [1], strides = [1]} : vector<16xi32> to vector<1xi32>
      %squeeze3A_2284 = vector.extract %slice3A_2283[0] : i32 from vector<1xi32>
      %dma_start3A_2285 = arith.constant 9 : i32
      %dma_start3A_2286 = arith.constant 0 : i32
      %dma_start3A_2287 = arith.constant 0 : i32
      %dma_start3A_2288 = tpu.memref_slice %arg13[%dma_start3A_2285, %dma_start3A_2286, %dma_start3A_2287] : memref<16x8x64xf32, #tpu.memory_space<vmem>> -> memref<1x8x64xf32, #tpu.memory_space<vmem>>
      %dma_start3A_2289 = tpu.memref_squeeze %dma_start3A_2288 : memref<1x8x64xf32, #tpu.memory_space<vmem>> -> memref<8x64xf32, #tpu.memory_space<vmem>>
      %dma_start3A_2290 = arith.constant 0 : i32
      %dma_start3A_2291 = arith.constant 0 : i32
      %dma_start3A_2292 = tpu.memref_slice %arg3[%squeeze3A_2284, %dma_start3A_2290, %dma_start3A_2291] : memref<125000x8x64xf32, #tpu.memory_space<hbm>> -> memref<1x8x64xf32, #tpu.memory_space<hbm>>
      %dma_start3A_2293 = tpu.memref_squeeze %dma_start3A_2292 : memref<1x8x64xf32, #tpu.memory_space<hbm>> -> memref<8x64xf32, #tpu.memory_space<hbm>>
      %dma_start3A_2294 = arith.constant 0 : i32
      %dma_start3A_2295 = arith.constant 0 : i32
      %dma_start3A_2296 = tpu.memref_slice %arg13[%dma_start3A_2285, %dma_start3A_2294, %dma_start3A_2295] : memref<16x8x64xf32, #tpu.memory_space<vmem>> -> memref<1x8x64xf32, #tpu.memory_space<vmem>>
      %dma_start3A_2297 = tpu.memref_squeeze %dma_start3A_2296 : memref<1x8x64xf32, #tpu.memory_space<vmem>> -> memref<8x64xf32, #tpu.memory_space<vmem>>
      %dma_start3A_2298 = arith.constant 0 : i32
      %dma_start3A_2299 = arith.constant 0 : i32
      %dma_start3A_2300 = tpu.memref_slice %arg3[%squeeze3A_2284, %dma_start3A_2298, %dma_start3A_2299] : memref<125000x8x64xf32, #tpu.memory_space<hbm>> -> memref<1x8x64xf32, #tpu.memory_space<hbm>>
      %dma_start3A_2301 = tpu.memref_squeeze %dma_start3A_2300 : memref<1x8x64xf32, #tpu.memory_space<hbm>> -> memref<8x64xf32, #tpu.memory_space<hbm>>
      tpu.enqueue_dma source(%dma_start3A_2301 : memref<8x64xf32, #tpu.memory_space<hbm>>) target(%dma_start3A_2297 : memref<8x64xf32, #tpu.memory_space<vmem>>) target_semaphore(%arg16 : memref<!tpu.dma_semaphore, #tpu.memory_space<semaphore_mem>>)
      %slice3A_2302 = vector.extract_strided_slice %get3A_1921 {offsets = [10], sizes = [1], strides = [1]} : vector<16xi32> to vector<1xi32>
      %squeeze3A_2303 = vector.extract %slice3A_2302[0] : i32 from vector<1xi32>
      %dma_start3A_2304 = arith.constant 10 : i32
      %dma_start3A_2305 = arith.constant 0 : i32
      %dma_start3A_2306 = arith.constant 0 : i32
      %dma_start3A_2307 = tpu.memref_slice %arg11[%dma_start3A_2304, %dma_start3A_2305, %dma_start3A_2306] : memref<16x8x64xf32, #tpu.memory_space<vmem>> -> memref<1x8x64xf32, #tpu.memory_space<vmem>>
      %dma_start3A_2308 = tpu.memref_squeeze %dma_start3A_2307 : memref<1x8x64xf32, #tpu.memory_space<vmem>> -> memref<8x64xf32, #tpu.memory_space<vmem>>
      %dma_start3A_2309 = arith.constant 0 : i32
      %dma_start3A_2310 = arith.constant 0 : i32
      %dma_start3A_2311 = tpu.memref_slice %arg3[%squeeze3A_2303, %dma_start3A_2309, %dma_start3A_2310] : memref<125000x8x64xf32, #tpu.memory_space<hbm>> -> memref<1x8x64xf32, #tpu.memory_space<hbm>>
      %dma_start3A_2312 = tpu.memref_squeeze %dma_start3A_2311 : memref<1x8x64xf32, #tpu.memory_space<hbm>> -> memref<8x64xf32, #tpu.memory_space<hbm>>
      %dma_start3A_2313 = arith.constant 0 : i32
      %dma_start3A_2314 = arith.constant 0 : i32
      %dma_start3A_2315 = tpu.memref_slice %arg11[%dma_start3A_2304, %dma_start3A_2313, %dma_start3A_2314] : memref<16x8x64xf32, #tpu.memory_space<vmem>> -> memref<1x8x64xf32, #tpu.memory_space<vmem>>
      %dma_start3A_2316 = tpu.memref_squeeze %dma_start3A_2315 : memref<1x8x64xf32, #tpu.memory_space<vmem>> -> memref<8x64xf32, #tpu.memory_space<vmem>>
      %dma_start3A_2317 = arith.constant 0 : i32
      %dma_start3A_2318 = arith.constant 0 : i32
      %dma_start3A_2319 = tpu.memref_slice %arg3[%squeeze3A_2303, %dma_start3A_2317, %dma_start3A_2318] : memref<125000x8x64xf32, #tpu.memory_space<hbm>> -> memref<1x8x64xf32, #tpu.memory_space<hbm>>
      %dma_start3A_2320 = tpu.memref_squeeze %dma_start3A_2319 : memref<1x8x64xf32, #tpu.memory_space<hbm>> -> memref<8x64xf32, #tpu.memory_space<hbm>>
      tpu.enqueue_dma source(%dma_start3A_2320 : memref<8x64xf32, #tpu.memory_space<hbm>>) target(%dma_start3A_2316 : memref<8x64xf32, #tpu.memory_space<vmem>>) target_semaphore(%arg16 : memref<!tpu.dma_semaphore, #tpu.memory_space<semaphore_mem>>)
      %slice3A_2321 = vector.extract_strided_slice %get3A_1923 {offsets = [10], sizes = [1], strides = [1]} : vector<16xi32> to vector<1xi32>
      %squeeze3A_2322 = vector.extract %slice3A_2321[0] : i32 from vector<1xi32>
      %dma_start3A_2323 = arith.constant 10 : i32
      %dma_start3A_2324 = arith.constant 0 : i32
      %dma_start3A_2325 = arith.constant 0 : i32
      %dma_start3A_2326 = tpu.memref_slice %arg13[%dma_start3A_2323, %dma_start3A_2324, %dma_start3A_2325] : memref<16x8x64xf32, #tpu.memory_space<vmem>> -> memref<1x8x64xf32, #tpu.memory_space<vmem>>
      %dma_start3A_2327 = tpu.memref_squeeze %dma_start3A_2326 : memref<1x8x64xf32, #tpu.memory_space<vmem>> -> memref<8x64xf32, #tpu.memory_space<vmem>>
      %dma_start3A_2328 = arith.constant 0 : i32
      %dma_start3A_2329 = arith.constant 0 : i32
      %dma_start3A_2330 = tpu.memref_slice %arg3[%squeeze3A_2322, %dma_start3A_2328, %dma_start3A_2329] : memref<125000x8x64xf32, #tpu.memory_space<hbm>> -> memref<1x8x64xf32, #tpu.memory_space<hbm>>
      %dma_start3A_2331 = tpu.memref_squeeze %dma_start3A_2330 : memref<1x8x64xf32, #tpu.memory_space<hbm>> -> memref<8x64xf32, #tpu.memory_space<hbm>>
      %dma_start3A_2332 = arith.constant 0 : i32
      %dma_start3A_2333 = arith.constant 0 : i32
      %dma_start3A_2334 = tpu.memref_slice %arg13[%dma_start3A_2323, %dma_start3A_2332, %dma_start3A_2333] : memref<16x8x64xf32, #tpu.memory_space<vmem>> -> memref<1x8x64xf32, #tpu.memory_space<vmem>>
      %dma_start3A_2335 = tpu.memref_squeeze %dma_start3A_2334 : memref<1x8x64xf32, #tpu.memory_space<vmem>> -> memref<8x64xf32, #tpu.memory_space<vmem>>
      %dma_start3A_2336 = arith.constant 0 : i32
      %dma_start3A_2337 = arith.constant 0 : i32
      %dma_start3A_2338 = tpu.memref_slice %arg3[%squeeze3A_2322, %dma_start3A_2336, %dma_start3A_2337] : memref<125000x8x64xf32, #tpu.memory_space<hbm>> -> memref<1x8x64xf32, #tpu.memory_space<hbm>>
      %dma_start3A_2339 = tpu.memref_squeeze %dma_start3A_2338 : memref<1x8x64xf32, #tpu.memory_space<hbm>> -> memref<8x64xf32, #tpu.memory_space<hbm>>
      tpu.enqueue_dma source(%dma_start3A_2339 : memref<8x64xf32, #tpu.memory_space<hbm>>) target(%dma_start3A_2335 : memref<8x64xf32, #tpu.memory_space<vmem>>) target_semaphore(%arg16 : memref<!tpu.dma_semaphore, #tpu.memory_space<semaphore_mem>>)
      %slice3A_2340 = vector.extract_strided_slice %get3A_1921 {offsets = [11], sizes = [1], strides = [1]} : vector<16xi32> to vector<1xi32>
      %squeeze3A_2341 = vector.extract %slice3A_2340[0] : i32 from vector<1xi32>
      %dma_start3A_2342 = arith.constant 11 : i32
      %dma_start3A_2343 = arith.constant 0 : i32
      %dma_start3A_2344 = arith.constant 0 : i32
      %dma_start3A_2345 = tpu.memref_slice %arg11[%dma_start3A_2342, %dma_start3A_2343, %dma_start3A_2344] : memref<16x8x64xf32, #tpu.memory_space<vmem>> -> memref<1x8x64xf32, #tpu.memory_space<vmem>>
      %dma_start3A_2346 = tpu.memref_squeeze %dma_start3A_2345 : memref<1x8x64xf32, #tpu.memory_space<vmem>> -> memref<8x64xf32, #tpu.memory_space<vmem>>
      %dma_start3A_2347 = arith.constant 0 : i32
      %dma_start3A_2348 = arith.constant 0 : i32
      %dma_start3A_2349 = tpu.memref_slice %arg3[%squeeze3A_2341, %dma_start3A_2347, %dma_start3A_2348] : memref<125000x8x64xf32, #tpu.memory_space<hbm>> -> memref<1x8x64xf32, #tpu.memory_space<hbm>>
      %dma_start3A_2350 = tpu.memref_squeeze %dma_start3A_2349 : memref<1x8x64xf32, #tpu.memory_space<hbm>> -> memref<8x64xf32, #tpu.memory_space<hbm>>
      %dma_start3A_2351 = arith.constant 0 : i32
      %dma_start3A_2352 = arith.constant 0 : i32
      %dma_start3A_2353 = tpu.memref_slice %arg11[%dma_start3A_2342, %dma_start3A_2351, %dma_start3A_2352] : memref<16x8x64xf32, #tpu.memory_space<vmem>> -> memref<1x8x64xf32, #tpu.memory_space<vmem>>
      %dma_start3A_2354 = tpu.memref_squeeze %dma_start3A_2353 : memref<1x8x64xf32, #tpu.memory_space<vmem>> -> memref<8x64xf32, #tpu.memory_space<vmem>>
      %dma_start3A_2355 = arith.constant 0 : i32
      %dma_start3A_2356 = arith.constant 0 : i32
      %dma_start3A_2357 = tpu.memref_slice %arg3[%squeeze3A_2341, %dma_start3A_2355, %dma_start3A_2356] : memref<125000x8x64xf32, #tpu.memory_space<hbm>> -> memref<1x8x64xf32, #tpu.memory_space<hbm>>
      %dma_start3A_2358 = tpu.memref_squeeze %dma_start3A_2357 : memref<1x8x64xf32, #tpu.memory_space<hbm>> -> memref<8x64xf32, #tpu.memory_space<hbm>>
      tpu.enqueue_dma source(%dma_start3A_2358 : memref<8x64xf32, #tpu.memory_space<hbm>>) target(%dma_start3A_2354 : memref<8x64xf32, #tpu.memory_space<vmem>>) target_semaphore(%arg16 : memref<!tpu.dma_semaphore, #tpu.memory_space<semaphore_mem>>)
      %slice3A_2359 = vector.extract_strided_slice %get3A_1923 {offsets = [11], sizes = [1], strides = [1]} : vector<16xi32> to vector<1xi32>
      %squeeze3A_2360 = vector.extract %slice3A_2359[0] : i32 from vector<1xi32>
      %dma_start3A_2361 = arith.constant 11 : i32
      %dma_start3A_2362 = arith.constant 0 : i32
      %dma_start3A_2363 = arith.constant 0 : i32
      %dma_start3A_2364 = tpu.memref_slice %arg13[%dma_start3A_2361, %dma_start3A_2362, %dma_start3A_2363] : memref<16x8x64xf32, #tpu.memory_space<vmem>> -> memref<1x8x64xf32, #tpu.memory_space<vmem>>
      %dma_start3A_2365 = tpu.memref_squeeze %dma_start3A_2364 : memref<1x8x64xf32, #tpu.memory_space<vmem>> -> memref<8x64xf32, #tpu.memory_space<vmem>>
      %dma_start3A_2366 = arith.constant 0 : i32
      %dma_start3A_2367 = arith.constant 0 : i32
      %dma_start3A_2368 = tpu.memref_slice %arg3[%squeeze3A_2360, %dma_start3A_2366, %dma_start3A_2367] : memref<125000x8x64xf32, #tpu.memory_space<hbm>> -> memref<1x8x64xf32, #tpu.memory_space<hbm>>
      %dma_start3A_2369 = tpu.memref_squeeze %dma_start3A_2368 : memref<1x8x64xf32, #tpu.memory_space<hbm>> -> memref<8x64xf32, #tpu.memory_space<hbm>>
      %dma_start3A_2370 = arith.constant 0 : i32
      %dma_start3A_2371 = arith.constant 0 : i32
      %dma_start3A_2372 = tpu.memref_slice %arg13[%dma_start3A_2361, %dma_start3A_2370, %dma_start3A_2371] : memref<16x8x64xf32, #tpu.memory_space<vmem>> -> memref<1x8x64xf32, #tpu.memory_space<vmem>>
      %dma_start3A_2373 = tpu.memref_squeeze %dma_start3A_2372 : memref<1x8x64xf32, #tpu.memory_space<vmem>> -> memref<8x64xf32, #tpu.memory_space<vmem>>
      %dma_start3A_2374 = arith.constant 0 : i32
      %dma_start3A_2375 = arith.constant 0 : i32
      %dma_start3A_2376 = tpu.memref_slice %arg3[%squeeze3A_2360, %dma_start3A_2374, %dma_start3A_2375] : memref<125000x8x64xf32, #tpu.memory_space<hbm>> -> memref<1x8x64xf32, #tpu.memory_space<hbm>>
      %dma_start3A_2377 = tpu.memref_squeeze %dma_start3A_2376 : memref<1x8x64xf32, #tpu.memory_space<hbm>> -> memref<8x64xf32, #tpu.memory_space<hbm>>
      tpu.enqueue_dma source(%dma_start3A_2377 : memref<8x64xf32, #tpu.memory_space<hbm>>) target(%dma_start3A_2373 : memref<8x64xf32, #tpu.memory_space<vmem>>) target_semaphore(%arg16 : memref<!tpu.dma_semaphore, #tpu.memory_space<semaphore_mem>>)
      %slice3A_2378 = vector.extract_strided_slice %get3A_1921 {offsets = [12], sizes = [1], strides = [1]} : vector<16xi32> to vector<1xi32>
      %squeeze3A_2379 = vector.extract %slice3A_2378[0] : i32 from vector<1xi32>
      %dma_start3A_2380 = arith.constant 12 : i32
      %dma_start3A_2381 = arith.constant 0 : i32
      %dma_start3A_2382 = arith.constant 0 : i32
      %dma_start3A_2383 = tpu.memref_slice %arg11[%dma_start3A_2380, %dma_start3A_2381, %dma_start3A_2382] : memref<16x8x64xf32, #tpu.memory_space<vmem>> -> memref<1x8x64xf32, #tpu.memory_space<vmem>>
      %dma_start3A_2384 = tpu.memref_squeeze %dma_start3A_2383 : memref<1x8x64xf32, #tpu.memory_space<vmem>> -> memref<8x64xf32, #tpu.memory_space<vmem>>
      %dma_start3A_2385 = arith.constant 0 : i32
      %dma_start3A_2386 = arith.constant 0 : i32
      %dma_start3A_2387 = tpu.memref_slice %arg3[%squeeze3A_2379, %dma_start3A_2385, %dma_start3A_2386] : memref<125000x8x64xf32, #tpu.memory_space<hbm>> -> memref<1x8x64xf32, #tpu.memory_space<hbm>>
      %dma_start3A_2388 = tpu.memref_squeeze %dma_start3A_2387 : memref<1x8x64xf32, #tpu.memory_space<hbm>> -> memref<8x64xf32, #tpu.memory_space<hbm>>
      %dma_start3A_2389 = arith.constant 0 : i32
      %dma_start3A_2390 = arith.constant 0 : i32
      %dma_start3A_2391 = tpu.memref_slice %arg11[%dma_start3A_2380, %dma_start3A_2389, %dma_start3A_2390] : memref<16x8x64xf32, #tpu.memory_space<vmem>> -> memref<1x8x64xf32, #tpu.memory_space<vmem>>
      %dma_start3A_2392 = tpu.memref_squeeze %dma_start3A_2391 : memref<1x8x64xf32, #tpu.memory_space<vmem>> -> memref<8x64xf32, #tpu.memory_space<vmem>>
      %dma_start3A_2393 = arith.constant 0 : i32
      %dma_start3A_2394 = arith.constant 0 : i32
      %dma_start3A_2395 = tpu.memref_slice %arg3[%squeeze3A_2379, %dma_start3A_2393, %dma_start3A_2394] : memref<125000x8x64xf32, #tpu.memory_space<hbm>> -> memref<1x8x64xf32, #tpu.memory_space<hbm>>
      %dma_start3A_2396 = tpu.memref_squeeze %dma_start3A_2395 : memref<1x8x64xf32, #tpu.memory_space<hbm>> -> memref<8x64xf32, #tpu.memory_space<hbm>>
      tpu.enqueue_dma source(%dma_start3A_2396 : memref<8x64xf32, #tpu.memory_space<hbm>>) target(%dma_start3A_2392 : memref<8x64xf32, #tpu.memory_space<vmem>>) target_semaphore(%arg16 : memref<!tpu.dma_semaphore, #tpu.memory_space<semaphore_mem>>)
      %slice3A_2397 = vector.extract_strided_slice %get3A_1923 {offsets = [12], sizes = [1], strides = [1]} : vector<16xi32> to vector<1xi32>
      %squeeze3A_2398 = vector.extract %slice3A_2397[0] : i32 from vector<1xi32>
      %dma_start3A_2399 = arith.constant 12 : i32
      %dma_start3A_2400 = arith.constant 0 : i32
      %dma_start3A_2401 = arith.constant 0 : i32
      %dma_start3A_2402 = tpu.memref_slice %arg13[%dma_start3A_2399, %dma_start3A_2400, %dma_start3A_2401] : memref<16x8x64xf32, #tpu.memory_space<vmem>> -> memref<1x8x64xf32, #tpu.memory_space<vmem>>
      %dma_start3A_2403 = tpu.memref_squeeze %dma_start3A_2402 : memref<1x8x64xf32, #tpu.memory_space<vmem>> -> memref<8x64xf32, #tpu.memory_space<vmem>>
      %dma_start3A_2404 = arith.constant 0 : i32
      %dma_start3A_2405 = arith.constant 0 : i32
      %dma_start3A_2406 = tpu.memref_slice %arg3[%squeeze3A_2398, %dma_start3A_2404, %dma_start3A_2405] : memref<125000x8x64xf32, #tpu.memory_space<hbm>> -> memref<1x8x64xf32, #tpu.memory_space<hbm>>
      %dma_start3A_2407 = tpu.memref_squeeze %dma_start3A_2406 : memref<1x8x64xf32, #tpu.memory_space<hbm>> -> memref<8x64xf32, #tpu.memory_space<hbm>>
      %dma_start3A_2408 = arith.constant 0 : i32
      %dma_start3A_2409 = arith.constant 0 : i32
      %dma_start3A_2410 = tpu.memref_slice %arg13[%dma_start3A_2399, %dma_start3A_2408, %dma_start3A_2409] : memref<16x8x64xf32, #tpu.memory_space<vmem>> -> memref<1x8x64xf32, #tpu.memory_space<vmem>>
      %dma_start3A_2411 = tpu.memref_squeeze %dma_start3A_2410 : memref<1x8x64xf32, #tpu.memory_space<vmem>> -> memref<8x64xf32, #tpu.memory_space<vmem>>
      %dma_start3A_2412 = arith.constant 0 : i32
      %dma_start3A_2413 = arith.constant 0 : i32
      %dma_start3A_2414 = tpu.memref_slice %arg3[%squeeze3A_2398, %dma_start3A_2412, %dma_start3A_2413] : memref<125000x8x64xf32, #tpu.memory_space<hbm>> -> memref<1x8x64xf32, #tpu.memory_space<hbm>>
      %dma_start3A_2415 = tpu.memref_squeeze %dma_start3A_2414 : memref<1x8x64xf32, #tpu.memory_space<hbm>> -> memref<8x64xf32, #tpu.memory_space<hbm>>
      tpu.enqueue_dma source(%dma_start3A_2415 : memref<8x64xf32, #tpu.memory_space<hbm>>) target(%dma_start3A_2411 : memref<8x64xf32, #tpu.memory_space<vmem>>) target_semaphore(%arg16 : memref<!tpu.dma_semaphore, #tpu.memory_space<semaphore_mem>>)
      %slice3A_2416 = vector.extract_strided_slice %get3A_1921 {offsets = [13], sizes = [1], strides = [1]} : vector<16xi32> to vector<1xi32>
      %squeeze3A_2417 = vector.extract %slice3A_2416[0] : i32 from vector<1xi32>
      %dma_start3A_2418 = arith.constant 13 : i32
      %dma_start3A_2419 = arith.constant 0 : i32
      %dma_start3A_2420 = arith.constant 0 : i32
      %dma_start3A_2421 = tpu.memref_slice %arg11[%dma_start3A_2418, %dma_start3A_2419, %dma_start3A_2420] : memref<16x8x64xf32, #tpu.memory_space<vmem>> -> memref<1x8x64xf32, #tpu.memory_space<vmem>>
      %dma_start3A_2422 = tpu.memref_squeeze %dma_start3A_2421 : memref<1x8x64xf32, #tpu.memory_space<vmem>> -> memref<8x64xf32, #tpu.memory_space<vmem>>
      %dma_start3A_2423 = arith.constant 0 : i32
      %dma_start3A_2424 = arith.constant 0 : i32
      %dma_start3A_2425 = tpu.memref_slice %arg3[%squeeze3A_2417, %dma_start3A_2423, %dma_start3A_2424] : memref<125000x8x64xf32, #tpu.memory_space<hbm>> -> memref<1x8x64xf32, #tpu.memory_space<hbm>>
      %dma_start3A_2426 = tpu.memref_squeeze %dma_start3A_2425 : memref<1x8x64xf32, #tpu.memory_space<hbm>> -> memref<8x64xf32, #tpu.memory_space<hbm>>
      %dma_start3A_2427 = arith.constant 0 : i32
      %dma_start3A_2428 = arith.constant 0 : i32
      %dma_start3A_2429 = tpu.memref_slice %arg11[%dma_start3A_2418, %dma_start3A_2427, %dma_start3A_2428] : memref<16x8x64xf32, #tpu.memory_space<vmem>> -> memref<1x8x64xf32, #tpu.memory_space<vmem>>
      %dma_start3A_2430 = tpu.memref_squeeze %dma_start3A_2429 : memref<1x8x64xf32, #tpu.memory_space<vmem>> -> memref<8x64xf32, #tpu.memory_space<vmem>>
      %dma_start3A_2431 = arith.constant 0 : i32
      %dma_start3A_2432 = arith.constant 0 : i32
      %dma_start3A_2433 = tpu.memref_slice %arg3[%squeeze3A_2417, %dma_start3A_2431, %dma_start3A_2432] : memref<125000x8x64xf32, #tpu.memory_space<hbm>> -> memref<1x8x64xf32, #tpu.memory_space<hbm>>
      %dma_start3A_2434 = tpu.memref_squeeze %dma_start3A_2433 : memref<1x8x64xf32, #tpu.memory_space<hbm>> -> memref<8x64xf32, #tpu.memory_space<hbm>>
      tpu.enqueue_dma source(%dma_start3A_2434 : memref<8x64xf32, #tpu.memory_space<hbm>>) target(%dma_start3A_2430 : memref<8x64xf32, #tpu.memory_space<vmem>>) target_semaphore(%arg16 : memref<!tpu.dma_semaphore, #tpu.memory_space<semaphore_mem>>)
      %slice3A_2435 = vector.extract_strided_slice %get3A_1923 {offsets = [13], sizes = [1], strides = [1]} : vector<16xi32> to vector<1xi32>
      %squeeze3A_2436 = vector.extract %slice3A_2435[0] : i32 from vector<1xi32>
      %dma_start3A_2437 = arith.constant 13 : i32
      %dma_start3A_2438 = arith.constant 0 : i32
      %dma_start3A_2439 = arith.constant 0 : i32
      %dma_start3A_2440 = tpu.memref_slice %arg13[%dma_start3A_2437, %dma_start3A_2438, %dma_start3A_2439] : memref<16x8x64xf32, #tpu.memory_space<vmem>> -> memref<1x8x64xf32, #tpu.memory_space<vmem>>
      %dma_start3A_2441 = tpu.memref_squeeze %dma_start3A_2440 : memref<1x8x64xf32, #tpu.memory_space<vmem>> -> memref<8x64xf32, #tpu.memory_space<vmem>>
      %dma_start3A_2442 = arith.constant 0 : i32
      %dma_start3A_2443 = arith.constant 0 : i32
      %dma_start3A_2444 = tpu.memref_slice %arg3[%squeeze3A_2436, %dma_start3A_2442, %dma_start3A_2443] : memref<125000x8x64xf32, #tpu.memory_space<hbm>> -> memref<1x8x64xf32, #tpu.memory_space<hbm>>
      %dma_start3A_2445 = tpu.memref_squeeze %dma_start3A_2444 : memref<1x8x64xf32, #tpu.memory_space<hbm>> -> memref<8x64xf32, #tpu.memory_space<hbm>>
      %dma_start3A_2446 = arith.constant 0 : i32
      %dma_start3A_2447 = arith.constant 0 : i32
      %dma_start3A_2448 = tpu.memref_slice %arg13[%dma_start3A_2437, %dma_start3A_2446, %dma_start3A_2447] : memref<16x8x64xf32, #tpu.memory_space<vmem>> -> memref<1x8x64xf32, #tpu.memory_space<vmem>>
      %dma_start3A_2449 = tpu.memref_squeeze %dma_start3A_2448 : memref<1x8x64xf32, #tpu.memory_space<vmem>> -> memref<8x64xf32, #tpu.memory_space<vmem>>
      %dma_start3A_2450 = arith.constant 0 : i32
      %dma_start3A_2451 = arith.constant 0 : i32
      %dma_start3A_2452 = tpu.memref_slice %arg3[%squeeze3A_2436, %dma_start3A_2450, %dma_start3A_2451] : memref<125000x8x64xf32, #tpu.memory_space<hbm>> -> memref<1x8x64xf32, #tpu.memory_space<hbm>>
      %dma_start3A_2453 = tpu.memref_squeeze %dma_start3A_2452 : memref<1x8x64xf32, #tpu.memory_space<hbm>> -> memref<8x64xf32, #tpu.memory_space<hbm>>
      tpu.enqueue_dma source(%dma_start3A_2453 : memref<8x64xf32, #tpu.memory_space<hbm>>) target(%dma_start3A_2449 : memref<8x64xf32, #tpu.memory_space<vmem>>) target_semaphore(%arg16 : memref<!tpu.dma_semaphore, #tpu.memory_space<semaphore_mem>>)
      %slice3A_2454 = vector.extract_strided_slice %get3A_1921 {offsets = [14], sizes = [1], strides = [1]} : vector<16xi32> to vector<1xi32>
      %squeeze3A_2455 = vector.extract %slice3A_2454[0] : i32 from vector<1xi32>
      %dma_start3A_2456 = arith.constant 14 : i32
      %dma_start3A_2457 = arith.constant 0 : i32
      %dma_start3A_2458 = arith.constant 0 : i32
      %dma_start3A_2459 = tpu.memref_slice %arg11[%dma_start3A_2456, %dma_start3A_2457, %dma_start3A_2458] : memref<16x8x64xf32, #tpu.memory_space<vmem>> -> memref<1x8x64xf32, #tpu.memory_space<vmem>>
      %dma_start3A_2460 = tpu.memref_squeeze %dma_start3A_2459 : memref<1x8x64xf32, #tpu.memory_space<vmem>> -> memref<8x64xf32, #tpu.memory_space<vmem>>
      %dma_start3A_2461 = arith.constant 0 : i32
      %dma_start3A_2462 = arith.constant 0 : i32
      %dma_start3A_2463 = tpu.memref_slice %arg3[%squeeze3A_2455, %dma_start3A_2461, %dma_start3A_2462] : memref<125000x8x64xf32, #tpu.memory_space<hbm>> -> memref<1x8x64xf32, #tpu.memory_space<hbm>>
      %dma_start3A_2464 = tpu.memref_squeeze %dma_start3A_2463 : memref<1x8x64xf32, #tpu.memory_space<hbm>> -> memref<8x64xf32, #tpu.memory_space<hbm>>
      %dma_start3A_2465 = arith.constant 0 : i32
      %dma_start3A_2466 = arith.constant 0 : i32
      %dma_start3A_2467 = tpu.memref_slice %arg11[%dma_start3A_2456, %dma_start3A_2465, %dma_start3A_2466] : memref<16x8x64xf32, #tpu.memory_space<vmem>> -> memref<1x8x64xf32, #tpu.memory_space<vmem>>
      %dma_start3A_2468 = tpu.memref_squeeze %dma_start3A_2467 : memref<1x8x64xf32, #tpu.memory_space<vmem>> -> memref<8x64xf32, #tpu.memory_space<vmem>>
      %dma_start3A_2469 = arith.constant 0 : i32
      %dma_start3A_2470 = arith.constant 0 : i32
      %dma_start3A_2471 = tpu.memref_slice %arg3[%squeeze3A_2455, %dma_start3A_2469, %dma_start3A_2470] : memref<125000x8x64xf32, #tpu.memory_space<hbm>> -> memref<1x8x64xf32, #tpu.memory_space<hbm>>
      %dma_start3A_2472 = tpu.memref_squeeze %dma_start3A_2471 : memref<1x8x64xf32, #tpu.memory_space<hbm>> -> memref<8x64xf32, #tpu.memory_space<hbm>>
      tpu.enqueue_dma source(%dma_start3A_2472 : memref<8x64xf32, #tpu.memory_space<hbm>>) target(%dma_start3A_2468 : memref<8x64xf32, #tpu.memory_space<vmem>>) target_semaphore(%arg16 : memref<!tpu.dma_semaphore, #tpu.memory_space<semaphore_mem>>)
      %slice3A_2473 = vector.extract_strided_slice %get3A_1923 {offsets = [14], sizes = [1], strides = [1]} : vector<16xi32> to vector<1xi32>
      %squeeze3A_2474 = vector.extract %slice3A_2473[0] : i32 from vector<1xi32>
      %dma_start3A_2475 = arith.constant 14 : i32
      %dma_start3A_2476 = arith.constant 0 : i32
      %dma_start3A_2477 = arith.constant 0 : i32
      %dma_start3A_2478 = tpu.memref_slice %arg13[%dma_start3A_2475, %dma_start3A_2476, %dma_start3A_2477] : memref<16x8x64xf32, #tpu.memory_space<vmem>> -> memref<1x8x64xf32, #tpu.memory_space<vmem>>
      %dma_start3A_2479 = tpu.memref_squeeze %dma_start3A_2478 : memref<1x8x64xf32, #tpu.memory_space<vmem>> -> memref<8x64xf32, #tpu.memory_space<vmem>>
      %dma_start3A_2480 = arith.constant 0 : i32
      %dma_start3A_2481 = arith.constant 0 : i32
      %dma_start3A_2482 = tpu.memref_slice %arg3[%squeeze3A_2474, %dma_start3A_2480, %dma_start3A_2481] : memref<125000x8x64xf32, #tpu.memory_space<hbm>> -> memref<1x8x64xf32, #tpu.memory_space<hbm>>
      %dma_start3A_2483 = tpu.memref_squeeze %dma_start3A_2482 : memref<1x8x64xf32, #tpu.memory_space<hbm>> -> memref<8x64xf32, #tpu.memory_space<hbm>>
      %dma_start3A_2484 = arith.constant 0 : i32
      %dma_start3A_2485 = arith.constant 0 : i32
      %dma_start3A_2486 = tpu.memref_slice %arg13[%dma_start3A_2475, %dma_start3A_2484, %dma_start3A_2485] : memref<16x8x64xf32, #tpu.memory_space<vmem>> -> memref<1x8x64xf32, #tpu.memory_space<vmem>>
      %dma_start3A_2487 = tpu.memref_squeeze %dma_start3A_2486 : memref<1x8x64xf32, #tpu.memory_space<vmem>> -> memref<8x64xf32, #tpu.memory_space<vmem>>
      %dma_start3A_2488 = arith.constant 0 : i32
      %dma_start3A_2489 = arith.constant 0 : i32
      %dma_start3A_2490 = tpu.memref_slice %arg3[%squeeze3A_2474, %dma_start3A_2488, %dma_start3A_2489] : memref<125000x8x64xf32, #tpu.memory_space<hbm>> -> memref<1x8x64xf32, #tpu.memory_space<hbm>>
      %dma_start3A_2491 = tpu.memref_squeeze %dma_start3A_2490 : memref<1x8x64xf32, #tpu.memory_space<hbm>> -> memref<8x64xf32, #tpu.memory_space<hbm>>
      tpu.enqueue_dma source(%dma_start3A_2491 : memref<8x64xf32, #tpu.memory_space<hbm>>) target(%dma_start3A_2487 : memref<8x64xf32, #tpu.memory_space<vmem>>) target_semaphore(%arg16 : memref<!tpu.dma_semaphore, #tpu.memory_space<semaphore_mem>>)
      %slice3A_2492 = vector.extract_strided_slice %get3A_1921 {offsets = [15], sizes = [1], strides = [1]} : vector<16xi32> to vector<1xi32>
      %squeeze3A_2493 = vector.extract %slice3A_2492[0] : i32 from vector<1xi32>
      %dma_start3A_2494 = arith.constant 15 : i32
      %dma_start3A_2495 = arith.constant 0 : i32
      %dma_start3A_2496 = arith.constant 0 : i32
      %dma_start3A_2497 = tpu.memref_slice %arg11[%dma_start3A_2494, %dma_start3A_2495, %dma_start3A_2496] : memref<16x8x64xf32, #tpu.memory_space<vmem>> -> memref<1x8x64xf32, #tpu.memory_space<vmem>>
      %dma_start3A_2498 = tpu.memref_squeeze %dma_start3A_2497 : memref<1x8x64xf32, #tpu.memory_space<vmem>> -> memref<8x64xf32, #tpu.memory_space<vmem>>
      %dma_start3A_2499 = arith.constant 0 : i32
      %dma_start3A_2500 = arith.constant 0 : i32
      %dma_start3A_2501 = tpu.memref_slice %arg3[%squeeze3A_2493, %dma_start3A_2499, %dma_start3A_2500] : memref<125000x8x64xf32, #tpu.memory_space<hbm>> -> memref<1x8x64xf32, #tpu.memory_space<hbm>>
      %dma_start3A_2502 = tpu.memref_squeeze %dma_start3A_2501 : memref<1x8x64xf32, #tpu.memory_space<hbm>> -> memref<8x64xf32, #tpu.memory_space<hbm>>
      %dma_start3A_2503 = arith.constant 0 : i32
      %dma_start3A_2504 = arith.constant 0 : i32
      %dma_start3A_2505 = tpu.memref_slice %arg11[%dma_start3A_2494, %dma_start3A_2503, %dma_start3A_2504] : memref<16x8x64xf32, #tpu.memory_space<vmem>> -> memref<1x8x64xf32, #tpu.memory_space<vmem>>
      %dma_start3A_2506 = tpu.memref_squeeze %dma_start3A_2505 : memref<1x8x64xf32, #tpu.memory_space<vmem>> -> memref<8x64xf32, #tpu.memory_space<vmem>>
      %dma_start3A_2507 = arith.constant 0 : i32
      %dma_start3A_2508 = arith.constant 0 : i32
      %dma_start3A_2509 = tpu.memref_slice %arg3[%squeeze3A_2493, %dma_start3A_2507, %dma_start3A_2508] : memref<125000x8x64xf32, #tpu.memory_space<hbm>> -> memref<1x8x64xf32, #tpu.memory_space<hbm>>
      %dma_start3A_2510 = tpu.memref_squeeze %dma_start3A_2509 : memref<1x8x64xf32, #tpu.memory_space<hbm>> -> memref<8x64xf32, #tpu.memory_space<hbm>>
      tpu.enqueue_dma source(%dma_start3A_2510 : memref<8x64xf32, #tpu.memory_space<hbm>>) target(%dma_start3A_2506 : memref<8x64xf32, #tpu.memory_space<vmem>>) target_semaphore(%arg16 : memref<!tpu.dma_semaphore, #tpu.memory_space<semaphore_mem>>)
      %slice3A_2511 = vector.extract_strided_slice %get3A_1923 {offsets = [15], sizes = [1], strides = [1]} : vector<16xi32> to vector<1xi32>
      %squeeze3A_2512 = vector.extract %slice3A_2511[0] : i32 from vector<1xi32>
      %dma_start3A_2513 = arith.constant 15 : i32
      %dma_start3A_2514 = arith.constant 0 : i32
      %dma_start3A_2515 = arith.constant 0 : i32
      %dma_start3A_2516 = tpu.memref_slice %arg13[%dma_start3A_2513, %dma_start3A_2514, %dma_start3A_2515] : memref<16x8x64xf32, #tpu.memory_space<vmem>> -> memref<1x8x64xf32, #tpu.memory_space<vmem>>
      %dma_start3A_2517 = tpu.memref_squeeze %dma_start3A_2516 : memref<1x8x64xf32, #tpu.memory_space<vmem>> -> memref<8x64xf32, #tpu.memory_space<vmem>>
      %dma_start3A_2518 = arith.constant 0 : i32
      %dma_start3A_2519 = arith.constant 0 : i32
      %dma_start3A_2520 = tpu.memref_slice %arg3[%squeeze3A_2512, %dma_start3A_2518, %dma_start3A_2519] : memref<125000x8x64xf32, #tpu.memory_space<hbm>> -> memref<1x8x64xf32, #tpu.memory_space<hbm>>
      %dma_start3A_2521 = tpu.memref_squeeze %dma_start3A_2520 : memref<1x8x64xf32, #tpu.memory_space<hbm>> -> memref<8x64xf32, #tpu.memory_space<hbm>>
      %dma_start3A_2522 = arith.constant 0 : i32
      %dma_start3A_2523 = arith.constant 0 : i32
      %dma_start3A_2524 = tpu.memref_slice %arg13[%dma_start3A_2513, %dma_start3A_2522, %dma_start3A_2523] : memref<16x8x64xf32, #tpu.memory_space<vmem>> -> memref<1x8x64xf32, #tpu.memory_space<vmem>>
      %dma_start3A_2525 = tpu.memref_squeeze %dma_start3A_2524 : memref<1x8x64xf32, #tpu.memory_space<vmem>> -> memref<8x64xf32, #tpu.memory_space<vmem>>
      %dma_start3A_2526 = arith.constant 0 : i32
      %dma_start3A_2527 = arith.constant 0 : i32
      %dma_start3A_2528 = tpu.memref_slice %arg3[%squeeze3A_2512, %dma_start3A_2526, %dma_start3A_2527] : memref<125000x8x64xf32, #tpu.memory_space<hbm>> -> memref<1x8x64xf32, #tpu.memory_space<hbm>>
      %dma_start3A_2529 = tpu.memref_squeeze %dma_start3A_2528 : memref<1x8x64xf32, #tpu.memory_space<hbm>> -> memref<8x64xf32, #tpu.memory_space<hbm>>
      tpu.enqueue_dma source(%dma_start3A_2529 : memref<8x64xf32, #tpu.memory_space<hbm>>) target(%dma_start3A_2525 : memref<8x64xf32, #tpu.memory_space<vmem>>) target_semaphore(%arg16 : memref<!tpu.dma_semaphore, #tpu.memory_space<semaphore_mem>>)
      %dma_wait3A_2530 = arith.constant 0 : i32
      %dma_wait3A_2531 = arith.constant 0 : i32
      %dma_wait3A_2532 = arith.constant 0 : i32
      %dma_wait3A_2533 = tpu.memref_slice %arg3[%dma_wait3A_2530, %dma_wait3A_2531, %dma_wait3A_2532] : memref<125000x8x64xf32, #tpu.memory_space<hbm>> -> memref<16x8x64xf32, #tpu.memory_space<hbm>>
      %dma_wait3A_2534 = arith.constant 0 : i32
      %dma_wait3A_2535 = arith.constant 0 : i32
      %dma_wait3A_2536 = arith.constant 0 : i32
      %dma_wait3A_2537 = tpu.memref_slice %arg3[%dma_wait3A_2534, %dma_wait3A_2535, %dma_wait3A_2536] : memref<125000x8x64xf32, #tpu.memory_space<hbm>> -> memref<16x8x64xf32, #tpu.memory_space<hbm>>
      tpu.wait_dma2 semaphore(%arg16 : memref<!tpu.dma_semaphore, #tpu.memory_space<semaphore_mem>>) src(%dma_wait3A_2537 : memref<16x8x64xf32, #tpu.memory_space<hbm>>) dst(%arg11 : memref<16x8x64xf32, #tpu.memory_space<vmem>>)
      %dma_wait3A_2538 = arith.constant 0 : i32
      %dma_wait3A_2539 = arith.constant 0 : i32
      %dma_wait3A_2540 = arith.constant 0 : i32
      %dma_wait3A_2541 = tpu.memref_slice %arg3[%dma_wait3A_2538, %dma_wait3A_2539, %dma_wait3A_2540] : memref<125000x8x64xf32, #tpu.memory_space<hbm>> -> memref<16x8x64xf32, #tpu.memory_space<hbm>>
      %dma_wait3A_2542 = arith.constant 0 : i32
      %dma_wait3A_2543 = arith.constant 0 : i32
      %dma_wait3A_2544 = arith.constant 0 : i32
      %dma_wait3A_2545 = tpu.memref_slice %arg3[%dma_wait3A_2542, %dma_wait3A_2543, %dma_wait3A_2544] : memref<125000x8x64xf32, #tpu.memory_space<hbm>> -> memref<16x8x64xf32, #tpu.memory_space<hbm>>
      tpu.wait_dma2 semaphore(%arg16 : memref<!tpu.dma_semaphore, #tpu.memory_space<semaphore_mem>>) src(%dma_wait3A_2545 : memref<16x8x64xf32, #tpu.memory_space<hbm>>) dst(%arg13 : memref<16x8x64xf32, #tpu.memory_space<vmem>>)
      %jit3A = arith.constant 8 : i32
      %div3A = arith.divsi %scan3A_1918, %jit3A : i32
      %sign3A = arith.constant 0 : i32
      %sign3A_2546 = arith.cmpi sgt, %scan3A_1918, %sign3A : i32
      %sign3A_2547 = arith.extui %sign3A_2546 : i1 to i32
      %sign3A_2548 = arith.constant 0 : i32
      %sign3A_2549 = arith.cmpi slt, %scan3A_1918, %sign3A_2548 : i32
      %sign3A_2550 = arith.extui %sign3A_2549 : i1 to i32
      %sign3A_2551 = arith.subi %sign3A_2547, %sign3A_2550 : i32
      %sign3A_2552 = arith.constant 0 : i32
      %sign3A_2553 = arith.cmpi sgt, %jit3A, %sign3A_2552 : i32
      %sign3A_2554 = arith.extui %sign3A_2553 : i1 to i32
      %sign3A_2555 = arith.constant 0 : i32
      %sign3A_2556 = arith.cmpi slt, %jit3A, %sign3A_2555 : i32
      %sign3A_2557 = arith.extui %sign3A_2556 : i1 to i32
      %sign3A_2558 = arith.subi %sign3A_2554, %sign3A_2557 : i32
      %ne3A = arith.cmpi ne, %sign3A_2551, %sign3A_2558 : i32
      %rem3A = arith.remsi %scan3A_1918, %jit3A : i32
      %ne3A_2559 = arith.constant 0 : i32
      %ne3A_2560 = arith.cmpi ne, %rem3A, %ne3A_2559 : i32
      %and3A_2561 = arith.andi %ne3A, %ne3A_2560 : i1
      %sub3A = arith.constant 1 : i32
      %sub3A_2562 = arith.subi %div3A, %sub3A : i32
      %select_n3A = arith.select %and3A_2561, %sub3A_2562, %div3A : i32
      %jit3A_2563 = arith.constant 8 : i32
      %eq3A = arith.constant 0 : i32
      %eq3A_2564 = arith.cmpi eq, %jit3A_2563, %eq3A : i32
      %jit3A_2565 = arith.constant 1 : i32
      %select_n3A_2566 = arith.select %eq3A_2564, %jit3A_2565, %jit3A_2563 : i32
      %rem3A_2567 = arith.remsi %scan3A_1918, %select_n3A_2566 : i32
      %ne3A_2568 = arith.constant 0 : i32
      %ne3A_2569 = arith.cmpi ne, %rem3A_2567, %ne3A_2568 : i32
      %lt3A = arith.constant 0 : i32
      %lt3A_2570 = arith.cmpi slt, %rem3A_2567, %lt3A : i32
      %lt3A_2571 = arith.constant 0 : i32
      %lt3A_2572 = arith.cmpi slt, %select_n3A_2566, %lt3A_2571 : i32
      %ne3A_2573 = arith.xori %lt3A_2570, %lt3A_2572 : i1
      %and3A_2574 = arith.andi %ne3A_2573, %ne3A_2569 : i1
      %add3A_2575 = arith.addi %rem3A_2567, %select_n3A_2566 : i32
      %select_n3A_2576 = arith.select %and3A_2574, %add3A_2575, %rem3A_2567 : i32
      %mul3A_2577 = arith.constant 16 : i32
      %mul3A_2578 = arith.muli %select_n3A_2576, %mul3A_2577 : i32
      %get3A_2579 = arith.index_cast %mul3A_1920 : i32 to index
      %get3A_2580 = tpu.vector_load %arg10[%get3A_2579] {strides = array<i32>} : memref<512xi32, #tpu.memory_space<vmem>>, vector<16xi32>,
      %slice3A_2581 = vector.extract_strided_slice %get3A_2580 {offsets = [0], sizes = [1], strides = [1]} : vector<16xi32> to vector<1xi32>
      %squeeze3A_2582 = vector.extract %slice3A_2581[0] : i32 from vector<1xi32>
      %and3A_2583 = arith.constant 7 : i32
      %and3A_2584 = arith.andi %squeeze3A_2582, %and3A_2583 : i32
      %shift_right_arithmetic3A_2585 = arith.constant 8 : i32
      %shift_right_arithmetic3A_2586 = arith.shrsi %squeeze3A_2582, %shift_right_arithmetic3A_2585 : i32
      %and3A_2587 = arith.constant 1 : i32
      %and3A_2588 = arith.andi %shift_right_arithmetic3A_2586, %and3A_2587 : i32
      %mul3A_2589 = arith.constant 64 : i32
      %mul3A_2590 = arith.muli %and3A_2588, %mul3A_2589 : i32
      %multiple_of3A = tpu.assume_multiple %mul3A_2590, 16 : i32
      %shift_right_arithmetic3A_2591 = arith.constant 16 : i32
      %shift_right_arithmetic3A_2592 = arith.shrsi %squeeze3A_2582, %shift_right_arithmetic3A_2591 : i32
      %and3A_2593 = arith.constant 7 : i32
      %and3A_2594 = arith.andi %shift_right_arithmetic3A_2592, %and3A_2593 : i32
      %broadcast_in_dim3A = arith.constant 0.000000e+00 : f32
      %broadcast_in_dim3A_2595 = vector.broadcast %broadcast_in_dim3A : f32 to vector<16xf32>
      %get3A_2596 = arith.constant 0 : i32
      %get3A_2597 = arith.index_cast %get3A_2596 : i32 to index
      %get3A_2598 = arith.index_cast %and3A_2584 : i32 to index
      %get3A_2599 = arith.constant 0 : index
      %get3A_2600 = tpu.vector_load %arg11[%get3A_2597, %get3A_2598, %get3A_2599] {strides = array<i32>} : memref<16x8x64xf32, #tpu.memory_space<vmem>>, vector<16xf32>,
      %add3A_2601 = arith.constant 0 : i32
      %add3A_2602 = arith.addi %mul3A_2578, %add3A_2601 : i32
      %add3A_2603 = arith.constant 0 : i32
      %add3A_2604 = arith.addi %multiple_of3A, %add3A_2603 : i32
      %get3A_2605 = arith.index_cast %select_n3A : i32 to index
      %get3A_2606 = arith.index_cast %add3A_2602 : i32 to index
      %get3A_2607 = arith.index_cast %add3A_2604 : i32 to index
      %get3A_2608 = tpu.vector_load %arg12[%get3A_2605, %get3A_2606, %get3A_2607] {strides = array<i32>} : memref<4x128x128xf32, #tpu.memory_space<vmem>>, vector<16xf32>,
      %get3A_2609 = arith.constant 0 : i32
      %get3A_2610 = arith.index_cast %get3A_2609 : i32 to index
      %get3A_2611 = arith.index_cast %and3A_2594 : i32 to index
      %get3A_2612 = arith.constant 0 : index
      %get3A_2613 = tpu.vector_load %arg13[%get3A_2610, %get3A_2611, %get3A_2612] {strides = array<i32>} : memref<16x8x64xf32, #tpu.memory_space<vmem>>, vector<16xf32>,
      %add3A_2614 = arith.addf %get3A_2600, %get3A_2608 : vector<16xf32>
      %sub3A_2615 = arith.subf %add3A_2614, %get3A_2613 : vector<16xf32>
      %abs3A = math.absf %sub3A_2615 : vector<16xf32>
      %add3A_2616 = arith.addf %broadcast_in_dim3A_2595, %abs3A : vector<16xf32>
      %get3A_2617 = arith.constant 0 : i32
      %get3A_2618 = arith.index_cast %get3A_2617 : i32 to index
      %get3A_2619 = arith.index_cast %and3A_2584 : i32 to index
      %get3A_2620 = arith.constant 16 : index
      %get3A_2621 = tpu.vector_load %arg11[%get3A_2618, %get3A_2619, %get3A_2620] {strides = array<i32>} : memref<16x8x64xf32, #tpu.memory_space<vmem>>, vector<16xf32>,
      %add3A_2622 = arith.constant 0 : i32
      %add3A_2623 = arith.addi %mul3A_2578, %add3A_2622 : i32
      %add3A_2624 = arith.constant 16 : i32
      %add3A_2625 = arith.addi %multiple_of3A, %add3A_2624 : i32
      %get3A_2626 = arith.index_cast %select_n3A : i32 to index
      %get3A_2627 = arith.index_cast %add3A_2623 : i32 to index
      %get3A_2628 = arith.index_cast %add3A_2625 : i32 to index
      %get3A_2629 = tpu.vector_load %arg12[%get3A_2626, %get3A_2627, %get3A_2628] {strides = array<i32>} : memref<4x128x128xf32, #tpu.memory_space<vmem>>, vector<16xf32>,
      %get3A_2630 = arith.constant 0 : i32
      %get3A_2631 = arith.index_cast %get3A_2630 : i32 to index
      %get3A_2632 = arith.index_cast %and3A_2594 : i32 to index
      %get3A_2633 = arith.constant 16 : index
      %get3A_2634 = tpu.vector_load %arg13[%get3A_2631, %get3A_2632, %get3A_2633] {strides = array<i32>} : memref<16x8x64xf32, #tpu.memory_space<vmem>>, vector<16xf32>,
      %add3A_2635 = arith.addf %get3A_2621, %get3A_2629 : vector<16xf32>
      %sub3A_2636 = arith.subf %add3A_2635, %get3A_2634 : vector<16xf32>
      %abs3A_2637 = math.absf %sub3A_2636 : vector<16xf32>
      %add3A_2638 = arith.addf %add3A_2616, %abs3A_2637 : vector<16xf32>
      %get3A_2639 = arith.constant 0 : i32
      %get3A_2640 = arith.index_cast %get3A_2639 : i32 to index
      %get3A_2641 = arith.index_cast %and3A_2584 : i32 to index
      %get3A_2642 = arith.constant 32 : index
      %get3A_2643 = tpu.vector_load %arg11[%get3A_2640, %get3A_2641, %get3A_2642] {strides = array<i32>} : memref<16x8x64xf32, #tpu.memory_space<vmem>>, vector<16xf32>,
      %add3A_2644 = arith.constant 0 : i32
      %add3A_2645 = arith.addi %mul3A_2578, %add3A_2644 : i32
      %add3A_2646 = arith.constant 32 : i32
      %add3A_2647 = arith.addi %multiple_of3A, %add3A_2646 : i32
      %get3A_2648 = arith.index_cast %select_n3A : i32 to index
      %get3A_2649 = arith.index_cast %add3A_2645 : i32 to index
      %get3A_2650 = arith.index_cast %add3A_2647 : i32 to index
      %get3A_2651 = tpu.vector_load %arg12[%get3A_2648, %get3A_2649, %get3A_2650] {strides = array<i32>} : memref<4x128x128xf32, #tpu.memory_space<vmem>>, vector<16xf32>,
      %get3A_2652 = arith.constant 0 : i32
      %get3A_2653 = arith.index_cast %get3A_2652 : i32 to index
      %get3A_2654 = arith.index_cast %and3A_2594 : i32 to index
      %get3A_2655 = arith.constant 32 : index
      %get3A_2656 = tpu.vector_load %arg13[%get3A_2653, %get3A_2654, %get3A_2655] {strides = array<i32>} : memref<16x8x64xf32, #tpu.memory_space<vmem>>, vector<16xf32>,
      %add3A_2657 = arith.addf %get3A_2643, %get3A_2651 : vector<16xf32>
      %sub3A_2658 = arith.subf %add3A_2657, %get3A_2656 : vector<16xf32>
      %abs3A_2659 = math.absf %sub3A_2658 : vector<16xf32>
      %add3A_2660 = arith.addf %add3A_2638, %abs3A_2659 : vector<16xf32>
      %get3A_2661 = arith.constant 0 : i32
      %get3A_2662 = arith.index_cast %get3A_2661 : i32 to index
      %get3A_2663 = arith.index_cast %and3A_2584 : i32 to index
      %get3A_2664 = arith.constant 48 : index
      %get3A_2665 = tpu.vector_load %arg11[%get3A_2662, %get3A_2663, %get3A_2664] {strides = array<i32>} : memref<16x8x64xf32, #tpu.memory_space<vmem>>, vector<16xf32>,
      %add3A_2666 = arith.constant 0 : i32
      %add3A_2667 = arith.addi %mul3A_2578, %add3A_2666 : i32
      %add3A_2668 = arith.constant 48 : i32
      %add3A_2669 = arith.addi %multiple_of3A, %add3A_2668 : i32
      %get3A_2670 = arith.index_cast %select_n3A : i32 to index
      %get3A_2671 = arith.index_cast %add3A_2667 : i32 to index
      %get3A_2672 = arith.index_cast %add3A_2669 : i32 to index
      %get3A_2673 = tpu.vector_load %arg12[%get3A_2670, %get3A_2671, %get3A_2672] {strides = array<i32>} : memref<4x128x128xf32, #tpu.memory_space<vmem>>, vector<16xf32>,
      %get3A_2674 = arith.constant 0 : i32
      %get3A_2675 = arith.index_cast %get3A_2674 : i32 to index
      %get3A_2676 = arith.index_cast %and3A_2594 : i32 to index
      %get3A_2677 = arith.constant 48 : index
      %get3A_2678 = tpu.vector_load %arg13[%get3A_2675, %get3A_2676, %get3A_2677] {strides = array<i32>} : memref<16x8x64xf32, #tpu.memory_space<vmem>>, vector<16xf32>,
      %add3A_2679 = arith.addf %get3A_2665, %get3A_2673 : vector<16xf32>
      %sub3A_2680 = arith.subf %add3A_2679, %get3A_2678 : vector<16xf32>
      %abs3A_2681 = math.absf %sub3A_2680 : vector<16xf32>
      %add3A_2682 = arith.addf %add3A_2660, %abs3A_2681 : vector<16xf32>
      %swap3A_2683 = arith.constant 0 : i32
      %swap3A_2684 = arith.index_cast %swap3A_2683 : i32 to index
      %swap3A_2685 = arith.constant 0 : index
      %swap3A_2686 = tpu.vector_load %arg14[%swap3A_2684, %swap3A_2685] {strides = array<i32>} : memref<16x17xf32, #tpu.memory_space<vmem>>, vector<16xf32>,
      tpu.vector_store %arg14[%swap3A_2684, %swap3A_2685], %add3A_2682 {strides = array<i32>} : memref<16x17xf32, #tpu.memory_space<vmem>>, vector<16xf32>,
      %slice3A_2687 = vector.extract_strided_slice %get3A_2580 {offsets = [1], sizes = [1], strides = [1]} : vector<16xi32> to vector<1xi32>
      %squeeze3A_2688 = vector.extract %slice3A_2687[0] : i32 from vector<1xi32>
      %and3A_2689 = arith.constant 7 : i32
      %and3A_2690 = arith.andi %squeeze3A_2688, %and3A_2689 : i32
      %shift_right_arithmetic3A_2691 = arith.constant 8 : i32
      %shift_right_arithmetic3A_2692 = arith.shrsi %squeeze3A_2688, %shift_right_arithmetic3A_2691 : i32
      %and3A_2693 = arith.constant 1 : i32
      %and3A_2694 = arith.andi %shift_right_arithmetic3A_2692, %and3A_2693 : i32
      %mul3A_2695 = arith.constant 64 : i32
      %mul3A_2696 = arith.muli %and3A_2694, %mul3A_2695 : i32
      %multiple_of3A_2697 = tpu.assume_multiple %mul3A_2696, 16 : i32
      %shift_right_arithmetic3A_2698 = arith.constant 16 : i32
      %shift_right_arithmetic3A_2699 = arith.shrsi %squeeze3A_2688, %shift_right_arithmetic3A_2698 : i32
      %and3A_2700 = arith.constant 7 : i32
      %and3A_2701 = arith.andi %shift_right_arithmetic3A_2699, %and3A_2700 : i32
      %broadcast_in_dim3A_2702 = arith.constant 0.000000e+00 : f32
      %broadcast_in_dim3A_2703 = vector.broadcast %broadcast_in_dim3A_2702 : f32 to vector<16xf32>
      %get3A_2704 = arith.constant 1 : i32
      %get3A_2705 = arith.index_cast %get3A_2704 : i32 to index
      %get3A_2706 = arith.index_cast %and3A_2690 : i32 to index
      %get3A_2707 = arith.constant 0 : index
      %get3A_2708 = tpu.vector_load %arg11[%get3A_2705, %get3A_2706, %get3A_2707] {strides = array<i32>} : memref<16x8x64xf32, #tpu.memory_space<vmem>>, vector<16xf32>,
      %add3A_2709 = arith.constant 1 : i32
      %add3A_2710 = arith.addi %mul3A_2578, %add3A_2709 : i32
      %add3A_2711 = arith.constant 0 : i32
      %add3A_2712 = arith.addi %multiple_of3A_2697, %add3A_2711 : i32
      %get3A_2713 = arith.index_cast %select_n3A : i32 to index
      %get3A_2714 = arith.index_cast %add3A_2710 : i32 to index
      %get3A_2715 = arith.index_cast %add3A_2712 : i32 to index
      %get3A_2716 = tpu.vector_load %arg12[%get3A_2713, %get3A_2714, %get3A_2715] {strides = array<i32>} : memref<4x128x128xf32, #tpu.memory_space<vmem>>, vector<16xf32>,
      %get3A_2717 = arith.constant 1 : i32
      %get3A_2718 = arith.index_cast %get3A_2717 : i32 to index
      %get3A_2719 = arith.index_cast %and3A_2701 : i32 to index
      %get3A_2720 = arith.constant 0 : index
      %get3A_2721 = tpu.vector_load %arg13[%get3A_2718, %get3A_2719, %get3A_2720] {strides = array<i32>} : memref<16x8x64xf32, #tpu.memory_space<vmem>>, vector<16xf32>,
      %add3A_2722 = arith.addf %get3A_2708, %get3A_2716 : vector<16xf32>
      %sub3A_2723 = arith.subf %add3A_2722, %get3A_2721 : vector<16xf32>
      %abs3A_2724 = math.absf %sub3A_2723 : vector<16xf32>
      %add3A_2725 = arith.addf %broadcast_in_dim3A_2703, %abs3A_2724 : vector<16xf32>
      %get3A_2726 = arith.constant 1 : i32
      %get3A_2727 = arith.index_cast %get3A_2726 : i32 to index
      %get3A_2728 = arith.index_cast %and3A_2690 : i32 to index
      %get3A_2729 = arith.constant 16 : index
      %get3A_2730 = tpu.vector_load %arg11[%get3A_2727, %get3A_2728, %get3A_2729] {strides = array<i32>} : memref<16x8x64xf32, #tpu.memory_space<vmem>>, vector<16xf32>,
      %add3A_2731 = arith.constant 1 : i32
      %add3A_2732 = arith.addi %mul3A_2578, %add3A_2731 : i32
      %add3A_2733 = arith.constant 16 : i32
      %add3A_2734 = arith.addi %multiple_of3A_2697, %add3A_2733 : i32
      %get3A_2735 = arith.index_cast %select_n3A : i32 to index
      %get3A_2736 = arith.index_cast %add3A_2732 : i32 to index
      %get3A_2737 = arith.index_cast %add3A_2734 : i32 to index
      %get3A_2738 = tpu.vector_load %arg12[%get3A_2735, %get3A_2736, %get3A_2737] {strides = array<i32>} : memref<4x128x128xf32, #tpu.memory_space<vmem>>, vector<16xf32>,
      %get3A_2739 = arith.constant 1 : i32
      %get3A_2740 = arith.index_cast %get3A_2739 : i32 to index
      %get3A_2741 = arith.index_cast %and3A_2701 : i32 to index
      %get3A_2742 = arith.constant 16 : index
      %get3A_2743 = tpu.vector_load %arg13[%get3A_2740, %get3A_2741, %get3A_2742] {strides = array<i32>} : memref<16x8x64xf32, #tpu.memory_space<vmem>>, vector<16xf32>,
      %add3A_2744 = arith.addf %get3A_2730, %get3A_2738 : vector<16xf32>
      %sub3A_2745 = arith.subf %add3A_2744, %get3A_2743 : vector<16xf32>
      %abs3A_2746 = math.absf %sub3A_2745 : vector<16xf32>
      %add3A_2747 = arith.addf %add3A_2725, %abs3A_2746 : vector<16xf32>
      %get3A_2748 = arith.constant 1 : i32
      %get3A_2749 = arith.index_cast %get3A_2748 : i32 to index
      %get3A_2750 = arith.index_cast %and3A_2690 : i32 to index
      %get3A_2751 = arith.constant 32 : index
      %get3A_2752 = tpu.vector_load %arg11[%get3A_2749, %get3A_2750, %get3A_2751] {strides = array<i32>} : memref<16x8x64xf32, #tpu.memory_space<vmem>>, vector<16xf32>,
      %add3A_2753 = arith.constant 1 : i32
      %add3A_2754 = arith.addi %mul3A_2578, %add3A_2753 : i32
      %add3A_2755 = arith.constant 32 : i32
      %add3A_2756 = arith.addi %multiple_of3A_2697, %add3A_2755 : i32
      %get3A_2757 = arith.index_cast %select_n3A : i32 to index
      %get3A_2758 = arith.index_cast %add3A_2754 : i32 to index
      %get3A_2759 = arith.index_cast %add3A_2756 : i32 to index
      %get3A_2760 = tpu.vector_load %arg12[%get3A_2757, %get3A_2758, %get3A_2759] {strides = array<i32>} : memref<4x128x128xf32, #tpu.memory_space<vmem>>, vector<16xf32>,
      %get3A_2761 = arith.constant 1 : i32
      %get3A_2762 = arith.index_cast %get3A_2761 : i32 to index
      %get3A_2763 = arith.index_cast %and3A_2701 : i32 to index
      %get3A_2764 = arith.constant 32 : index
      %get3A_2765 = tpu.vector_load %arg13[%get3A_2762, %get3A_2763, %get3A_2764] {strides = array<i32>} : memref<16x8x64xf32, #tpu.memory_space<vmem>>, vector<16xf32>,
      %add3A_2766 = arith.addf %get3A_2752, %get3A_2760 : vector<16xf32>
      %sub3A_2767 = arith.subf %add3A_2766, %get3A_2765 : vector<16xf32>
      %abs3A_2768 = math.absf %sub3A_2767 : vector<16xf32>
      %add3A_2769 = arith.addf %add3A_2747, %abs3A_2768 : vector<16xf32>
      %get3A_2770 = arith.constant 1 : i32
      %get3A_2771 = arith.index_cast %get3A_2770 : i32 to index
      %get3A_2772 = arith.index_cast %and3A_2690 : i32 to index
      %get3A_2773 = arith.constant 48 : index
      %get3A_2774 = tpu.vector_load %arg11[%get3A_2771, %get3A_2772, %get3A_2773] {strides = array<i32>} : memref<16x8x64xf32, #tpu.memory_space<vmem>>, vector<16xf32>,
      %add3A_2775 = arith.constant 1 : i32
      %add3A_2776 = arith.addi %mul3A_2578, %add3A_2775 : i32
      %add3A_2777 = arith.constant 48 : i32
      %add3A_2778 = arith.addi %multiple_of3A_2697, %add3A_2777 : i32
      %get3A_2779 = arith.index_cast %select_n3A : i32 to index
      %get3A_2780 = arith.index_cast %add3A_2776 : i32 to index
      %get3A_2781 = arith.index_cast %add3A_2778 : i32 to index
      %get3A_2782 = tpu.vector_load %arg12[%get3A_2779, %get3A_2780, %get3A_2781] {strides = array<i32>} : memref<4x128x128xf32, #tpu.memory_space<vmem>>, vector<16xf32>,
      %get3A_2783 = arith.constant 1 : i32
      %get3A_2784 = arith.index_cast %get3A_2783 : i32 to index
      %get3A_2785 = arith.index_cast %and3A_2701 : i32 to index
      %get3A_2786 = arith.constant 48 : index
      %get3A_2787 = tpu.vector_load %arg13[%get3A_2784, %get3A_2785, %get3A_2786] {strides = array<i32>} : memref<16x8x64xf32, #tpu.memory_space<vmem>>, vector<16xf32>,
      %add3A_2788 = arith.addf %get3A_2774, %get3A_2782 : vector<16xf32>
      %sub3A_2789 = arith.subf %add3A_2788, %get3A_2787 : vector<16xf32>
      %abs3A_2790 = math.absf %sub3A_2789 : vector<16xf32>
      %add3A_2791 = arith.addf %add3A_2769, %abs3A_2790 : vector<16xf32>
      %swap3A_2792 = arith.constant 1 : i32
      %swap3A_2793 = arith.index_cast %swap3A_2792 : i32 to index
      %swap3A_2794 = arith.constant 0 : index
      %swap3A_2795 = tpu.vector_load %arg14[%swap3A_2793, %swap3A_2794] {strides = array<i32>} : memref<16x17xf32, #tpu.memory_space<vmem>>, vector<16xf32>,
      tpu.vector_store %arg14[%swap3A_2793, %swap3A_2794], %add3A_2791 {strides = array<i32>} : memref<16x17xf32, #tpu.memory_space<vmem>>, vector<16xf32>,
      %slice3A_2796 = vector.extract_strided_slice %get3A_2580 {offsets = [2], sizes = [1], strides = [1]} : vector<16xi32> to vector<1xi32>
      %squeeze3A_2797 = vector.extract %slice3A_2796[0] : i32 from vector<1xi32>
      %and3A_2798 = arith.constant 7 : i32
      %and3A_2799 = arith.andi %squeeze3A_2797, %and3A_2798 : i32
      %shift_right_arithmetic3A_2800 = arith.constant 8 : i32
      %shift_right_arithmetic3A_2801 = arith.shrsi %squeeze3A_2797, %shift_right_arithmetic3A_2800 : i32
      %and3A_2802 = arith.constant 1 : i32
      %and3A_2803 = arith.andi %shift_right_arithmetic3A_2801, %and3A_2802 : i32
      %mul3A_2804 = arith.constant 64 : i32
      %mul3A_2805 = arith.muli %and3A_2803, %mul3A_2804 : i32
      %multiple_of3A_2806 = tpu.assume_multiple %mul3A_2805, 16 : i32
      %shift_right_arithmetic3A_2807 = arith.constant 16 : i32
      %shift_right_arithmetic3A_2808 = arith.shrsi %squeeze3A_2797, %shift_right_arithmetic3A_2807 : i32
      %and3A_2809 = arith.constant 7 : i32
      %and3A_2810 = arith.andi %shift_right_arithmetic3A_2808, %and3A_2809 : i32
      %broadcast_in_dim3A_2811 = arith.constant 0.000000e+00 : f32
      %broadcast_in_dim3A_2812 = vector.broadcast %broadcast_in_dim3A_2811 : f32 to vector<16xf32>
      %get3A_2813 = arith.constant 2 : i32
      %get3A_2814 = arith.index_cast %get3A_2813 : i32 to index
      %get3A_2815 = arith.index_cast %and3A_2799 : i32 to index
      %get3A_2816 = arith.constant 0 : index
      %get3A_2817 = tpu.vector_load %arg11[%get3A_2814, %get3A_2815, %get3A_2816] {strides = array<i32>} : memref<16x8x64xf32, #tpu.memory_space<vmem>>, vector<16xf32>,
      %add3A_2818 = arith.constant 2 : i32
      %add3A_2819 = arith.addi %mul3A_2578, %add3A_2818 : i32
      %add3A_2820 = arith.constant 0 : i32
      %add3A_2821 = arith.addi %multiple_of3A_2806, %add3A_2820 : i32
      %get3A_2822 = arith.index_cast %select_n3A : i32 to index
      %get3A_2823 = arith.index_cast %add3A_2819 : i32 to index
      %get3A_2824 = arith.index_cast %add3A_2821 : i32 to index
      %get3A_2825 = tpu.vector_load %arg12[%get3A_2822, %get3A_2823, %get3A_2824] {strides = array<i32>} : memref<4x128x128xf32, #tpu.memory_space<vmem>>, vector<16xf32>,
      %get3A_2826 = arith.constant 2 : i32
      %get3A_2827 = arith.index_cast %get3A_2826 : i32 to index
      %get3A_2828 = arith.index_cast %and3A_2810 : i32 to index
      %get3A_2829 = arith.constant 0 : index
      %get3A_2830 = tpu.vector_load %arg13[%get3A_2827, %get3A_2828, %get3A_2829] {strides = array<i32>} : memref<16x8x64xf32, #tpu.memory_space<vmem>>, vector<16xf32>,
      %add3A_2831 = arith.addf %get3A_2817, %get3A_2825 : vector<16xf32>
      %sub3A_2832 = arith.subf %add3A_2831, %get3A_2830 : vector<16xf32>
      %abs3A_2833 = math.absf %sub3A_2832 : vector<16xf32>
      %add3A_2834 = arith.addf %broadcast_in_dim3A_2812, %abs3A_2833 : vector<16xf32>
      %get3A_2835 = arith.constant 2 : i32
      %get3A_2836 = arith.index_cast %get3A_2835 : i32 to index
      %get3A_2837 = arith.index_cast %and3A_2799 : i32 to index
      %get3A_2838 = arith.constant 16 : index
      %get3A_2839 = tpu.vector_load %arg11[%get3A_2836, %get3A_2837, %get3A_2838] {strides = array<i32>} : memref<16x8x64xf32, #tpu.memory_space<vmem>>, vector<16xf32>,
      %add3A_2840 = arith.constant 2 : i32
      %add3A_2841 = arith.addi %mul3A_2578, %add3A_2840 : i32
      %add3A_2842 = arith.constant 16 : i32
      %add3A_2843 = arith.addi %multiple_of3A_2806, %add3A_2842 : i32
      %get3A_2844 = arith.index_cast %select_n3A : i32 to index
      %get3A_2845 = arith.index_cast %add3A_2841 : i32 to index
      %get3A_2846 = arith.index_cast %add3A_2843 : i32 to index
      %get3A_2847 = tpu.vector_load %arg12[%get3A_2844, %get3A_2845, %get3A_2846] {strides = array<i32>} : memref<4x128x128xf32, #tpu.memory_space<vmem>>, vector<16xf32>,
      %get3A_2848 = arith.constant 2 : i32
      %get3A_2849 = arith.index_cast %get3A_2848 : i32 to index
      %get3A_2850 = arith.index_cast %and3A_2810 : i32 to index
      %get3A_2851 = arith.constant 16 : index
      %get3A_2852 = tpu.vector_load %arg13[%get3A_2849, %get3A_2850, %get3A_2851] {strides = array<i32>} : memref<16x8x64xf32, #tpu.memory_space<vmem>>, vector<16xf32>,
      %add3A_2853 = arith.addf %get3A_2839, %get3A_2847 : vector<16xf32>
      %sub3A_2854 = arith.subf %add3A_2853, %get3A_2852 : vector<16xf32>
      %abs3A_2855 = math.absf %sub3A_2854 : vector<16xf32>
      %add3A_2856 = arith.addf %add3A_2834, %abs3A_2855 : vector<16xf32>
      %get3A_2857 = arith.constant 2 : i32
      %get3A_2858 = arith.index_cast %get3A_2857 : i32 to index
      %get3A_2859 = arith.index_cast %and3A_2799 : i32 to index
      %get3A_2860 = arith.constant 32 : index
      %get3A_2861 = tpu.vector_load %arg11[%get3A_2858, %get3A_2859, %get3A_2860] {strides = array<i32>} : memref<16x8x64xf32, #tpu.memory_space<vmem>>, vector<16xf32>,
      %add3A_2862 = arith.constant 2 : i32
      %add3A_2863 = arith.addi %mul3A_2578, %add3A_2862 : i32
      %add3A_2864 = arith.constant 32 : i32
      %add3A_2865 = arith.addi %multiple_of3A_2806, %add3A_2864 : i32
      %get3A_2866 = arith.index_cast %select_n3A : i32 to index
      %get3A_2867 = arith.index_cast %add3A_2863 : i32 to index
      %get3A_2868 = arith.index_cast %add3A_2865 : i32 to index
      %get3A_2869 = tpu.vector_load %arg12[%get3A_2866, %get3A_2867, %get3A_2868] {strides = array<i32>} : memref<4x128x128xf32, #tpu.memory_space<vmem>>, vector<16xf32>,
      %get3A_2870 = arith.constant 2 : i32
      %get3A_2871 = arith.index_cast %get3A_2870 : i32 to index
      %get3A_2872 = arith.index_cast %and3A_2810 : i32 to index
      %get3A_2873 = arith.constant 32 : index
      %get3A_2874 = tpu.vector_load %arg13[%get3A_2871, %get3A_2872, %get3A_2873] {strides = array<i32>} : memref<16x8x64xf32, #tpu.memory_space<vmem>>, vector<16xf32>,
      %add3A_2875 = arith.addf %get3A_2861, %get3A_2869 : vector<16xf32>
      %sub3A_2876 = arith.subf %add3A_2875, %get3A_2874 : vector<16xf32>
      %abs3A_2877 = math.absf %sub3A_2876 : vector<16xf32>
      %add3A_2878 = arith.addf %add3A_2856, %abs3A_2877 : vector<16xf32>
      %get3A_2879 = arith.constant 2 : i32
      %get3A_2880 = arith.index_cast %get3A_2879 : i32 to index
      %get3A_2881 = arith.index_cast %and3A_2799 : i32 to index
      %get3A_2882 = arith.constant 48 : index
      %get3A_2883 = tpu.vector_load %arg11[%get3A_2880, %get3A_2881, %get3A_2882] {strides = array<i32>} : memref<16x8x64xf32, #tpu.memory_space<vmem>>, vector<16xf32>,
      %add3A_2884 = arith.constant 2 : i32
      %add3A_2885 = arith.addi %mul3A_2578, %add3A_2884 : i32
      %add3A_2886 = arith.constant 48 : i32
      %add3A_2887 = arith.addi %multiple_of3A_2806, %add3A_2886 : i32
      %get3A_2888 = arith.index_cast %select_n3A : i32 to index
      %get3A_2889 = arith.index_cast %add3A_2885 : i32 to index
      %get3A_2890 = arith.index_cast %add3A_2887 : i32 to index
      %get3A_2891 = tpu.vector_load %arg12[%get3A_2888, %get3A_2889, %get3A_2890] {strides = array<i32>} : memref<4x128x128xf32, #tpu.memory_space<vmem>>, vector<16xf32>,
      %get3A_2892 = arith.constant 2 : i32
      %get3A_2893 = arith.index_cast %get3A_2892 : i32 to index
      %get3A_2894 = arith.index_cast %and3A_2810 : i32 to index
      %get3A_2895 = arith.constant 48 : index
      %get3A_2896 = tpu.vector_load %arg13[%get3A_2893, %get3A_2894, %get3A_2895] {strides = array<i32>} : memref<16x8x64xf32, #tpu.memory_space<vmem>>, vector<16xf32>,
      %add3A_2897 = arith.addf %get3A_2883, %get3A_2891 : vector<16xf32>
      %sub3A_2898 = arith.subf %add3A_2897, %get3A_2896 : vector<16xf32>
      %abs3A_2899 = math.absf %sub3A_2898 : vector<16xf32>
      %add3A_2900 = arith.addf %add3A_2878, %abs3A_2899 : vector<16xf32>
      %swap3A_2901 = arith.constant 2 : i32
      %swap3A_2902 = arith.index_cast %swap3A_2901 : i32 to index
      %swap3A_2903 = arith.constant 0 : index
      %swap3A_2904 = tpu.vector_load %arg14[%swap3A_2902, %swap3A_2903] {strides = array<i32>} : memref<16x17xf32, #tpu.memory_space<vmem>>, vector<16xf32>,
      tpu.vector_store %arg14[%swap3A_2902, %swap3A_2903], %add3A_2900 {strides = array<i32>} : memref<16x17xf32, #tpu.memory_space<vmem>>, vector<16xf32>,
      %slice3A_2905 = vector.extract_strided_slice %get3A_2580 {offsets = [3], sizes = [1], strides = [1]} : vector<16xi32> to vector<1xi32>
      %squeeze3A_2906 = vector.extract %slice3A_2905[0] : i32 from vector<1xi32>
      %and3A_2907 = arith.constant 7 : i32
      %and3A_2908 = arith.andi %squeeze3A_2906, %and3A_2907 : i32
      %shift_right_arithmetic3A_2909 = arith.constant 8 : i32
      %shift_right_arithmetic3A_2910 = arith.shrsi %squeeze3A_2906, %shift_right_arithmetic3A_2909 : i32
      %and3A_2911 = arith.constant 1 : i32
      %and3A_2912 = arith.andi %shift_right_arithmetic3A_2910, %and3A_2911 : i32
      %mul3A_2913 = arith.constant 64 : i32
      %mul3A_2914 = arith.muli %and3A_2912, %mul3A_2913 : i32
      %multiple_of3A_2915 = tpu.assume_multiple %mul3A_2914, 16 : i32
      %shift_right_arithmetic3A_2916 = arith.constant 16 : i32
      %shift_right_arithmetic3A_2917 = arith.shrsi %squeeze3A_2906, %shift_right_arithmetic3A_2916 : i32
      %and3A_2918 = arith.constant 7 : i32
      %and3A_2919 = arith.andi %shift_right_arithmetic3A_2917, %and3A_2918 : i32
      %broadcast_in_dim3A_2920 = arith.constant 0.000000e+00 : f32
      %broadcast_in_dim3A_2921 = vector.broadcast %broadcast_in_dim3A_2920 : f32 to vector<16xf32>
      %get3A_2922 = arith.constant 3 : i32
      %get3A_2923 = arith.index_cast %get3A_2922 : i32 to index
      %get3A_2924 = arith.index_cast %and3A_2908 : i32 to index
      %get3A_2925 = arith.constant 0 : index
      %get3A_2926 = tpu.vector_load %arg11[%get3A_2923, %get3A_2924, %get3A_2925] {strides = array<i32>} : memref<16x8x64xf32, #tpu.memory_space<vmem>>, vector<16xf32>,
      %add3A_2927 = arith.constant 3 : i32
      %add3A_2928 = arith.addi %mul3A_2578, %add3A_2927 : i32
      %add3A_2929 = arith.constant 0 : i32
      %add3A_2930 = arith.addi %multiple_of3A_2915, %add3A_2929 : i32
      %get3A_2931 = arith.index_cast %select_n3A : i32 to index
      %get3A_2932 = arith.index_cast %add3A_2928 : i32 to index
      %get3A_2933 = arith.index_cast %add3A_2930 : i32 to index
      %get3A_2934 = tpu.vector_load %arg12[%get3A_2931, %get3A_2932, %get3A_2933] {strides = array<i32>} : memref<4x128x128xf32, #tpu.memory_space<vmem>>, vector<16xf32>,
      %get3A_2935 = arith.constant 3 : i32
      %get3A_2936 = arith.index_cast %get3A_2935 : i32 to index
      %get3A_2937 = arith.index_cast %and3A_2919 : i32 to index
      %get3A_2938 = arith.constant 0 : index
      %get3A_2939 = tpu.vector_load %arg13[%get3A_2936, %get3A_2937, %get3A_2938] {strides = array<i32>} : memref<16x8x64xf32, #tpu.memory_space<vmem>>, vector<16xf32>,
      %add3A_2940 = arith.addf %get3A_2926, %get3A_2934 : vector<16xf32>
      %sub3A_2941 = arith.subf %add3A_2940, %get3A_2939 : vector<16xf32>
      %abs3A_2942 = math.absf %sub3A_2941 : vector<16xf32>
      %add3A_2943 = arith.addf %broadcast_in_dim3A_2921, %abs3A_2942 : vector<16xf32>
      %get3A_2944 = arith.constant 3 : i32
      %get3A_2945 = arith.index_cast %get3A_2944 : i32 to index
      %get3A_2946 = arith.index_cast %and3A_2908 : i32 to index
      %get3A_2947 = arith.constant 16 : index
      %get3A_2948 = tpu.vector_load %arg11[%get3A_2945, %get3A_2946, %get3A_2947] {strides = array<i32>} : memref<16x8x64xf32, #tpu.memory_space<vmem>>, vector<16xf32>,
      %add3A_2949 = arith.constant 3 : i32
      %add3A_2950 = arith.addi %mul3A_2578, %add3A_2949 : i32
      %add3A_2951 = arith.constant 16 : i32
      %add3A_2952 = arith.addi %multiple_of3A_2915, %add3A_2951 : i32
      %get3A_2953 = arith.index_cast %select_n3A : i32 to index
      %get3A_2954 = arith.index_cast %add3A_2950 : i32 to index
      %get3A_2955 = arith.index_cast %add3A_2952 : i32 to index
      %get3A_2956 = tpu.vector_load %arg12[%get3A_2953, %get3A_2954, %get3A_2955] {strides = array<i32>} : memref<4x128x128xf32, #tpu.memory_space<vmem>>, vector<16xf32>,
      %get3A_2957 = arith.constant 3 : i32
      %get3A_2958 = arith.index_cast %get3A_2957 : i32 to index
      %get3A_2959 = arith.index_cast %and3A_2919 : i32 to index
      %get3A_2960 = arith.constant 16 : index
      %get3A_2961 = tpu.vector_load %arg13[%get3A_2958, %get3A_2959, %get3A_2960] {strides = array<i32>} : memref<16x8x64xf32, #tpu.memory_space<vmem>>, vector<16xf32>,
      %add3A_2962 = arith.addf %get3A_2948, %get3A_2956 : vector<16xf32>
      %sub3A_2963 = arith.subf %add3A_2962, %get3A_2961 : vector<16xf32>
      %abs3A_2964 = math.absf %sub3A_2963 : vector<16xf32>
      %add3A_2965 = arith.addf %add3A_2943, %abs3A_2964 : vector<16xf32>
      %get3A_2966 = arith.constant 3 : i32
      %get3A_2967 = arith.index_cast %get3A_2966 : i32 to index
      %get3A_2968 = arith.index_cast %and3A_2908 : i32 to index
      %get3A_2969 = arith.constant 32 : index
      %get3A_2970 = tpu.vector_load %arg11[%get3A_2967, %get3A_2968, %get3A_2969] {strides = array<i32>} : memref<16x8x64xf32, #tpu.memory_space<vmem>>, vector<16xf32>,
      %add3A_2971 = arith.constant 3 : i32
      %add3A_2972 = arith.addi %mul3A_2578, %add3A_2971 : i32
      %add3A_2973 = arith.constant 32 : i32
      %add3A_2974 = arith.addi %multiple_of3A_2915, %add3A_2973 : i32
      %get3A_2975 = arith.index_cast %select_n3A : i32 to index
      %get3A_2976 = arith.index_cast %add3A_2972 : i32 to index
      %get3A_2977 = arith.index_cast %add3A_2974 : i32 to index
      %get3A_2978 = tpu.vector_load %arg12[%get3A_2975, %get3A_2976, %get3A_2977] {strides = array<i32>} : memref<4x128x128xf32, #tpu.memory_space<vmem>>, vector<16xf32>,
      %get3A_2979 = arith.constant 3 : i32
      %get3A_2980 = arith.index_cast %get3A_2979 : i32 to index
      %get3A_2981 = arith.index_cast %and3A_2919 : i32 to index
      %get3A_2982 = arith.constant 32 : index
      %get3A_2983 = tpu.vector_load %arg13[%get3A_2980, %get3A_2981, %get3A_2982] {strides = array<i32>} : memref<16x8x64xf32, #tpu.memory_space<vmem>>, vector<16xf32>,
      %add3A_2984 = arith.addf %get3A_2970, %get3A_2978 : vector<16xf32>
      %sub3A_2985 = arith.subf %add3A_2984, %get3A_2983 : vector<16xf32>
      %abs3A_2986 = math.absf %sub3A_2985 : vector<16xf32>
      %add3A_2987 = arith.addf %add3A_2965, %abs3A_2986 : vector<16xf32>
      %get3A_2988 = arith.constant 3 : i32
      %get3A_2989 = arith.index_cast %get3A_2988 : i32 to index
      %get3A_2990 = arith.index_cast %and3A_2908 : i32 to index
      %get3A_2991 = arith.constant 48 : index
      %get3A_2992 = tpu.vector_load %arg11[%get3A_2989, %get3A_2990, %get3A_2991] {strides = array<i32>} : memref<16x8x64xf32, #tpu.memory_space<vmem>>, vector<16xf32>,
      %add3A_2993 = arith.constant 3 : i32
      %add3A_2994 = arith.addi %mul3A_2578, %add3A_2993 : i32
      %add3A_2995 = arith.constant 48 : i32
      %add3A_2996 = arith.addi %multiple_of3A_2915, %add3A_2995 : i32
      %get3A_2997 = arith.index_cast %select_n3A : i32 to index
      %get3A_2998 = arith.index_cast %add3A_2994 : i32 to index
      %get3A_2999 = arith.index_cast %add3A_2996 : i32 to index
      %get3A_3000 = tpu.vector_load %arg12[%get3A_2997, %get3A_2998, %get3A_2999] {strides = array<i32>} : memref<4x128x128xf32, #tpu.memory_space<vmem>>, vector<16xf32>,
      %get3A_3001 = arith.constant 3 : i32
      %get3A_3002 = arith.index_cast %get3A_3001 : i32 to index
      %get3A_3003 = arith.index_cast %and3A_2919 : i32 to index
      %get3A_3004 = arith.constant 48 : index
      %get3A_3005 = tpu.vector_load %arg13[%get3A_3002, %get3A_3003, %get3A_3004] {strides = array<i32>} : memref<16x8x64xf32, #tpu.memory_space<vmem>>, vector<16xf32>,
      %add3A_3006 = arith.addf %get3A_2992, %get3A_3000 : vector<16xf32>
      %sub3A_3007 = arith.subf %add3A_3006, %get3A_3005 : vector<16xf32>
      %abs3A_3008 = math.absf %sub3A_3007 : vector<16xf32>
      %add3A_3009 = arith.addf %add3A_2987, %abs3A_3008 : vector<16xf32>
      %swap3A_3010 = arith.constant 3 : i32
      %swap3A_3011 = arith.index_cast %swap3A_3010 : i32 to index
      %swap3A_3012 = arith.constant 0 : index
      %swap3A_3013 = tpu.vector_load %arg14[%swap3A_3011, %swap3A_3012] {strides = array<i32>} : memref<16x17xf32, #tpu.memory_space<vmem>>, vector<16xf32>,
      tpu.vector_store %arg14[%swap3A_3011, %swap3A_3012], %add3A_3009 {strides = array<i32>} : memref<16x17xf32, #tpu.memory_space<vmem>>, vector<16xf32>,
      %slice3A_3014 = vector.extract_strided_slice %get3A_2580 {offsets = [4], sizes = [1], strides = [1]} : vector<16xi32> to vector<1xi32>
      %squeeze3A_3015 = vector.extract %slice3A_3014[0] : i32 from vector<1xi32>
      %and3A_3016 = arith.constant 7 : i32
      %and3A_3017 = arith.andi %squeeze3A_3015, %and3A_3016 : i32
      %shift_right_arithmetic3A_3018 = arith.constant 8 : i32
      %shift_right_arithmetic3A_3019 = arith.shrsi %squeeze3A_3015, %shift_right_arithmetic3A_3018 : i32
      %and3A_3020 = arith.constant 1 : i32
      %and3A_3021 = arith.andi %shift_right_arithmetic3A_3019, %and3A_3020 : i32
      %mul3A_3022 = arith.constant 64 : i32
      %mul3A_3023 = arith.muli %and3A_3021, %mul3A_3022 : i32
      %multiple_of3A_3024 = tpu.assume_multiple %mul3A_3023, 16 : i32
      %shift_right_arithmetic3A_3025 = arith.constant 16 : i32
      %shift_right_arithmetic3A_3026 = arith.shrsi %squeeze3A_3015, %shift_right_arithmetic3A_3025 : i32
      %and3A_3027 = arith.constant 7 : i32
      %and3A_3028 = arith.andi %shift_right_arithmetic3A_3026, %and3A_3027 : i32
      %broadcast_in_dim3A_3029 = arith.constant 0.000000e+00 : f32
      %broadcast_in_dim3A_3030 = vector.broadcast %broadcast_in_dim3A_3029 : f32 to vector<16xf32>
      %get3A_3031 = arith.constant 4 : i32
      %get3A_3032 = arith.index_cast %get3A_3031 : i32 to index
      %get3A_3033 = arith.index_cast %and3A_3017 : i32 to index
      %get3A_3034 = arith.constant 0 : index
      %get3A_3035 = tpu.vector_load %arg11[%get3A_3032, %get3A_3033, %get3A_3034] {strides = array<i32>} : memref<16x8x64xf32, #tpu.memory_space<vmem>>, vector<16xf32>,
      %add3A_3036 = arith.constant 4 : i32
      %add3A_3037 = arith.addi %mul3A_2578, %add3A_3036 : i32
      %add3A_3038 = arith.constant 0 : i32
      %add3A_3039 = arith.addi %multiple_of3A_3024, %add3A_3038 : i32
      %get3A_3040 = arith.index_cast %select_n3A : i32 to index
      %get3A_3041 = arith.index_cast %add3A_3037 : i32 to index
      %get3A_3042 = arith.index_cast %add3A_3039 : i32 to index
      %get3A_3043 = tpu.vector_load %arg12[%get3A_3040, %get3A_3041, %get3A_3042] {strides = array<i32>} : memref<4x128x128xf32, #tpu.memory_space<vmem>>, vector<16xf32>,
      %get3A_3044 = arith.constant 4 : i32
      %get3A_3045 = arith.index_cast %get3A_3044 : i32 to index
      %get3A_3046 = arith.index_cast %and3A_3028 : i32 to index
      %get3A_3047 = arith.constant 0 : index
      %get3A_3048 = tpu.vector_load %arg13[%get3A_3045, %get3A_3046, %get3A_3047] {strides = array<i32>} : memref<16x8x64xf32, #tpu.memory_space<vmem>>, vector<16xf32>,
      %add3A_3049 = arith.addf %get3A_3035, %get3A_3043 : vector<16xf32>
      %sub3A_3050 = arith.subf %add3A_3049, %get3A_3048 : vector<16xf32>
      %abs3A_3051 = math.absf %sub3A_3050 : vector<16xf32>
      %add3A_3052 = arith.addf %broadcast_in_dim3A_3030, %abs3A_3051 : vector<16xf32>
      %get3A_3053 = arith.constant 4 : i32
      %get3A_3054 = arith.index_cast %get3A_3053 : i32 to index
      %get3A_3055 = arith.index_cast %and3A_3017 : i32 to index
      %get3A_3056 = arith.constant 16 : index
      %get3A_3057 = tpu.vector_load %arg11[%get3A_3054, %get3A_3055, %get3A_3056] {strides = array<i32>} : memref<16x8x64xf32, #tpu.memory_space<vmem>>, vector<16xf32>,
      %add3A_3058 = arith.constant 4 : i32
      %add3A_3059 = arith.addi %mul3A_2578, %add3A_3058 : i32
      %add3A_3060 = arith.constant 16 : i32
      %add3A_3061 = arith.addi %multiple_of3A_3024, %add3A_3060 : i32
      %get3A_3062 = arith.index_cast %select_n3A : i32 to index
      %get3A_3063 = arith.index_cast %add3A_3059 : i32 to index
      %get3A_3064 = arith.index_cast %add3A_3061 : i32 to index
      %get3A_3065 = tpu.vector_load %arg12[%get3A_3062, %get3A_3063, %get3A_3064] {strides = array<i32>} : memref<4x128x128xf32, #tpu.memory_space<vmem>>, vector<16xf32>,
      %get3A_3066 = arith.constant 4 : i32
      %get3A_3067 = arith.index_cast %get3A_3066 : i32 to index
      %get3A_3068 = arith.index_cast %and3A_3028 : i32 to index
      %get3A_3069 = arith.constant 16 : index
      %get3A_3070 = tpu.vector_load %arg13[%get3A_3067, %get3A_3068, %get3A_3069] {strides = array<i32>} : memref<16x8x64xf32, #tpu.memory_space<vmem>>, vector<16xf32>,
      %add3A_3071 = arith.addf %get3A_3057, %get3A_3065 : vector<16xf32>
      %sub3A_3072 = arith.subf %add3A_3071, %get3A_3070 : vector<16xf32>
      %abs3A_3073 = math.absf %sub3A_3072 : vector<16xf32>
      %add3A_3074 = arith.addf %add3A_3052, %abs3A_3073 : vector<16xf32>
      %get3A_3075 = arith.constant 4 : i32
      %get3A_3076 = arith.index_cast %get3A_3075 : i32 to index
      %get3A_3077 = arith.index_cast %and3A_3017 : i32 to index
      %get3A_3078 = arith.constant 32 : index
      %get3A_3079 = tpu.vector_load %arg11[%get3A_3076, %get3A_3077, %get3A_3078] {strides = array<i32>} : memref<16x8x64xf32, #tpu.memory_space<vmem>>, vector<16xf32>,
      %add3A_3080 = arith.constant 4 : i32
      %add3A_3081 = arith.addi %mul3A_2578, %add3A_3080 : i32
      %add3A_3082 = arith.constant 32 : i32
      %add3A_3083 = arith.addi %multiple_of3A_3024, %add3A_3082 : i32
      %get3A_3084 = arith.index_cast %select_n3A : i32 to index
      %get3A_3085 = arith.index_cast %add3A_3081 : i32 to index
      %get3A_3086 = arith.index_cast %add3A_3083 : i32 to index
      %get3A_3087 = tpu.vector_load %arg12[%get3A_3084, %get3A_3085, %get3A_3086] {strides = array<i32>} : memref<4x128x128xf32, #tpu.memory_space<vmem>>, vector<16xf32>,
      %get3A_3088 = arith.constant 4 : i32
      %get3A_3089 = arith.index_cast %get3A_3088 : i32 to index
      %get3A_3090 = arith.index_cast %and3A_3028 : i32 to index
      %get3A_3091 = arith.constant 32 : index
      %get3A_3092 = tpu.vector_load %arg13[%get3A_3089, %get3A_3090, %get3A_3091] {strides = array<i32>} : memref<16x8x64xf32, #tpu.memory_space<vmem>>, vector<16xf32>,
      %add3A_3093 = arith.addf %get3A_3079, %get3A_3087 : vector<16xf32>
      %sub3A_3094 = arith.subf %add3A_3093, %get3A_3092 : vector<16xf32>
      %abs3A_3095 = math.absf %sub3A_3094 : vector<16xf32>
      %add3A_3096 = arith.addf %add3A_3074, %abs3A_3095 : vector<16xf32>
      %get3A_3097 = arith.constant 4 : i32
      %get3A_3098 = arith.index_cast %get3A_3097 : i32 to index
      %get3A_3099 = arith.index_cast %and3A_3017 : i32 to index
      %get3A_3100 = arith.constant 48 : index
      %get3A_3101 = tpu.vector_load %arg11[%get3A_3098, %get3A_3099, %get3A_3100] {strides = array<i32>} : memref<16x8x64xf32, #tpu.memory_space<vmem>>, vector<16xf32>,
      %add3A_3102 = arith.constant 4 : i32
      %add3A_3103 = arith.addi %mul3A_2578, %add3A_3102 : i32
      %add3A_3104 = arith.constant 48 : i32
      %add3A_3105 = arith.addi %multiple_of3A_3024, %add3A_3104 : i32
      %get3A_3106 = arith.index_cast %select_n3A : i32 to index
      %get3A_3107 = arith.index_cast %add3A_3103 : i32 to index
      %get3A_3108 = arith.index_cast %add3A_3105 : i32 to index
      %get3A_3109 = tpu.vector_load %arg12[%get3A_3106, %get3A_3107, %get3A_3108] {strides = array<i32>} : memref<4x128x128xf32, #tpu.memory_space<vmem>>, vector<16xf32>,
      %get3A_3110 = arith.constant 4 : i32
      %get3A_3111 = arith.index_cast %get3A_3110 : i32 to index
      %get3A_3112 = arith.index_cast %and3A_3028 : i32 to index
      %get3A_3113 = arith.constant 48 : index
      %get3A_3114 = tpu.vector_load %arg13[%get3A_3111, %get3A_3112, %get3A_3113] {strides = array<i32>} : memref<16x8x64xf32, #tpu.memory_space<vmem>>, vector<16xf32>,
      %add3A_3115 = arith.addf %get3A_3101, %get3A_3109 : vector<16xf32>
      %sub3A_3116 = arith.subf %add3A_3115, %get3A_3114 : vector<16xf32>
      %abs3A_3117 = math.absf %sub3A_3116 : vector<16xf32>
      %add3A_3118 = arith.addf %add3A_3096, %abs3A_3117 : vector<16xf32>
      %swap3A_3119 = arith.constant 4 : i32
      %swap3A_3120 = arith.index_cast %swap3A_3119 : i32 to index
      %swap3A_3121 = arith.constant 0 : index
      %swap3A_3122 = tpu.vector_load %arg14[%swap3A_3120, %swap3A_3121] {strides = array<i32>} : memref<16x17xf32, #tpu.memory_space<vmem>>, vector<16xf32>,
      tpu.vector_store %arg14[%swap3A_3120, %swap3A_3121], %add3A_3118 {strides = array<i32>} : memref<16x17xf32, #tpu.memory_space<vmem>>, vector<16xf32>,
      %slice3A_3123 = vector.extract_strided_slice %get3A_2580 {offsets = [5], sizes = [1], strides = [1]} : vector<16xi32> to vector<1xi32>
      %squeeze3A_3124 = vector.extract %slice3A_3123[0] : i32 from vector<1xi32>
      %and3A_3125 = arith.constant 7 : i32
      %and3A_3126 = arith.andi %squeeze3A_3124, %and3A_3125 : i32
      %shift_right_arithmetic3A_3127 = arith.constant 8 : i32
      %shift_right_arithmetic3A_3128 = arith.shrsi %squeeze3A_3124, %shift_right_arithmetic3A_3127 : i32
      %and3A_3129 = arith.constant 1 : i32
      %and3A_3130 = arith.andi %shift_right_arithmetic3A_3128, %and3A_3129 : i32
      %mul3A_3131 = arith.constant 64 : i32
      %mul3A_3132 = arith.muli %and3A_3130, %mul3A_3131 : i32
      %multiple_of3A_3133 = tpu.assume_multiple %mul3A_3132, 16 : i32
      %shift_right_arithmetic3A_3134 = arith.constant 16 : i32
      %shift_right_arithmetic3A_3135 = arith.shrsi %squeeze3A_3124, %shift_right_arithmetic3A_3134 : i32
      %and3A_3136 = arith.constant 7 : i32
      %and3A_3137 = arith.andi %shift_right_arithmetic3A_3135, %and3A_3136 : i32
      %broadcast_in_dim3A_3138 = arith.constant 0.000000e+00 : f32
      %broadcast_in_dim3A_3139 = vector.broadcast %broadcast_in_dim3A_3138 : f32 to vector<16xf32>
      %get3A_3140 = arith.constant 5 : i32
      %get3A_3141 = arith.index_cast %get3A_3140 : i32 to index
      %get3A_3142 = arith.index_cast %and3A_3126 : i32 to index
      %get3A_3143 = arith.constant 0 : index
      %get3A_3144 = tpu.vector_load %arg11[%get3A_3141, %get3A_3142, %get3A_3143] {strides = array<i32>} : memref<16x8x64xf32, #tpu.memory_space<vmem>>, vector<16xf32>,
      %add3A_3145 = arith.constant 5 : i32
      %add3A_3146 = arith.addi %mul3A_2578, %add3A_3145 : i32
      %add3A_3147 = arith.constant 0 : i32
      %add3A_3148 = arith.addi %multiple_of3A_3133, %add3A_3147 : i32
      %get3A_3149 = arith.index_cast %select_n3A : i32 to index
      %get3A_3150 = arith.index_cast %add3A_3146 : i32 to index
      %get3A_3151 = arith.index_cast %add3A_3148 : i32 to index
      %get3A_3152 = tpu.vector_load %arg12[%get3A_3149, %get3A_3150, %get3A_3151] {strides = array<i32>} : memref<4x128x128xf32, #tpu.memory_space<vmem>>, vector<16xf32>,
      %get3A_3153 = arith.constant 5 : i32
      %get3A_3154 = arith.index_cast %get3A_3153 : i32 to index
      %get3A_3155 = arith.index_cast %and3A_3137 : i32 to index
      %get3A_3156 = arith.constant 0 : index
      %get3A_3157 = tpu.vector_load %arg13[%get3A_3154, %get3A_3155, %get3A_3156] {strides = array<i32>} : memref<16x8x64xf32, #tpu.memory_space<vmem>>, vector<16xf32>,
      %add3A_3158 = arith.addf %get3A_3144, %get3A_3152 : vector<16xf32>
      %sub3A_3159 = arith.subf %add3A_3158, %get3A_3157 : vector<16xf32>
      %abs3A_3160 = math.absf %sub3A_3159 : vector<16xf32>
      %add3A_3161 = arith.addf %broadcast_in_dim3A_3139, %abs3A_3160 : vector<16xf32>
      %get3A_3162 = arith.constant 5 : i32
      %get3A_3163 = arith.index_cast %get3A_3162 : i32 to index
      %get3A_3164 = arith.index_cast %and3A_3126 : i32 to index
      %get3A_3165 = arith.constant 16 : index
      %get3A_3166 = tpu.vector_load %arg11[%get3A_3163, %get3A_3164, %get3A_3165] {strides = array<i32>} : memref<16x8x64xf32, #tpu.memory_space<vmem>>, vector<16xf32>,
      %add3A_3167 = arith.constant 5 : i32
      %add3A_3168 = arith.addi %mul3A_2578, %add3A_3167 : i32
      %add3A_3169 = arith.constant 16 : i32
      %add3A_3170 = arith.addi %multiple_of3A_3133, %add3A_3169 : i32
      %get3A_3171 = arith.index_cast %select_n3A : i32 to index
      %get3A_3172 = arith.index_cast %add3A_3168 : i32 to index
      %get3A_3173 = arith.index_cast %add3A_3170 : i32 to index
      %get3A_3174 = tpu.vector_load %arg12[%get3A_3171, %get3A_3172, %get3A_3173] {strides = array<i32>} : memref<4x128x128xf32, #tpu.memory_space<vmem>>, vector<16xf32>,
      %get3A_3175 = arith.constant 5 : i32
      %get3A_3176 = arith.index_cast %get3A_3175 : i32 to index
      %get3A_3177 = arith.index_cast %and3A_3137 : i32 to index
      %get3A_3178 = arith.constant 16 : index
      %get3A_3179 = tpu.vector_load %arg13[%get3A_3176, %get3A_3177, %get3A_3178] {strides = array<i32>} : memref<16x8x64xf32, #tpu.memory_space<vmem>>, vector<16xf32>,
      %add3A_3180 = arith.addf %get3A_3166, %get3A_3174 : vector<16xf32>
      %sub3A_3181 = arith.subf %add3A_3180, %get3A_3179 : vector<16xf32>
      %abs3A_3182 = math.absf %sub3A_3181 : vector<16xf32>
      %add3A_3183 = arith.addf %add3A_3161, %abs3A_3182 : vector<16xf32>
      %get3A_3184 = arith.constant 5 : i32
      %get3A_3185 = arith.index_cast %get3A_3184 : i32 to index
      %get3A_3186 = arith.index_cast %and3A_3126 : i32 to index
      %get3A_3187 = arith.constant 32 : index
      %get3A_3188 = tpu.vector_load %arg11[%get3A_3185, %get3A_3186, %get3A_3187] {strides = array<i32>} : memref<16x8x64xf32, #tpu.memory_space<vmem>>, vector<16xf32>,
      %add3A_3189 = arith.constant 5 : i32
      %add3A_3190 = arith.addi %mul3A_2578, %add3A_3189 : i32
      %add3A_3191 = arith.constant 32 : i32
      %add3A_3192 = arith.addi %multiple_of3A_3133, %add3A_3191 : i32
      %get3A_3193 = arith.index_cast %select_n3A : i32 to index
      %get3A_3194 = arith.index_cast %add3A_3190 : i32 to index
      %get3A_3195 = arith.index_cast %add3A_3192 : i32 to index
      %get3A_3196 = tpu.vector_load %arg12[%get3A_3193, %get3A_3194, %get3A_3195] {strides = array<i32>} : memref<4x128x128xf32, #tpu.memory_space<vmem>>, vector<16xf32>,
      %get3A_3197 = arith.constant 5 : i32
      %get3A_3198 = arith.index_cast %get3A_3197 : i32 to index
      %get3A_3199 = arith.index_cast %and3A_3137 : i32 to index
      %get3A_3200 = arith.constant 32 : index
      %get3A_3201 = tpu.vector_load %arg13[%get3A_3198, %get3A_3199, %get3A_3200] {strides = array<i32>} : memref<16x8x64xf32, #tpu.memory_space<vmem>>, vector<16xf32>,
      %add3A_3202 = arith.addf %get3A_3188, %get3A_3196 : vector<16xf32>
      %sub3A_3203 = arith.subf %add3A_3202, %get3A_3201 : vector<16xf32>
      %abs3A_3204 = math.absf %sub3A_3203 : vector<16xf32>
      %add3A_3205 = arith.addf %add3A_3183, %abs3A_3204 : vector<16xf32>
      %get3A_3206 = arith.constant 5 : i32
      %get3A_3207 = arith.index_cast %get3A_3206 : i32 to index
      %get3A_3208 = arith.index_cast %and3A_3126 : i32 to index
      %get3A_3209 = arith.constant 48 : index
      %get3A_3210 = tpu.vector_load %arg11[%get3A_3207, %get3A_3208, %get3A_3209] {strides = array<i32>} : memref<16x8x64xf32, #tpu.memory_space<vmem>>, vector<16xf32>,
      %add3A_3211 = arith.constant 5 : i32
      %add3A_3212 = arith.addi %mul3A_2578, %add3A_3211 : i32
      %add3A_3213 = arith.constant 48 : i32
      %add3A_3214 = arith.addi %multiple_of3A_3133, %add3A_3213 : i32
      %get3A_3215 = arith.index_cast %select_n3A : i32 to index
      %get3A_3216 = arith.index_cast %add3A_3212 : i32 to index
      %get3A_3217 = arith.index_cast %add3A_3214 : i32 to index
      %get3A_3218 = tpu.vector_load %arg12[%get3A_3215, %get3A_3216, %get3A_3217] {strides = array<i32>} : memref<4x128x128xf32, #tpu.memory_space<vmem>>, vector<16xf32>,
      %get3A_3219 = arith.constant 5 : i32
      %get3A_3220 = arith.index_cast %get3A_3219 : i32 to index
      %get3A_3221 = arith.index_cast %and3A_3137 : i32 to index
      %get3A_3222 = arith.constant 48 : index
      %get3A_3223 = tpu.vector_load %arg13[%get3A_3220, %get3A_3221, %get3A_3222] {strides = array<i32>} : memref<16x8x64xf32, #tpu.memory_space<vmem>>, vector<16xf32>,
      %add3A_3224 = arith.addf %get3A_3210, %get3A_3218 : vector<16xf32>
      %sub3A_3225 = arith.subf %add3A_3224, %get3A_3223 : vector<16xf32>
      %abs3A_3226 = math.absf %sub3A_3225 : vector<16xf32>
      %add3A_3227 = arith.addf %add3A_3205, %abs3A_3226 : vector<16xf32>
      %swap3A_3228 = arith.constant 5 : i32
      %swap3A_3229 = arith.index_cast %swap3A_3228 : i32 to index
      %swap3A_3230 = arith.constant 0 : index
      %swap3A_3231 = tpu.vector_load %arg14[%swap3A_3229, %swap3A_3230] {strides = array<i32>} : memref<16x17xf32, #tpu.memory_space<vmem>>, vector<16xf32>,
      tpu.vector_store %arg14[%swap3A_3229, %swap3A_3230], %add3A_3227 {strides = array<i32>} : memref<16x17xf32, #tpu.memory_space<vmem>>, vector<16xf32>,
      %slice3A_3232 = vector.extract_strided_slice %get3A_2580 {offsets = [6], sizes = [1], strides = [1]} : vector<16xi32> to vector<1xi32>
      %squeeze3A_3233 = vector.extract %slice3A_3232[0] : i32 from vector<1xi32>
      %and3A_3234 = arith.constant 7 : i32
      %and3A_3235 = arith.andi %squeeze3A_3233, %and3A_3234 : i32
      %shift_right_arithmetic3A_3236 = arith.constant 8 : i32
      %shift_right_arithmetic3A_3237 = arith.shrsi %squeeze3A_3233, %shift_right_arithmetic3A_3236 : i32
      %and3A_3238 = arith.constant 1 : i32
      %and3A_3239 = arith.andi %shift_right_arithmetic3A_3237, %and3A_3238 : i32
      %mul3A_3240 = arith.constant 64 : i32
      %mul3A_3241 = arith.muli %and3A_3239, %mul3A_3240 : i32
      %multiple_of3A_3242 = tpu.assume_multiple %mul3A_3241, 16 : i32
      %shift_right_arithmetic3A_3243 = arith.constant 16 : i32
      %shift_right_arithmetic3A_3244 = arith.shrsi %squeeze3A_3233, %shift_right_arithmetic3A_3243 : i32
      %and3A_3245 = arith.constant 7 : i32
      %and3A_3246 = arith.andi %shift_right_arithmetic3A_3244, %and3A_3245 : i32
      %broadcast_in_dim3A_3247 = arith.constant 0.000000e+00 : f32
      %broadcast_in_dim3A_3248 = vector.broadcast %broadcast_in_dim3A_3247 : f32 to vector<16xf32>
      %get3A_3249 = arith.constant 6 : i32
      %get3A_3250 = arith.index_cast %get3A_3249 : i32 to index
      %get3A_3251 = arith.index_cast %and3A_3235 : i32 to index
      %get3A_3252 = arith.constant 0 : index
      %get3A_3253 = tpu.vector_load %arg11[%get3A_3250, %get3A_3251, %get3A_3252] {strides = array<i32>} : memref<16x8x64xf32, #tpu.memory_space<vmem>>, vector<16xf32>,
      %add3A_3254 = arith.constant 6 : i32
      %add3A_3255 = arith.addi %mul3A_2578, %add3A_3254 : i32
      %add3A_3256 = arith.constant 0 : i32
      %add3A_3257 = arith.addi %multiple_of3A_3242, %add3A_3256 : i32
      %get3A_3258 = arith.index_cast %select_n3A : i32 to index
      %get3A_3259 = arith.index_cast %add3A_3255 : i32 to index
      %get3A_3260 = arith.index_cast %add3A_3257 : i32 to index
      %get3A_3261 = tpu.vector_load %arg12[%get3A_3258, %get3A_3259, %get3A_3260] {strides = array<i32>} : memref<4x128x128xf32, #tpu.memory_space<vmem>>, vector<16xf32>,
      %get3A_3262 = arith.constant 6 : i32
      %get3A_3263 = arith.index_cast %get3A_3262 : i32 to index
      %get3A_3264 = arith.index_cast %and3A_3246 : i32 to index
      %get3A_3265 = arith.constant 0 : index
      %get3A_3266 = tpu.vector_load %arg13[%get3A_3263, %get3A_3264, %get3A_3265] {strides = array<i32>} : memref<16x8x64xf32, #tpu.memory_space<vmem>>, vector<16xf32>,
      %add3A_3267 = arith.addf %get3A_3253, %get3A_3261 : vector<16xf32>
      %sub3A_3268 = arith.subf %add3A_3267, %get3A_3266 : vector<16xf32>
      %abs3A_3269 = math.absf %sub3A_3268 : vector<16xf32>
      %add3A_3270 = arith.addf %broadcast_in_dim3A_3248, %abs3A_3269 : vector<16xf32>
      %get3A_3271 = arith.constant 6 : i32
      %get3A_3272 = arith.index_cast %get3A_3271 : i32 to index
      %get3A_3273 = arith.index_cast %and3A_3235 : i32 to index
      %get3A_3274 = arith.constant 16 : index
      %get3A_3275 = tpu.vector_load %arg11[%get3A_3272, %get3A_3273, %get3A_3274] {strides = array<i32>} : memref<16x8x64xf32, #tpu.memory_space<vmem>>, vector<16xf32>,
      %add3A_3276 = arith.constant 6 : i32
      %add3A_3277 = arith.addi %mul3A_2578, %add3A_3276 : i32
      %add3A_3278 = arith.constant 16 : i32
      %add3A_3279 = arith.addi %multiple_of3A_3242, %add3A_3278 : i32
      %get3A_3280 = arith.index_cast %select_n3A : i32 to index
      %get3A_3281 = arith.index_cast %add3A_3277 : i32 to index
      %get3A_3282 = arith.index_cast %add3A_3279 : i32 to index
      %get3A_3283 = tpu.vector_load %arg12[%get3A_3280, %get3A_3281, %get3A_3282] {strides = array<i32>} : memref<4x128x128xf32, #tpu.memory_space<vmem>>, vector<16xf32>,
      %get3A_3284 = arith.constant 6 : i32
      %get3A_3285 = arith.index_cast %get3A_3284 : i32 to index
      %get3A_3286 = arith.index_cast %and3A_3246 : i32 to index
      %get3A_3287 = arith.constant 16 : index
      %get3A_3288 = tpu.vector_load %arg13[%get3A_3285, %get3A_3286, %get3A_3287] {strides = array<i32>} : memref<16x8x64xf32, #tpu.memory_space<vmem>>, vector<16xf32>,
      %add3A_3289 = arith.addf %get3A_3275, %get3A_3283 : vector<16xf32>
      %sub3A_3290 = arith.subf %add3A_3289, %get3A_3288 : vector<16xf32>
      %abs3A_3291 = math.absf %sub3A_3290 : vector<16xf32>
      %add3A_3292 = arith.addf %add3A_3270, %abs3A_3291 : vector<16xf32>
      %get3A_3293 = arith.constant 6 : i32
      %get3A_3294 = arith.index_cast %get3A_3293 : i32 to index
      %get3A_3295 = arith.index_cast %and3A_3235 : i32 to index
      %get3A_3296 = arith.constant 32 : index
      %get3A_3297 = tpu.vector_load %arg11[%get3A_3294, %get3A_3295, %get3A_3296] {strides = array<i32>} : memref<16x8x64xf32, #tpu.memory_space<vmem>>, vector<16xf32>,
      %add3A_3298 = arith.constant 6 : i32
      %add3A_3299 = arith.addi %mul3A_2578, %add3A_3298 : i32
      %add3A_3300 = arith.constant 32 : i32
      %add3A_3301 = arith.addi %multiple_of3A_3242, %add3A_3300 : i32
      %get3A_3302 = arith.index_cast %select_n3A : i32 to index
      %get3A_3303 = arith.index_cast %add3A_3299 : i32 to index
      %get3A_3304 = arith.index_cast %add3A_3301 : i32 to index
      %get3A_3305 = tpu.vector_load %arg12[%get3A_3302, %get3A_3303, %get3A_3304] {strides = array<i32>} : memref<4x128x128xf32, #tpu.memory_space<vmem>>, vector<16xf32>,
      %get3A_3306 = arith.constant 6 : i32
      %get3A_3307 = arith.index_cast %get3A_3306 : i32 to index
      %get3A_3308 = arith.index_cast %and3A_3246 : i32 to index
      %get3A_3309 = arith.constant 32 : index
      %get3A_3310 = tpu.vector_load %arg13[%get3A_3307, %get3A_3308, %get3A_3309] {strides = array<i32>} : memref<16x8x64xf32, #tpu.memory_space<vmem>>, vector<16xf32>,
      %add3A_3311 = arith.addf %get3A_3297, %get3A_3305 : vector<16xf32>
      %sub3A_3312 = arith.subf %add3A_3311, %get3A_3310 : vector<16xf32>
      %abs3A_3313 = math.absf %sub3A_3312 : vector<16xf32>
      %add3A_3314 = arith.addf %add3A_3292, %abs3A_3313 : vector<16xf32>
      %get3A_3315 = arith.constant 6 : i32
      %get3A_3316 = arith.index_cast %get3A_3315 : i32 to index
      %get3A_3317 = arith.index_cast %and3A_3235 : i32 to index
      %get3A_3318 = arith.constant 48 : index
      %get3A_3319 = tpu.vector_load %arg11[%get3A_3316, %get3A_3317, %get3A_3318] {strides = array<i32>} : memref<16x8x64xf32, #tpu.memory_space<vmem>>, vector<16xf32>,
      %add3A_3320 = arith.constant 6 : i32
      %add3A_3321 = arith.addi %mul3A_2578, %add3A_3320 : i32
      %add3A_3322 = arith.constant 48 : i32
      %add3A_3323 = arith.addi %multiple_of3A_3242, %add3A_3322 : i32
      %get3A_3324 = arith.index_cast %select_n3A : i32 to index
      %get3A_3325 = arith.index_cast %add3A_3321 : i32 to index
      %get3A_3326 = arith.index_cast %add3A_3323 : i32 to index
      %get3A_3327 = tpu.vector_load %arg12[%get3A_3324, %get3A_3325, %get3A_3326] {strides = array<i32>} : memref<4x128x128xf32, #tpu.memory_space<vmem>>, vector<16xf32>,
      %get3A_3328 = arith.constant 6 : i32
      %get3A_3329 = arith.index_cast %get3A_3328 : i32 to index
      %get3A_3330 = arith.index_cast %and3A_3246 : i32 to index
      %get3A_3331 = arith.constant 48 : index
      %get3A_3332 = tpu.vector_load %arg13[%get3A_3329, %get3A_3330, %get3A_3331] {strides = array<i32>} : memref<16x8x64xf32, #tpu.memory_space<vmem>>, vector<16xf32>,
      %add3A_3333 = arith.addf %get3A_3319, %get3A_3327 : vector<16xf32>
      %sub3A_3334 = arith.subf %add3A_3333, %get3A_3332 : vector<16xf32>
      %abs3A_3335 = math.absf %sub3A_3334 : vector<16xf32>
      %add3A_3336 = arith.addf %add3A_3314, %abs3A_3335 : vector<16xf32>
      %swap3A_3337 = arith.constant 6 : i32
      %swap3A_3338 = arith.index_cast %swap3A_3337 : i32 to index
      %swap3A_3339 = arith.constant 0 : index
      %swap3A_3340 = tpu.vector_load %arg14[%swap3A_3338, %swap3A_3339] {strides = array<i32>} : memref<16x17xf32, #tpu.memory_space<vmem>>, vector<16xf32>,
      tpu.vector_store %arg14[%swap3A_3338, %swap3A_3339], %add3A_3336 {strides = array<i32>} : memref<16x17xf32, #tpu.memory_space<vmem>>, vector<16xf32>,
      %slice3A_3341 = vector.extract_strided_slice %get3A_2580 {offsets = [7], sizes = [1], strides = [1]} : vector<16xi32> to vector<1xi32>
      %squeeze3A_3342 = vector.extract %slice3A_3341[0] : i32 from vector<1xi32>
      %and3A_3343 = arith.constant 7 : i32
      %and3A_3344 = arith.andi %squeeze3A_3342, %and3A_3343 : i32
      %shift_right_arithmetic3A_3345 = arith.constant 8 : i32
      %shift_right_arithmetic3A_3346 = arith.shrsi %squeeze3A_3342, %shift_right_arithmetic3A_3345 : i32
      %and3A_3347 = arith.constant 1 : i32
      %and3A_3348 = arith.andi %shift_right_arithmetic3A_3346, %and3A_3347 : i32
      %mul3A_3349 = arith.constant 64 : i32
      %mul3A_3350 = arith.muli %and3A_3348, %mul3A_3349 : i32
      %multiple_of3A_3351 = tpu.assume_multiple %mul3A_3350, 16 : i32
      %shift_right_arithmetic3A_3352 = arith.constant 16 : i32
      %shift_right_arithmetic3A_3353 = arith.shrsi %squeeze3A_3342, %shift_right_arithmetic3A_3352 : i32
      %and3A_3354 = arith.constant 7 : i32
      %and3A_3355 = arith.andi %shift_right_arithmetic3A_3353, %and3A_3354 : i32
      %broadcast_in_dim3A_3356 = arith.constant 0.000000e+00 : f32
      %broadcast_in_dim3A_3357 = vector.broadcast %broadcast_in_dim3A_3356 : f32 to vector<16xf32>
      %get3A_3358 = arith.constant 7 : i32
      %get3A_3359 = arith.index_cast %get3A_3358 : i32 to index
      %get3A_3360 = arith.index_cast %and3A_3344 : i32 to index
      %get3A_3361 = arith.constant 0 : index
      %get3A_3362 = tpu.vector_load %arg11[%get3A_3359, %get3A_3360, %get3A_3361] {strides = array<i32>} : memref<16x8x64xf32, #tpu.memory_space<vmem>>, vector<16xf32>,
      %add3A_3363 = arith.constant 7 : i32
      %add3A_3364 = arith.addi %mul3A_2578, %add3A_3363 : i32
      %add3A_3365 = arith.constant 0 : i32
      %add3A_3366 = arith.addi %multiple_of3A_3351, %add3A_3365 : i32
      %get3A_3367 = arith.index_cast %select_n3A : i32 to index
      %get3A_3368 = arith.index_cast %add3A_3364 : i32 to index
      %get3A_3369 = arith.index_cast %add3A_3366 : i32 to index
      %get3A_3370 = tpu.vector_load %arg12[%get3A_3367, %get3A_3368, %get3A_3369] {strides = array<i32>} : memref<4x128x128xf32, #tpu.memory_space<vmem>>, vector<16xf32>,
      %get3A_3371 = arith.constant 7 : i32
      %get3A_3372 = arith.index_cast %get3A_3371 : i32 to index
      %get3A_3373 = arith.index_cast %and3A_3355 : i32 to index
      %get3A_3374 = arith.constant 0 : index
      %get3A_3375 = tpu.vector_load %arg13[%get3A_3372, %get3A_3373, %get3A_3374] {strides = array<i32>} : memref<16x8x64xf32, #tpu.memory_space<vmem>>, vector<16xf32>,
      %add3A_3376 = arith.addf %get3A_3362, %get3A_3370 : vector<16xf32>
      %sub3A_3377 = arith.subf %add3A_3376, %get3A_3375 : vector<16xf32>
      %abs3A_3378 = math.absf %sub3A_3377 : vector<16xf32>
      %add3A_3379 = arith.addf %broadcast_in_dim3A_3357, %abs3A_3378 : vector<16xf32>
      %get3A_3380 = arith.constant 7 : i32
      %get3A_3381 = arith.index_cast %get3A_3380 : i32 to index
      %get3A_3382 = arith.index_cast %and3A_3344 : i32 to index
      %get3A_3383 = arith.constant 16 : index
      %get3A_3384 = tpu.vector_load %arg11[%get3A_3381, %get3A_3382, %get3A_3383] {strides = array<i32>} : memref<16x8x64xf32, #tpu.memory_space<vmem>>, vector<16xf32>,
      %add3A_3385 = arith.constant 7 : i32
      %add3A_3386 = arith.addi %mul3A_2578, %add3A_3385 : i32
      %add3A_3387 = arith.constant 16 : i32
      %add3A_3388 = arith.addi %multiple_of3A_3351, %add3A_3387 : i32
      %get3A_3389 = arith.index_cast %select_n3A : i32 to index
      %get3A_3390 = arith.index_cast %add3A_3386 : i32 to index
      %get3A_3391 = arith.index_cast %add3A_3388 : i32 to index
      %get3A_3392 = tpu.vector_load %arg12[%get3A_3389, %get3A_3390, %get3A_3391] {strides = array<i32>} : memref<4x128x128xf32, #tpu.memory_space<vmem>>, vector<16xf32>,
      %get3A_3393 = arith.constant 7 : i32
      %get3A_3394 = arith.index_cast %get3A_3393 : i32 to index
      %get3A_3395 = arith.index_cast %and3A_3355 : i32 to index
      %get3A_3396 = arith.constant 16 : index
      %get3A_3397 = tpu.vector_load %arg13[%get3A_3394, %get3A_3395, %get3A_3396] {strides = array<i32>} : memref<16x8x64xf32, #tpu.memory_space<vmem>>, vector<16xf32>,
      %add3A_3398 = arith.addf %get3A_3384, %get3A_3392 : vector<16xf32>
      %sub3A_3399 = arith.subf %add3A_3398, %get3A_3397 : vector<16xf32>
      %abs3A_3400 = math.absf %sub3A_3399 : vector<16xf32>
      %add3A_3401 = arith.addf %add3A_3379, %abs3A_3400 : vector<16xf32>
      %get3A_3402 = arith.constant 7 : i32
      %get3A_3403 = arith.index_cast %get3A_3402 : i32 to index
      %get3A_3404 = arith.index_cast %and3A_3344 : i32 to index
      %get3A_3405 = arith.constant 32 : index
      %get3A_3406 = tpu.vector_load %arg11[%get3A_3403, %get3A_3404, %get3A_3405] {strides = array<i32>} : memref<16x8x64xf32, #tpu.memory_space<vmem>>, vector<16xf32>,
      %add3A_3407 = arith.constant 7 : i32
      %add3A_3408 = arith.addi %mul3A_2578, %add3A_3407 : i32
      %add3A_3409 = arith.constant 32 : i32
      %add3A_3410 = arith.addi %multiple_of3A_3351, %add3A_3409 : i32
      %get3A_3411 = arith.index_cast %select_n3A : i32 to index
      %get3A_3412 = arith.index_cast %add3A_3408 : i32 to index
      %get3A_3413 = arith.index_cast %add3A_3410 : i32 to index
      %get3A_3414 = tpu.vector_load %arg12[%get3A_3411, %get3A_3412, %get3A_3413] {strides = array<i32>} : memref<4x128x128xf32, #tpu.memory_space<vmem>>, vector<16xf32>,
      %get3A_3415 = arith.constant 7 : i32
      %get3A_3416 = arith.index_cast %get3A_3415 : i32 to index
      %get3A_3417 = arith.index_cast %and3A_3355 : i32 to index
      %get3A_3418 = arith.constant 32 : index
      %get3A_3419 = tpu.vector_load %arg13[%get3A_3416, %get3A_3417, %get3A_3418] {strides = array<i32>} : memref<16x8x64xf32, #tpu.memory_space<vmem>>, vector<16xf32>,
      %add3A_3420 = arith.addf %get3A_3406, %get3A_3414 : vector<16xf32>
      %sub3A_3421 = arith.subf %add3A_3420, %get3A_3419 : vector<16xf32>
      %abs3A_3422 = math.absf %sub3A_3421 : vector<16xf32>
      %add3A_3423 = arith.addf %add3A_3401, %abs3A_3422 : vector<16xf32>
      %get3A_3424 = arith.constant 7 : i32
      %get3A_3425 = arith.index_cast %get3A_3424 : i32 to index
      %get3A_3426 = arith.index_cast %and3A_3344 : i32 to index
      %get3A_3427 = arith.constant 48 : index
      %get3A_3428 = tpu.vector_load %arg11[%get3A_3425, %get3A_3426, %get3A_3427] {strides = array<i32>} : memref<16x8x64xf32, #tpu.memory_space<vmem>>, vector<16xf32>,
      %add3A_3429 = arith.constant 7 : i32
      %add3A_3430 = arith.addi %mul3A_2578, %add3A_3429 : i32
      %add3A_3431 = arith.constant 48 : i32
      %add3A_3432 = arith.addi %multiple_of3A_3351, %add3A_3431 : i32
      %get3A_3433 = arith.index_cast %select_n3A : i32 to index
      %get3A_3434 = arith.index_cast %add3A_3430 : i32 to index
      %get3A_3435 = arith.index_cast %add3A_3432 : i32 to index
      %get3A_3436 = tpu.vector_load %arg12[%get3A_3433, %get3A_3434, %get3A_3435] {strides = array<i32>} : memref<4x128x128xf32, #tpu.memory_space<vmem>>, vector<16xf32>,
      %get3A_3437 = arith.constant 7 : i32
      %get3A_3438 = arith.index_cast %get3A_3437 : i32 to index
      %get3A_3439 = arith.index_cast %and3A_3355 : i32 to index
      %get3A_3440 = arith.constant 48 : index
      %get3A_3441 = tpu.vector_load %arg13[%get3A_3438, %get3A_3439, %get3A_3440] {strides = array<i32>} : memref<16x8x64xf32, #tpu.memory_space<vmem>>, vector<16xf32>,
      %add3A_3442 = arith.addf %get3A_3428, %get3A_3436 : vector<16xf32>
      %sub3A_3443 = arith.subf %add3A_3442, %get3A_3441 : vector<16xf32>
      %abs3A_3444 = math.absf %sub3A_3443 : vector<16xf32>
      %add3A_3445 = arith.addf %add3A_3423, %abs3A_3444 : vector<16xf32>
      %swap3A_3446 = arith.constant 7 : i32
      %swap3A_3447 = arith.index_cast %swap3A_3446 : i32 to index
      %swap3A_3448 = arith.constant 0 : index
      %swap3A_3449 = tpu.vector_load %arg14[%swap3A_3447, %swap3A_3448] {strides = array<i32>} : memref<16x17xf32, #tpu.memory_space<vmem>>, vector<16xf32>,
      tpu.vector_store %arg14[%swap3A_3447, %swap3A_3448], %add3A_3445 {strides = array<i32>} : memref<16x17xf32, #tpu.memory_space<vmem>>, vector<16xf32>,
      %slice3A_3450 = vector.extract_strided_slice %get3A_2580 {offsets = [8], sizes = [1], strides = [1]} : vector<16xi32> to vector<1xi32>
      %squeeze3A_3451 = vector.extract %slice3A_3450[0] : i32 from vector<1xi32>
      %and3A_3452 = arith.constant 7 : i32
      %and3A_3453 = arith.andi %squeeze3A_3451, %and3A_3452 : i32
      %shift_right_arithmetic3A_3454 = arith.constant 8 : i32
      %shift_right_arithmetic3A_3455 = arith.shrsi %squeeze3A_3451, %shift_right_arithmetic3A_3454 : i32
      %and3A_3456 = arith.constant 1 : i32
      %and3A_3457 = arith.andi %shift_right_arithmetic3A_3455, %and3A_3456 : i32
      %mul3A_3458 = arith.constant 64 : i32
      %mul3A_3459 = arith.muli %and3A_3457, %mul3A_3458 : i32
      %multiple_of3A_3460 = tpu.assume_multiple %mul3A_3459, 16 : i32
      %shift_right_arithmetic3A_3461 = arith.constant 16 : i32
      %shift_right_arithmetic3A_3462 = arith.shrsi %squeeze3A_3451, %shift_right_arithmetic3A_3461 : i32
      %and3A_3463 = arith.constant 7 : i32
      %and3A_3464 = arith.andi %shift_right_arithmetic3A_3462, %and3A_3463 : i32
      %broadcast_in_dim3A_3465 = arith.constant 0.000000e+00 : f32
      %broadcast_in_dim3A_3466 = vector.broadcast %broadcast_in_dim3A_3465 : f32 to vector<16xf32>
      %get3A_3467 = arith.constant 8 : i32
      %get3A_3468 = arith.index_cast %get3A_3467 : i32 to index
      %get3A_3469 = arith.index_cast %and3A_3453 : i32 to index
      %get3A_3470 = arith.constant 0 : index
      %get3A_3471 = tpu.vector_load %arg11[%get3A_3468, %get3A_3469, %get3A_3470] {strides = array<i32>} : memref<16x8x64xf32, #tpu.memory_space<vmem>>, vector<16xf32>,
      %add3A_3472 = arith.constant 8 : i32
      %add3A_3473 = arith.addi %mul3A_2578, %add3A_3472 : i32
      %add3A_3474 = arith.constant 0 : i32
      %add3A_3475 = arith.addi %multiple_of3A_3460, %add3A_3474 : i32
      %get3A_3476 = arith.index_cast %select_n3A : i32 to index
      %get3A_3477 = arith.index_cast %add3A_3473 : i32 to index
      %get3A_3478 = arith.index_cast %add3A_3475 : i32 to index
      %get3A_3479 = tpu.vector_load %arg12[%get3A_3476, %get3A_3477, %get3A_3478] {strides = array<i32>} : memref<4x128x128xf32, #tpu.memory_space<vmem>>, vector<16xf32>,
      %get3A_3480 = arith.constant 8 : i32
      %get3A_3481 = arith.index_cast %get3A_3480 : i32 to index
      %get3A_3482 = arith.index_cast %and3A_3464 : i32 to index
      %get3A_3483 = arith.constant 0 : index
      %get3A_3484 = tpu.vector_load %arg13[%get3A_3481, %get3A_3482, %get3A_3483] {strides = array<i32>} : memref<16x8x64xf32, #tpu.memory_space<vmem>>, vector<16xf32>,
      %add3A_3485 = arith.addf %get3A_3471, %get3A_3479 : vector<16xf32>
      %sub3A_3486 = arith.subf %add3A_3485, %get3A_3484 : vector<16xf32>
      %abs3A_3487 = math.absf %sub3A_3486 : vector<16xf32>
      %add3A_3488 = arith.addf %broadcast_in_dim3A_3466, %abs3A_3487 : vector<16xf32>
      %get3A_3489 = arith.constant 8 : i32
      %get3A_3490 = arith.index_cast %get3A_3489 : i32 to index
      %get3A_3491 = arith.index_cast %and3A_3453 : i32 to index
      %get3A_3492 = arith.constant 16 : index
      %get3A_3493 = tpu.vector_load %arg11[%get3A_3490, %get3A_3491, %get3A_3492] {strides = array<i32>} : memref<16x8x64xf32, #tpu.memory_space<vmem>>, vector<16xf32>,
      %add3A_3494 = arith.constant 8 : i32
      %add3A_3495 = arith.addi %mul3A_2578, %add3A_3494 : i32
      %add3A_3496 = arith.constant 16 : i32
      %add3A_3497 = arith.addi %multiple_of3A_3460, %add3A_3496 : i32
      %get3A_3498 = arith.index_cast %select_n3A : i32 to index
      %get3A_3499 = arith.index_cast %add3A_3495 : i32 to index
      %get3A_3500 = arith.index_cast %add3A_3497 : i32 to index
      %get3A_3501 = tpu.vector_load %arg12[%get3A_3498, %get3A_3499, %get3A_3500] {strides = array<i32>} : memref<4x128x128xf32, #tpu.memory_space<vmem>>, vector<16xf32>,
      %get3A_3502 = arith.constant 8 : i32
      %get3A_3503 = arith.index_cast %get3A_3502 : i32 to index
      %get3A_3504 = arith.index_cast %and3A_3464 : i32 to index
      %get3A_3505 = arith.constant 16 : index
      %get3A_3506 = tpu.vector_load %arg13[%get3A_3503, %get3A_3504, %get3A_3505] {strides = array<i32>} : memref<16x8x64xf32, #tpu.memory_space<vmem>>, vector<16xf32>,
      %add3A_3507 = arith.addf %get3A_3493, %get3A_3501 : vector<16xf32>
      %sub3A_3508 = arith.subf %add3A_3507, %get3A_3506 : vector<16xf32>
      %abs3A_3509 = math.absf %sub3A_3508 : vector<16xf32>
      %add3A_3510 = arith.addf %add3A_3488, %abs3A_3509 : vector<16xf32>
      %get3A_3511 = arith.constant 8 : i32
      %get3A_3512 = arith.index_cast %get3A_3511 : i32 to index
      %get3A_3513 = arith.index_cast %and3A_3453 : i32 to index
      %get3A_3514 = arith.constant 32 : index
      %get3A_3515 = tpu.vector_load %arg11[%get3A_3512, %get3A_3513, %get3A_3514] {strides = array<i32>} : memref<16x8x64xf32, #tpu.memory_space<vmem>>, vector<16xf32>,
      %add3A_3516 = arith.constant 8 : i32
      %add3A_3517 = arith.addi %mul3A_2578, %add3A_3516 : i32
      %add3A_3518 = arith.constant 32 : i32
      %add3A_3519 = arith.addi %multiple_of3A_3460, %add3A_3518 : i32
      %get3A_3520 = arith.index_cast %select_n3A : i32 to index
      %get3A_3521 = arith.index_cast %add3A_3517 : i32 to index
      %get3A_3522 = arith.index_cast %add3A_3519 : i32 to index
      %get3A_3523 = tpu.vector_load %arg12[%get3A_3520, %get3A_3521, %get3A_3522] {strides = array<i32>} : memref<4x128x128xf32, #tpu.memory_space<vmem>>, vector<16xf32>,
      %get3A_3524 = arith.constant 8 : i32
      %get3A_3525 = arith.index_cast %get3A_3524 : i32 to index
      %get3A_3526 = arith.index_cast %and3A_3464 : i32 to index
      %get3A_3527 = arith.constant 32 : index
      %get3A_3528 = tpu.vector_load %arg13[%get3A_3525, %get3A_3526, %get3A_3527] {strides = array<i32>} : memref<16x8x64xf32, #tpu.memory_space<vmem>>, vector<16xf32>,
      %add3A_3529 = arith.addf %get3A_3515, %get3A_3523 : vector<16xf32>
      %sub3A_3530 = arith.subf %add3A_3529, %get3A_3528 : vector<16xf32>
      %abs3A_3531 = math.absf %sub3A_3530 : vector<16xf32>
      %add3A_3532 = arith.addf %add3A_3510, %abs3A_3531 : vector<16xf32>
      %get3A_3533 = arith.constant 8 : i32
      %get3A_3534 = arith.index_cast %get3A_3533 : i32 to index
      %get3A_3535 = arith.index_cast %and3A_3453 : i32 to index
      %get3A_3536 = arith.constant 48 : index
      %get3A_3537 = tpu.vector_load %arg11[%get3A_3534, %get3A_3535, %get3A_3536] {strides = array<i32>} : memref<16x8x64xf32, #tpu.memory_space<vmem>>, vector<16xf32>,
      %add3A_3538 = arith.constant 8 : i32
      %add3A_3539 = arith.addi %mul3A_2578, %add3A_3538 : i32
      %add3A_3540 = arith.constant 48 : i32
      %add3A_3541 = arith.addi %multiple_of3A_3460, %add3A_3540 : i32
      %get3A_3542 = arith.index_cast %select_n3A : i32 to index
      %get3A_3543 = arith.index_cast %add3A_3539 : i32 to index
      %get3A_3544 = arith.index_cast %add3A_3541 : i32 to index
      %get3A_3545 = tpu.vector_load %arg12[%get3A_3542, %get3A_3543, %get3A_3544] {strides = array<i32>} : memref<4x128x128xf32, #tpu.memory_space<vmem>>, vector<16xf32>,
      %get3A_3546 = arith.constant 8 : i32
      %get3A_3547 = arith.index_cast %get3A_3546 : i32 to index
      %get3A_3548 = arith.index_cast %and3A_3464 : i32 to index
      %get3A_3549 = arith.constant 48 : index
      %get3A_3550 = tpu.vector_load %arg13[%get3A_3547, %get3A_3548, %get3A_3549] {strides = array<i32>} : memref<16x8x64xf32, #tpu.memory_space<vmem>>, vector<16xf32>,
      %add3A_3551 = arith.addf %get3A_3537, %get3A_3545 : vector<16xf32>
      %sub3A_3552 = arith.subf %add3A_3551, %get3A_3550 : vector<16xf32>
      %abs3A_3553 = math.absf %sub3A_3552 : vector<16xf32>
      %add3A_3554 = arith.addf %add3A_3532, %abs3A_3553 : vector<16xf32>
      %swap3A_3555 = arith.constant 8 : i32
      %swap3A_3556 = arith.index_cast %swap3A_3555 : i32 to index
      %swap3A_3557 = arith.constant 0 : index
      %swap3A_3558 = tpu.vector_load %arg14[%swap3A_3556, %swap3A_3557] {strides = array<i32>} : memref<16x17xf32, #tpu.memory_space<vmem>>, vector<16xf32>,
      tpu.vector_store %arg14[%swap3A_3556, %swap3A_3557], %add3A_3554 {strides = array<i32>} : memref<16x17xf32, #tpu.memory_space<vmem>>, vector<16xf32>,
      %slice3A_3559 = vector.extract_strided_slice %get3A_2580 {offsets = [9], sizes = [1], strides = [1]} : vector<16xi32> to vector<1xi32>
      %squeeze3A_3560 = vector.extract %slice3A_3559[0] : i32 from vector<1xi32>
      %and3A_3561 = arith.constant 7 : i32
      %and3A_3562 = arith.andi %squeeze3A_3560, %and3A_3561 : i32
      %shift_right_arithmetic3A_3563 = arith.constant 8 : i32
      %shift_right_arithmetic3A_3564 = arith.shrsi %squeeze3A_3560, %shift_right_arithmetic3A_3563 : i32
      %and3A_3565 = arith.constant 1 : i32
      %and3A_3566 = arith.andi %shift_right_arithmetic3A_3564, %and3A_3565 : i32
      %mul3A_3567 = arith.constant 64 : i32
      %mul3A_3568 = arith.muli %and3A_3566, %mul3A_3567 : i32
      %multiple_of3A_3569 = tpu.assume_multiple %mul3A_3568, 16 : i32
      %shift_right_arithmetic3A_3570 = arith.constant 16 : i32
      %shift_right_arithmetic3A_3571 = arith.shrsi %squeeze3A_3560, %shift_right_arithmetic3A_3570 : i32
      %and3A_3572 = arith.constant 7 : i32
      %and3A_3573 = arith.andi %shift_right_arithmetic3A_3571, %and3A_3572 : i32
      %broadcast_in_dim3A_3574 = arith.constant 0.000000e+00 : f32
      %broadcast_in_dim3A_3575 = vector.broadcast %broadcast_in_dim3A_3574 : f32 to vector<16xf32>
      %get3A_3576 = arith.constant 9 : i32
      %get3A_3577 = arith.index_cast %get3A_3576 : i32 to index
      %get3A_3578 = arith.index_cast %and3A_3562 : i32 to index
      %get3A_3579 = arith.constant 0 : index
      %get3A_3580 = tpu.vector_load %arg11[%get3A_3577, %get3A_3578, %get3A_3579] {strides = array<i32>} : memref<16x8x64xf32, #tpu.memory_space<vmem>>, vector<16xf32>,
      %add3A_3581 = arith.constant 9 : i32
      %add3A_3582 = arith.addi %mul3A_2578, %add3A_3581 : i32
      %add3A_3583 = arith.constant 0 : i32
      %add3A_3584 = arith.addi %multiple_of3A_3569, %add3A_3583 : i32
      %get3A_3585 = arith.index_cast %select_n3A : i32 to index
      %get3A_3586 = arith.index_cast %add3A_3582 : i32 to index
      %get3A_3587 = arith.index_cast %add3A_3584 : i32 to index
      %get3A_3588 = tpu.vector_load %arg12[%get3A_3585, %get3A_3586, %get3A_3587] {strides = array<i32>} : memref<4x128x128xf32, #tpu.memory_space<vmem>>, vector<16xf32>,
      %get3A_3589 = arith.constant 9 : i32
      %get3A_3590 = arith.index_cast %get3A_3589 : i32 to index
      %get3A_3591 = arith.index_cast %and3A_3573 : i32 to index
      %get3A_3592 = arith.constant 0 : index
      %get3A_3593 = tpu.vector_load %arg13[%get3A_3590, %get3A_3591, %get3A_3592] {strides = array<i32>} : memref<16x8x64xf32, #tpu.memory_space<vmem>>, vector<16xf32>,
      %add3A_3594 = arith.addf %get3A_3580, %get3A_3588 : vector<16xf32>
      %sub3A_3595 = arith.subf %add3A_3594, %get3A_3593 : vector<16xf32>
      %abs3A_3596 = math.absf %sub3A_3595 : vector<16xf32>
      %add3A_3597 = arith.addf %broadcast_in_dim3A_3575, %abs3A_3596 : vector<16xf32>
      %get3A_3598 = arith.constant 9 : i32
      %get3A_3599 = arith.index_cast %get3A_3598 : i32 to index
      %get3A_3600 = arith.index_cast %and3A_3562 : i32 to index
      %get3A_3601 = arith.constant 16 : index
      %get3A_3602 = tpu.vector_load %arg11[%get3A_3599, %get3A_3600, %get3A_3601] {strides = array<i32>} : memref<16x8x64xf32, #tpu.memory_space<vmem>>, vector<16xf32>,
      %add3A_3603 = arith.constant 9 : i32
      %add3A_3604 = arith.addi %mul3A_2578, %add3A_3603 : i32
      %add3A_3605 = arith.constant 16 : i32
      %add3A_3606 = arith.addi %multiple_of3A_3569, %add3A_3605 : i32
      %get3A_3607 = arith.index_cast %select_n3A : i32 to index
      %get3A_3608 = arith.index_cast %add3A_3604 : i32 to index
      %get3A_3609 = arith.index_cast %add3A_3606 : i32 to index
      %get3A_3610 = tpu.vector_load %arg12[%get3A_3607, %get3A_3608, %get3A_3609] {strides = array<i32>} : memref<4x128x128xf32, #tpu.memory_space<vmem>>, vector<16xf32>,
      %get3A_3611 = arith.constant 9 : i32
      %get3A_3612 = arith.index_cast %get3A_3611 : i32 to index
      %get3A_3613 = arith.index_cast %and3A_3573 : i32 to index
      %get3A_3614 = arith.constant 16 : index
      %get3A_3615 = tpu.vector_load %arg13[%get3A_3612, %get3A_3613, %get3A_3614] {strides = array<i32>} : memref<16x8x64xf32, #tpu.memory_space<vmem>>, vector<16xf32>,
      %add3A_3616 = arith.addf %get3A_3602, %get3A_3610 : vector<16xf32>
      %sub3A_3617 = arith.subf %add3A_3616, %get3A_3615 : vector<16xf32>
      %abs3A_3618 = math.absf %sub3A_3617 : vector<16xf32>
      %add3A_3619 = arith.addf %add3A_3597, %abs3A_3618 : vector<16xf32>
      %get3A_3620 = arith.constant 9 : i32
      %get3A_3621 = arith.index_cast %get3A_3620 : i32 to index
      %get3A_3622 = arith.index_cast %and3A_3562 : i32 to index
      %get3A_3623 = arith.constant 32 : index
      %get3A_3624 = tpu.vector_load %arg11[%get3A_3621, %get3A_3622, %get3A_3623] {strides = array<i32>} : memref<16x8x64xf32, #tpu.memory_space<vmem>>, vector<16xf32>,
      %add3A_3625 = arith.constant 9 : i32
      %add3A_3626 = arith.addi %mul3A_2578, %add3A_3625 : i32
      %add3A_3627 = arith.constant 32 : i32
      %add3A_3628 = arith.addi %multiple_of3A_3569, %add3A_3627 : i32
      %get3A_3629 = arith.index_cast %select_n3A : i32 to index
      %get3A_3630 = arith.index_cast %add3A_3626 : i32 to index
      %get3A_3631 = arith.index_cast %add3A_3628 : i32 to index
      %get3A_3632 = tpu.vector_load %arg12[%get3A_3629, %get3A_3630, %get3A_3631] {strides = array<i32>} : memref<4x128x128xf32, #tpu.memory_space<vmem>>, vector<16xf32>,
      %get3A_3633 = arith.constant 9 : i32
      %get3A_3634 = arith.index_cast %get3A_3633 : i32 to index
      %get3A_3635 = arith.index_cast %and3A_3573 : i32 to index
      %get3A_3636 = arith.constant 32 : index
      %get3A_3637 = tpu.vector_load %arg13[%get3A_3634, %get3A_3635, %get3A_3636] {strides = array<i32>} : memref<16x8x64xf32, #tpu.memory_space<vmem>>, vector<16xf32>,
      %add3A_3638 = arith.addf %get3A_3624, %get3A_3632 : vector<16xf32>
      %sub3A_3639 = arith.subf %add3A_3638, %get3A_3637 : vector<16xf32>
      %abs3A_3640 = math.absf %sub3A_3639 : vector<16xf32>
      %add3A_3641 = arith.addf %add3A_3619, %abs3A_3640 : vector<16xf32>
      %get3A_3642 = arith.constant 9 : i32
      %get3A_3643 = arith.index_cast %get3A_3642 : i32 to index
      %get3A_3644 = arith.index_cast %and3A_3562 : i32 to index
      %get3A_3645 = arith.constant 48 : index
      %get3A_3646 = tpu.vector_load %arg11[%get3A_3643, %get3A_3644, %get3A_3645] {strides = array<i32>} : memref<16x8x64xf32, #tpu.memory_space<vmem>>, vector<16xf32>,
      %add3A_3647 = arith.constant 9 : i32
      %add3A_3648 = arith.addi %mul3A_2578, %add3A_3647 : i32
      %add3A_3649 = arith.constant 48 : i32
      %add3A_3650 = arith.addi %multiple_of3A_3569, %add3A_3649 : i32
      %get3A_3651 = arith.index_cast %select_n3A : i32 to index
      %get3A_3652 = arith.index_cast %add3A_3648 : i32 to index
      %get3A_3653 = arith.index_cast %add3A_3650 : i32 to index
      %get3A_3654 = tpu.vector_load %arg12[%get3A_3651, %get3A_3652, %get3A_3653] {strides = array<i32>} : memref<4x128x128xf32, #tpu.memory_space<vmem>>, vector<16xf32>,
      %get3A_3655 = arith.constant 9 : i32
      %get3A_3656 = arith.index_cast %get3A_3655 : i32 to index
      %get3A_3657 = arith.index_cast %and3A_3573 : i32 to index
      %get3A_3658 = arith.constant 48 : index
      %get3A_3659 = tpu.vector_load %arg13[%get3A_3656, %get3A_3657, %get3A_3658] {strides = array<i32>} : memref<16x8x64xf32, #tpu.memory_space<vmem>>, vector<16xf32>,
      %add3A_3660 = arith.addf %get3A_3646, %get3A_3654 : vector<16xf32>
      %sub3A_3661 = arith.subf %add3A_3660, %get3A_3659 : vector<16xf32>
      %abs3A_3662 = math.absf %sub3A_3661 : vector<16xf32>
      %add3A_3663 = arith.addf %add3A_3641, %abs3A_3662 : vector<16xf32>
      %swap3A_3664 = arith.constant 9 : i32
      %swap3A_3665 = arith.index_cast %swap3A_3664 : i32 to index
      %swap3A_3666 = arith.constant 0 : index
      %swap3A_3667 = tpu.vector_load %arg14[%swap3A_3665, %swap3A_3666] {strides = array<i32>} : memref<16x17xf32, #tpu.memory_space<vmem>>, vector<16xf32>,
      tpu.vector_store %arg14[%swap3A_3665, %swap3A_3666], %add3A_3663 {strides = array<i32>} : memref<16x17xf32, #tpu.memory_space<vmem>>, vector<16xf32>,
      %slice3A_3668 = vector.extract_strided_slice %get3A_2580 {offsets = [10], sizes = [1], strides = [1]} : vector<16xi32> to vector<1xi32>
      %squeeze3A_3669 = vector.extract %slice3A_3668[0] : i32 from vector<1xi32>
      %and3A_3670 = arith.constant 7 : i32
      %and3A_3671 = arith.andi %squeeze3A_3669, %and3A_3670 : i32
      %shift_right_arithmetic3A_3672 = arith.constant 8 : i32
      %shift_right_arithmetic3A_3673 = arith.shrsi %squeeze3A_3669, %shift_right_arithmetic3A_3672 : i32
      %and3A_3674 = arith.constant 1 : i32
      %and3A_3675 = arith.andi %shift_right_arithmetic3A_3673, %and3A_3674 : i32
      %mul3A_3676 = arith.constant 64 : i32
      %mul3A_3677 = arith.muli %and3A_3675, %mul3A_3676 : i32
      %multiple_of3A_3678 = tpu.assume_multiple %mul3A_3677, 16 : i32
      %shift_right_arithmetic3A_3679 = arith.constant 16 : i32
      %shift_right_arithmetic3A_3680 = arith.shrsi %squeeze3A_3669, %shift_right_arithmetic3A_3679 : i32
      %and3A_3681 = arith.constant 7 : i32
      %and3A_3682 = arith.andi %shift_right_arithmetic3A_3680, %and3A_3681 : i32
      %broadcast_in_dim3A_3683 = arith.constant 0.000000e+00 : f32
      %broadcast_in_dim3A_3684 = vector.broadcast %broadcast_in_dim3A_3683 : f32 to vector<16xf32>
      %get3A_3685 = arith.constant 10 : i32
      %get3A_3686 = arith.index_cast %get3A_3685 : i32 to index
      %get3A_3687 = arith.index_cast %and3A_3671 : i32 to index
      %get3A_3688 = arith.constant 0 : index
      %get3A_3689 = tpu.vector_load %arg11[%get3A_3686, %get3A_3687, %get3A_3688] {strides = array<i32>} : memref<16x8x64xf32, #tpu.memory_space<vmem>>, vector<16xf32>,
      %add3A_3690 = arith.constant 10 : i32
      %add3A_3691 = arith.addi %mul3A_2578, %add3A_3690 : i32
      %add3A_3692 = arith.constant 0 : i32
      %add3A_3693 = arith.addi %multiple_of3A_3678, %add3A_3692 : i32
      %get3A_3694 = arith.index_cast %select_n3A : i32 to index
      %get3A_3695 = arith.index_cast %add3A_3691 : i32 to index
      %get3A_3696 = arith.index_cast %add3A_3693 : i32 to index
      %get3A_3697 = tpu.vector_load %arg12[%get3A_3694, %get3A_3695, %get3A_3696] {strides = array<i32>} : memref<4x128x128xf32, #tpu.memory_space<vmem>>, vector<16xf32>,
      %get3A_3698 = arith.constant 10 : i32
      %get3A_3699 = arith.index_cast %get3A_3698 : i32 to index
      %get3A_3700 = arith.index_cast %and3A_3682 : i32 to index
      %get3A_3701 = arith.constant 0 : index
      %get3A_3702 = tpu.vector_load %arg13[%get3A_3699, %get3A_3700, %get3A_3701] {strides = array<i32>} : memref<16x8x64xf32, #tpu.memory_space<vmem>>, vector<16xf32>,
      %add3A_3703 = arith.addf %get3A_3689, %get3A_3697 : vector<16xf32>
      %sub3A_3704 = arith.subf %add3A_3703, %get3A_3702 : vector<16xf32>
      %abs3A_3705 = math.absf %sub3A_3704 : vector<16xf32>
      %add3A_3706 = arith.addf %broadcast_in_dim3A_3684, %abs3A_3705 : vector<16xf32>
      %get3A_3707 = arith.constant 10 : i32
      %get3A_3708 = arith.index_cast %get3A_3707 : i32 to index
      %get3A_3709 = arith.index_cast %and3A_3671 : i32 to index
      %get3A_3710 = arith.constant 16 : index
      %get3A_3711 = tpu.vector_load %arg11[%get3A_3708, %get3A_3709, %get3A_3710] {strides = array<i32>} : memref<16x8x64xf32, #tpu.memory_space<vmem>>, vector<16xf32>,
      %add3A_3712 = arith.constant 10 : i32
      %add3A_3713 = arith.addi %mul3A_2578, %add3A_3712 : i32
      %add3A_3714 = arith.constant 16 : i32
      %add3A_3715 = arith.addi %multiple_of3A_3678, %add3A_3714 : i32
      %get3A_3716 = arith.index_cast %select_n3A : i32 to index
      %get3A_3717 = arith.index_cast %add3A_3713 : i32 to index
      %get3A_3718 = arith.index_cast %add3A_3715 : i32 to index
      %get3A_3719 = tpu.vector_load %arg12[%get3A_3716, %get3A_3717, %get3A_3718] {strides = array<i32>} : memref<4x128x128xf32, #tpu.memory_space<vmem>>, vector<16xf32>,
      %get3A_3720 = arith.constant 10 : i32
      %get3A_3721 = arith.index_cast %get3A_3720 : i32 to index
      %get3A_3722 = arith.index_cast %and3A_3682 : i32 to index
      %get3A_3723 = arith.constant 16 : index
      %get3A_3724 = tpu.vector_load %arg13[%get3A_3721, %get3A_3722, %get3A_3723] {strides = array<i32>} : memref<16x8x64xf32, #tpu.memory_space<vmem>>, vector<16xf32>,
      %add3A_3725 = arith.addf %get3A_3711, %get3A_3719 : vector<16xf32>
      %sub3A_3726 = arith.subf %add3A_3725, %get3A_3724 : vector<16xf32>
      %abs3A_3727 = math.absf %sub3A_3726 : vector<16xf32>
      %add3A_3728 = arith.addf %add3A_3706, %abs3A_3727 : vector<16xf32>
      %get3A_3729 = arith.constant 10 : i32
      %get3A_3730 = arith.index_cast %get3A_3729 : i32 to index
      %get3A_3731 = arith.index_cast %and3A_3671 : i32 to index
      %get3A_3732 = arith.constant 32 : index
      %get3A_3733 = tpu.vector_load %arg11[%get3A_3730, %get3A_3731, %get3A_3732] {strides = array<i32>} : memref<16x8x64xf32, #tpu.memory_space<vmem>>, vector<16xf32>,
      %add3A_3734 = arith.constant 10 : i32
      %add3A_3735 = arith.addi %mul3A_2578, %add3A_3734 : i32
      %add3A_3736 = arith.constant 32 : i32
      %add3A_3737 = arith.addi %multiple_of3A_3678, %add3A_3736 : i32
      %get3A_3738 = arith.index_cast %select_n3A : i32 to index
      %get3A_3739 = arith.index_cast %add3A_3735 : i32 to index
      %get3A_3740 = arith.index_cast %add3A_3737 : i32 to index
      %get3A_3741 = tpu.vector_load %arg12[%get3A_3738, %get3A_3739, %get3A_3740] {strides = array<i32>} : memref<4x128x128xf32, #tpu.memory_space<vmem>>, vector<16xf32>,
      %get3A_3742 = arith.constant 10 : i32
      %get3A_3743 = arith.index_cast %get3A_3742 : i32 to index
      %get3A_3744 = arith.index_cast %and3A_3682 : i32 to index
      %get3A_3745 = arith.constant 32 : index
      %get3A_3746 = tpu.vector_load %arg13[%get3A_3743, %get3A_3744, %get3A_3745] {strides = array<i32>} : memref<16x8x64xf32, #tpu.memory_space<vmem>>, vector<16xf32>,
      %add3A_3747 = arith.addf %get3A_3733, %get3A_3741 : vector<16xf32>
      %sub3A_3748 = arith.subf %add3A_3747, %get3A_3746 : vector<16xf32>
      %abs3A_3749 = math.absf %sub3A_3748 : vector<16xf32>
      %add3A_3750 = arith.addf %add3A_3728, %abs3A_3749 : vector<16xf32>
      %get3A_3751 = arith.constant 10 : i32
      %get3A_3752 = arith.index_cast %get3A_3751 : i32 to index
      %get3A_3753 = arith.index_cast %and3A_3671 : i32 to index
      %get3A_3754 = arith.constant 48 : index
      %get3A_3755 = tpu.vector_load %arg11[%get3A_3752, %get3A_3753, %get3A_3754] {strides = array<i32>} : memref<16x8x64xf32, #tpu.memory_space<vmem>>, vector<16xf32>,
      %add3A_3756 = arith.constant 10 : i32
      %add3A_3757 = arith.addi %mul3A_2578, %add3A_3756 : i32
      %add3A_3758 = arith.constant 48 : i32
      %add3A_3759 = arith.addi %multiple_of3A_3678, %add3A_3758 : i32
      %get3A_3760 = arith.index_cast %select_n3A : i32 to index
      %get3A_3761 = arith.index_cast %add3A_3757 : i32 to index
      %get3A_3762 = arith.index_cast %add3A_3759 : i32 to index
      %get3A_3763 = tpu.vector_load %arg12[%get3A_3760, %get3A_3761, %get3A_3762] {strides = array<i32>} : memref<4x128x128xf32, #tpu.memory_space<vmem>>, vector<16xf32>,
      %get3A_3764 = arith.constant 10 : i32
      %get3A_3765 = arith.index_cast %get3A_3764 : i32 to index
      %get3A_3766 = arith.index_cast %and3A_3682 : i32 to index
      %get3A_3767 = arith.constant 48 : index
      %get3A_3768 = tpu.vector_load %arg13[%get3A_3765, %get3A_3766, %get3A_3767] {strides = array<i32>} : memref<16x8x64xf32, #tpu.memory_space<vmem>>, vector<16xf32>,
      %add3A_3769 = arith.addf %get3A_3755, %get3A_3763 : vector<16xf32>
      %sub3A_3770 = arith.subf %add3A_3769, %get3A_3768 : vector<16xf32>
      %abs3A_3771 = math.absf %sub3A_3770 : vector<16xf32>
      %add3A_3772 = arith.addf %add3A_3750, %abs3A_3771 : vector<16xf32>
      %swap3A_3773 = arith.constant 10 : i32
      %swap3A_3774 = arith.index_cast %swap3A_3773 : i32 to index
      %swap3A_3775 = arith.constant 0 : index
      %swap3A_3776 = tpu.vector_load %arg14[%swap3A_3774, %swap3A_3775] {strides = array<i32>} : memref<16x17xf32, #tpu.memory_space<vmem>>, vector<16xf32>,
      tpu.vector_store %arg14[%swap3A_3774, %swap3A_3775], %add3A_3772 {strides = array<i32>} : memref<16x17xf32, #tpu.memory_space<vmem>>, vector<16xf32>,
      %slice3A_3777 = vector.extract_strided_slice %get3A_2580 {offsets = [11], sizes = [1], strides = [1]} : vector<16xi32> to vector<1xi32>
      %squeeze3A_3778 = vector.extract %slice3A_3777[0] : i32 from vector<1xi32>
      %and3A_3779 = arith.constant 7 : i32
      %and3A_3780 = arith.andi %squeeze3A_3778, %and3A_3779 : i32
      %shift_right_arithmetic3A_3781 = arith.constant 8 : i32
      %shift_right_arithmetic3A_3782 = arith.shrsi %squeeze3A_3778, %shift_right_arithmetic3A_3781 : i32
      %and3A_3783 = arith.constant 1 : i32
      %and3A_3784 = arith.andi %shift_right_arithmetic3A_3782, %and3A_3783 : i32
      %mul3A_3785 = arith.constant 64 : i32
      %mul3A_3786 = arith.muli %and3A_3784, %mul3A_3785 : i32
      %multiple_of3A_3787 = tpu.assume_multiple %mul3A_3786, 16 : i32
      %shift_right_arithmetic3A_3788 = arith.constant 16 : i32
      %shift_right_arithmetic3A_3789 = arith.shrsi %squeeze3A_3778, %shift_right_arithmetic3A_3788 : i32
      %and3A_3790 = arith.constant 7 : i32
      %and3A_3791 = arith.andi %shift_right_arithmetic3A_3789, %and3A_3790 : i32
      %broadcast_in_dim3A_3792 = arith.constant 0.000000e+00 : f32
      %broadcast_in_dim3A_3793 = vector.broadcast %broadcast_in_dim3A_3792 : f32 to vector<16xf32>
      %get3A_3794 = arith.constant 11 : i32
      %get3A_3795 = arith.index_cast %get3A_3794 : i32 to index
      %get3A_3796 = arith.index_cast %and3A_3780 : i32 to index
      %get3A_3797 = arith.constant 0 : index
      %get3A_3798 = tpu.vector_load %arg11[%get3A_3795, %get3A_3796, %get3A_3797] {strides = array<i32>} : memref<16x8x64xf32, #tpu.memory_space<vmem>>, vector<16xf32>,
      %add3A_3799 = arith.constant 11 : i32
      %add3A_3800 = arith.addi %mul3A_2578, %add3A_3799 : i32
      %add3A_3801 = arith.constant 0 : i32
      %add3A_3802 = arith.addi %multiple_of3A_3787, %add3A_3801 : i32
      %get3A_3803 = arith.index_cast %select_n3A : i32 to index
      %get3A_3804 = arith.index_cast %add3A_3800 : i32 to index
      %get3A_3805 = arith.index_cast %add3A_3802 : i32 to index
      %get3A_3806 = tpu.vector_load %arg12[%get3A_3803, %get3A_3804, %get3A_3805] {strides = array<i32>} : memref<4x128x128xf32, #tpu.memory_space<vmem>>, vector<16xf32>,
      %get3A_3807 = arith.constant 11 : i32
      %get3A_3808 = arith.index_cast %get3A_3807 : i32 to index
      %get3A_3809 = arith.index_cast %and3A_3791 : i32 to index
      %get3A_3810 = arith.constant 0 : index
      %get3A_3811 = tpu.vector_load %arg13[%get3A_3808, %get3A_3809, %get3A_3810] {strides = array<i32>} : memref<16x8x64xf32, #tpu.memory_space<vmem>>, vector<16xf32>,
      %add3A_3812 = arith.addf %get3A_3798, %get3A_3806 : vector<16xf32>
      %sub3A_3813 = arith.subf %add3A_3812, %get3A_3811 : vector<16xf32>
      %abs3A_3814 = math.absf %sub3A_3813 : vector<16xf32>
      %add3A_3815 = arith.addf %broadcast_in_dim3A_3793, %abs3A_3814 : vector<16xf32>
      %get3A_3816 = arith.constant 11 : i32
      %get3A_3817 = arith.index_cast %get3A_3816 : i32 to index
      %get3A_3818 = arith.index_cast %and3A_3780 : i32 to index
      %get3A_3819 = arith.constant 16 : index
      %get3A_3820 = tpu.vector_load %arg11[%get3A_3817, %get3A_3818, %get3A_3819] {strides = array<i32>} : memref<16x8x64xf32, #tpu.memory_space<vmem>>, vector<16xf32>,
      %add3A_3821 = arith.constant 11 : i32
      %add3A_3822 = arith.addi %mul3A_2578, %add3A_3821 : i32
      %add3A_3823 = arith.constant 16 : i32
      %add3A_3824 = arith.addi %multiple_of3A_3787, %add3A_3823 : i32
      %get3A_3825 = arith.index_cast %select_n3A : i32 to index
      %get3A_3826 = arith.index_cast %add3A_3822 : i32 to index
      %get3A_3827 = arith.index_cast %add3A_3824 : i32 to index
      %get3A_3828 = tpu.vector_load %arg12[%get3A_3825, %get3A_3826, %get3A_3827] {strides = array<i32>} : memref<4x128x128xf32, #tpu.memory_space<vmem>>, vector<16xf32>,
      %get3A_3829 = arith.constant 11 : i32
      %get3A_3830 = arith.index_cast %get3A_3829 : i32 to index
      %get3A_3831 = arith.index_cast %and3A_3791 : i32 to index
      %get3A_3832 = arith.constant 16 : index
      %get3A_3833 = tpu.vector_load %arg13[%get3A_3830, %get3A_3831, %get3A_3832] {strides = array<i32>} : memref<16x8x64xf32, #tpu.memory_space<vmem>>, vector<16xf32>,
      %add3A_3834 = arith.addf %get3A_3820, %get3A_3828 : vector<16xf32>
      %sub3A_3835 = arith.subf %add3A_3834, %get3A_3833 : vector<16xf32>
      %abs3A_3836 = math.absf %sub3A_3835 : vector<16xf32>
      %add3A_3837 = arith.addf %add3A_3815, %abs3A_3836 : vector<16xf32>
      %get3A_3838 = arith.constant 11 : i32
      %get3A_3839 = arith.index_cast %get3A_3838 : i32 to index
      %get3A_3840 = arith.index_cast %and3A_3780 : i32 to index
      %get3A_3841 = arith.constant 32 : index
      %get3A_3842 = tpu.vector_load %arg11[%get3A_3839, %get3A_3840, %get3A_3841] {strides = array<i32>} : memref<16x8x64xf32, #tpu.memory_space<vmem>>, vector<16xf32>,
      %add3A_3843 = arith.constant 11 : i32
      %add3A_3844 = arith.addi %mul3A_2578, %add3A_3843 : i32
      %add3A_3845 = arith.constant 32 : i32
      %add3A_3846 = arith.addi %multiple_of3A_3787, %add3A_3845 : i32
      %get3A_3847 = arith.index_cast %select_n3A : i32 to index
      %get3A_3848 = arith.index_cast %add3A_3844 : i32 to index
      %get3A_3849 = arith.index_cast %add3A_3846 : i32 to index
      %get3A_3850 = tpu.vector_load %arg12[%get3A_3847, %get3A_3848, %get3A_3849] {strides = array<i32>} : memref<4x128x128xf32, #tpu.memory_space<vmem>>, vector<16xf32>,
      %get3A_3851 = arith.constant 11 : i32
      %get3A_3852 = arith.index_cast %get3A_3851 : i32 to index
      %get3A_3853 = arith.index_cast %and3A_3791 : i32 to index
      %get3A_3854 = arith.constant 32 : index
      %get3A_3855 = tpu.vector_load %arg13[%get3A_3852, %get3A_3853, %get3A_3854] {strides = array<i32>} : memref<16x8x64xf32, #tpu.memory_space<vmem>>, vector<16xf32>,
      %add3A_3856 = arith.addf %get3A_3842, %get3A_3850 : vector<16xf32>
      %sub3A_3857 = arith.subf %add3A_3856, %get3A_3855 : vector<16xf32>
      %abs3A_3858 = math.absf %sub3A_3857 : vector<16xf32>
      %add3A_3859 = arith.addf %add3A_3837, %abs3A_3858 : vector<16xf32>
      %get3A_3860 = arith.constant 11 : i32
      %get3A_3861 = arith.index_cast %get3A_3860 : i32 to index
      %get3A_3862 = arith.index_cast %and3A_3780 : i32 to index
      %get3A_3863 = arith.constant 48 : index
      %get3A_3864 = tpu.vector_load %arg11[%get3A_3861, %get3A_3862, %get3A_3863] {strides = array<i32>} : memref<16x8x64xf32, #tpu.memory_space<vmem>>, vector<16xf32>,
      %add3A_3865 = arith.constant 11 : i32
      %add3A_3866 = arith.addi %mul3A_2578, %add3A_3865 : i32
      %add3A_3867 = arith.constant 48 : i32
      %add3A_3868 = arith.addi %multiple_of3A_3787, %add3A_3867 : i32
      %get3A_3869 = arith.index_cast %select_n3A : i32 to index
      %get3A_3870 = arith.index_cast %add3A_3866 : i32 to index
      %get3A_3871 = arith.index_cast %add3A_3868 : i32 to index
      %get3A_3872 = tpu.vector_load %arg12[%get3A_3869, %get3A_3870, %get3A_3871] {strides = array<i32>} : memref<4x128x128xf32, #tpu.memory_space<vmem>>, vector<16xf32>,
      %get3A_3873 = arith.constant 11 : i32
      %get3A_3874 = arith.index_cast %get3A_3873 : i32 to index
      %get3A_3875 = arith.index_cast %and3A_3791 : i32 to index
      %get3A_3876 = arith.constant 48 : index
      %get3A_3877 = tpu.vector_load %arg13[%get3A_3874, %get3A_3875, %get3A_3876] {strides = array<i32>} : memref<16x8x64xf32, #tpu.memory_space<vmem>>, vector<16xf32>,
      %add3A_3878 = arith.addf %get3A_3864, %get3A_3872 : vector<16xf32>
      %sub3A_3879 = arith.subf %add3A_3878, %get3A_3877 : vector<16xf32>
      %abs3A_3880 = math.absf %sub3A_3879 : vector<16xf32>
      %add3A_3881 = arith.addf %add3A_3859, %abs3A_3880 : vector<16xf32>
      %swap3A_3882 = arith.constant 11 : i32
      %swap3A_3883 = arith.index_cast %swap3A_3882 : i32 to index
      %swap3A_3884 = arith.constant 0 : index
      %swap3A_3885 = tpu.vector_load %arg14[%swap3A_3883, %swap3A_3884] {strides = array<i32>} : memref<16x17xf32, #tpu.memory_space<vmem>>, vector<16xf32>,
      tpu.vector_store %arg14[%swap3A_3883, %swap3A_3884], %add3A_3881 {strides = array<i32>} : memref<16x17xf32, #tpu.memory_space<vmem>>, vector<16xf32>,
      %slice3A_3886 = vector.extract_strided_slice %get3A_2580 {offsets = [12], sizes = [1], strides = [1]} : vector<16xi32> to vector<1xi32>
      %squeeze3A_3887 = vector.extract %slice3A_3886[0] : i32 from vector<1xi32>
      %and3A_3888 = arith.constant 7 : i32
      %and3A_3889 = arith.andi %squeeze3A_3887, %and3A_3888 : i32
      %shift_right_arithmetic3A_3890 = arith.constant 8 : i32
      %shift_right_arithmetic3A_3891 = arith.shrsi %squeeze3A_3887, %shift_right_arithmetic3A_3890 : i32
      %and3A_3892 = arith.constant 1 : i32
      %and3A_3893 = arith.andi %shift_right_arithmetic3A_3891, %and3A_3892 : i32
      %mul3A_3894 = arith.constant 64 : i32
      %mul3A_3895 = arith.muli %and3A_3893, %mul3A_3894 : i32
      %multiple_of3A_3896 = tpu.assume_multiple %mul3A_3895, 16 : i32
      %shift_right_arithmetic3A_3897 = arith.constant 16 : i32
      %shift_right_arithmetic3A_3898 = arith.shrsi %squeeze3A_3887, %shift_right_arithmetic3A_3897 : i32
      %and3A_3899 = arith.constant 7 : i32
      %and3A_3900 = arith.andi %shift_right_arithmetic3A_3898, %and3A_3899 : i32
      %broadcast_in_dim3A_3901 = arith.constant 0.000000e+00 : f32
      %broadcast_in_dim3A_3902 = vector.broadcast %broadcast_in_dim3A_3901 : f32 to vector<16xf32>
      %get3A_3903 = arith.constant 12 : i32
      %get3A_3904 = arith.index_cast %get3A_3903 : i32 to index
      %get3A_3905 = arith.index_cast %and3A_3889 : i32 to index
      %get3A_3906 = arith.constant 0 : index
      %get3A_3907 = tpu.vector_load %arg11[%get3A_3904, %get3A_3905, %get3A_3906] {strides = array<i32>} : memref<16x8x64xf32, #tpu.memory_space<vmem>>, vector<16xf32>,
      %add3A_3908 = arith.constant 12 : i32
      %add3A_3909 = arith.addi %mul3A_2578, %add3A_3908 : i32
      %add3A_3910 = arith.constant 0 : i32
      %add3A_3911 = arith.addi %multiple_of3A_3896, %add3A_3910 : i32
      %get3A_3912 = arith.index_cast %select_n3A : i32 to index
      %get3A_3913 = arith.index_cast %add3A_3909 : i32 to index
      %get3A_3914 = arith.index_cast %add3A_3911 : i32 to index
      %get3A_3915 = tpu.vector_load %arg12[%get3A_3912, %get3A_3913, %get3A_3914] {strides = array<i32>} : memref<4x128x128xf32, #tpu.memory_space<vmem>>, vector<16xf32>,
      %get3A_3916 = arith.constant 12 : i32
      %get3A_3917 = arith.index_cast %get3A_3916 : i32 to index
      %get3A_3918 = arith.index_cast %and3A_3900 : i32 to index
      %get3A_3919 = arith.constant 0 : index
      %get3A_3920 = tpu.vector_load %arg13[%get3A_3917, %get3A_3918, %get3A_3919] {strides = array<i32>} : memref<16x8x64xf32, #tpu.memory_space<vmem>>, vector<16xf32>,
      %add3A_3921 = arith.addf %get3A_3907, %get3A_3915 : vector<16xf32>
      %sub3A_3922 = arith.subf %add3A_3921, %get3A_3920 : vector<16xf32>
      %abs3A_3923 = math.absf %sub3A_3922 : vector<16xf32>
      %add3A_3924 = arith.addf %broadcast_in_dim3A_3902, %abs3A_3923 : vector<16xf32>
      %get3A_3925 = arith.constant 12 : i32
      %get3A_3926 = arith.index_cast %get3A_3925 : i32 to index
      %get3A_3927 = arith.index_cast %and3A_3889 : i32 to index
      %get3A_3928 = arith.constant 16 : index
      %get3A_3929 = tpu.vector_load %arg11[%get3A_3926, %get3A_3927, %get3A_3928] {strides = array<i32>} : memref<16x8x64xf32, #tpu.memory_space<vmem>>, vector<16xf32>,
      %add3A_3930 = arith.constant 12 : i32
      %add3A_3931 = arith.addi %mul3A_2578, %add3A_3930 : i32
      %add3A_3932 = arith.constant 16 : i32
      %add3A_3933 = arith.addi %multiple_of3A_3896, %add3A_3932 : i32
      %get3A_3934 = arith.index_cast %select_n3A : i32 to index
      %get3A_3935 = arith.index_cast %add3A_3931 : i32 to index
      %get3A_3936 = arith.index_cast %add3A_3933 : i32 to index
      %get3A_3937 = tpu.vector_load %arg12[%get3A_3934, %get3A_3935, %get3A_3936] {strides = array<i32>} : memref<4x128x128xf32, #tpu.memory_space<vmem>>, vector<16xf32>,
      %get3A_3938 = arith.constant 12 : i32
      %get3A_3939 = arith.index_cast %get3A_3938 : i32 to index
      %get3A_3940 = arith.index_cast %and3A_3900 : i32 to index
      %get3A_3941 = arith.constant 16 : index
      %get3A_3942 = tpu.vector_load %arg13[%get3A_3939, %get3A_3940, %get3A_3941] {strides = array<i32>} : memref<16x8x64xf32, #tpu.memory_space<vmem>>, vector<16xf32>,
      %add3A_3943 = arith.addf %get3A_3929, %get3A_3937 : vector<16xf32>
      %sub3A_3944 = arith.subf %add3A_3943, %get3A_3942 : vector<16xf32>
      %abs3A_3945 = math.absf %sub3A_3944 : vector<16xf32>
      %add3A_3946 = arith.addf %add3A_3924, %abs3A_3945 : vector<16xf32>
      %get3A_3947 = arith.constant 12 : i32
      %get3A_3948 = arith.index_cast %get3A_3947 : i32 to index
      %get3A_3949 = arith.index_cast %and3A_3889 : i32 to index
      %get3A_3950 = arith.constant 32 : index
      %get3A_3951 = tpu.vector_load %arg11[%get3A_3948, %get3A_3949, %get3A_3950] {strides = array<i32>} : memref<16x8x64xf32, #tpu.memory_space<vmem>>, vector<16xf32>,
      %add3A_3952 = arith.constant 12 : i32
      %add3A_3953 = arith.addi %mul3A_2578, %add3A_3952 : i32
      %add3A_3954 = arith.constant 32 : i32
      %add3A_3955 = arith.addi %multiple_of3A_3896, %add3A_3954 : i32
      %get3A_3956 = arith.index_cast %select_n3A : i32 to index
      %get3A_3957 = arith.index_cast %add3A_3953 : i32 to index
      %get3A_3958 = arith.index_cast %add3A_3955 : i32 to index
      %get3A_3959 = tpu.vector_load %arg12[%get3A_3956, %get3A_3957, %get3A_3958] {strides = array<i32>} : memref<4x128x128xf32, #tpu.memory_space<vmem>>, vector<16xf32>,
      %get3A_3960 = arith.constant 12 : i32
      %get3A_3961 = arith.index_cast %get3A_3960 : i32 to index
      %get3A_3962 = arith.index_cast %and3A_3900 : i32 to index
      %get3A_3963 = arith.constant 32 : index
      %get3A_3964 = tpu.vector_load %arg13[%get3A_3961, %get3A_3962, %get3A_3963] {strides = array<i32>} : memref<16x8x64xf32, #tpu.memory_space<vmem>>, vector<16xf32>,
      %add3A_3965 = arith.addf %get3A_3951, %get3A_3959 : vector<16xf32>
      %sub3A_3966 = arith.subf %add3A_3965, %get3A_3964 : vector<16xf32>
      %abs3A_3967 = math.absf %sub3A_3966 : vector<16xf32>
      %add3A_3968 = arith.addf %add3A_3946, %abs3A_3967 : vector<16xf32>
      %get3A_3969 = arith.constant 12 : i32
      %get3A_3970 = arith.index_cast %get3A_3969 : i32 to index
      %get3A_3971 = arith.index_cast %and3A_3889 : i32 to index
      %get3A_3972 = arith.constant 48 : index
      %get3A_3973 = tpu.vector_load %arg11[%get3A_3970, %get3A_3971, %get3A_3972] {strides = array<i32>} : memref<16x8x64xf32, #tpu.memory_space<vmem>>, vector<16xf32>,
      %add3A_3974 = arith.constant 12 : i32
      %add3A_3975 = arith.addi %mul3A_2578, %add3A_3974 : i32
      %add3A_3976 = arith.constant 48 : i32
      %add3A_3977 = arith.addi %multiple_of3A_3896, %add3A_3976 : i32
      %get3A_3978 = arith.index_cast %select_n3A : i32 to index
      %get3A_3979 = arith.index_cast %add3A_3975 : i32 to index
      %get3A_3980 = arith.index_cast %add3A_3977 : i32 to index
      %get3A_3981 = tpu.vector_load %arg12[%get3A_3978, %get3A_3979, %get3A_3980] {strides = array<i32>} : memref<4x128x128xf32, #tpu.memory_space<vmem>>, vector<16xf32>,
      %get3A_3982 = arith.constant 12 : i32
      %get3A_3983 = arith.index_cast %get3A_3982 : i32 to index
      %get3A_3984 = arith.index_cast %and3A_3900 : i32 to index
      %get3A_3985 = arith.constant 48 : index
      %get3A_3986 = tpu.vector_load %arg13[%get3A_3983, %get3A_3984, %get3A_3985] {strides = array<i32>} : memref<16x8x64xf32, #tpu.memory_space<vmem>>, vector<16xf32>,
      %add3A_3987 = arith.addf %get3A_3973, %get3A_3981 : vector<16xf32>
      %sub3A_3988 = arith.subf %add3A_3987, %get3A_3986 : vector<16xf32>
      %abs3A_3989 = math.absf %sub3A_3988 : vector<16xf32>
      %add3A_3990 = arith.addf %add3A_3968, %abs3A_3989 : vector<16xf32>
      %swap3A_3991 = arith.constant 12 : i32
      %swap3A_3992 = arith.index_cast %swap3A_3991 : i32 to index
      %swap3A_3993 = arith.constant 0 : index
      %swap3A_3994 = tpu.vector_load %arg14[%swap3A_3992, %swap3A_3993] {strides = array<i32>} : memref<16x17xf32, #tpu.memory_space<vmem>>, vector<16xf32>,
      tpu.vector_store %arg14[%swap3A_3992, %swap3A_3993], %add3A_3990 {strides = array<i32>} : memref<16x17xf32, #tpu.memory_space<vmem>>, vector<16xf32>,
      %slice3A_3995 = vector.extract_strided_slice %get3A_2580 {offsets = [13], sizes = [1], strides = [1]} : vector<16xi32> to vector<1xi32>
      %squeeze3A_3996 = vector.extract %slice3A_3995[0] : i32 from vector<1xi32>
      %and3A_3997 = arith.constant 7 : i32
      %and3A_3998 = arith.andi %squeeze3A_3996, %and3A_3997 : i32
      %shift_right_arithmetic3A_3999 = arith.constant 8 : i32
      %shift_right_arithmetic3A_4000 = arith.shrsi %squeeze3A_3996, %shift_right_arithmetic3A_3999 : i32
      %and3A_4001 = arith.constant 1 : i32
      %and3A_4002 = arith.andi %shift_right_arithmetic3A_4000, %and3A_4001 : i32
      %mul3A_4003 = arith.constant 64 : i32
      %mul3A_4004 = arith.muli %and3A_4002, %mul3A_4003 : i32
      %multiple_of3A_4005 = tpu.assume_multiple %mul3A_4004, 16 : i32
      %shift_right_arithmetic3A_4006 = arith.constant 16 : i32
      %shift_right_arithmetic3A_4007 = arith.shrsi %squeeze3A_3996, %shift_right_arithmetic3A_4006 : i32
      %and3A_4008 = arith.constant 7 : i32
      %and3A_4009 = arith.andi %shift_right_arithmetic3A_4007, %and3A_4008 : i32
      %broadcast_in_dim3A_4010 = arith.constant 0.000000e+00 : f32
      %broadcast_in_dim3A_4011 = vector.broadcast %broadcast_in_dim3A_4010 : f32 to vector<16xf32>
      %get3A_4012 = arith.constant 13 : i32
      %get3A_4013 = arith.index_cast %get3A_4012 : i32 to index
      %get3A_4014 = arith.index_cast %and3A_3998 : i32 to index
      %get3A_4015 = arith.constant 0 : index
      %get3A_4016 = tpu.vector_load %arg11[%get3A_4013, %get3A_4014, %get3A_4015] {strides = array<i32>} : memref<16x8x64xf32, #tpu.memory_space<vmem>>, vector<16xf32>,
      %add3A_4017 = arith.constant 13 : i32
      %add3A_4018 = arith.addi %mul3A_2578, %add3A_4017 : i32
      %add3A_4019 = arith.constant 0 : i32
      %add3A_4020 = arith.addi %multiple_of3A_4005, %add3A_4019 : i32
      %get3A_4021 = arith.index_cast %select_n3A : i32 to index
      %get3A_4022 = arith.index_cast %add3A_4018 : i32 to index
      %get3A_4023 = arith.index_cast %add3A_4020 : i32 to index
      %get3A_4024 = tpu.vector_load %arg12[%get3A_4021, %get3A_4022, %get3A_4023] {strides = array<i32>} : memref<4x128x128xf32, #tpu.memory_space<vmem>>, vector<16xf32>,
      %get3A_4025 = arith.constant 13 : i32
      %get3A_4026 = arith.index_cast %get3A_4025 : i32 to index
      %get3A_4027 = arith.index_cast %and3A_4009 : i32 to index
      %get3A_4028 = arith.constant 0 : index
      %get3A_4029 = tpu.vector_load %arg13[%get3A_4026, %get3A_4027, %get3A_4028] {strides = array<i32>} : memref<16x8x64xf32, #tpu.memory_space<vmem>>, vector<16xf32>,
      %add3A_4030 = arith.addf %get3A_4016, %get3A_4024 : vector<16xf32>
      %sub3A_4031 = arith.subf %add3A_4030, %get3A_4029 : vector<16xf32>
      %abs3A_4032 = math.absf %sub3A_4031 : vector<16xf32>
      %add3A_4033 = arith.addf %broadcast_in_dim3A_4011, %abs3A_4032 : vector<16xf32>
      %get3A_4034 = arith.constant 13 : i32
      %get3A_4035 = arith.index_cast %get3A_4034 : i32 to index
      %get3A_4036 = arith.index_cast %and3A_3998 : i32 to index
      %get3A_4037 = arith.constant 16 : index
      %get3A_4038 = tpu.vector_load %arg11[%get3A_4035, %get3A_4036, %get3A_4037] {strides = array<i32>} : memref<16x8x64xf32, #tpu.memory_space<vmem>>, vector<16xf32>,
      %add3A_4039 = arith.constant 13 : i32
      %add3A_4040 = arith.addi %mul3A_2578, %add3A_4039 : i32
      %add3A_4041 = arith.constant 16 : i32
      %add3A_4042 = arith.addi %multiple_of3A_4005, %add3A_4041 : i32
      %get3A_4043 = arith.index_cast %select_n3A : i32 to index
      %get3A_4044 = arith.index_cast %add3A_4040 : i32 to index
      %get3A_4045 = arith.index_cast %add3A_4042 : i32 to index
      %get3A_4046 = tpu.vector_load %arg12[%get3A_4043, %get3A_4044, %get3A_4045] {strides = array<i32>} : memref<4x128x128xf32, #tpu.memory_space<vmem>>, vector<16xf32>,
      %get3A_4047 = arith.constant 13 : i32
      %get3A_4048 = arith.index_cast %get3A_4047 : i32 to index
      %get3A_4049 = arith.index_cast %and3A_4009 : i32 to index
      %get3A_4050 = arith.constant 16 : index
      %get3A_4051 = tpu.vector_load %arg13[%get3A_4048, %get3A_4049, %get3A_4050] {strides = array<i32>} : memref<16x8x64xf32, #tpu.memory_space<vmem>>, vector<16xf32>,
      %add3A_4052 = arith.addf %get3A_4038, %get3A_4046 : vector<16xf32>
      %sub3A_4053 = arith.subf %add3A_4052, %get3A_4051 : vector<16xf32>
      %abs3A_4054 = math.absf %sub3A_4053 : vector<16xf32>
      %add3A_4055 = arith.addf %add3A_4033, %abs3A_4054 : vector<16xf32>
      %get3A_4056 = arith.constant 13 : i32
      %get3A_4057 = arith.index_cast %get3A_4056 : i32 to index
      %get3A_4058 = arith.index_cast %and3A_3998 : i32 to index
      %get3A_4059 = arith.constant 32 : index
      %get3A_4060 = tpu.vector_load %arg11[%get3A_4057, %get3A_4058, %get3A_4059] {strides = array<i32>} : memref<16x8x64xf32, #tpu.memory_space<vmem>>, vector<16xf32>,
      %add3A_4061 = arith.constant 13 : i32
      %add3A_4062 = arith.addi %mul3A_2578, %add3A_4061 : i32
      %add3A_4063 = arith.constant 32 : i32
      %add3A_4064 = arith.addi %multiple_of3A_4005, %add3A_4063 : i32
      %get3A_4065 = arith.index_cast %select_n3A : i32 to index
      %get3A_4066 = arith.index_cast %add3A_4062 : i32 to index
      %get3A_4067 = arith.index_cast %add3A_4064 : i32 to index
      %get3A_4068 = tpu.vector_load %arg12[%get3A_4065, %get3A_4066, %get3A_4067] {strides = array<i32>} : memref<4x128x128xf32, #tpu.memory_space<vmem>>, vector<16xf32>,
      %get3A_4069 = arith.constant 13 : i32
      %get3A_4070 = arith.index_cast %get3A_4069 : i32 to index
      %get3A_4071 = arith.index_cast %and3A_4009 : i32 to index
      %get3A_4072 = arith.constant 32 : index
      %get3A_4073 = tpu.vector_load %arg13[%get3A_4070, %get3A_4071, %get3A_4072] {strides = array<i32>} : memref<16x8x64xf32, #tpu.memory_space<vmem>>, vector<16xf32>,
      %add3A_4074 = arith.addf %get3A_4060, %get3A_4068 : vector<16xf32>
      %sub3A_4075 = arith.subf %add3A_4074, %get3A_4073 : vector<16xf32>
      %abs3A_4076 = math.absf %sub3A_4075 : vector<16xf32>
      %add3A_4077 = arith.addf %add3A_4055, %abs3A_4076 : vector<16xf32>
      %get3A_4078 = arith.constant 13 : i32
      %get3A_4079 = arith.index_cast %get3A_4078 : i32 to index
      %get3A_4080 = arith.index_cast %and3A_3998 : i32 to index
      %get3A_4081 = arith.constant 48 : index
      %get3A_4082 = tpu.vector_load %arg11[%get3A_4079, %get3A_4080, %get3A_4081] {strides = array<i32>} : memref<16x8x64xf32, #tpu.memory_space<vmem>>, vector<16xf32>,
      %add3A_4083 = arith.constant 13 : i32
      %add3A_4084 = arith.addi %mul3A_2578, %add3A_4083 : i32
      %add3A_4085 = arith.constant 48 : i32
      %add3A_4086 = arith.addi %multiple_of3A_4005, %add3A_4085 : i32
      %get3A_4087 = arith.index_cast %select_n3A : i32 to index
      %get3A_4088 = arith.index_cast %add3A_4084 : i32 to index
      %get3A_4089 = arith.index_cast %add3A_4086 : i32 to index
      %get3A_4090 = tpu.vector_load %arg12[%get3A_4087, %get3A_4088, %get3A_4089] {strides = array<i32>} : memref<4x128x128xf32, #tpu.memory_space<vmem>>, vector<16xf32>,
      %get3A_4091 = arith.constant 13 : i32
      %get3A_4092 = arith.index_cast %get3A_4091 : i32 to index
      %get3A_4093 = arith.index_cast %and3A_4009 : i32 to index
      %get3A_4094 = arith.constant 48 : index
      %get3A_4095 = tpu.vector_load %arg13[%get3A_4092, %get3A_4093, %get3A_4094] {strides = array<i32>} : memref<16x8x64xf32, #tpu.memory_space<vmem>>, vector<16xf32>,
      %add3A_4096 = arith.addf %get3A_4082, %get3A_4090 : vector<16xf32>
      %sub3A_4097 = arith.subf %add3A_4096, %get3A_4095 : vector<16xf32>
      %abs3A_4098 = math.absf %sub3A_4097 : vector<16xf32>
      %add3A_4099 = arith.addf %add3A_4077, %abs3A_4098 : vector<16xf32>
      %swap3A_4100 = arith.constant 13 : i32
      %swap3A_4101 = arith.index_cast %swap3A_4100 : i32 to index
      %swap3A_4102 = arith.constant 0 : index
      %swap3A_4103 = tpu.vector_load %arg14[%swap3A_4101, %swap3A_4102] {strides = array<i32>} : memref<16x17xf32, #tpu.memory_space<vmem>>, vector<16xf32>,
      tpu.vector_store %arg14[%swap3A_4101, %swap3A_4102], %add3A_4099 {strides = array<i32>} : memref<16x17xf32, #tpu.memory_space<vmem>>, vector<16xf32>,
      %slice3A_4104 = vector.extract_strided_slice %get3A_2580 {offsets = [14], sizes = [1], strides = [1]} : vector<16xi32> to vector<1xi32>
      %squeeze3A_4105 = vector.extract %slice3A_4104[0] : i32 from vector<1xi32>
      %and3A_4106 = arith.constant 7 : i32
      %and3A_4107 = arith.andi %squeeze3A_4105, %and3A_4106 : i32
      %shift_right_arithmetic3A_4108 = arith.constant 8 : i32
      %shift_right_arithmetic3A_4109 = arith.shrsi %squeeze3A_4105, %shift_right_arithmetic3A_4108 : i32
      %and3A_4110 = arith.constant 1 : i32
      %and3A_4111 = arith.andi %shift_right_arithmetic3A_4109, %and3A_4110 : i32
      %mul3A_4112 = arith.constant 64 : i32
      %mul3A_4113 = arith.muli %and3A_4111, %mul3A_4112 : i32
      %multiple_of3A_4114 = tpu.assume_multiple %mul3A_4113, 16 : i32
      %shift_right_arithmetic3A_4115 = arith.constant 16 : i32
      %shift_right_arithmetic3A_4116 = arith.shrsi %squeeze3A_4105, %shift_right_arithmetic3A_4115 : i32
      %and3A_4117 = arith.constant 7 : i32
      %and3A_4118 = arith.andi %shift_right_arithmetic3A_4116, %and3A_4117 : i32
      %broadcast_in_dim3A_4119 = arith.constant 0.000000e+00 : f32
      %broadcast_in_dim3A_4120 = vector.broadcast %broadcast_in_dim3A_4119 : f32 to vector<16xf32>
      %get3A_4121 = arith.constant 14 : i32
      %get3A_4122 = arith.index_cast %get3A_4121 : i32 to index
      %get3A_4123 = arith.index_cast %and3A_4107 : i32 to index
      %get3A_4124 = arith.constant 0 : index
      %get3A_4125 = tpu.vector_load %arg11[%get3A_4122, %get3A_4123, %get3A_4124] {strides = array<i32>} : memref<16x8x64xf32, #tpu.memory_space<vmem>>, vector<16xf32>,
      %add3A_4126 = arith.constant 14 : i32
      %add3A_4127 = arith.addi %mul3A_2578, %add3A_4126 : i32
      %add3A_4128 = arith.constant 0 : i32
      %add3A_4129 = arith.addi %multiple_of3A_4114, %add3A_4128 : i32
      %get3A_4130 = arith.index_cast %select_n3A : i32 to index
      %get3A_4131 = arith.index_cast %add3A_4127 : i32 to index
      %get3A_4132 = arith.index_cast %add3A_4129 : i32 to index
      %get3A_4133 = tpu.vector_load %arg12[%get3A_4130, %get3A_4131, %get3A_4132] {strides = array<i32>} : memref<4x128x128xf32, #tpu.memory_space<vmem>>, vector<16xf32>,
      %get3A_4134 = arith.constant 14 : i32
      %get3A_4135 = arith.index_cast %get3A_4134 : i32 to index
      %get3A_4136 = arith.index_cast %and3A_4118 : i32 to index
      %get3A_4137 = arith.constant 0 : index
      %get3A_4138 = tpu.vector_load %arg13[%get3A_4135, %get3A_4136, %get3A_4137] {strides = array<i32>} : memref<16x8x64xf32, #tpu.memory_space<vmem>>, vector<16xf32>,
      %add3A_4139 = arith.addf %get3A_4125, %get3A_4133 : vector<16xf32>
      %sub3A_4140 = arith.subf %add3A_4139, %get3A_4138 : vector<16xf32>
      %abs3A_4141 = math.absf %sub3A_4140 : vector<16xf32>
      %add3A_4142 = arith.addf %broadcast_in_dim3A_4120, %abs3A_4141 : vector<16xf32>
      %get3A_4143 = arith.constant 14 : i32
      %get3A_4144 = arith.index_cast %get3A_4143 : i32 to index
      %get3A_4145 = arith.index_cast %and3A_4107 : i32 to index
      %get3A_4146 = arith.constant 16 : index
      %get3A_4147 = tpu.vector_load %arg11[%get3A_4144, %get3A_4145, %get3A_4146] {strides = array<i32>} : memref<16x8x64xf32, #tpu.memory_space<vmem>>, vector<16xf32>,
      %add3A_4148 = arith.constant 14 : i32
      %add3A_4149 = arith.addi %mul3A_2578, %add3A_4148 : i32
      %add3A_4150 = arith.constant 16 : i32
      %add3A_4151 = arith.addi %multiple_of3A_4114, %add3A_4150 : i32
      %get3A_4152 = arith.index_cast %select_n3A : i32 to index
      %get3A_4153 = arith.index_cast %add3A_4149 : i32 to index
      %get3A_4154 = arith.index_cast %add3A_4151 : i32 to index
      %get3A_4155 = tpu.vector_load %arg12[%get3A_4152, %get3A_4153, %get3A_4154] {strides = array<i32>} : memref<4x128x128xf32, #tpu.memory_space<vmem>>, vector<16xf32>,
      %get3A_4156 = arith.constant 14 : i32
      %get3A_4157 = arith.index_cast %get3A_4156 : i32 to index
      %get3A_4158 = arith.index_cast %and3A_4118 : i32 to index
      %get3A_4159 = arith.constant 16 : index
      %get3A_4160 = tpu.vector_load %arg13[%get3A_4157, %get3A_4158, %get3A_4159] {strides = array<i32>} : memref<16x8x64xf32, #tpu.memory_space<vmem>>, vector<16xf32>,
      %add3A_4161 = arith.addf %get3A_4147, %get3A_4155 : vector<16xf32>
      %sub3A_4162 = arith.subf %add3A_4161, %get3A_4160 : vector<16xf32>
      %abs3A_4163 = math.absf %sub3A_4162 : vector<16xf32>
      %add3A_4164 = arith.addf %add3A_4142, %abs3A_4163 : vector<16xf32>
      %get3A_4165 = arith.constant 14 : i32
      %get3A_4166 = arith.index_cast %get3A_4165 : i32 to index
      %get3A_4167 = arith.index_cast %and3A_4107 : i32 to index
      %get3A_4168 = arith.constant 32 : index
      %get3A_4169 = tpu.vector_load %arg11[%get3A_4166, %get3A_4167, %get3A_4168] {strides = array<i32>} : memref<16x8x64xf32, #tpu.memory_space<vmem>>, vector<16xf32>,
      %add3A_4170 = arith.constant 14 : i32
      %add3A_4171 = arith.addi %mul3A_2578, %add3A_4170 : i32
      %add3A_4172 = arith.constant 32 : i32
      %add3A_4173 = arith.addi %multiple_of3A_4114, %add3A_4172 : i32
      %get3A_4174 = arith.index_cast %select_n3A : i32 to index
      %get3A_4175 = arith.index_cast %add3A_4171 : i32 to index
      %get3A_4176 = arith.index_cast %add3A_4173 : i32 to index
      %get3A_4177 = tpu.vector_load %arg12[%get3A_4174, %get3A_4175, %get3A_4176] {strides = array<i32>} : memref<4x128x128xf32, #tpu.memory_space<vmem>>, vector<16xf32>,
      %get3A_4178 = arith.constant 14 : i32
      %get3A_4179 = arith.index_cast %get3A_4178 : i32 to index
      %get3A_4180 = arith.index_cast %and3A_4118 : i32 to index
      %get3A_4181 = arith.constant 32 : index
      %get3A_4182 = tpu.vector_load %arg13[%get3A_4179, %get3A_4180, %get3A_4181] {strides = array<i32>} : memref<16x8x64xf32, #tpu.memory_space<vmem>>, vector<16xf32>,
      %add3A_4183 = arith.addf %get3A_4169, %get3A_4177 : vector<16xf32>
      %sub3A_4184 = arith.subf %add3A_4183, %get3A_4182 : vector<16xf32>
      %abs3A_4185 = math.absf %sub3A_4184 : vector<16xf32>
      %add3A_4186 = arith.addf %add3A_4164, %abs3A_4185 : vector<16xf32>
      %get3A_4187 = arith.constant 14 : i32
      %get3A_4188 = arith.index_cast %get3A_4187 : i32 to index
      %get3A_4189 = arith.index_cast %and3A_4107 : i32 to index
      %get3A_4190 = arith.constant 48 : index
      %get3A_4191 = tpu.vector_load %arg11[%get3A_4188, %get3A_4189, %get3A_4190] {strides = array<i32>} : memref<16x8x64xf32, #tpu.memory_space<vmem>>, vector<16xf32>,
      %add3A_4192 = arith.constant 14 : i32
      %add3A_4193 = arith.addi %mul3A_2578, %add3A_4192 : i32
      %add3A_4194 = arith.constant 48 : i32
      %add3A_4195 = arith.addi %multiple_of3A_4114, %add3A_4194 : i32
      %get3A_4196 = arith.index_cast %select_n3A : i32 to index
      %get3A_4197 = arith.index_cast %add3A_4193 : i32 to index
      %get3A_4198 = arith.index_cast %add3A_4195 : i32 to index
      %get3A_4199 = tpu.vector_load %arg12[%get3A_4196, %get3A_4197, %get3A_4198] {strides = array<i32>} : memref<4x128x128xf32, #tpu.memory_space<vmem>>, vector<16xf32>,
      %get3A_4200 = arith.constant 14 : i32
      %get3A_4201 = arith.index_cast %get3A_4200 : i32 to index
      %get3A_4202 = arith.index_cast %and3A_4118 : i32 to index
      %get3A_4203 = arith.constant 48 : index
      %get3A_4204 = tpu.vector_load %arg13[%get3A_4201, %get3A_4202, %get3A_4203] {strides = array<i32>} : memref<16x8x64xf32, #tpu.memory_space<vmem>>, vector<16xf32>,
      %add3A_4205 = arith.addf %get3A_4191, %get3A_4199 : vector<16xf32>
      %sub3A_4206 = arith.subf %add3A_4205, %get3A_4204 : vector<16xf32>
      %abs3A_4207 = math.absf %sub3A_4206 : vector<16xf32>
      %add3A_4208 = arith.addf %add3A_4186, %abs3A_4207 : vector<16xf32>
      %swap3A_4209 = arith.constant 14 : i32
      %swap3A_4210 = arith.index_cast %swap3A_4209 : i32 to index
      %swap3A_4211 = arith.constant 0 : index
      %swap3A_4212 = tpu.vector_load %arg14[%swap3A_4210, %swap3A_4211] {strides = array<i32>} : memref<16x17xf32, #tpu.memory_space<vmem>>, vector<16xf32>,
      tpu.vector_store %arg14[%swap3A_4210, %swap3A_4211], %add3A_4208 {strides = array<i32>} : memref<16x17xf32, #tpu.memory_space<vmem>>, vector<16xf32>,
      %slice3A_4213 = vector.extract_strided_slice %get3A_2580 {offsets = [15], sizes = [1], strides = [1]} : vector<16xi32> to vector<1xi32>
      %squeeze3A_4214 = vector.extract %slice3A_4213[0] : i32 from vector<1xi32>
      %and3A_4215 = arith.constant 7 : i32
      %and3A_4216 = arith.andi %squeeze3A_4214, %and3A_4215 : i32
      %shift_right_arithmetic3A_4217 = arith.constant 8 : i32
      %shift_right_arithmetic3A_4218 = arith.shrsi %squeeze3A_4214, %shift_right_arithmetic3A_4217 : i32
      %and3A_4219 = arith.constant 1 : i32
      %and3A_4220 = arith.andi %shift_right_arithmetic3A_4218, %and3A_4219 : i32
      %mul3A_4221 = arith.constant 64 : i32
      %mul3A_4222 = arith.muli %and3A_4220, %mul3A_4221 : i32
      %multiple_of3A_4223 = tpu.assume_multiple %mul3A_4222, 16 : i32
      %shift_right_arithmetic3A_4224 = arith.constant 16 : i32
      %shift_right_arithmetic3A_4225 = arith.shrsi %squeeze3A_4214, %shift_right_arithmetic3A_4224 : i32
      %and3A_4226 = arith.constant 7 : i32
      %and3A_4227 = arith.andi %shift_right_arithmetic3A_4225, %and3A_4226 : i32
      %broadcast_in_dim3A_4228 = arith.constant 0.000000e+00 : f32
      %broadcast_in_dim3A_4229 = vector.broadcast %broadcast_in_dim3A_4228 : f32 to vector<16xf32>
      %get3A_4230 = arith.constant 15 : i32
      %get3A_4231 = arith.index_cast %get3A_4230 : i32 to index
      %get3A_4232 = arith.index_cast %and3A_4216 : i32 to index
      %get3A_4233 = arith.constant 0 : index
      %get3A_4234 = tpu.vector_load %arg11[%get3A_4231, %get3A_4232, %get3A_4233] {strides = array<i32>} : memref<16x8x64xf32, #tpu.memory_space<vmem>>, vector<16xf32>,
      %add3A_4235 = arith.constant 15 : i32
      %add3A_4236 = arith.addi %mul3A_2578, %add3A_4235 : i32
      %add3A_4237 = arith.constant 0 : i32
      %add3A_4238 = arith.addi %multiple_of3A_4223, %add3A_4237 : i32
      %get3A_4239 = arith.index_cast %select_n3A : i32 to index
      %get3A_4240 = arith.index_cast %add3A_4236 : i32 to index
      %get3A_4241 = arith.index_cast %add3A_4238 : i32 to index
      %get3A_4242 = tpu.vector_load %arg12[%get3A_4239, %get3A_4240, %get3A_4241] {strides = array<i32>} : memref<4x128x128xf32, #tpu.memory_space<vmem>>, vector<16xf32>,
      %get3A_4243 = arith.constant 15 : i32
      %get3A_4244 = arith.index_cast %get3A_4243 : i32 to index
      %get3A_4245 = arith.index_cast %and3A_4227 : i32 to index
      %get3A_4246 = arith.constant 0 : index
      %get3A_4247 = tpu.vector_load %arg13[%get3A_4244, %get3A_4245, %get3A_4246] {strides = array<i32>} : memref<16x8x64xf32, #tpu.memory_space<vmem>>, vector<16xf32>,
      %add3A_4248 = arith.addf %get3A_4234, %get3A_4242 : vector<16xf32>
      %sub3A_4249 = arith.subf %add3A_4248, %get3A_4247 : vector<16xf32>
      %abs3A_4250 = math.absf %sub3A_4249 : vector<16xf32>
      %add3A_4251 = arith.addf %broadcast_in_dim3A_4229, %abs3A_4250 : vector<16xf32>
      %get3A_4252 = arith.constant 15 : i32
      %get3A_4253 = arith.index_cast %get3A_4252 : i32 to index
      %get3A_4254 = arith.index_cast %and3A_4216 : i32 to index
      %get3A_4255 = arith.constant 16 : index
      %get3A_4256 = tpu.vector_load %arg11[%get3A_4253, %get3A_4254, %get3A_4255] {strides = array<i32>} : memref<16x8x64xf32, #tpu.memory_space<vmem>>, vector<16xf32>,
      %add3A_4257 = arith.constant 15 : i32
      %add3A_4258 = arith.addi %mul3A_2578, %add3A_4257 : i32
      %add3A_4259 = arith.constant 16 : i32
      %add3A_4260 = arith.addi %multiple_of3A_4223, %add3A_4259 : i32
      %get3A_4261 = arith.index_cast %select_n3A : i32 to index
      %get3A_4262 = arith.index_cast %add3A_4258 : i32 to index
      %get3A_4263 = arith.index_cast %add3A_4260 : i32 to index
      %get3A_4264 = tpu.vector_load %arg12[%get3A_4261, %get3A_4262, %get3A_4263] {strides = array<i32>} : memref<4x128x128xf32, #tpu.memory_space<vmem>>, vector<16xf32>,
      %get3A_4265 = arith.constant 15 : i32
      %get3A_4266 = arith.index_cast %get3A_4265 : i32 to index
      %get3A_4267 = arith.index_cast %and3A_4227 : i32 to index
      %get3A_4268 = arith.constant 16 : index
      %get3A_4269 = tpu.vector_load %arg13[%get3A_4266, %get3A_4267, %get3A_4268] {strides = array<i32>} : memref<16x8x64xf32, #tpu.memory_space<vmem>>, vector<16xf32>,
      %add3A_4270 = arith.addf %get3A_4256, %get3A_4264 : vector<16xf32>
      %sub3A_4271 = arith.subf %add3A_4270, %get3A_4269 : vector<16xf32>
      %abs3A_4272 = math.absf %sub3A_4271 : vector<16xf32>
      %add3A_4273 = arith.addf %add3A_4251, %abs3A_4272 : vector<16xf32>
      %get3A_4274 = arith.constant 15 : i32
      %get3A_4275 = arith.index_cast %get3A_4274 : i32 to index
      %get3A_4276 = arith.index_cast %and3A_4216 : i32 to index
      %get3A_4277 = arith.constant 32 : index
      %get3A_4278 = tpu.vector_load %arg11[%get3A_4275, %get3A_4276, %get3A_4277] {strides = array<i32>} : memref<16x8x64xf32, #tpu.memory_space<vmem>>, vector<16xf32>,
      %add3A_4279 = arith.constant 15 : i32
      %add3A_4280 = arith.addi %mul3A_2578, %add3A_4279 : i32
      %add3A_4281 = arith.constant 32 : i32
      %add3A_4282 = arith.addi %multiple_of3A_4223, %add3A_4281 : i32
      %get3A_4283 = arith.index_cast %select_n3A : i32 to index
      %get3A_4284 = arith.index_cast %add3A_4280 : i32 to index
      %get3A_4285 = arith.index_cast %add3A_4282 : i32 to index
      %get3A_4286 = tpu.vector_load %arg12[%get3A_4283, %get3A_4284, %get3A_4285] {strides = array<i32>} : memref<4x128x128xf32, #tpu.memory_space<vmem>>, vector<16xf32>,
      %get3A_4287 = arith.constant 15 : i32
      %get3A_4288 = arith.index_cast %get3A_4287 : i32 to index
      %get3A_4289 = arith.index_cast %and3A_4227 : i32 to index
      %get3A_4290 = arith.constant 32 : index
      %get3A_4291 = tpu.vector_load %arg13[%get3A_4288, %get3A_4289, %get3A_4290] {strides = array<i32>} : memref<16x8x64xf32, #tpu.memory_space<vmem>>, vector<16xf32>,
      %add3A_4292 = arith.addf %get3A_4278, %get3A_4286 : vector<16xf32>
      %sub3A_4293 = arith.subf %add3A_4292, %get3A_4291 : vector<16xf32>
      %abs3A_4294 = math.absf %sub3A_4293 : vector<16xf32>
      %add3A_4295 = arith.addf %add3A_4273, %abs3A_4294 : vector<16xf32>
      %get3A_4296 = arith.constant 15 : i32
      %get3A_4297 = arith.index_cast %get3A_4296 : i32 to index
      %get3A_4298 = arith.index_cast %and3A_4216 : i32 to index
      %get3A_4299 = arith.constant 48 : index
      %get3A_4300 = tpu.vector_load %arg11[%get3A_4297, %get3A_4298, %get3A_4299] {strides = array<i32>} : memref<16x8x64xf32, #tpu.memory_space<vmem>>, vector<16xf32>,
      %add3A_4301 = arith.constant 15 : i32
      %add3A_4302 = arith.addi %mul3A_2578, %add3A_4301 : i32
      %add3A_4303 = arith.constant 48 : i32
      %add3A_4304 = arith.addi %multiple_of3A_4223, %add3A_4303 : i32
      %get3A_4305 = arith.index_cast %select_n3A : i32 to index
      %get3A_4306 = arith.index_cast %add3A_4302 : i32 to index
      %get3A_4307 = arith.index_cast %add3A_4304 : i32 to index
      %get3A_4308 = tpu.vector_load %arg12[%get3A_4305, %get3A_4306, %get3A_4307] {strides = array<i32>} : memref<4x128x128xf32, #tpu.memory_space<vmem>>, vector<16xf32>,
      %get3A_4309 = arith.constant 15 : i32
      %get3A_4310 = arith.index_cast %get3A_4309 : i32 to index
      %get3A_4311 = arith.index_cast %and3A_4227 : i32 to index
      %get3A_4312 = arith.constant 48 : index
      %get3A_4313 = tpu.vector_load %arg13[%get3A_4310, %get3A_4311, %get3A_4312] {strides = array<i32>} : memref<16x8x64xf32, #tpu.memory_space<vmem>>, vector<16xf32>,
      %add3A_4314 = arith.addf %get3A_4300, %get3A_4308 : vector<16xf32>
      %sub3A_4315 = arith.subf %add3A_4314, %get3A_4313 : vector<16xf32>
      %abs3A_4316 = math.absf %sub3A_4315 : vector<16xf32>
      %add3A_4317 = arith.addf %add3A_4295, %abs3A_4316 : vector<16xf32>
      %swap3A_4318 = arith.constant 15 : i32
      %swap3A_4319 = arith.index_cast %swap3A_4318 : i32 to index
      %swap3A_4320 = arith.constant 0 : index
      %swap3A_4321 = tpu.vector_load %arg14[%swap3A_4319, %swap3A_4320] {strides = array<i32>} : memref<16x17xf32, #tpu.memory_space<vmem>>, vector<16xf32>,
      tpu.vector_store %arg14[%swap3A_4319, %swap3A_4320], %add3A_4317 {strides = array<i32>} : memref<16x17xf32, #tpu.memory_space<vmem>>, vector<16xf32>,
      %broadcast_in_dim3A_4322 = arith.constant 0.000000e+00 : f32
      %broadcast_in_dim3A_4323 = vector.broadcast %broadcast_in_dim3A_4322 : f32 to vector<16xf32>
      %broadcast_in_dim3A_4324 = arith.constant 0 : i32
      %broadcast_in_dim3A_4325 = vector.broadcast %broadcast_in_dim3A_4324 : i32 to vector<16xi32>
      %gather3A_4326 = tpu.vector_load_idx %arg14[%iota3A, %broadcast_in_dim3A_4325] : memref<16x17xf32, #tpu.memory_space<vmem>>[vector<16xi32>, vector<16xi32>], vector<16xf32>,
      %add3A_4327 = arith.addf %broadcast_in_dim3A_4323, %gather3A_4326 : vector<16xf32>
      %broadcast_in_dim3A_4328 = arith.constant 1 : i32
      %broadcast_in_dim3A_4329 = vector.broadcast %broadcast_in_dim3A_4328 : i32 to vector<16xi32>
      %gather3A_4330 = tpu.vector_load_idx %arg14[%iota3A, %broadcast_in_dim3A_4329] : memref<16x17xf32, #tpu.memory_space<vmem>>[vector<16xi32>, vector<16xi32>], vector<16xf32>,
      %add3A_4331 = arith.addf %add3A_4327, %gather3A_4330 : vector<16xf32>
      %broadcast_in_dim3A_4332 = arith.constant 2 : i32
      %broadcast_in_dim3A_4333 = vector.broadcast %broadcast_in_dim3A_4332 : i32 to vector<16xi32>
      %gather3A_4334 = tpu.vector_load_idx %arg14[%iota3A, %broadcast_in_dim3A_4333] : memref<16x17xf32, #tpu.memory_space<vmem>>[vector<16xi32>, vector<16xi32>], vector<16xf32>,
      %add3A_4335 = arith.addf %add3A_4331, %gather3A_4334 : vector<16xf32>
      %broadcast_in_dim3A_4336 = arith.constant 3 : i32
      %broadcast_in_dim3A_4337 = vector.broadcast %broadcast_in_dim3A_4336 : i32 to vector<16xi32>
      %gather3A_4338 = tpu.vector_load_idx %arg14[%iota3A, %broadcast_in_dim3A_4337] : memref<16x17xf32, #tpu.memory_space<vmem>>[vector<16xi32>, vector<16xi32>], vector<16xf32>,
      %add3A_4339 = arith.addf %add3A_4335, %gather3A_4338 : vector<16xf32>
      %broadcast_in_dim3A_4340 = arith.constant 4 : i32
      %broadcast_in_dim3A_4341 = vector.broadcast %broadcast_in_dim3A_4340 : i32 to vector<16xi32>
      %gather3A_4342 = tpu.vector_load_idx %arg14[%iota3A, %broadcast_in_dim3A_4341] : memref<16x17xf32, #tpu.memory_space<vmem>>[vector<16xi32>, vector<16xi32>], vector<16xf32>,
      %add3A_4343 = arith.addf %add3A_4339, %gather3A_4342 : vector<16xf32>
      %broadcast_in_dim3A_4344 = arith.constant 5 : i32
      %broadcast_in_dim3A_4345 = vector.broadcast %broadcast_in_dim3A_4344 : i32 to vector<16xi32>
      %gather3A_4346 = tpu.vector_load_idx %arg14[%iota3A, %broadcast_in_dim3A_4345] : memref<16x17xf32, #tpu.memory_space<vmem>>[vector<16xi32>, vector<16xi32>], vector<16xf32>,
      %add3A_4347 = arith.addf %add3A_4343, %gather3A_4346 : vector<16xf32>
      %broadcast_in_dim3A_4348 = arith.constant 6 : i32
      %broadcast_in_dim3A_4349 = vector.broadcast %broadcast_in_dim3A_4348 : i32 to vector<16xi32>
      %gather3A_4350 = tpu.vector_load_idx %arg14[%iota3A, %broadcast_in_dim3A_4349] : memref<16x17xf32, #tpu.memory_space<vmem>>[vector<16xi32>, vector<16xi32>], vector<16xf32>,
      %add3A_4351 = arith.addf %add3A_4347, %gather3A_4350 : vector<16xf32>
      %broadcast_in_dim3A_4352 = arith.constant 7 : i32
      %broadcast_in_dim3A_4353 = vector.broadcast %broadcast_in_dim3A_4352 : i32 to vector<16xi32>
      %gather3A_4354 = tpu.vector_load_idx %arg14[%iota3A, %broadcast_in_dim3A_4353] : memref<16x17xf32, #tpu.memory_space<vmem>>[vector<16xi32>, vector<16xi32>], vector<16xf32>,
      %add3A_4355 = arith.addf %add3A_4351, %gather3A_4354 : vector<16xf32>
      %broadcast_in_dim3A_4356 = arith.constant 8 : i32
      %broadcast_in_dim3A_4357 = vector.broadcast %broadcast_in_dim3A_4356 : i32 to vector<16xi32>
      %gather3A_4358 = tpu.vector_load_idx %arg14[%iota3A, %broadcast_in_dim3A_4357] : memref<16x17xf32, #tpu.memory_space<vmem>>[vector<16xi32>, vector<16xi32>], vector<16xf32>,
      %add3A_4359 = arith.addf %add3A_4355, %gather3A_4358 : vector<16xf32>
      %broadcast_in_dim3A_4360 = arith.constant 9 : i32
      %broadcast_in_dim3A_4361 = vector.broadcast %broadcast_in_dim3A_4360 : i32 to vector<16xi32>
      %gather3A_4362 = tpu.vector_load_idx %arg14[%iota3A, %broadcast_in_dim3A_4361] : memref<16x17xf32, #tpu.memory_space<vmem>>[vector<16xi32>, vector<16xi32>], vector<16xf32>,
      %add3A_4363 = arith.addf %add3A_4359, %gather3A_4362 : vector<16xf32>
      %broadcast_in_dim3A_4364 = arith.constant 10 : i32
      %broadcast_in_dim3A_4365 = vector.broadcast %broadcast_in_dim3A_4364 : i32 to vector<16xi32>
      %gather3A_4366 = tpu.vector_load_idx %arg14[%iota3A, %broadcast_in_dim3A_4365] : memref<16x17xf32, #tpu.memory_space<vmem>>[vector<16xi32>, vector<16xi32>], vector<16xf32>,
      %add3A_4367 = arith.addf %add3A_4363, %gather3A_4366 : vector<16xf32>
      %broadcast_in_dim3A_4368 = arith.constant 11 : i32
      %broadcast_in_dim3A_4369 = vector.broadcast %broadcast_in_dim3A_4368 : i32 to vector<16xi32>
      %gather3A_4370 = tpu.vector_load_idx %arg14[%iota3A, %broadcast_in_dim3A_4369] : memref<16x17xf32, #tpu.memory_space<vmem>>[vector<16xi32>, vector<16xi32>], vector<16xf32>,
      %add3A_4371 = arith.addf %add3A_4367, %gather3A_4370 : vector<16xf32>
      %broadcast_in_dim3A_4372 = arith.constant 12 : i32
      %broadcast_in_dim3A_4373 = vector.broadcast %broadcast_in_dim3A_4372 : i32 to vector<16xi32>
      %gather3A_4374 = tpu.vector_load_idx %arg14[%iota3A, %broadcast_in_dim3A_4373] : memref<16x17xf32, #tpu.memory_space<vmem>>[vector<16xi32>, vector<16xi32>], vector<16xf32>,
      %add3A_4375 = arith.addf %add3A_4371, %gather3A_4374 : vector<16xf32>
      %broadcast_in_dim3A_4376 = arith.constant 13 : i32
      %broadcast_in_dim3A_4377 = vector.broadcast %broadcast_in_dim3A_4376 : i32 to vector<16xi32>
      %gather3A_4378 = tpu.vector_load_idx %arg14[%iota3A, %broadcast_in_dim3A_4377] : memref<16x17xf32, #tpu.memory_space<vmem>>[vector<16xi32>, vector<16xi32>], vector<16xf32>,
      %add3A_4379 = arith.addf %add3A_4375, %gather3A_4378 : vector<16xf32>
      %broadcast_in_dim3A_4380 = arith.constant 14 : i32
      %broadcast_in_dim3A_4381 = vector.broadcast %broadcast_in_dim3A_4380 : i32 to vector<16xi32>
      %gather3A_4382 = tpu.vector_load_idx %arg14[%iota3A, %broadcast_in_dim3A_4381] : memref<16x17xf32, #tpu.memory_space<vmem>>[vector<16xi32>, vector<16xi32>], vector<16xf32>,
      %add3A_4383 = arith.addf %add3A_4379, %gather3A_4382 : vector<16xf32>
      %broadcast_in_dim3A_4384 = arith.constant 15 : i32
      %broadcast_in_dim3A_4385 = vector.broadcast %broadcast_in_dim3A_4384 : i32 to vector<16xi32>
      %gather3A_4386 = tpu.vector_load_idx %arg14[%iota3A, %broadcast_in_dim3A_4385] : memref<16x17xf32, #tpu.memory_space<vmem>>[vector<16xi32>, vector<16xi32>], vector<16xf32>,
      %add3A_4387 = arith.addf %add3A_4383, %gather3A_4386 : vector<16xf32>
      %sub3A_4388 = arith.constant 1.200000e+01 : f32
      %sub3A_4389 = vector.broadcast %sub3A_4388 : f32 to vector<16xf32>
      %sub3A_4390 = arith.subf %sub3A_4389, %add3A_4387 : vector<16xf32>
      %swap3A_4391 = arith.index_cast %mul3A_1920 : i32 to index
      %swap3A_4392 = tpu.vector_load %arg15[%swap3A_4391] {strides = array<i32>} : memref<512xf32, #tpu.memory_space<vmem>>, vector<16xf32>,
      tpu.vector_store %arg15[%swap3A_4391], %sub3A_4390 {strides = array<i32>} : memref<512xf32, #tpu.memory_space<vmem>>, vector<16xf32>,
    }
    %scan3A_1917 = arith.constant 32 : i32
    "tpu.region"() ({
      %run_scoped3A = tpu.sem_alloc : memref<!tpu.dma_semaphore, #tpu.memory_space<semaphore_mem>>
      %dma_start3A_1918 = arith.constant 0 : i32
      %dma_start3A_1919 = tpu.memref_slice %arg5[%add3A, %dma_start3A_1918] : memref<32x512xf32, #tpu.memory_space<hbm>> -> memref<1x512xf32, #tpu.memory_space<hbm>>
      %dma_start3A_1920 = tpu.memref_squeeze %dma_start3A_1919 : memref<1x512xf32, #tpu.memory_space<hbm>> -> memref<512xf32, #tpu.memory_space<hbm>>
      %dma_start3A_1921 = arith.constant 0 : i32
      %dma_start3A_1922 = tpu.memref_slice %arg5[%add3A, %dma_start3A_1921] : memref<32x512xf32, #tpu.memory_space<hbm>> -> memref<1x512xf32, #tpu.memory_space<hbm>>
      %dma_start3A_1923 = tpu.memref_squeeze %dma_start3A_1922 : memref<1x512xf32, #tpu.memory_space<hbm>> -> memref<512xf32, #tpu.memory_space<hbm>>
      tpu.enqueue_dma source(%arg15 : memref<512xf32, #tpu.memory_space<vmem>>) target(%dma_start3A_1923 : memref<512xf32, #tpu.memory_space<hbm>>) target_semaphore(%run_scoped3A : memref<!tpu.dma_semaphore, #tpu.memory_space<semaphore_mem>>)
      %dma_wait3A_1924 = arith.constant 0 : i32
      %dma_wait3A_1925 = tpu.memref_slice %arg5[%add3A, %dma_wait3A_1924] : memref<32x512xf32, #tpu.memory_space<hbm>> -> memref<1x512xf32, #tpu.memory_space<hbm>>
      %dma_wait3A_1926 = tpu.memref_squeeze %dma_wait3A_1925 : memref<1x512xf32, #tpu.memory_space<hbm>> -> memref<512xf32, #tpu.memory_space<hbm>>
      %dma_wait3A_1927 = arith.constant 0 : i32
      %dma_wait3A_1928 = tpu.memref_slice %arg5[%add3A, %dma_wait3A_1927] : memref<32x512xf32, #tpu.memory_space<hbm>> -> memref<1x512xf32, #tpu.memory_space<hbm>>
      %dma_wait3A_1929 = tpu.memref_squeeze %dma_wait3A_1928 : memref<1x512xf32, #tpu.memory_space<hbm>> -> memref<512xf32, #tpu.memory_space<hbm>>
      tpu.wait_dma2 semaphore(%run_scoped3A : memref<!tpu.dma_semaphore, #tpu.memory_space<semaphore_mem>>) src(%arg15 : memref<512xf32, #tpu.memory_space<vmem>>) dst(%dma_wait3A_1929 : memref<512xf32, #tpu.memory_space<hbm>>)
      tpu.yield
    }) : () -> ()
    return
  }
}

</mosaic_0001>

<sc_bundles>
// kernel: kernel.3.cloned.1.call-start
scs
__scs_entry_jumppad:
0x0: {  	(pc) =	sbr.rel $0x88, $3  }
0x1: {  	(tag) =	ssettag $0x0;
	lr =	simm.s32 $0x1  }
0x2: {  	[smem:$0x3F9E] =	sst lr;
	_ =	strace $0xD0000000  }
0x3: {  	_ = 	snop  }
0x4: {  	_ = 	snop  }
0x5: {  	_ = 	snop  }
0x6: {  	_ = 	snop  }
0x7: {  	_ = 	snop  }
__scs_overlays_trampoline_lowered:
0x8: {  	[smem:$0x3FAD] =	sst s0  }
0x9: {  	[smem:$0x3FAE] =	sst s1  }
0xa: {  	[smem:$0x3FAF] =	sst s2  }
0xb: {  	[smem:$0x3FB0] =	sst s3  }
0xc: {  	[smem:$0x3FB1] =	sst s4  }
0xd: {  	[smem:$0x3FB2] =	sst s5  }
0xe: {  	[smem:$0x3FB3] =	sst s6  }
0xf: {  	[smem:$0x3FB4] =	sst s7  }
0x10: {  	[smem:$0x3FB5] =	sst s8  }
0x11: {  	[smem:$0x3FB6] =	sst s9;
	s0 =	simm.s32 @!p0 $0x0  }
0x12: {  	s1 =	sld [smem:$0x3F9C];
	s0 =	simm.s32 @p0 $0x1  }
0x13: {  	[smem:$0x3FB7] =	sst s0;
	s0 =	simm.s32 @!p1 $0x0  }
0x14: {  	s2 =	sld [smem:$0x3F9B];
	s0 =	simm.s32 @p1 $0x1  }
0x15: {  	[smem:$0x3FB8] =	sst s0;
	s0 =	simm.s32 @!p2 $0x0  }
0x16: {  	s3 =	sld [smem:$0x3FDB];
	s0 =	simm.s32 @p2 $0x1  }
0x17: {  	s4 =	simm.s32 $0x1BF5;
	[smem:$0x3FBA] =	sst s0  }
0x18: {  	s0 =	sld [smem:$0x3F9D];
	_ =	swait.ge [sflag:s4], $0x0  }
0x19: {  	s7 =	sld [smem:$0x3F9E]  }
0x1a: {  	s8 =	sadd.s32 $0xFFFFE003, lr  }
0x1b: {  	s9 =	sadd.s32 $0xFFFFFEF7, lr;
	s5 =	simm.s32 $0xFFFFFFFF;
	p2 =	slt.u32 s8, $0xFFFFF086  }
0x1c: {  	p1 =	slt.u32 s9, $0xF7A;
	s5 =	simm.s32 @!p2 $0x0  }
0x1d: {  	s5 =	simm.s32 @p1 $0x1;
	p0 =	seq.s32 s7, s2  }
0x1e: {  	s7 =	smul.u32 @!p0 $0xF7A, s2;
	p2 =	seq.s32 @!p0 s5, $0x0  }
0x1f: {  	s9 =	smul.u32 $0xF7A, s1;
	s8 =	simm.s32 @!p0 $0x1BF5;
	p2 =	por !p2, p0  }
0x20: {  	[sflag:s8] =	ssyncset.s32 @!p0 $0xFFFFF086;
	s6 =	sadd.s32 @!p0 s3, s7;
	s7 =	simm.s32 @!p0 $0x108  }
0x21: {  	s3 =	sadd.s32 s3, s9;
	s6 =	sadd.s32 @!p0 $0x88, s6;
	s7 =	simm.s32 @p2 $0x1082  }
0x22: {  	[simem:s7], [sflag:s8] =	dma.local @!p0 [hbm:s6], $0xF7A  }
0x23: {  	s9 =	sor.u32 $0xD0000000, s2;
	s6 =	simm.s32 $0x108;
	_ =	swait.ge @!p0 [sflag:s8], $0x0  }
0x24: {  	s3 =	sadd.s32 $0x88, s3;
	s6 =	simm.s32 @!p1 $0x1082;
	[sflag:s4] =	ssyncset.s32 $0xFFFFF086  }
0x25: {  	[simem:s6], [sflag:s4] =	dma.local [hbm:s3], $0xF7A  }
0x26: {  	[smem:$0x3F9E] =	sst s1;
	(tag) =	ssettag s2;
	_ =	strace s9  }
0x27: {  	s1 =	sld [smem:$0x3FAE]  }
0x28: {  	s2 =	sld [smem:$0x3FAF]  }
0x29: {  	s4 =	sld [smem:$0x3FB1]  }
0x2a: {  	p0 =	seq.s32 s5, $0x0;
	s5 =	sld [smem:$0x3FB2]  }
0x2b: {  	s6 =	sld [smem:$0x3FB3]  }
0x2c: {  	s7 =	sld [smem:$0x3FB4]  }
0x2d: {  	s3 =	simm.s32 $0x108;
	s8 =	sld [smem:$0x3FB5]  }
0x2e: {  	s3 =	simm.s32 @!p0 $0x1082;
	s9 =	sld [smem:$0x3FB6]  }
0x2f: {  	lr =	sadd.s32 s0, s3;
	s0 =	sld [smem:$0x3FAD]  }
0x30: {  	s3 =	sld [smem:$0x3FB0]  }
0x31: {  	[smem:$0x3FB9] =	sst s10  }
0x32: {  	s10 =	sld [smem:$0x3FB7];
	_ =	sdelay $0x3  }
0x33: {  	p0 =	seq.s32 s10, $0x1;
	s10 =	sld [smem:$0x3FB9];
	_ =	sdelay $0x3  }
0x34: {  	[smem:$0x3FB9] =	sst s10  }
0x35: {  	s10 =	sld [smem:$0x3FB8];
	_ =	sdelay $0x3  }
0x36: {  	p1 =	seq.s32 s10, $0x1;
	s10 =	sld [smem:$0x3FB9];
	_ =	sdelay $0x3  }
0x37: {  	[smem:$0x3FB9] =	sst s10  }
0x38: {  	s10 =	sld [smem:$0x3FBA]  }
0x39: {  	_ = 	snop;
	(pc) =	sbr.ind lr, $3  }
0x3a: {  	_ = 	snop  }
0x3b: {  	_ = 	snop  }
0x3c: {  	p2 =	seq.s32 s10, $0x1;
	s10 =	sld [smem:$0x3FB9]  }
0x3d: {  	_ =	shalt  }
0x3e: {  	_ =	shalt  }
0x3f: {  	_ =	shalt  }
0x40: {  	_ =	shalt  }
0x41: {  	_ =	shalt  }
0x42: {  	_ =	shalt  }
0x43: {  	_ =	shalt  }
0x44: {  	_ =	shalt  }
0x45: {  	_ =	shalt  }
0x46: {  	_ =	shalt  }
0x47: {  	_ =	shalt  }
0x48: {  	_ =	shalt  }
0x49: {  	_ =	shalt  }
0x4a: {  	_ =	shalt  }
0x4b: {  	_ =	shalt  }
0x4c: {  	_ =	shalt  }
0x4d: {  	_ =	shalt  }
0x4e: {  	_ =	shalt  }
0x4f: {  	_ =	shalt  }
0x50: {  	_ =	shalt  }
0x51: {  	_ =	shalt  }
0x52: {  	_ =	shalt  }
0x53: {  	_ =	shalt  }
0x54: {  	_ =	shalt  }
0x55: {  	_ =	shalt  }
0x56: {  	_ =	shalt  }
0x57: {  	_ =	shalt  }
0x58: {  	_ =	shalt  }
0x59: {  	_ =	shalt  }
0x5a: {  	_ =	shalt  }
0x5b: {  	_ =	shalt  }
0x5c: {  	_ =	shalt  }
0x5d: {  	_ =	shalt  }
0x5e: {  	_ =	shalt  }
0x5f: {  	_ =	shalt  }
0x60: {  	_ =	shalt  }
0x61: {  	_ =	shalt  }
0x62: {  	_ =	shalt  }
0x63: {  	_ =	shalt  }
0x64: {  	_ =	shalt  }
0x65: {  	_ =	shalt  }
0x66: {  	_ =	shalt  }
0x67: {  	_ =	shalt  }
0x68: {  	_ =	shalt  }
0x69: {  	_ =	shalt  }
0x6a: {  	_ =	shalt  }
0x6b: {  	_ =	shalt  }
0x6c: {  	_ =	shalt  }
0x6d: {  	_ =	shalt  }
0x6e: {  	_ =	shalt  }
0x6f: {  	_ =	shalt  }
0x70: {  	_ =	shalt  }
0x71: {  	_ =	shalt  }
0x72: {  	_ =	shalt  }
0x73: {  	_ =	shalt  }
0x74: {  	_ =	shalt  }
0x75: {  	_ =	shalt  }
0x76: {  	_ =	shalt  }
0x77: {  	_ =	shalt  }
0x78: {  	_ =	shalt  }
0x79: {  	_ =	shalt  }
0x7a: {  	_ =	shalt  }
0x7b: {  	_ =	shalt  }
0x7c: {  	_ =	shalt  }
0x7d: {  	_ =	shalt  }
0x7e: {  	_ =	shalt  }
0x7f: {  	_ =	shalt  }
0x80: {  	_ =	shalt  }
0x81: {  	_ =	shalt  }
0x82: {  	_ =	shalt  }
0x83: {  	_ =	shalt  }
0x84: {  	_ =	shalt  }
0x85: {  	_ =	shalt  }
0x86: {  	_ =	shalt  }
0x87: {  	_ =	shalt  }
.Lfunc_end0:
.L_simem_size_0:
called_computation_lowered:
.L_overlay_start_0:
0x88: {  	s2 =	sld [smem:$0x3FD9]  }
0x89: {  	s3 =	sld [smem:$0x3FFE];
	_ =	sdelay $0x1  }
0x8a: {  	s1 =	srdreg.scid  }
0x8b: {  	s0 =	sand.u32 $0x1, s1  }
0x8c: {  	s16 =	sshll.u32 s0, $0xA;
	s2 =	sadd.s32 s3, s2  }
0x8d: {  	s2 =	sadd.s32 s2, s16  }
0x8e: {  	[smem:$0x3FC5] =	sst s2  }
0x8f: {  	_ = 	snop  }
0x90: {  	(tm) =	ssettm $0x1  }
0x91: {  	s17 =	sld [smem:$0x3FFB];
	_ =	sdelay $0x3  }
0x92: {  	_ =	strace s17  }
0x93: {  	s2 =	sld [smem:$0x3FFC];
	_ =	sdelay $0x3  }
0x94: {  	_ =	strace s2  }
0x95: {  	s2 =	sld [smem:$0x3FFD];
	_ =	sdelay $0x3  }
0x96: {  	_ =	strace s2  }
0x97: {  	_ =	strace $0x8FFFFFFF  }
0x98: {  	s18 =	sld [smem:$0x3FDB];
	_ =	sdelay $0x1  }
0x99: {  	s19 =	simm.s32 $_scs_section_size  }
0x9a: {  	s4 =	simm.s32 $_size__tile_overlayer_lowered;
	s5 =	simm.s32 $_tile_overlayer_lowered  }
0x9b: {  	s22 =	simm.s32 $0x1BFF;
	s21 =	sshll.u32 s5, $0x1;
	s2 =	sadd.s32 s19, s18  }
0x9c: {  	s6 =	simm.s32 $0x0;
	s20 =	sshll.u32 s4, $0x1;
	s4 =	sadd.s32 s21, s2  }
0x9d: {  	[timem:s6], [sflag:s22] =	dma.local [hbm:s4], s20  }
0x9e: {  	_ =	swait.ge [sflag:s22], s20  }
0x9f: {  	s3 =	ssub.s32 $0x0, s20;
	[sflag:s22] =	ssyncset.done $0x0  }
0xa0: {  	[sflag:s22] =	ssyncadd.s32 s3;
	_ =	sdelay $0x1  }
0xa1: {  	s23 =	simm.s32 $0x1B8B  }
0xa2: {  	_ =	swait.ge [sflag:s23], $0x1  }
0xa3: {  	[sflag:s23] =	ssyncset.done $0x0  }
0xa4: {  	s25 =	simm.s32 $0x1B8E;
	s24 =	sld [smem:$0x3FFE];
	[sflag:s23] =	ssyncadd.s32 $0xFFFFFFFF  }
0xa5: {  	s26 =	simm.s32 $execute0_lowered;
	[smem:$0x3FD2] =	sst s25  }
0xa6: {  	s4 =	sshll.u32 s26, $0x1;
	_ =	strace $0x80000046;
	[dreg:$0x1] =	wrdreg $0xFFFFFFFF  }
0xa7: {  	s28 =	simm.s32 $_size_execute0_lowered;
	s2 =	sadd.s32 s2, s4;
	[dreg:$0x0] =	wrdreg $0x0  }
0xa8: {  	s4 =	sshll.u32 s28, $0x1;
	[dreg:$0x2] =	wrdreg s2  }
0xa9: {  	[dreg:$0x3] =	wrdreg s4  }
0xaa: {  	[dreg:$0x4] =	wrdreg $0xC0  }
0xab: {  	_ =	task [dreg:s6], $0x5FFFF  }
0xac: {  	[dreg:$0x1] =	wrdreg $0xFFFFFFFF  }
0xad: {  	[dreg:$0x0] =	wrdreg $0x60  }
0xae: {  	[dreg:$0x2] =	wrdreg s24  }
0xaf: {  	[dreg:$0x3] =	wrdreg $0x9  }
0xb0: {  	_ =	task.clear_ibuf [dreg:s6], $0x4FFFF;
	_ =	strace $0x90000046  }
0xb1: {  	s29 =	simm.s32 $0x9;
	_ =	strace $0x80000048  }
0xb2: {  	_ =	swait.ge [sflag:s29], $0x1  }
0xb3: {  	[sflag:s29] =	ssyncadd.s32 $0xFFFFFFFF  }
0xb4: {  	_ =	strace $0x90000048  }
0xb5: {  	_ =	sfence  }
0xb6: {  	s30 =	sld [smem:$0x0];
	_ =	sdelay $0x2  }
0xb7: {  	s31 =	sshll.u32 s1, $0xD;
	s1 =	sshrl.u32 s1, $0x2  }
0xb8: {  	s3 =	sand.u32 $0x4000, s31;
	s1 =	sadd.s32 s1, s30  }
0xb9: {  	s0 =	sor.u32 s3, s0;
	s1 =	sshll.u32 s1, $0x11  }
0xba: {  	s0 =	sor.u32 s1, s0  }
0xbb: {  	s0 =	sadd.s32 $0x8F2B, s0  }
0xbc: {  	[sflag:s0] =	ssyncadd.remote.s32 $0x1  }
0xbd: {  	_ =	sfence.sel $0xFFFF  }
0xbe: {  	[dreg:$0x0] =	wrdreg $0xFFFFFFFF;
	(pc) =	sbr.abs _section_cstart, $3  }
0xbf: {  	[dreg:$0x1] =	wrdreg $0xFFFFFFFF  }
0xc0: {  	_ =	task.clear_ibuf [dreg:s6], $0x2FFFF;
	_ =	strace $0x9FFFFFFF  }
0xc1: {  	(tm) =	ssettm $0x7FFFFFFF  }
tec
execute0_lowered:
.L_overlay_start_1:
0x0: {  	(tag) =	ssettag $0x1  }
0x1: {  	s5 =	rddreg [dreg:$0x0];
	s2 =	simm.s32 $0x0  }
0x2: {  	s4 =	simm.s32 $0xE00;
	[smem:$0x7FF] =	sst s2  }
0x3: {  	s8 =	simm.s32 $0x14E00;
	_ =	strace $0x80000047;
	[dreg:$0x2] =	wrdreg s4  }
0x4: {  	s9 =	simm.s32 $0x1200;
	[dreg:$0x3] =	wrdreg s8  }
0x5: {  	s10 =	simm.s32 $0x15200;
	[dreg:$0x4] =	wrdreg s9  }
0x6: {  	s11 =	simm.s32 $0x1600;
	[dreg:$0x5] =	wrdreg s10  }
0x7: {  	s12 =	simm.s32 $0x15600;
	[dreg:$0x6] =	wrdreg s11  }
0x8: {  	s13 =	simm.s32 $0x1A00;
	[dreg:$0x7] =	wrdreg s12  }
0x9: {  	s14 =	simm.s32 $0x15A00;
	[dreg:$0x8] =	wrdreg s13  }
0xa: {  	s15 =	simm.s32 $0x1E00;
	[dreg:$0x9] =	wrdreg s14  }
0xb: {  	s17 =	simm.s32 $0x15E00;
	[dreg:$0xa] =	wrdreg s15  }
0xc: {  	s18 =	simm.s32 $0x16200;
	[dreg:$0xb] =	wrdreg s17  }
0xd: {  	s19 =	simm.s32 $0x2600;
	[dreg:$0xd] =	wrdreg s18  }
0xe: {  	s20 =	simm.s32 $0x16600;
	[dreg:$0xe] =	wrdreg s19  }
0xf: {  	s3 =	srdreg.scid;
	s21 =	simm.s32 $0x2A00;
	[dreg:$0xf] =	wrdreg s20  }
0x10: {  	s0 =	stileid.u32;
	v0 =	vlaneseq.u32;
	s22 =	simm.s32 $0x16A00;
	[dreg:$0x10] =	wrdreg s21  }
0x11: {  	s23 =	simm.s32 $0x2E00;
	s25 =	simm.s32 $0x16E00;
	v1 =	vmul.u32 $0x3, v0;
	[dreg:$0x11] =	wrdreg s22  }
0x12: {  	s26 =	simm.s32 $0x3200;
	s28 =	simm.s32 $0x17200;
	[dreg:$0x12] =	wrdreg s23  }
0x13: {  	s29 =	simm.s32 $0x3600;
	s30 =	simm.s32 $0x17600;
	[dreg:$0x13] =	wrdreg s25;
	v2 =	vadd.s32 $0x1, v1;
	v14 =	vadd.s32 $0xC1, v1;
	v15 =	vadd.s32 $0xC2, v1  }
0x14: {  	s31 =	simm.s32 $0x3A00;
	s6 =	sand.u32 $0x1, s3;
	[dreg:$0x14] =	wrdreg s26;
	v16 =	vadd.s32 $0xF0, v1;
	v17 =	vadd.s32 $0xF1, v1;
	v18 =	vadd.s32 $0xF2, v1  }
0x15: {  	s7 =	sshrl.u32 s0, $0x2;
	s3 =	sadd.s32 $0x600, s5;
	[dreg:$0x15] =	wrdreg s28;
	v19 =	vadd.s32 $0x120, v1;
	v20 =	vadd.s32 $0x121, v1;
	v21 =	vadd.s32 $0x122, v1  }
0x16: {  	s4 =	sshll.u32 s0, $0x8;
	s8 =	sshll.u32 s6, $0x7;
	[dreg:$0x16] =	wrdreg s29;
	v22 =	vadd.s32 $0x150, v1;
	v23 =	vadd.s32 $0x151, v1;
	v24 =	vadd.s32 $0x152, v1  }
0x17: {  	s9 =	smul.u32 $0x3000, s7;
	s10 =	simm.s32 $0x2200;
	[dreg:$0x17] =	wrdreg s30;
	v25 =	vor.u32 $0x180, v1;
	v26 =	vadd.s32 $0x181, v1;
	v27 =	vadd.s32 $0x182, v1  }
0x18: {  	s7 =	sshll.u32 s7, $0xC;
	s6 =	ssub.s32 $0x2, s6;
	[dreg:$0x18] =	wrdreg s31;
	v28 =	vadd.s32 $0x1B0, v1;
	v29 =	vadd.s32 $0x1B1, v1;
	v30 =	vadd.s32 $0x1B2, v1  }
0x19: {  	s11 =	simm.s32 $0x17A00;
	s12 =	simm.s32 $0x3E00;
	s13 =	simm.s32 $0x17E00;
	v31 =	vadd.s32 $0x1E0, v1;
	v32 =	vadd.s32 $0x1E1, v1;
	v33 =	vadd.s32 $0x1E2, v1  }
0x1a: {  	s14 =	simm.s32 $0x4200;
	s15 =	simm.s32 $0x18200;
	s17 =	simm.s32 $0x18600;
	v34 =	vadd.s32 $0x210, v1;
	v35 =	vadd.s32 $0x211, v1;
	v36 =	vadd.s32 $0x212, v1  }
0x1b: {  	s18 =	simm.s32 $0x4A00;
	s20 =	simm.s32 $0x18A00;
	[dreg:$0xc] =	wrdreg s10;
	v37 =	vor.u32 $0x240, v1;
	v38 =	vadd.s32 $0x241, v1;
	v39 =	vadd.s32 $0x242, v1  }
0x1c: {  	s19 =	simm.s32 $0x1;
	s21 =	simm.s32 $0x19600;
	[dreg:$0x19] =	wrdreg s11;
	v40 =	vadd.s32 $0x270, v1;
	v41 =	vadd.s32 $0x271, v1;
	v42 =	vadd.s32 $0x272, v1  }
0x1d: {  	s22 =	simm.s32 $0x0;
	s4 =	sand.u32 $0x300, s4;
	[dreg:$0x1a] =	wrdreg s12;
	v43 =	vadd.s32 $0x2A0, v1;
	v44 =	vadd.s32 $0x2A1, v1;
	[tilespmem:$0x1FF40] =	vst v2;
	v2 =	vadd.s32 $0x2, v1  }
0x1e: {  	s24 =	sshrl.u32 s6, $0x1;
	s10 =	simm.s32 $0x2;
	[dreg:$0x1b] =	wrdreg s13;
	v45 =	vadd.s32 $0x2A2, v1;
	v46 =	vadd.s32 $0x2D0, v1;
	[tilespmem:$0x1FF50] =	vst v2;
	v2 =	vadd.s32 $0x30, v1  }
0x1f: {  	s11 =	simm.s32 $0x800;
	s12 =	simm.s32 $0x4E00;
	[dreg:$0x1c] =	wrdreg s14;
	v47 =	vadd.s32 $0x2D1, v1;
	v48 =	vadd.s32 $0x2D2, v1;
	[tilespmem:$0x1FF60] =	vst v2;
	v2 =	vadd.s32 $0x31, v1  }
0x20: {  	s13 =	simm.s32 $0x880;
	v49 =	vor.u32 $0x300, v1;
	s14 =	simm.s32 $0x8E00;
	[dreg:$0x1d] =	wrdreg s15;
	v50 =	vadd.s32 $0x301, v1;
	[tilespmem:$0x1FF70] =	vst v2;
	v2 =	vadd.s32 $0x32, v1  }
0x21: {  	v51 =	vadd.s32 $0x302, v1;
	v52 =	vadd.s32 $0x330, v1;
	s15 =	simm.s32 $0x900;
	[dreg:$0x1f] =	wrdreg s17;
	s17 =	simm.s32 $0x980;
	[tilespmem:$0x1FF80] =	vst v2;
	v2 =	vadd.s32 $0x60, v1  }
0x22: {  	v53 =	vadd.s32 $0x331, v1;
	v54 =	vadd.s32 $0x332, v1;
	[smem:$0x7FC] =	sst s18;
	s18 =	simm.s32 $0x10E00;
	s8 =	sor.u32 s8, s4;
	[tilespmem:$0x1FF90] =	vst v2;
	v2 =	vadd.s32 $0x61, v1  }
0x23: {  	v55 =	vadd.s32 $0x360, v1;
	v56 =	vadd.s32 $0x361, v1;
	[smem:$0x7FD] =	sst s20;
	s20 =	simm.s32 $0x18E00;
	s4 =	sor.u32 s9, s8;
	[tilespmem:$0x1FFA0] =	vst v2;
	v2 =	vadd.s32 $0x62, v1  }
0x24: {  	v57 =	vadd.s32 $0x362, v1;
	v58 =	vadd.s32 $0x390, v1;
	s7 =	sor.u32 s7, s8;
	s8 =	ssub.s32 s6, s24;
	s4 =	sshrl.u32 s4, $0x3;
	[tilespmem:$0x1FFB0] =	vst v2;
	v2 =	vadd.s32 $0x90, v1  }
0x25: {  	v59 =	vadd.s32 $0x391, v1;
	v60 =	vadd.s32 $0x392, v1;
	s9 =	simm.s32 $0x400;
	s7 =	sshrl.u32 s7, $0x3;
	s16 =	sadd.s32 s4, s5;
	[tilespmem:$0x1FFC0] =	vst v2;
	v2 =	vadd.s32 $0x91, v1  }
0x26: {  	s4 =	sadd.s32 $0xF42A00, s5;
	s7 =	sadd.s32 s7, s5;
	s5 =	sadd.s32 $0x16E3C00, s16;
	[tilespmem:$0x1FFD0] =	vst v2;
	v2 =	vadd.s32 $0x92, v1  }
0x27: {  	v61 =	vor.u32 $0x3C0, v1;
	s6 =	sadd.s32 $0x16E5400, s7;
	s7 =	smax.u32 s8, $0x1;
	s16 =	simm.s32 $0x4600;
	[tilespmem:$0x1FFE0] =	vst v2;
	v2 =	vor.u32 $0xC0, v1  }
0x28: {  	v62 =	vadd.s32 $0x3C1, v1;
	v63 =	vadd.s32 $0x3C2, v1;
	s8 =	simm.s32 $0x80;
	[dreg:$0x1e] =	wrdreg s16;
	s16 =	simm.s32 $0xCE00;
	[tilespmem:$0x1FFF0] =	vst v2;
	v2 =	vadd.s32 $0x3F0, v1  }
.LBB2_1:
0x29: {  	[tilespmem:s2], [sflag:$0x2] =	stream.strided.gather [hbm4b:s5+s8], $0x600, s9, s8, $0x38;
	[tilespmem:$0x19800] =	vst v63  }
0x2a: {  	_ =	swait.ge [sflag:s10], $0x600  }
0x2b: {  	v4 =	vld [tilespmem:$0x1FF40]  }
0x2c: {  	v5 =	vld [tilespmem:$0x1FF50];
	_ =	sdelay $0x3  }
0x2d: {  	[sflag:s10] =	ssyncset.done $0x0  }
0x2e: {  	[sflag:s10] =	ssyncadd.s32 $0xFFFFFA00  }
0x2f: {  	v3 =	vld.idx.msk [tilespmem:v1+s2+$0x0], $0xffff  }
0x30: {  	v4 =	vld.idx.msk [tilespmem:v4+s2+$0x0], $0xffff  }
0x31: {  	v5 =	vld.idx.msk [tilespmem:v5+s2+$0x0], $0xffff;
	_ =	sdelay $0x3  }
0x32: {  	v6 =	vshra.s32 v3, $0x3;
	v7 =	vshra.s32 v4, $0x1;
	v4 =	vshll.u32 v4, $0x8  }
0x33: {  	v3 =	vand.u32 $0x7, v3;
	v11 =	vshll.u32 v5, $0x10;
	v4 =	vand.u32 $0x100, v4  }
0x34: {  	v9 =	vld [tilespmem:$0x1FF70];
	v8 =	vand.u32 $0x70000, v11;
	v3 =	vor.u32 v3, v4  }
0x35: {  	v10 =	vld [tilespmem:$0x1FF80];
	v3 =	vor.u32 v8, v3  }
0x36: {  	[tilespmem:$0xC00] =	vst v3;
	v3 =	vld [tilespmem:$0x1FF60];
	_ =	sdelay $0x2  }
0x37: {  	[tilespmem:$0x600] =	vst v6  }
0x38: {  	v5 =	vshra.s32 v5, $0x3;
	[tilespmem:$0x800] =	vst v7  }
0x39: {  	[tilespmem:$0xA00] =	vst v5  }
0x3a: {  	v4 =	vld.idx.msk [tilespmem:v9+s2+$0x0], $0xffff  }
0x3b: {  	v5 =	vld.idx.msk [tilespmem:v10+s2+$0x0], $0xffff  }
0x3c: {  	v3 =	vld.idx.msk [tilespmem:v3+s2+$0x0], $0xffff;
	_ =	sdelay $0x3  }
0x3d: {  	v9 =	vshra.s32 v4, $0x1;
	v4 =	vshll.u32 v4, $0x8;
	v10 =	vshll.u32 v5, $0x10  }
0x3e: {  	v4 =	vand.u32 $0x100, v4;
	v11 =	vshra.s32 v3, $0x3;
	v3 =	vand.u32 $0x7, v3  }
0x3f: {  	v8 =	vld [tilespmem:$0x1FFA0];
	[tilespmem:$0x610] =	vst v11;
	v3 =	vor.u32 v3, v4;
	v11 =	vand.u32 $0x70000, v10  }
0x40: {  	[tilespmem:$0x810] =	vst v9;
	v9 =	vld [tilespmem:$0x1FFB0];
	v3 =	vor.u32 v11, v3  }
0x41: {  	[tilespmem:$0xC10] =	vst v3;
	v3 =	vld [tilespmem:$0x1FF90];
	_ =	sdelay $0x3  }
0x42: {  	v5 =	vshra.s32 v5, $0x3  }
0x43: {  	[tilespmem:$0xA10] =	vst v5  }
0x44: {  	v4 =	vld.idx.msk [tilespmem:v8+s2+$0x0], $0xffff  }
0x45: {  	v5 =	vld.idx.msk [tilespmem:v9+s2+$0x0], $0xffff  }
0x46: {  	v3 =	vld.idx.msk [tilespmem:v3+s2+$0x0], $0xffff;
	_ =	sdelay $0x3  }
0x47: {  	v11 =	vshra.s32 v4, $0x1;
	v4 =	vshll.u32 v4, $0x8;
	v9 =	vshll.u32 v5, $0x10  }
0x48: {  	v4 =	vand.u32 $0x100, v4;
	[tilespmem:$0x820] =	vst v11;
	v10 =	vshra.s32 v3, $0x3;
	v3 =	vand.u32 $0x7, v3  }
0x49: {  	v11 =	vld [tilespmem:$0x1FFD0];
	[tilespmem:$0x620] =	vst v10;
	v3 =	vor.u32 v3, v4;
	v10 =	vand.u32 $0x70000, v9  }
0x4a: {  	v8 =	vld [tilespmem:$0x1FFE0];
	v3 =	vor.u32 v10, v3  }
0x4b: {  	[tilespmem:$0xC20] =	vst v3;
	v3 =	vld [tilespmem:$0x1FFC0];
	_ =	sdelay $0x3  }
0x4c: {  	v5 =	vshra.s32 v5, $0x3  }
0x4d: {  	[tilespmem:$0xA20] =	vst v5  }
0x4e: {  	v4 =	vld.idx.msk [tilespmem:v11+s2+$0x0], $0xffff  }
0x4f: {  	v5 =	vld.idx.msk [tilespmem:v8+s2+$0x0], $0xffff  }
0x50: {  	v3 =	vld.idx.msk [tilespmem:v3+s2+$0x0], $0xffff;
	_ =	sdelay $0x3  }
0x51: {  	v10 =	vshra.s32 v4, $0x1;
	v4 =	vshll.u32 v4, $0x8;
	v11 =	vshll.u32 v5, $0x10  }
0x52: {  	v4 =	vand.u32 $0x100, v4;
	v9 =	vshra.s32 v3, $0x3;
	v3 =	vand.u32 $0x7, v3  }
0x53: {  	v8 =	vand.u32 $0x70000, v11;
	v3 =	vor.u32 v3, v4  }
0x54: {  	v3 =	vor.u32 v8, v3  }
0x55: {  	[tilespmem:$0xC30] =	vst v3;
	v3 =	vld [tilespmem:$0x1FFF0];
	_ =	sdelay $0x2  }
0x56: {  	v5 =	vshra.s32 v5, $0x3;
	[tilespmem:$0x830] =	vst v10  }
0x57: {  	[tilespmem:$0xA30] =	vst v5  }
0x58: {  	[tilespmem:$0x630] =	vst v9  }
0x59: {  	v9 =	vld.idx.msk [tilespmem:v14+s2+$0x0], $0xffff  }
0x5a: {  	v5 =	vld.idx.msk [tilespmem:v15+s2+$0x0], $0xffff  }
0x5b: {  	v3 =	vld.idx.msk [tilespmem:v3+s2+$0x0], $0xffff;
	_ =	sdelay $0x3  }
0x5c: {  	v11 =	vshra.s32 v9, $0x1;
	v4 =	vshll.u32 v9, $0x8;
	v9 =	vshll.u32 v5, $0x10  }
0x5d: {  	v4 =	vand.u32 $0x100, v4;
	[tilespmem:$0x840] =	vst v11;
	v10 =	vshra.s32 v3, $0x3;
	v3 =	vand.u32 $0x7, v3  }
0x5e: {  	v5 =	vshra.s32 v5, $0x3;
	[tilespmem:$0x640] =	vst v10;
	v3 =	vor.u32 v3, v4;
	v10 =	vand.u32 $0x70000, v9  }
0x5f: {  	[tilespmem:$0xA40] =	vst v5;
	v3 =	vor.u32 v10, v3  }
0x60: {  	[tilespmem:$0xC40] =	vst v3  }
0x61: {  	v3 =	vld.idx.msk [tilespmem:v16+s2+$0x0], $0xffff  }
0x62: {  	v11 =	vld.idx.msk [tilespmem:v17+s2+$0x0], $0xffff  }
0x63: {  	v5 =	vld.idx.msk [tilespmem:v18+s2+$0x0], $0xffff;
	_ =	sdelay $0x3  }
0x64: {  	v9 =	vshra.s32 v3, $0x3;
	v10 =	vshra.s32 v11, $0x1;
	v4 =	vshll.u32 v11, $0x8  }
0x65: {  	v3 =	vand.u32 $0x7, v3;
	v11 =	vshll.u32 v5, $0x10;
	[tilespmem:$0x650] =	vst v9;
	v4 =	vand.u32 $0x100, v4  }
0x66: {  	v5 =	vshra.s32 v5, $0x3;
	[tilespmem:$0x850] =	vst v10;
	v8 =	vand.u32 $0x70000, v11;
	v3 =	vor.u32 v3, v4  }
0x67: {  	[tilespmem:$0xA50] =	vst v5;
	v3 =	vor.u32 v8, v3  }
0x68: {  	[tilespmem:$0xC50] =	vst v3  }
0x69: {  	v3 =	vld.idx.msk [tilespmem:v19+s2+$0x0], $0xffff  }
0x6a: {  	v9 =	vld.idx.msk [tilespmem:v20+s2+$0x0], $0xffff  }
0x6b: {  	v5 =	vld.idx.msk [tilespmem:v21+s2+$0x0], $0xffff;
	_ =	sdelay $0x3  }
0x6c: {  	v10 =	vshra.s32 v3, $0x3;
	v11 =	vshra.s32 v9, $0x1;
	v4 =	vshll.u32 v9, $0x8  }
0x6d: {  	v3 =	vand.u32 $0x7, v3;
	v9 =	vshll.u32 v5, $0x10;
	[tilespmem:$0x660] =	vst v10;
	v4 =	vand.u32 $0x100, v4  }
0x6e: {  	v5 =	vshra.s32 v5, $0x3;
	[tilespmem:$0x860] =	vst v11;
	v10 =	vand.u32 $0x70000, v9;
	v3 =	vor.u32 v3, v4  }
0x6f: {  	[tilespmem:$0xA60] =	vst v5;
	v3 =	vor.u32 v10, v3  }
0x70: {  	[tilespmem:$0xC60] =	vst v3  }
0x71: {  	v3 =	vld.idx.msk [tilespmem:v22+s2+$0x0], $0xffff  }
0x72: {  	v11 =	vld.idx.msk [tilespmem:v23+s2+$0x0], $0xffff  }
0x73: {  	v5 =	vld.idx.msk [tilespmem:v24+s2+$0x0], $0xffff;
	_ =	sdelay $0x3  }
0x74: {  	v9 =	vshra.s32 v3, $0x3;
	v10 =	vshra.s32 v11, $0x1;
	v4 =	vshll.u32 v11, $0x8  }
0x75: {  	v3 =	vand.u32 $0x7, v3;
	v11 =	vshll.u32 v5, $0x10;
	[tilespmem:$0x670] =	vst v9;
	v4 =	vand.u32 $0x100, v4  }
0x76: {  	v5 =	vshra.s32 v5, $0x3;
	[tilespmem:$0x870] =	vst v10;
	v8 =	vand.u32 $0x70000, v11;
	v3 =	vor.u32 v3, v4  }
0x77: {  	[tilespmem:$0xA70] =	vst v5;
	v3 =	vor.u32 v8, v3  }
0x78: {  	[tilespmem:$0xC70] =	vst v3  }
0x79: {  	v3 =	vld.idx.msk [tilespmem:v25+s2+$0x0], $0xffff  }
0x7a: {  	v9 =	vld.idx.msk [tilespmem:v26+s2+$0x0], $0xffff  }
0x7b: {  	v5 =	vld.idx.msk [tilespmem:v27+s2+$0x0], $0xffff;
	_ =	sdelay $0x3  }
0x7c: {  	v10 =	vshra.s32 v3, $0x3;
	v11 =	vshra.s32 v9, $0x1;
	v4 =	vshll.u32 v9, $0x8  }
0x7d: {  	v3 =	vand.u32 $0x7, v3;
	v9 =	vshll.u32 v5, $0x10;
	[tilespmem:$0x680] =	vst v10;
	v4 =	vand.u32 $0x100, v4  }
0x7e: {  	v5 =	vshra.s32 v5, $0x3;
	[tilespmem:$0x880] =	vst v11;
	v10 =	vand.u32 $0x70000, v9;
	v3 =	vor.u32 v3, v4  }
0x7f: {  	[tilespmem:$0xA80] =	vst v5;
	v3 =	vor.u32 v10, v3  }
0x80: {  	[tilespmem:$0xC80] =	vst v3  }
0x81: {  	v3 =	vld.idx.msk [tilespmem:v28+s2+$0x0], $0xffff  }
0x82: {  	v11 =	vld.idx.msk [tilespmem:v29+s2+$0x0], $0xffff  }
0x83: {  	v5 =	vld.idx.msk [tilespmem:v30+s2+$0x0], $0xffff;
	_ =	sdelay $0x3  }
0x84: {  	v9 =	vshra.s32 v3, $0x3;
	v10 =	vshra.s32 v11, $0x1;
	v4 =	vshll.u32 v11, $0x8  }
0x85: {  	v3 =	vand.u32 $0x7, v3;
	v11 =	vshll.u32 v5, $0x10;
	[tilespmem:$0x690] =	vst v9;
	v4 =	vand.u32 $0x100, v4  }
0x86: {  	v5 =	vshra.s32 v5, $0x3;
	[tilespmem:$0x890] =	vst v10;
	v8 =	vand.u32 $0x70000, v11;
	v3 =	vor.u32 v3, v4  }
0x87: {  	[tilespmem:$0xA90] =	vst v5;
	v3 =	vor.u32 v8, v3  }
0x88: {  	[tilespmem:$0xC90] =	vst v3  }
0x89: {  	v3 =	vld.idx.msk [tilespmem:v31+s2+$0x0], $0xffff  }
0x8a: {  	v9 =	vld.idx.msk [tilespmem:v32+s2+$0x0], $0xffff  }
0x8b: {  	v5 =	vld.idx.msk [tilespmem:v33+s2+$0x0], $0xffff;
	_ =	sdelay $0x3  }
0x8c: {  	v10 =	vshra.s32 v3, $0x3;
	v11 =	vshra.s32 v9, $0x1;
	v4 =	vshll.u32 v9, $0x8  }
0x8d: {  	v3 =	vand.u32 $0x7, v3;
	v9 =	vshll.u32 v5, $0x10;
	[tilespmem:$0x6A0] =	vst v10;
	v4 =	vand.u32 $0x100, v4  }
0x8e: {  	v5 =	vshra.s32 v5, $0x3;
	[tilespmem:$0x8A0] =	vst v11;
	v10 =	vand.u32 $0x70000, v9;
	v3 =	vor.u32 v3, v4  }
0x8f: {  	[tilespmem:$0xAA0] =	vst v5;
	v3 =	vor.u32 v10, v3  }
0x90: {  	[tilespmem:$0xCA0] =	vst v3  }
0x91: {  	v3 =	vld.idx.msk [tilespmem:v34+s2+$0x0], $0xffff  }
0x92: {  	v11 =	vld.idx.msk [tilespmem:v35+s2+$0x0], $0xffff  }
0x93: {  	v5 =	vld.idx.msk [tilespmem:v36+s2+$0x0], $0xffff;
	_ =	sdelay $0x3  }
0x94: {  	v9 =	vshra.s32 v3, $0x3;
	v10 =	vshra.s32 v11, $0x1;
	v4 =	vshll.u32 v11, $0x8  }
0x95: {  	v3 =	vand.u32 $0x7, v3;
	v11 =	vshll.u32 v5, $0x10;
	[tilespmem:$0x6B0] =	vst v9;
	v4 =	vand.u32 $0x100, v4  }
0x96: {  	v5 =	vshra.s32 v5, $0x3;
	[tilespmem:$0x8B0] =	vst v10;
	v8 =	vand.u32 $0x70000, v11;
	v3 =	vor.u32 v3, v4  }
0x97: {  	[tilespmem:$0xAB0] =	vst v5;
	v3 =	vor.u32 v8, v3  }
0x98: {  	[tilespmem:$0xCB0] =	vst v3  }
0x99: {  	v3 =	vld.idx.msk [tilespmem:v37+s2+$0x0], $0xffff  }
0x9a: {  	v9 =	vld.idx.msk [tilespmem:v38+s2+$0x0], $0xffff  }
0x9b: {  	v5 =	vld.idx.msk [tilespmem:v39+s2+$0x0], $0xffff;
	_ =	sdelay $0x3  }
0x9c: {  	v10 =	vshra.s32 v3, $0x3;
	v11 =	vshra.s32 v9, $0x1;
	v4 =	vshll.u32 v9, $0x8  }
0x9d: {  	v3 =	vand.u32 $0x7, v3;
	v9 =	vshll.u32 v5, $0x10;
	[tilespmem:$0x6C0] =	vst v10;
	v4 =	vand.u32 $0x100, v4  }
0x9e: {  	v5 =	vshra.s32 v5, $0x3;
	[tilespmem:$0x8C0] =	vst v11;
	v10 =	vand.u32 $0x70000, v9;
	v3 =	vor.u32 v3, v4  }
0x9f: {  	[tilespmem:$0xAC0] =	vst v5;
	v3 =	vor.u32 v10, v3  }
0xa0: {  	[tilespmem:$0xCC0] =	vst v3  }
0xa1: {  	v3 =	vld.idx.msk [tilespmem:v40+s2+$0x0], $0xffff  }
0xa2: {  	v11 =	vld.idx.msk [tilespmem:v41+s2+$0x0], $0xffff  }
0xa3: {  	v5 =	vld.idx.msk [tilespmem:v42+s2+$0x0], $0xffff;
	_ =	sdelay $0x3  }
0xa4: {  	v9 =	vshra.s32 v3, $0x3;
	v10 =	vshra.s32 v11, $0x1;
	v4 =	vshll.u32 v11, $0x8  }
0xa5: {  	v3 =	vand.u32 $0x7, v3;
	v11 =	vshll.u32 v5, $0x10;
	[tilespmem:$0x6D0] =	vst v9;
	v4 =	vand.u32 $0x100, v4  }
0xa6: {  	v5 =	vshra.s32 v5, $0x3;
	[tilespmem:$0x8D0] =	vst v10;
	v8 =	vand.u32 $0x70000, v11;
	v3 =	vor.u32 v3, v4  }
0xa7: {  	[tilespmem:$0xAD0] =	vst v5;
	v3 =	vor.u32 v8, v3  }
0xa8: {  	[tilespmem:$0xCD0] =	vst v3  }
0xa9: {  	v3 =	vld.idx.msk [tilespmem:v43+s2+$0x0], $0xffff  }
0xaa: {  	v9 =	vld.idx.msk [tilespmem:v44+s2+$0x0], $0xffff  }
0xab: {  	v5 =	vld.idx.msk [tilespmem:v45+s2+$0x0], $0xffff;
	_ =	sdelay $0x3  }
0xac: {  	v10 =	vshra.s32 v3, $0x3;
	v11 =	vshra.s32 v9, $0x1;
	v4 =	vshll.u32 v9, $0x8  }
0xad: {  	v3 =	vand.u32 $0x7, v3;
	v9 =	vshll.u32 v5, $0x10;
	[tilespmem:$0x6E0] =	vst v10;
	v4 =	vand.u32 $0x100, v4  }
0xae: {  	v5 =	vshra.s32 v5, $0x3;
	[tilespmem:$0x8E0] =	vst v11;
	v10 =	vand.u32 $0x70000, v9;
	v3 =	vor.u32 v3, v4  }
0xaf: {  	[tilespmem:$0xAE0] =	vst v5;
	v3 =	vor.u32 v10, v3  }
0xb0: {  	[tilespmem:$0xCE0] =	vst v3  }
0xb1: {  	v3 =	vld.idx.msk [tilespmem:v46+s2+$0x0], $0xffff  }
0xb2: {  	v11 =	vld.idx.msk [tilespmem:v47+s2+$0x0], $0xffff  }
0xb3: {  	v5 =	vld.idx.msk [tilespmem:v48+s2+$0x0], $0xffff;
	_ =	sdelay $0x3  }
0xb4: {  	v9 =	vshra.s32 v3, $0x3;
	v10 =	vshra.s32 v11, $0x1;
	v4 =	vshll.u32 v11, $0x8  }
0xb5: {  	v3 =	vand.u32 $0x7, v3;
	v11 =	vshll.u32 v5, $0x10;
	[tilespmem:$0x6F0] =	vst v9;
	v4 =	vand.u32 $0x100, v4  }
0xb6: {  	v5 =	vshra.s32 v5, $0x3;
	[tilespmem:$0x8F0] =	vst v10;
	v8 =	vand.u32 $0x70000, v11;
	v3 =	vor.u32 v3, v4  }
0xb7: {  	[tilespmem:$0xAF0] =	vst v5;
	v3 =	vor.u32 v8, v3  }
0xb8: {  	[tilespmem:$0xCF0] =	vst v3  }
0xb9: {  	v3 =	vld.idx.msk [tilespmem:v49+s2+$0x0], $0xffff  }
0xba: {  	v9 =	vld.idx.msk [tilespmem:v50+s2+$0x0], $0xffff  }
0xbb: {  	v5 =	vld.idx.msk [tilespmem:v51+s2+$0x0], $0xffff;
	_ =	sdelay $0x3  }
0xbc: {  	v10 =	vshra.s32 v3, $0x3;
	v11 =	vshra.s32 v9, $0x1;
	v4 =	vshll.u32 v9, $0x8  }
0xbd: {  	v3 =	vand.u32 $0x7, v3;
	v9 =	vshll.u32 v5, $0x10;
	[tilespmem:$0x700] =	vst v10;
	v4 =	vand.u32 $0x100, v4  }
0xbe: {  	v5 =	vshra.s32 v5, $0x3;
	[tilespmem:$0x900] =	vst v11;
	v10 =	vand.u32 $0x70000, v9;
	v3 =	vor.u32 v3, v4  }
0xbf: {  	[tilespmem:$0xB00] =	vst v5;
	v3 =	vor.u32 v10, v3  }
0xc0: {  	[tilespmem:$0xD00] =	vst v3  }
0xc1: {  	v3 =	vld.idx.msk [tilespmem:v52+s2+$0x0], $0xffff  }
0xc2: {  	v11 =	vld.idx.msk [tilespmem:v53+s2+$0x0], $0xffff  }
0xc3: {  	v5 =	vld.idx.msk [tilespmem:v54+s2+$0x0], $0xffff;
	_ =	sdelay $0x3  }
0xc4: {  	v9 =	vshra.s32 v3, $0x3;
	v10 =	vshra.s32 v11, $0x1;
	v4 =	vshll.u32 v11, $0x8  }
0xc5: {  	v3 =	vand.u32 $0x7, v3;
	v11 =	vshll.u32 v5, $0x10;
	[tilespmem:$0x710] =	vst v9;
	v4 =	vand.u32 $0x100, v4  }
0xc6: {  	v5 =	vshra.s32 v5, $0x3;
	[tilespmem:$0x910] =	vst v10;
	v8 =	vand.u32 $0x70000, v11;
	v3 =	vor.u32 v3, v4  }
0xc7: {  	[tilespmem:$0xB10] =	vst v5;
	v3 =	vor.u32 v8, v3  }
0xc8: {  	[tilespmem:$0xD10] =	vst v3  }
0xc9: {  	v3 =	vld.idx.msk [tilespmem:v55+s2+$0x0], $0xffff  }
0xca: {  	v9 =	vld.idx.msk [tilespmem:v56+s2+$0x0], $0xffff  }
0xcb: {  	v5 =	vld.idx.msk [tilespmem:v57+s2+$0x0], $0xffff;
	_ =	sdelay $0x3  }
0xcc: {  	v10 =	vshra.s32 v3, $0x3;
	v11 =	vshra.s32 v9, $0x1;
	v4 =	vshll.u32 v9, $0x8  }
0xcd: {  	v3 =	vand.u32 $0x7, v3;
	v9 =	vshll.u32 v5, $0x10;
	[tilespmem:$0x720] =	vst v10;
	v4 =	vand.u32 $0x100, v4  }
0xce: {  	v5 =	vshra.s32 v5, $0x3;
	[tilespmem:$0x920] =	vst v11;
	v10 =	vand.u32 $0x70000, v9;
	v3 =	vor.u32 v3, v4  }
0xcf: {  	[tilespmem:$0xB20] =	vst v5;
	v3 =	vor.u32 v10, v3  }
0xd0: {  	[tilespmem:$0xD20] =	vst v3  }
0xd1: {  	v3 =	vld.idx.msk [tilespmem:v58+s2+$0x0], $0xffff  }
0xd2: {  	v11 =	vld.idx.msk [tilespmem:v59+s2+$0x0], $0xffff  }
0xd3: {  	v5 =	vld.idx.msk [tilespmem:v60+s2+$0x0], $0xffff;
	_ =	sdelay $0x3  }
0xd4: {  	v9 =	vshra.s32 v3, $0x3;
	v10 =	vshra.s32 v11, $0x1;
	v4 =	vshll.u32 v11, $0x8  }
0xd5: {  	v3 =	vand.u32 $0x7, v3;
	v11 =	vshll.u32 v5, $0x10;
	[tilespmem:$0x730] =	vst v9;
	v4 =	vand.u32 $0x100, v4  }
0xd6: {  	v5 =	vshra.s32 v5, $0x3;
	[tilespmem:$0x930] =	vst v10;
	v9 =	vand.u32 $0x70000, v11;
	v3 =	vor.u32 v3, v4  }
0xd7: {  	[tilespmem:$0xB30] =	vst v5;
	v3 =	vor.u32 v9, v3  }
0xd8: {  	[tilespmem:$0xD30] =	vst v3  }
0xd9: {  	v3 =	vld.idx.msk [tilespmem:v61+s2+$0x0], $0xffff  }
0xda: {  	v4 =	vld.idx.msk [tilespmem:v62+s2+$0x0], $0xffff  }
0xdb: {  	v5 =	vld.idx.msk [tilespmem:v63+s2+$0x0], $0xffff;
	_ =	sdelay $0x3  }
0xdc: {  	v10 =	vadd.s32 $0x3F1, v1;
	v6 =	vshra.s32 v3, $0x3  }
0xdd: {  	v7 =	vshra.s32 v4, $0x1;
	v8 =	vshra.s32 v5, $0x3;
	v4 =	vshll.u32 v4, $0x8  }
0xde: {  	v3 =	vand.u32 $0x7, v3;
	v5 =	vshll.u32 v5, $0x10;
	[tilespmem:$0x740] =	vst v6;
	v4 =	vand.u32 $0x100, v4  }
0xdf: {  	v9 =	vadd.s32 $0x3F2, v1;
	[tilespmem:$0x940] =	vst v7;
	v11 =	vand.u32 $0x70000, v5;
	v3 =	vor.u32 v3, v4  }
0xe0: {  	[tilespmem:$0xB40] =	vst v8;
	v3 =	vor.u32 v11, v3  }
0xe1: {  	[tilespmem:$0xD40] =	vst v3  }
0xe2: {  	v3 =	vld.idx.msk [tilespmem:v2+s2+$0x0], $0xffff  }
0xe3: {  	v4 =	vld.idx.msk [tilespmem:v10+s2+$0x0], $0xffff  }
0xe4: {  	v5 =	vld.idx.msk [tilespmem:v9+s2+$0x0], $0xffff;
	_ =	sdelay $0x3  }
0xe5: {  	v11 =	vadd.s32 $0x422, v1;
	v9 =	vadd.s32 $0x420, v1;
	v6 =	vshra.s32 v3, $0x3  }
0xe6: {  	v7 =	vshra.s32 v4, $0x1;
	v8 =	vshra.s32 v5, $0x3;
	v4 =	vshll.u32 v4, $0x8  }
0xe7: {  	v3 =	vand.u32 $0x7, v3;
	v5 =	vshll.u32 v5, $0x10;
	[tilespmem:$0x750] =	vst v6;
	v4 =	vand.u32 $0x100, v4  }
0xe8: {  	v6 =	vadd.s32 $0x421, v1;
	[tilespmem:$0x950] =	vst v7;
	v10 =	vand.u32 $0x70000, v5;
	v3 =	vor.u32 v3, v4  }
0xe9: {  	[tilespmem:$0xB50] =	vst v8;
	v3 =	vor.u32 v10, v3  }
0xea: {  	[tilespmem:$0xD50] =	vst v3  }
0xeb: {  	v3 =	vld.idx.msk [tilespmem:v9+s2+$0x0], $0xffff  }
0xec: {  	v5 =	vld.idx.msk [tilespmem:v11+s2+$0x0], $0xffff  }
0xed: {  	v4 =	vld.idx.msk [tilespmem:v6+s2+$0x0], $0xffff;
	_ =	sdelay $0x3  }
0xee: {  	v9 =	vadd.s32 $0x450, v1;
	v6 =	vshra.s32 v3, $0x3;
	v8 =	vshra.s32 v5, $0x3  }
0xef: {  	v3 =	vand.u32 $0x7, v3;
	v7 =	vshra.s32 v4, $0x1;
	v4 =	vshll.u32 v4, $0x8  }
0xf0: {  	v5 =	vshll.u32 v5, $0x10;
	[tilespmem:$0x760] =	vst v6;
	v6 =	vadd.s32 $0x451, v1;
	v4 =	vand.u32 $0x100, v4  }
0xf1: {  	v11 =	vadd.s32 $0x452, v1;
	v10 =	vand.u32 $0x70000, v5;
	[tilespmem:$0xB60] =	vst v8;
	v3 =	vor.u32 v3, v4  }
0xf2: {  	[tilespmem:$0x960] =	vst v7;
	v3 =	vor.u32 v10, v3  }
0xf3: {  	[tilespmem:$0xD60] =	vst v3  }
0xf4: {  	v3 =	vld.idx.msk [tilespmem:v9+s2+$0x0], $0xffff  }
0xf5: {  	v4 =	vld.idx.msk [tilespmem:v6+s2+$0x0], $0xffff  }
0xf6: {  	v5 =	vld.idx.msk [tilespmem:v11+s2+$0x0], $0xffff;
	_ =	sdelay $0x3  }
0xf7: {  	v9 =	vor.u32 $0x480, v1;
	v11 =	vadd.s32 $0x482, v1;
	v6 =	vshra.s32 v3, $0x3  }
0xf8: {  	v7 =	vshra.s32 v4, $0x1;
	v8 =	vshra.s32 v5, $0x3;
	v4 =	vshll.u32 v4, $0x8  }
0xf9: {  	v3 =	vand.u32 $0x7, v3;
	v5 =	vshll.u32 v5, $0x10;
	[tilespmem:$0x770] =	vst v6;
	v4 =	vand.u32 $0x100, v4  }
0xfa: {  	v6 =	vadd.s32 $0x481, v1;
	[tilespmem:$0x970] =	vst v7;
	v10 =	vand.u32 $0x70000, v5;
	v3 =	vor.u32 v3, v4  }
0xfb: {  	[tilespmem:$0xB70] =	vst v8;
	v3 =	vor.u32 v10, v3  }
0xfc: {  	[tilespmem:$0xD70] =	vst v3  }
0xfd: {  	v3 =	vld.idx.msk [tilespmem:v9+s2+$0x0], $0xffff  }
0xfe: {  	v5 =	vld.idx.msk [tilespmem:v11+s2+$0x0], $0xffff  }
0xff: {  	v4 =	vld.idx.msk [tilespmem:v6+s2+$0x0], $0xffff;
	_ =	sdelay $0x3  }
0x100: {  	v9 =	vadd.s32 $0x4B0, v1;
	v6 =	vshra.s32 v3, $0x3;
	v8 =	vshra.s32 v5, $0x3  }
0x101: {  	v3 =	vand.u32 $0x7, v3;
	v7 =	vshra.s32 v4, $0x1;
	v4 =	vshll.u32 v4, $0x8  }
0x102: {  	v5 =	vshll.u32 v5, $0x10;
	[tilespmem:$0x780] =	vst v6;
	v6 =	vadd.s32 $0x4B1, v1;
	v4 =	vand.u32 $0x100, v4  }
0x103: {  	v11 =	vadd.s32 $0x4B2, v1;
	v10 =	vand.u32 $0x70000, v5;
	[tilespmem:$0xB80] =	vst v8;
	v3 =	vor.u32 v3, v4  }
0x104: {  	[tilespmem:$0x980] =	vst v7;
	v3 =	vor.u32 v10, v3  }
0x105: {  	[tilespmem:$0xD80] =	vst v3  }
0x106: {  	v3 =	vld.idx.msk [tilespmem:v9+s2+$0x0], $0xffff  }
0x107: {  	v4 =	vld.idx.msk [tilespmem:v6+s2+$0x0], $0xffff  }
0x108: {  	v5 =	vld.idx.msk [tilespmem:v11+s2+$0x0], $0xffff;
	_ =	sdelay $0x3  }
0x109: {  	v9 =	vadd.s32 $0x4E0, v1;
	v11 =	vadd.s32 $0x4E2, v1;
	v6 =	vshra.s32 v3, $0x3  }
0x10a: {  	v7 =	vshra.s32 v4, $0x1;
	v8 =	vshra.s32 v5, $0x3;
	v4 =	vshll.u32 v4, $0x8  }
0x10b: {  	v3 =	vand.u32 $0x7, v3;
	v5 =	vshll.u32 v5, $0x10;
	[tilespmem:$0x790] =	vst v6;
	v4 =	vand.u32 $0x100, v4  }
0x10c: {  	v6 =	vadd.s32 $0x4E1, v1;
	[tilespmem:$0x990] =	vst v7;
	v10 =	vand.u32 $0x70000, v5;
	v3 =	vor.u32 v3, v4  }
0x10d: {  	[tilespmem:$0xB90] =	vst v8;
	v3 =	vor.u32 v10, v3  }
0x10e: {  	[tilespmem:$0xD90] =	vst v3  }
0x10f: {  	v3 =	vld.idx.msk [tilespmem:v9+s2+$0x0], $0xffff  }
0x110: {  	v5 =	vld.idx.msk [tilespmem:v11+s2+$0x0], $0xffff  }
0x111: {  	v4 =	vld.idx.msk [tilespmem:v6+s2+$0x0], $0xffff;
	_ =	sdelay $0x3  }
0x112: {  	v9 =	vadd.s32 $0x510, v1;
	v6 =	vshra.s32 v3, $0x3;
	v8 =	vshra.s32 v5, $0x3  }
0x113: {  	v3 =	vand.u32 $0x7, v3;
	v7 =	vshra.s32 v4, $0x1;
	v4 =	vshll.u32 v4, $0x8  }
0x114: {  	v5 =	vshll.u32 v5, $0x10;
	[tilespmem:$0x7A0] =	vst v6;
	v6 =	vadd.s32 $0x511, v1;
	v4 =	vand.u32 $0x100, v4  }
0x115: {  	v11 =	vadd.s32 $0x512, v1;
	v10 =	vand.u32 $0x70000, v5;
	[tilespmem:$0xBA0] =	vst v8;
	v3 =	vor.u32 v3, v4  }
0x116: {  	[tilespmem:$0x9A0] =	vst v7;
	v3 =	vor.u32 v10, v3  }
0x117: {  	[tilespmem:$0xDA0] =	vst v3  }
0x118: {  	v3 =	vld.idx.msk [tilespmem:v9+s2+$0x0], $0xffff  }
0x119: {  	v4 =	vld.idx.msk [tilespmem:v6+s2+$0x0], $0xffff  }
0x11a: {  	v5 =	vld.idx.msk [tilespmem:v11+s2+$0x0], $0xffff;
	_ =	sdelay $0x3  }
0x11b: {  	v9 =	vor.u32 $0x540, v1;
	v11 =	vadd.s32 $0x542, v1;
	v6 =	vshra.s32 v3, $0x3  }
0x11c: {  	v7 =	vshra.s32 v4, $0x1;
	v8 =	vshra.s32 v5, $0x3;
	v4 =	vshll.u32 v4, $0x8  }
0x11d: {  	v3 =	vand.u32 $0x7, v3;
	v5 =	vshll.u32 v5, $0x10;
	[tilespmem:$0x7B0] =	vst v6;
	v4 =	vand.u32 $0x100, v4  }
0x11e: {  	v6 =	vadd.s32 $0x541, v1;
	[tilespmem:$0x9B0] =	vst v7;
	v10 =	vand.u32 $0x70000, v5;
	v3 =	vor.u32 v3, v4  }
0x11f: {  	[tilespmem:$0xBB0] =	vst v8;
	v3 =	vor.u32 v10, v3  }
0x120: {  	[tilespmem:$0xDB0] =	vst v3  }
0x121: {  	v3 =	vld.idx.msk [tilespmem:v9+s2+$0x0], $0xffff  }
0x122: {  	v5 =	vld.idx.msk [tilespmem:v11+s2+$0x0], $0xffff  }
0x123: {  	v4 =	vld.idx.msk [tilespmem:v6+s2+$0x0], $0xffff;
	_ =	sdelay $0x3  }
0x124: {  	v9 =	vadd.s32 $0x570, v1;
	v6 =	vshra.s32 v3, $0x3;
	v8 =	vshra.s32 v5, $0x3  }
0x125: {  	v3 =	vand.u32 $0x7, v3;
	v7 =	vshra.s32 v4, $0x1;
	v4 =	vshll.u32 v4, $0x8  }
0x126: {  	v5 =	vshll.u32 v5, $0x10;
	[tilespmem:$0x7C0] =	vst v6;
	v6 =	vadd.s32 $0x571, v1;
	v4 =	vand.u32 $0x100, v4  }
0x127: {  	v11 =	vadd.s32 $0x572, v1;
	v10 =	vand.u32 $0x70000, v5;
	[tilespmem:$0xBC0] =	vst v8;
	v3 =	vor.u32 v3, v4  }
0x128: {  	[tilespmem:$0x9C0] =	vst v7;
	v3 =	vor.u32 v10, v3  }
0x129: {  	[tilespmem:$0xDC0] =	vst v3  }
0x12a: {  	v3 =	vld.idx.msk [tilespmem:v9+s2+$0x0], $0xffff  }
0x12b: {  	v4 =	vld.idx.msk [tilespmem:v6+s2+$0x0], $0xffff  }
0x12c: {  	v5 =	vld.idx.msk [tilespmem:v11+s2+$0x0], $0xffff;
	_ =	sdelay $0x3  }
0x12d: {  	v9 =	vadd.s32 $0x5A0, v1;
	v11 =	vadd.s32 $0x5A2, v1;
	v6 =	vshra.s32 v3, $0x3  }
0x12e: {  	v7 =	vshra.s32 v4, $0x1;
	v8 =	vshra.s32 v5, $0x3;
	v4 =	vshll.u32 v4, $0x8  }
0x12f: {  	v3 =	vand.u32 $0x7, v3;
	v5 =	vshll.u32 v5, $0x10;
	[tilespmem:$0x7D0] =	vst v6;
	v4 =	vand.u32 $0x100, v4  }
0x130: {  	v6 =	vadd.s32 $0x5A1, v1;
	[tilespmem:$0x9D0] =	vst v7;
	v10 =	vand.u32 $0x70000, v5;
	v3 =	vor.u32 v3, v4  }
0x131: {  	[tilespmem:$0xBD0] =	vst v8;
	v3 =	vor.u32 v10, v3  }
0x132: {  	[tilespmem:$0xDD0] =	vst v3  }
0x133: {  	v3 =	vld.idx.msk [tilespmem:v9+s2+$0x0], $0xffff  }
0x134: {  	v5 =	vld.idx.msk [tilespmem:v11+s2+$0x0], $0xffff  }
0x135: {  	v4 =	vld.idx.msk [tilespmem:v6+s2+$0x0], $0xffff;
	_ =	sdelay $0x3  }
0x136: {  	v9 =	vadd.s32 $0x5D0, v1;
	v6 =	vshra.s32 v3, $0x3;
	v8 =	vshra.s32 v5, $0x3  }
0x137: {  	v3 =	vand.u32 $0x7, v3;
	v7 =	vshra.s32 v4, $0x1;
	v4 =	vshll.u32 v4, $0x8  }
0x138: {  	v5 =	vshll.u32 v5, $0x10;
	[tilespmem:$0x7E0] =	vst v6;
	v6 =	vadd.s32 $0x5D1, v1;
	v4 =	vand.u32 $0x100, v4  }
0x139: {  	v11 =	vadd.s32 $0x5D2, v1;
	v10 =	vand.u32 $0x70000, v5;
	[tilespmem:$0xBE0] =	vst v8;
	v3 =	vor.u32 v3, v4  }
0x13a: {  	[tilespmem:$0x9E0] =	vst v7;
	v3 =	vor.u32 v10, v3  }
0x13b: {  	[tilespmem:$0xDE0] =	vst v3  }
0x13c: {  	v3 =	vld.idx.msk [tilespmem:v9+s2+$0x0], $0xffff  }
0x13d: {  	v9 =	vld.idx.msk [tilespmem:v6+s2+$0x0], $0xffff  }
0x13e: {  	v5 =	vld.idx.msk [tilespmem:v11+s2+$0x0], $0xffff;
	_ =	sdelay $0x3  }
0x13f: {  	v10 =	vshra.s32 v3, $0x3;
	v11 =	vshra.s32 v9, $0x1;
	v4 =	vshll.u32 v9, $0x8  }
0x140: {  	v3 =	vand.u32 $0x7, v3;
	v9 =	vshll.u32 v5, $0x10;
	[tilespmem:$0x7F0] =	vst v10;
	v4 =	vand.u32 $0x100, v4  }
0x141: {  	[tilespmem:$0x9F0] =	vst v11;
	v10 =	vshra.s32 v5, $0x3;
	v11 =	vand.u32 $0x70000, v9;
	v3 =	vor.u32 v3, v4  }
0x142: {  	[tilespmem:$0xBF0] =	vst v10;
	v3 =	vor.u32 v11, v3  }
0x143: {  	[tilespmem:$0xDF0] =	vst v3  }
0x144: {  	[tilespmem:s12], [sflag:$0x1] =	stream.indirect.gather [hbm4b:s4+s8], $0x80, s11, s8, $0xb8;
	[tilespmem:$0x19800] =	vst v63  }
0x145: {  	_ = 	snop  }
0x146: {  	[tilespmem:s14], [sflag:$0x1] =	stream.indirect.gather [hbm4b:s4+s8], $0x80, s13, s8, $0xb8;
	[tilespmem:$0x19800] =	vst v63  }
0x147: {  	_ = 	snop  }
0x148: {  	[tilespmem:s16], [sflag:$0x1] =	stream.indirect.gather [hbm4b:s4+s8], $0x80, s15, s8, $0xb8;
	[tilespmem:$0x19800] =	vst v63  }
0x149: {  	_ = 	snop  }
0x14a: {  	[tilespmem:s18], [sflag:$0x1] =	stream.indirect.gather [hbm4b:s4+s8], $0x80, s17, s8, $0xb8;
	[tilespmem:$0x19800] =	vst v63  }
0x14b: {  	_ =	swait.ge [sflag:s19], $0x4000  }
0x14c: {  	[sflag:s19] =	ssyncset.done $0x0  }
0x14d: {  	[sflag:s19] =	ssyncadd.s32 $0xFFFFC000  }
0x14e: {  	_ =	swait.ge [sflag:s19], $0x4000  }
0x14f: {  	[sflag:s19] =	ssyncset.done $0x0  }
0x150: {  	[sflag:s19] =	ssyncadd.s32 $0xFFFFC000  }
0x151: {  	_ =	swait.ge [sflag:s19], $0x4000  }
0x152: {  	[sflag:s19] =	ssyncset.done $0x0  }
0x153: {  	[sflag:s19] =	ssyncadd.s32 $0xFFFFC000  }
0x154: {  	s23 =	simm.s32 $0x600;
	_ =	swait.ge [sflag:s19], $0x4000  }
0x155: {  	s24 =	simm.s32 $0xA00;
	s25 =	simm.s32 $0xC00;
	[sflag:s19] =	ssyncset.done $0x0  }
0x156: {  	s26 =	simm.s32 $0x19600;
	s28 =	simm.s32 $0x0;
	[sflag:s19] =	ssyncadd.s32 $0xFFFFC000  }
.LBB2_2:
0x157: {  	v3 =	vld [tilespmem:s23+$0x0];
	_ =	sdelay $0x1  }
0x158: {  	v5 =	vld [tilespmem:s24+$0x0];
	_ =	sdelay $0x2  }
0x159: {  	v4 =	vshll.u32 v3, $0x7  }
0x15a: {  	(v2sf) =	vpush v4, $0x0  }
0x15b: {  	v3 =	vshll.u32 v5, $0x7  }
0x15c: {  	(v2sf) =	vpush v3, $0x0;
	_ =	sdelay $0x2  }
0x15d: {  	(v2sf) =	vpush v4, $0x1;
	_ =	sdelay $0x2  }
0x15e: {  	(v2sf) =	vpush v3, $0x1;
	_ =	sdelay $0x6  }
0x15f: {  	s29 =	spop (v2sf);
	(v2sf) =	vpush v4, $0x2;
	_ =	sdelay $0x1  }
0x160: {  	s29 =	sand.u32 $0x1FFFFF80, s29;
	s31 =	spop (v2sf);
	(v2sf) =	vpush v3, $0x2  }
0x161: {  	s30 =	rddreg [dreg:$0x2];
	s29 =	sadd.s32 s3, s29  }
0x162: {  	[tilespmem:s30], [sflag:$0x1] =	stream.linear.gather [hbm4b:s29+s2], $0x400, $0x38;
	[tilespmem:$0x19800] =	vst v63  }
0x163: {  	s1 =	spop (v2sf);
	(v2sf) =	vpush v4, $0x3;
	s29 =	sand.u32 $0x1FFFFF80, s31  }
0x164: {  	s0 =	rddreg [dreg:$0x3];
	s29 =	sadd.s32 s3, s29  }
0x165: {  	[tilespmem:s0], [sflag:$0x1] =	stream.linear.gather [hbm4b:s29+s2], $0x400, $0x38;
	[tilespmem:$0x19800] =	vst v63  }
0x166: {  	s0 =	spop (v2sf);
	(v2sf) =	vpush v3, $0x3;
	_ =	sdelay $0x2  }
0x167: {  	s29 =	sand.u32 $0x1FFFFF80, s1  }
0x168: {  	s31 =	rddreg [dreg:$0x4];
	s29 =	sadd.s32 s3, s29  }
0x169: {  	[tilespmem:s31], [sflag:$0x1] =	stream.linear.gather [hbm4b:s29+s2], $0x400, $0x38;
	[tilespmem:$0x19800] =	vst v63  }
0x16a: {  	s29 =	sand.u32 $0x1FFFFF80, s0  }
0x16b: {  	s1 =	rddreg [dreg:$0x5];
	s29 =	sadd.s32 s3, s29;
	s31 =	spop (v2sf);
	(v2sf) =	vpush v4, $0x4  }
0x16c: {  	[tilespmem:s1], [sflag:$0x1] =	stream.linear.gather [hbm4b:s29+s2], $0x400, $0x38;
	[tilespmem:$0x19800] =	vst v63  }
0x16d: {  	s29 =	sand.u32 $0x1FFFFF80, s31;
	s1 =	spop (v2sf);
	(v2sf) =	vpush v3, $0x4  }
0x16e: {  	s0 =	rddreg [dreg:$0x6];
	s29 =	sadd.s32 s3, s29  }
0x16f: {  	[tilespmem:s0], [sflag:$0x1] =	stream.linear.gather [hbm4b:s29+s2], $0x400, $0x38;
	[tilespmem:$0x19800] =	vst v63  }
0x170: {  	s29 =	sand.u32 $0x1FFFFF80, s1;
	s0 =	spop (v2sf);
	(v2sf) =	vpush v4, $0x5  }
0x171: {  	s31 =	rddreg [dreg:$0x7];
	s29 =	sadd.s32 s3, s29  }
0x172: {  	[tilespmem:s31], [sflag:$0x1] =	stream.linear.gather [hbm4b:s29+s2], $0x400, $0x38;
	[tilespmem:$0x19800] =	vst v63  }
0x173: {  	s31 =	spop (v2sf);
	(v2sf) =	vpush v3, $0x5;
	_ =	sdelay $0x2  }
0x174: {  	s29 =	sand.u32 $0x1FFFFF80, s0  }
0x175: {  	s1 =	rddreg [dreg:$0x8];
	s29 =	sadd.s32 s3, s29  }
0x176: {  	[tilespmem:s1], [sflag:$0x1] =	stream.linear.gather [hbm4b:s29+s2], $0x400, $0x38;
	[tilespmem:$0x19800] =	vst v63  }
0x177: {  	s29 =	sand.u32 $0x1FFFFF80, s31  }
0x178: {  	s0 =	rddreg [dreg:$0x9];
	s29 =	sadd.s32 s3, s29;
	s1 =	spop (v2sf);
	(v2sf) =	vpush v4, $0x6  }
0x179: {  	[tilespmem:s0], [sflag:$0x1] =	stream.linear.gather [hbm4b:s29+s2], $0x400, $0x38;
	[tilespmem:$0x19800] =	vst v63  }
0x17a: {  	s29 =	sand.u32 $0x1FFFFF80, s1;
	s0 =	spop (v2sf);
	(v2sf) =	vpush v3, $0x6  }
0x17b: {  	s31 =	rddreg [dreg:$0xa];
	s29 =	sadd.s32 s3, s29  }
0x17c: {  	[tilespmem:s31], [sflag:$0x1] =	stream.linear.gather [hbm4b:s29+s2], $0x400, $0x38;
	[tilespmem:$0x19800] =	vst v63  }
0x17d: {  	s29 =	sand.u32 $0x1FFFFF80, s0;
	s31 =	spop (v2sf);
	(v2sf) =	vpush v4, $0x7  }
0x17e: {  	s1 =	rddreg [dreg:$0xb];
	s29 =	sadd.s32 s3, s29  }
0x17f: {  	[tilespmem:s1], [sflag:$0x1] =	stream.linear.gather [hbm4b:s29+s2], $0x400, $0x38;
	[tilespmem:$0x19800] =	vst v63  }
0x180: {  	s1 =	spop (v2sf);
	(v2sf) =	vpush v3, $0x7;
	_ =	sdelay $0x2  }
0x181: {  	s29 =	sand.u32 $0x1FFFFF80, s31  }
0x182: {  	s0 =	rddreg [dreg:$0xc];
	s29 =	sadd.s32 s3, s29  }
0x183: {  	[tilespmem:s0], [sflag:$0x1] =	stream.linear.gather [hbm4b:s29+s2], $0x400, $0x38;
	[tilespmem:$0x19800] =	vst v63  }
0x184: {  	s29 =	sand.u32 $0x1FFFFF80, s1  }
0x185: {  	s31 =	rddreg [dreg:$0xd];
	s29 =	sadd.s32 s3, s29;
	s0 =	spop (v2sf);
	(v2sf) =	vpush v4, $0x8  }
0x186: {  	[tilespmem:s31], [sflag:$0x1] =	stream.linear.gather [hbm4b:s29+s2], $0x400, $0x38;
	[tilespmem:$0x19800] =	vst v63  }
0x187: {  	s29 =	sand.u32 $0x1FFFFF80, s0;
	s31 =	spop (v2sf);
	(v2sf) =	vpush v3, $0x8  }
0x188: {  	s1 =	rddreg [dreg:$0xe];
	s29 =	sadd.s32 s3, s29  }
0x189: {  	[tilespmem:s1], [sflag:$0x1] =	stream.linear.gather [hbm4b:s29+s2], $0x400, $0x38;
	[tilespmem:$0x19800] =	vst v63  }
0x18a: {  	s29 =	sand.u32 $0x1FFFFF80, s31;
	s1 =	spop (v2sf);
	(v2sf) =	vpush v4, $0x9  }
0x18b: {  	s0 =	rddreg [dreg:$0xf];
	s29 =	sadd.s32 s3, s29  }
0x18c: {  	[tilespmem:s0], [sflag:$0x1] =	stream.linear.gather [hbm4b:s29+s2], $0x400, $0x38;
	[tilespmem:$0x19800] =	vst v63  }
0x18d: {  	s0 =	spop (v2sf);
	(v2sf) =	vpush v3, $0x9;
	_ =	sdelay $0x2  }
0x18e: {  	s29 =	sand.u32 $0x1FFFFF80, s1  }
0x18f: {  	s31 =	rddreg [dreg:$0x10];
	s29 =	sadd.s32 s3, s29  }
0x190: {  	[tilespmem:s31], [sflag:$0x1] =	stream.linear.gather [hbm4b:s29+s2], $0x400, $0x38;
	[tilespmem:$0x19800] =	vst v63  }
0x191: {  	s29 =	sand.u32 $0x1FFFFF80, s0  }
0x192: {  	s1 =	rddreg [dreg:$0x11];
	s29 =	sadd.s32 s3, s29;
	s31 =	spop (v2sf);
	(v2sf) =	vpush v4, $0xA  }
0x193: {  	[tilespmem:s1], [sflag:$0x1] =	stream.linear.gather [hbm4b:s29+s2], $0x400, $0x38;
	[tilespmem:$0x19800] =	vst v63  }
0x194: {  	s29 =	sand.u32 $0x1FFFFF80, s31;
	s1 =	spop (v2sf);
	(v2sf) =	vpush v3, $0xA  }
0x195: {  	s0 =	rddreg [dreg:$0x12];
	s29 =	sadd.s32 s3, s29  }
0x196: {  	[tilespmem:s0], [sflag:$0x1] =	stream.linear.gather [hbm4b:s29+s2], $0x400, $0x38;
	[tilespmem:$0x19800] =	vst v63  }
0x197: {  	s29 =	sand.u32 $0x1FFFFF80, s1;
	s0 =	spop (v2sf);
	(v2sf) =	vpush v4, $0xB  }
0x198: {  	s31 =	rddreg [dreg:$0x13];
	s29 =	sadd.s32 s3, s29  }
0x199: {  	[tilespmem:s31], [sflag:$0x1] =	stream.linear.gather [hbm4b:s29+s2], $0x400, $0x38;
	[tilespmem:$0x19800] =	vst v63  }
0x19a: {  	s31 =	spop (v2sf);
	(v2sf) =	vpush v3, $0xB;
	_ =	sdelay $0x2  }
0x19b: {  	s29 =	sand.u32 $0x1FFFFF80, s0  }
0x19c: {  	s1 =	rddreg [dreg:$0x14];
	s29 =	sadd.s32 s3, s29  }
0x19d: {  	[tilespmem:s1], [sflag:$0x1] =	stream.linear.gather [hbm4b:s29+s2], $0x400, $0x38;
	[tilespmem:$0x19800] =	vst v63  }
0x19e: {  	s29 =	sand.u32 $0x1FFFFF80, s31  }
0x19f: {  	s0 =	rddreg [dreg:$0x15];
	s29 =	sadd.s32 s3, s29;
	s1 =	spop (v2sf);
	(v2sf) =	vpush v4, $0xC  }
0x1a0: {  	[tilespmem:s0], [sflag:$0x1] =	stream.linear.gather [hbm4b:s29+s2], $0x400, $0x38;
	[tilespmem:$0x19800] =	vst v63  }
0x1a1: {  	s29 =	sand.u32 $0x1FFFFF80, s1;
	s0 =	spop (v2sf);
	(v2sf) =	vpush v3, $0xC  }
0x1a2: {  	s31 =	rddreg [dreg:$0x16];
	s29 =	sadd.s32 s3, s29  }
0x1a3: {  	[tilespmem:s31], [sflag:$0x1] =	stream.linear.gather [hbm4b:s29+s2], $0x400, $0x38;
	[tilespmem:$0x19800] =	vst v63  }
0x1a4: {  	s29 =	sand.u32 $0x1FFFFF80, s0;
	s31 =	spop (v2sf);
	(v2sf) =	vpush v4, $0xD  }
0x1a5: {  	s1 =	rddreg [dreg:$0x17];
	s29 =	sadd.s32 s3, s29  }
0x1a6: {  	[tilespmem:s1], [sflag:$0x1] =	stream.linear.gather [hbm4b:s29+s2], $0x400, $0x38;
	[tilespmem:$0x19800] =	vst v63  }
0x1a7: {  	s1 =	spop (v2sf);
	(v2sf) =	vpush v3, $0xD;
	_ =	sdelay $0x2  }
0x1a8: {  	s29 =	sand.u32 $0x1FFFFF80, s31  }
0x1a9: {  	s0 =	rddreg [dreg:$0x18];
	s29 =	sadd.s32 s3, s29  }
0x1aa: {  	[tilespmem:s0], [sflag:$0x1] =	stream.linear.gather [hbm4b:s29+s2], $0x400, $0x38;
	[tilespmem:$0x19800] =	vst v63  }
0x1ab: {  	s29 =	sand.u32 $0x1FFFFF80, s1  }
0x1ac: {  	s31 =	rddreg [dreg:$0x19];
	s29 =	sadd.s32 s3, s29;
	s0 =	spop (v2sf);
	(v2sf) =	vpush v4, $0xE  }
0x1ad: {  	[tilespmem:s31], [sflag:$0x1] =	stream.linear.gather [hbm4b:s29+s2], $0x400, $0x38;
	[tilespmem:$0x19800] =	vst v63  }
0x1ae: {  	s29 =	sand.u32 $0x1FFFFF80, s0;
	s31 =	spop (v2sf);
	(v2sf) =	vpush v3, $0xE  }
0x1af: {  	s1 =	rddreg [dreg:$0x1a];
	s29 =	sadd.s32 s3, s29  }
0x1b0: {  	[tilespmem:s1], [sflag:$0x1] =	stream.linear.gather [hbm4b:s29+s2], $0x400, $0x38;
	[tilespmem:$0x19800] =	vst v63  }
0x1b1: {  	s29 =	sand.u32 $0x1FFFFF80, s31;
	s1 =	spop (v2sf);
	(v2sf) =	vpush v4, $0xF  }
0x1b2: {  	s0 =	rddreg [dreg:$0x1b];
	s29 =	sadd.s32 s3, s29  }
0x1b3: {  	[tilespmem:s0], [sflag:$0x1] =	stream.linear.gather [hbm4b:s29+s2], $0x400, $0x38;
	[tilespmem:$0x19800] =	vst v63  }
0x1b4: {  	s0 =	spop (v2sf);
	(v2sf) =	vpush v3, $0xF  }
0x1b5: {  	s29 =	sand.u32 $0x1FFFFF80, s1  }
0x1b6: {  	s31 =	rddreg [dreg:$0x1c];
	s29 =	sadd.s32 s3, s29  }
0x1b7: {  	[tilespmem:s31], [sflag:$0x1] =	stream.linear.gather [hbm4b:s29+s2], $0x400, $0x38;
	[tilespmem:$0x19800] =	vst v63  }
0x1b8: {  	s29 =	sand.u32 $0x1FFFFF80, s0  }
0x1b9: {  	s1 =	rddreg [dreg:$0x1d];
	s29 =	sadd.s32 s3, s29  }
0x1ba: {  	[tilespmem:s1], [sflag:$0x1] =	stream.linear.gather [hbm4b:s29+s2], $0x400, $0x38;
	[tilespmem:$0x19800] =	vst v63  }
0x1bb: {  	s31 =	spop (v2sf)  }
0x1bc: {  	s29 =	sand.u32 $0x1FFFFF80, s31  }
0x1bd: {  	s0 =	rddreg [dreg:$0x1e];
	s1 =	spop (v2sf);
	s29 =	sadd.s32 s3, s29  }
0x1be: {  	[tilespmem:s0], [sflag:$0x1] =	stream.linear.gather [hbm4b:s29+s2], $0x400, $0x38;
	[tilespmem:$0x19800] =	vst v63  }
0x1bf: {  	s31 =	rddreg [dreg:$0x1f];
	s29 =	sand.u32 $0x1FFFFF80, s1  }
0x1c0: {  	s0 =	spop (v2sf);
	s1 =	sld [smem:$0x7FC];
	s29 =	sadd.s32 s3, s29  }
0x1c1: {  	[tilespmem:s31], [sflag:$0x1] =	stream.linear.gather [hbm4b:s29+s2], $0x400, $0x38;
	[tilespmem:$0x19800] =	vst v63  }
0x1c2: {  	s29 =	sand.u32 $0x1FFFFF80, s0  }
0x1c3: {  	s31 =	spop (v2sf);
	s0 =	sld [smem:$0x7FD];
	s29 =	sadd.s32 s3, s29  }
0x1c4: {  	[tilespmem:s1], [sflag:$0x1] =	stream.linear.gather [hbm4b:s29+s2], $0x400, $0x38;
	[tilespmem:$0x19800] =	vst v63  }
0x1c5: {  	s29 =	sand.u32 $0x1FFFFF80, s31  }
0x1c6: {  	s29 =	sadd.s32 s3, s29  }
0x1c7: {  	[tilespmem:s0], [sflag:$0x1] =	stream.linear.gather [hbm4b:s29+s2], $0x400, $0x38;
	[tilespmem:$0x19800] =	vst v63  }
0x1c8: {  	_ =	swait.ge [sflag:s19], $0x4000  }
0x1c9: {  	[sflag:s19] =	ssyncset.done $0x0  }
0x1ca: {  	[sflag:s19] =	ssyncadd.s32 $0xFFFFC000  }
0x1cb: {  	_ =	swait.ge [sflag:s19], $0x4000  }
0x1cc: {  	[sflag:s19] =	ssyncset.done $0x0  }
0x1cd: {  	[sflag:s19] =	ssyncadd.s32 $0xFFFFC000  }
0x1ce: {  	v3 =	vld [tilespmem:s25+$0x0];
	_ =	sdelay $0x4  }
0x1cf: {  	(v2sf) =	vpush v3, $0x0;
	_ =	sdelay $0xe  }
0x1d0: {  	s30 =	spop (v2sf)  }
0x1d1: {  	s31 =	sshll.u32 s30, $0x7  }
0x1d2: {  	s31 =	sand.u32 $0x380, s31  }
0x1d3: {  	v4 =	vld [tilespmem:s31+$0xE00]  }
0x1d4: {  	s0 =	sand.u32 $0xF800, s28;
	s1 =	sshrl.u32 s30, $0x2;
	v7 =	vld [tilespmem:s31+$0xE10]  }
0x1d5: {  	s29 =	sadd.s32 $0x4E00, s0;
	s1 =	sand.u32 $0x40, s1;
	v10 =	vld [tilespmem:s31+$0xE20]  }
0x1d6: {  	s30 =	sshrl.u32 s30, $0x9;
	s0 =	sor.u32 s1, s29;
	v13 =	vld [tilespmem:s31+$0xE30]  }
0x1d7: {  	s1 =	sand.u32 $0x380, s30;
	v5 =	vld [tilespmem:s0+$0x0]  }
0x1d8: {  	(v2sf) =	vpush v3, $0x1;
	v6 =	vld [tilespmem:s1+$0x14E00]  }
0x1d9: {  	v8 =	vld [tilespmem:s0+$0x10]  }
0x1da: {  	v11 =	vld [tilespmem:s0+$0x20]  }
0x1db: {  	v9 =	vld [tilespmem:s1+$0x14E10]  }
0x1dc: {  	v12 =	vld [tilespmem:s1+$0x14E20]  }
0x1dd: {  	v4 =	vadd.f32 v5, v4;
	v5 =	vld [tilespmem:s0+$0x30]  }
0x1de: {  	v7 =	vadd.f32 v8, v7  }
0x1df: {  	v8 =	vadd.f32 v11, v10;
	v4 =	vsub.f32 v4, v6;
	v6 =	vld [tilespmem:s1+$0x14E30]  }
0x1e0: {  	v7 =	vsub.f32 v7, v9  }
0x1e1: {  	v8 =	vsub.f32 v8, v12  }
0x1e2: {  	v4 =	vand.u32 $0x7FFFFFFF, v4;
	v7 =	vand.u32 $0x7FFFFFFF, v7;
	v5 =	vadd.f32 v5, v13  }
0x1e3: {  	v4 =	vadd.f32 v7, v4  }
0x1e4: {  	v10 =	vand.u32 $0x7FFFFFFF, v8;
	v5 =	vsub.f32 v5, v6  }
0x1e5: {  	v4 =	vadd.f32 v10, v4  }
0x1e6: {  	v5 =	vand.u32 $0x7FFFFFFF, v5  }
0x1e7: {  	s0 =	spop (v2sf);
	v4 =	vadd.f32 v5, v4  }
0x1e8: {  	s1 =	sshrl.u32 s0, $0x2;
	s31 =	sshll.u32 s0, $0x7  }
0x1e9: {  	s1 =	sand.u32 $0x40, s1;
	s30 =	sand.u32 $0x380, s31;
	[tilespmem:$0x18E00] =	vst v4  }
0x1ea: {  	s0 =	sshrl.u32 s0, $0x9;
	s1 =	sor.u32 s1, s29;
	v4 =	vld [tilespmem:s30+$0x1200]  }
0x1eb: {  	s0 =	sand.u32 $0x380, s0;
	v5 =	vld [tilespmem:s1+$0x80]  }
0x1ec: {  	v6 =	vld [tilespmem:s0+$0x15200]  }
0x1ed: {  	v7 =	vld [tilespmem:s30+$0x1210]  }
0x1ee: {  	v8 =	vld [tilespmem:s1+$0x90]  }
0x1ef: {  	(v2sf) =	vpush v3, $0x2;
	v9 =	vld [tilespmem:s0+$0x15210]  }
0x1f0: {  	v10 =	vld [tilespmem:s30+$0x1220]  }
0x1f1: {  	v11 =	vld [tilespmem:s1+$0xA0]  }
0x1f2: {  	v12 =	vld [tilespmem:s0+$0x15220]  }
0x1f3: {  	v13 =	vld [tilespmem:s30+$0x1230]  }
0x1f4: {  	v4 =	vadd.f32 v5, v4;
	v5 =	vld [tilespmem:s1+$0xB0]  }
0x1f5: {  	v7 =	vadd.f32 v8, v7  }
0x1f6: {  	v8 =	vadd.f32 v11, v10;
	v4 =	vsub.f32 v4, v6;
	v6 =	vld [tilespmem:s0+$0x15230]  }
0x1f7: {  	v7 =	vsub.f32 v7, v9  }
0x1f8: {  	v8 =	vsub.f32 v8, v12  }
0x1f9: {  	v4 =	vand.u32 $0x7FFFFFFF, v4;
	v7 =	vand.u32 $0x7FFFFFFF, v7;
	v5 =	vadd.f32 v5, v13  }
0x1fa: {  	v4 =	vadd.f32 v7, v4  }
0x1fb: {  	v11 =	vand.u32 $0x7FFFFFFF, v8;
	v5 =	vsub.f32 v5, v6  }
0x1fc: {  	v4 =	vadd.f32 v11, v4  }
0x1fd: {  	v5 =	vand.u32 $0x7FFFFFFF, v5  }
0x1fe: {  	s0 =	spop (v2sf);
	v4 =	vadd.f32 v5, v4  }
0x1ff: {  	s1 =	sshrl.u32 s0, $0x2;
	s31 =	sshll.u32 s0, $0x7  }
0x200: {  	s1 =	sand.u32 $0x40, s1;
	s30 =	sand.u32 $0x380, s31;
	[tilespmem:$0x18E80] =	vst v4  }
0x201: {  	s0 =	sshrl.u32 s0, $0x9;
	s1 =	sor.u32 s1, s29;
	v4 =	vld [tilespmem:s30+$0x1600]  }
0x202: {  	s0 =	sand.u32 $0x380, s0;
	v5 =	vld [tilespmem:s1+$0x100]  }
0x203: {  	v6 =	vld [tilespmem:s0+$0x15600]  }
0x204: {  	v7 =	vld [tilespmem:s30+$0x1610]  }
0x205: {  	v8 =	vld [tilespmem:s1+$0x110]  }
0x206: {  	(v2sf) =	vpush v3, $0x3;
	v9 =	vld [tilespmem:s0+$0x15610]  }
0x207: {  	v10 =	vld [tilespmem:s30+$0x1620]  }
0x208: {  	v11 =	vld [tilespmem:s1+$0x120]  }
0x209: {  	v12 =	vld [tilespmem:s0+$0x15620]  }
0x20a: {  	v13 =	vld [tilespmem:s30+$0x1630]  }
0x20b: {  	v4 =	vadd.f32 v5, v4;
	v5 =	vld [tilespmem:s1+$0x130]  }
0x20c: {  	v7 =	vadd.f32 v8, v7  }
0x20d: {  	v8 =	vadd.f32 v11, v10;
	v4 =	vsub.f32 v4, v6;
	v6 =	vld [tilespmem:s0+$0x15630]  }
0x20e: {  	v7 =	vsub.f32 v7, v9  }
0x20f: {  	v8 =	vsub.f32 v8, v12  }
0x210: {  	v4 =	vand.u32 $0x7FFFFFFF, v4;
	v7 =	vand.u32 $0x7FFFFFFF, v7;
	v5 =	vadd.f32 v5, v13  }
0x211: {  	v4 =	vadd.f32 v7, v4  }
0x212: {  	v9 =	vand.u32 $0x7FFFFFFF, v8;
	v5 =	vsub.f32 v5, v6  }
0x213: {  	v4 =	vadd.f32 v9, v4  }
0x214: {  	v5 =	vand.u32 $0x7FFFFFFF, v5  }
0x215: {  	s0 =	spop (v2sf);
	v4 =	vadd.f32 v5, v4  }
0x216: {  	s1 =	sshrl.u32 s0, $0x2;
	s31 =	sshll.u32 s0, $0x7  }
0x217: {  	s1 =	sand.u32 $0x40, s1;
	s30 =	sand.u32 $0x380, s31;
	[tilespmem:$0x18F00] =	vst v4  }
0x218: {  	s0 =	sshrl.u32 s0, $0x9;
	s1 =	sor.u32 s1, s29;
	v4 =	vld [tilespmem:s30+$0x1A00]  }
0x219: {  	s0 =	sand.u32 $0x380, s0;
	v5 =	vld [tilespmem:s1+$0x180]  }
0x21a: {  	v6 =	vld [tilespmem:s0+$0x15A00]  }
0x21b: {  	v7 =	vld [tilespmem:s30+$0x1A10]  }
0x21c: {  	v8 =	vld [tilespmem:s1+$0x190]  }
0x21d: {  	(v2sf) =	vpush v3, $0x4;
	v9 =	vld [tilespmem:s0+$0x15A10]  }
0x21e: {  	v10 =	vld [tilespmem:s30+$0x1A20]  }
0x21f: {  	v11 =	vld [tilespmem:s1+$0x1A0]  }
0x220: {  	v12 =	vld [tilespmem:s0+$0x15A20]  }
0x221: {  	v13 =	vld [tilespmem:s30+$0x1A30]  }
0x222: {  	v4 =	vadd.f32 v5, v4;
	v5 =	vld [tilespmem:s1+$0x1B0]  }
0x223: {  	v7 =	vadd.f32 v8, v7  }
0x224: {  	v8 =	vadd.f32 v11, v10;
	v4 =	vsub.f32 v4, v6;
	v6 =	vld [tilespmem:s0+$0x15A30]  }
0x225: {  	v7 =	vsub.f32 v7, v9  }
0x226: {  	v8 =	vsub.f32 v8, v12  }
0x227: {  	v4 =	vand.u32 $0x7FFFFFFF, v4;
	v7 =	vand.u32 $0x7FFFFFFF, v7;
	v5 =	vadd.f32 v5, v13  }
0x228: {  	v4 =	vadd.f32 v7, v4  }
0x229: {  	v10 =	vand.u32 $0x7FFFFFFF, v8;
	v5 =	vsub.f32 v5, v6  }
0x22a: {  	v4 =	vadd.f32 v10, v4  }
0x22b: {  	v5 =	vand.u32 $0x7FFFFFFF, v5  }
0x22c: {  	s0 =	spop (v2sf);
	v4 =	vadd.f32 v5, v4  }
0x22d: {  	s1 =	sshrl.u32 s0, $0x2;
	s31 =	sshll.u32 s0, $0x7  }
0x22e: {  	s1 =	sand.u32 $0x40, s1;
	s30 =	sand.u32 $0x380, s31;
	[tilespmem:$0x18F80] =	vst v4  }
0x22f: {  	s0 =	sshrl.u32 s0, $0x9;
	s1 =	sor.u32 s1, s29;
	v4 =	vld [tilespmem:s30+$0x1E00]  }
0x230: {  	s0 =	sand.u32 $0x380, s0;
	v5 =	vld [tilespmem:s1+$0x200]  }
0x231: {  	v6 =	vld [tilespmem:s0+$0x15E00]  }
0x232: {  	v7 =	vld [tilespmem:s30+$0x1E10]  }
0x233: {  	v8 =	vld [tilespmem:s1+$0x210]  }
0x234: {  	(v2sf) =	vpush v3, $0x5;
	v9 =	vld [tilespmem:s0+$0x15E10]  }
0x235: {  	v10 =	vld [tilespmem:s30+$0x1E20]  }
0x236: {  	v11 =	vld [tilespmem:s1+$0x220]  }
0x237: {  	v12 =	vld [tilespmem:s0+$0x15E20]  }
0x238: {  	v13 =	vld [tilespmem:s30+$0x1E30]  }
0x239: {  	v4 =	vadd.f32 v5, v4;
	v5 =	vld [tilespmem:s1+$0x230]  }
0x23a: {  	v7 =	vadd.f32 v8, v7  }
0x23b: {  	v8 =	vadd.f32 v11, v10;
	v4 =	vsub.f32 v4, v6;
	v6 =	vld [tilespmem:s0+$0x15E30]  }
0x23c: {  	v7 =	vsub.f32 v7, v9  }
0x23d: {  	v8 =	vsub.f32 v8, v12  }
0x23e: {  	v4 =	vand.u32 $0x7FFFFFFF, v4;
	v7 =	vand.u32 $0x7FFFFFFF, v7;
	v5 =	vadd.f32 v5, v13  }
0x23f: {  	v4 =	vadd.f32 v7, v4  }
0x240: {  	v11 =	vand.u32 $0x7FFFFFFF, v8;
	v5 =	vsub.f32 v5, v6  }
0x241: {  	v4 =	vadd.f32 v11, v4  }
0x242: {  	v5 =	vand.u32 $0x7FFFFFFF, v5  }
0x243: {  	s0 =	spop (v2sf);
	v4 =	vadd.f32 v5, v4  }
0x244: {  	s1 =	sshrl.u32 s0, $0x2;
	s31 =	sshll.u32 s0, $0x7  }
0x245: {  	s1 =	sand.u32 $0x40, s1;
	s30 =	sand.u32 $0x380, s31;
	[tilespmem:$0x19000] =	vst v4  }
0x246: {  	s0 =	sshrl.u32 s0, $0x9;
	s1 =	sor.u32 s1, s29;
	v4 =	vld [tilespmem:s30+$0x2200]  }
0x247: {  	s0 =	sand.u32 $0x380, s0;
	v5 =	vld [tilespmem:s1+$0x280]  }
0x248: {  	v6 =	vld [tilespmem:s0+$0x16200]  }
0x249: {  	v7 =	vld [tilespmem:s30+$0x2210]  }
0x24a: {  	v8 =	vld [tilespmem:s1+$0x290]  }
0x24b: {  	(v2sf) =	vpush v3, $0x6;
	v9 =	vld [tilespmem:s0+$0x16210]  }
0x24c: {  	v10 =	vld [tilespmem:s30+$0x2220]  }
0x24d: {  	v11 =	vld [tilespmem:s1+$0x2A0]  }
0x24e: {  	v12 =	vld [tilespmem:s0+$0x16220]  }
0x24f: {  	v13 =	vld [tilespmem:s30+$0x2230]  }
0x250: {  	v4 =	vadd.f32 v5, v4;
	v5 =	vld [tilespmem:s1+$0x2B0]  }
0x251: {  	v7 =	vadd.f32 v8, v7  }
0x252: {  	v8 =	vadd.f32 v11, v10;
	v4 =	vsub.f32 v4, v6;
	v6 =	vld [tilespmem:s0+$0x16230]  }
0x253: {  	v7 =	vsub.f32 v7, v9  }
0x254: {  	v8 =	vsub.f32 v8, v12  }
0x255: {  	v4 =	vand.u32 $0x7FFFFFFF, v4;
	v7 =	vand.u32 $0x7FFFFFFF, v7;
	v5 =	vadd.f32 v5, v13  }
0x256: {  	v4 =	vadd.f32 v7, v4  }
0x257: {  	v9 =	vand.u32 $0x7FFFFFFF, v8;
	v5 =	vsub.f32 v5, v6  }
0x258: {  	v4 =	vadd.f32 v9, v4  }
0x259: {  	v5 =	vand.u32 $0x7FFFFFFF, v5  }
0x25a: {  	s0 =	spop (v2sf);
	v4 =	vadd.f32 v5, v4  }
0x25b: {  	s1 =	sshrl.u32 s0, $0x2;
	s31 =	sshll.u32 s0, $0x7  }
0x25c: {  	s1 =	sand.u32 $0x40, s1;
	s30 =	sand.u32 $0x380, s31;
	[tilespmem:$0x19080] =	vst v4  }
0x25d: {  	s0 =	sshrl.u32 s0, $0x9;
	s1 =	sor.u32 s1, s29;
	v4 =	vld [tilespmem:s30+$0x2600]  }
0x25e: {  	s0 =	sand.u32 $0x380, s0;
	v5 =	vld [tilespmem:s1+$0x300]  }
0x25f: {  	v6 =	vld [tilespmem:s0+$0x16600]  }
0x260: {  	v7 =	vld [tilespmem:s30+$0x2610]  }
0x261: {  	v8 =	vld [tilespmem:s1+$0x310]  }
0x262: {  	(v2sf) =	vpush v3, $0x7;
	v9 =	vld [tilespmem:s0+$0x16610]  }
0x263: {  	v10 =	vld [tilespmem:s30+$0x2620]  }
0x264: {  	v11 =	vld [tilespmem:s1+$0x320]  }
0x265: {  	v12 =	vld [tilespmem:s0+$0x16620]  }
0x266: {  	v13 =	vld [tilespmem:s30+$0x2630]  }
0x267: {  	v4 =	vadd.f32 v5, v4;
	v5 =	vld [tilespmem:s1+$0x330]  }
0x268: {  	v7 =	vadd.f32 v8, v7  }
0x269: {  	v8 =	vadd.f32 v11, v10;
	v4 =	vsub.f32 v4, v6;
	v6 =	vld [tilespmem:s0+$0x16630]  }
0x26a: {  	v7 =	vsub.f32 v7, v9  }
0x26b: {  	v8 =	vsub.f32 v8, v12  }
0x26c: {  	v4 =	vand.u32 $0x7FFFFFFF, v4;
	v7 =	vand.u32 $0x7FFFFFFF, v7;
	v5 =	vadd.f32 v5, v13  }
0x26d: {  	v4 =	vadd.f32 v7, v4  }
0x26e: {  	v10 =	vand.u32 $0x7FFFFFFF, v8;
	v5 =	vsub.f32 v5, v6  }
0x26f: {  	v4 =	vadd.f32 v10, v4  }
0x270: {  	v5 =	vand.u32 $0x7FFFFFFF, v5  }
0x271: {  	s0 =	spop (v2sf);
	v4 =	vadd.f32 v5, v4  }
0x272: {  	s1 =	sshrl.u32 s0, $0x2;
	s31 =	sshll.u32 s0, $0x7  }
0x273: {  	s1 =	sand.u32 $0x40, s1;
	s30 =	sand.u32 $0x380, s31;
	[tilespmem:$0x19100] =	vst v4  }
0x274: {  	s0 =	sshrl.u32 s0, $0x9;
	s1 =	sor.u32 s1, s29;
	v4 =	vld [tilespmem:s30+$0x2A00]  }
0x275: {  	s0 =	sand.u32 $0x380, s0;
	v5 =	vld [tilespmem:s1+$0x380]  }
0x276: {  	v6 =	vld [tilespmem:s0+$0x16A00]  }
0x277: {  	v7 =	vld [tilespmem:s30+$0x2A10]  }
0x278: {  	v8 =	vld [tilespmem:s1+$0x390]  }
0x279: {  	(v2sf) =	vpush v3, $0x8;
	v9 =	vld [tilespmem:s0+$0x16A10]  }
0x27a: {  	v10 =	vld [tilespmem:s30+$0x2A20]  }
0x27b: {  	v11 =	vld [tilespmem:s1+$0x3A0]  }
0x27c: {  	v12 =	vld [tilespmem:s0+$0x16A20]  }
0x27d: {  	v13 =	vld [tilespmem:s30+$0x2A30]  }
0x27e: {  	v4 =	vadd.f32 v5, v4;
	v5 =	vld [tilespmem:s1+$0x3B0]  }
0x27f: {  	v7 =	vadd.f32 v8, v7  }
0x280: {  	v8 =	vadd.f32 v11, v10;
	v4 =	vsub.f32 v4, v6;
	v6 =	vld [tilespmem:s0+$0x16A30]  }
0x281: {  	v7 =	vsub.f32 v7, v9  }
0x282: {  	v8 =	vsub.f32 v8, v12  }
0x283: {  	v4 =	vand.u32 $0x7FFFFFFF, v4;
	v7 =	vand.u32 $0x7FFFFFFF, v7;
	v5 =	vadd.f32 v5, v13  }
0x284: {  	v4 =	vadd.f32 v7, v4  }
0x285: {  	v11 =	vand.u32 $0x7FFFFFFF, v8;
	v5 =	vsub.f32 v5, v6  }
0x286: {  	v4 =	vadd.f32 v11, v4  }
0x287: {  	v5 =	vand.u32 $0x7FFFFFFF, v5  }
0x288: {  	s0 =	spop (v2sf);
	v4 =	vadd.f32 v5, v4  }
0x289: {  	s1 =	sshrl.u32 s0, $0x2;
	s31 =	sshll.u32 s0, $0x7  }
0x28a: {  	s1 =	sand.u32 $0x40, s1;
	s30 =	sand.u32 $0x380, s31;
	[tilespmem:$0x19180] =	vst v4  }
0x28b: {  	s0 =	sshrl.u32 s0, $0x9;
	s1 =	sor.u32 s1, s29;
	v4 =	vld [tilespmem:s30+$0x2E00]  }
0x28c: {  	s0 =	sand.u32 $0x380, s0;
	v5 =	vld [tilespmem:s1+$0x400]  }
0x28d: {  	v6 =	vld [tilespmem:s0+$0x16E00]  }
0x28e: {  	v7 =	vld [tilespmem:s30+$0x2E10]  }
0x28f: {  	v8 =	vld [tilespmem:s1+$0x410]  }
0x290: {  	(v2sf) =	vpush v3, $0x9;
	v9 =	vld [tilespmem:s0+$0x16E10]  }
0x291: {  	v10 =	vld [tilespmem:s30+$0x2E20]  }
0x292: {  	v11 =	vld [tilespmem:s1+$0x420]  }
0x293: {  	v12 =	vld [tilespmem:s0+$0x16E20]  }
0x294: {  	v13 =	vld [tilespmem:s30+$0x2E30]  }
0x295: {  	v4 =	vadd.f32 v5, v4;
	v5 =	vld [tilespmem:s1+$0x430]  }
0x296: {  	v7 =	vadd.f32 v8, v7  }
0x297: {  	v8 =	vadd.f32 v11, v10;
	v4 =	vsub.f32 v4, v6;
	v6 =	vld [tilespmem:s0+$0x16E30]  }
0x298: {  	v7 =	vsub.f32 v7, v9  }
0x299: {  	v8 =	vsub.f32 v8, v12  }
0x29a: {  	v4 =	vand.u32 $0x7FFFFFFF, v4;
	v7 =	vand.u32 $0x7FFFFFFF, v7;
	v5 =	vadd.f32 v5, v13  }
0x29b: {  	v4 =	vadd.f32 v7, v4  }
0x29c: {  	v9 =	vand.u32 $0x7FFFFFFF, v8;
	v5 =	vsub.f32 v5, v6  }
0x29d: {  	v4 =	vadd.f32 v9, v4  }
0x29e: {  	v5 =	vand.u32 $0x7FFFFFFF, v5  }
0x29f: {  	s0 =	spop (v2sf);
	v4 =	vadd.f32 v5, v4  }
0x2a0: {  	s1 =	sshrl.u32 s0, $0x2;
	s31 =	sshll.u32 s0, $0x7  }
0x2a1: {  	s1 =	sand.u32 $0x40, s1;
	s30 =	sand.u32 $0x380, s31;
	[tilespmem:$0x19200] =	vst v4  }
0x2a2: {  	s0 =	sshrl.u32 s0, $0x9;
	s1 =	sor.u32 s1, s29;
	v4 =	vld [tilespmem:s30+$0x3200]  }
0x2a3: {  	s0 =	sand.u32 $0x380, s0;
	v5 =	vld [tilespmem:s1+$0x480]  }
0x2a4: {  	v6 =	vld [tilespmem:s0+$0x17200]  }
0x2a5: {  	v7 =	vld [tilespmem:s30+$0x3210]  }
0x2a6: {  	v8 =	vld [tilespmem:s1+$0x490]  }
0x2a7: {  	(v2sf) =	vpush v3, $0xA;
	v9 =	vld [tilespmem:s0+$0x17210]  }
0x2a8: {  	v10 =	vld [tilespmem:s30+$0x3220]  }
0x2a9: {  	v11 =	vld [tilespmem:s1+$0x4A0]  }
0x2aa: {  	v12 =	vld [tilespmem:s0+$0x17220]  }
0x2ab: {  	v13 =	vld [tilespmem:s30+$0x3230]  }
0x2ac: {  	v4 =	vadd.f32 v5, v4;
	v5 =	vld [tilespmem:s1+$0x4B0]  }
0x2ad: {  	v7 =	vadd.f32 v8, v7  }
0x2ae: {  	v8 =	vadd.f32 v11, v10;
	v4 =	vsub.f32 v4, v6;
	v6 =	vld [tilespmem:s0+$0x17230]  }
0x2af: {  	v7 =	vsub.f32 v7, v9  }
0x2b0: {  	v8 =	vsub.f32 v8, v12  }
0x2b1: {  	v4 =	vand.u32 $0x7FFFFFFF, v4;
	v7 =	vand.u32 $0x7FFFFFFF, v7;
	v5 =	vadd.f32 v5, v13  }
0x2b2: {  	v4 =	vadd.f32 v7, v4  }
0x2b3: {  	v10 =	vand.u32 $0x7FFFFFFF, v8;
	v5 =	vsub.f32 v5, v6  }
0x2b4: {  	v4 =	vadd.f32 v10, v4  }
0x2b5: {  	v5 =	vand.u32 $0x7FFFFFFF, v5  }
0x2b6: {  	s0 =	spop (v2sf);
	v4 =	vadd.f32 v5, v4  }
0x2b7: {  	s1 =	sshrl.u32 s0, $0x2;
	s31 =	sshll.u32 s0, $0x7  }
0x2b8: {  	s1 =	sand.u32 $0x40, s1;
	s30 =	sand.u32 $0x380, s31;
	[tilespmem:$0x19280] =	vst v4  }
0x2b9: {  	s0 =	sshrl.u32 s0, $0x9;
	s1 =	sor.u32 s1, s29;
	v4 =	vld [tilespmem:s30+$0x3600]  }
0x2ba: {  	s0 =	sand.u32 $0x380, s0;
	v5 =	vld [tilespmem:s1+$0x500]  }
0x2bb: {  	v6 =	vld [tilespmem:s0+$0x17600]  }
0x2bc: {  	v7 =	vld [tilespmem:s30+$0x3610]  }
0x2bd: {  	v8 =	vld [tilespmem:s1+$0x510]  }
0x2be: {  	(v2sf) =	vpush v3, $0xB;
	v9 =	vld [tilespmem:s0+$0x17610]  }
0x2bf: {  	v10 =	vld [tilespmem:s30+$0x3620]  }
0x2c0: {  	v11 =	vld [tilespmem:s1+$0x520]  }
0x2c1: {  	v12 =	vld [tilespmem:s0+$0x17620]  }
0x2c2: {  	v13 =	vld [tilespmem:s30+$0x3630]  }
0x2c3: {  	v4 =	vadd.f32 v5, v4;
	v5 =	vld [tilespmem:s1+$0x530]  }
0x2c4: {  	v7 =	vadd.f32 v8, v7  }
0x2c5: {  	v8 =	vadd.f32 v11, v10;
	v4 =	vsub.f32 v4, v6;
	v6 =	vld [tilespmem:s0+$0x17630]  }
0x2c6: {  	v7 =	vsub.f32 v7, v9  }
0x2c7: {  	v8 =	vsub.f32 v8, v12  }
0x2c8: {  	v4 =	vand.u32 $0x7FFFFFFF, v4;
	v7 =	vand.u32 $0x7FFFFFFF, v7;
	v5 =	vadd.f32 v5, v13  }
0x2c9: {  	v4 =	vadd.f32 v7, v4  }
0x2ca: {  	v11 =	vand.u32 $0x7FFFFFFF, v8;
	v5 =	vsub.f32 v5, v6  }
0x2cb: {  	v4 =	vadd.f32 v11, v4  }
0x2cc: {  	v5 =	vand.u32 $0x7FFFFFFF, v5  }
0x2cd: {  	s0 =	spop (v2sf);
	v4 =	vadd.f32 v5, v4  }
0x2ce: {  	s1 =	sshrl.u32 s0, $0x2;
	s31 =	sshll.u32 s0, $0x7  }
0x2cf: {  	s1 =	sand.u32 $0x40, s1;
	s30 =	sand.u32 $0x380, s31;
	[tilespmem:$0x19300] =	vst v4  }
0x2d0: {  	s0 =	sshrl.u32 s0, $0x9;
	s1 =	sor.u32 s1, s29;
	v4 =	vld [tilespmem:s30+$0x3A00]  }
0x2d1: {  	s0 =	sand.u32 $0x380, s0;
	v5 =	vld [tilespmem:s1+$0x580]  }
0x2d2: {  	v6 =	vld [tilespmem:s0+$0x17A00]  }
0x2d3: {  	v7 =	vld [tilespmem:s30+$0x3A10]  }
0x2d4: {  	v8 =	vld [tilespmem:s1+$0x590]  }
0x2d5: {  	(v2sf) =	vpush v3, $0xC;
	v9 =	vld [tilespmem:s0+$0x17A10]  }
0x2d6: {  	v10 =	vld [tilespmem:s30+$0x3A20]  }
0x2d7: {  	v11 =	vld [tilespmem:s1+$0x5A0]  }
0x2d8: {  	v12 =	vld [tilespmem:s0+$0x17A20]  }
0x2d9: {  	v13 =	vld [tilespmem:s30+$0x3A30]  }
0x2da: {  	v4 =	vadd.f32 v5, v4;
	v5 =	vld [tilespmem:s1+$0x5B0]  }
0x2db: {  	v7 =	vadd.f32 v8, v7  }
0x2dc: {  	v8 =	vadd.f32 v11, v10;
	v4 =	vsub.f32 v4, v6;
	v6 =	vld [tilespmem:s0+$0x17A30]  }
0x2dd: {  	v7 =	vsub.f32 v7, v9  }
0x2de: {  	v8 =	vsub.f32 v8, v12  }
0x2df: {  	v4 =	vand.u32 $0x7FFFFFFF, v4;
	v7 =	vand.u32 $0x7FFFFFFF, v7;
	v5 =	vadd.f32 v5, v13  }
0x2e0: {  	v4 =	vadd.f32 v7, v4  }
0x2e1: {  	v9 =	vand.u32 $0x7FFFFFFF, v8;
	v5 =	vsub.f32 v5, v6  }
0x2e2: {  	v4 =	vadd.f32 v9, v4  }
0x2e3: {  	v5 =	vand.u32 $0x7FFFFFFF, v5  }
0x2e4: {  	s0 =	spop (v2sf);
	v4 =	vadd.f32 v5, v4  }
0x2e5: {  	s1 =	sshrl.u32 s0, $0x2;
	s31 =	sshll.u32 s0, $0x7  }
0x2e6: {  	s1 =	sand.u32 $0x40, s1;
	s30 =	sand.u32 $0x380, s31;
	[tilespmem:$0x19380] =	vst v4  }
0x2e7: {  	s0 =	sshrl.u32 s0, $0x9;
	s1 =	sor.u32 s1, s29;
	v4 =	vld [tilespmem:s30+$0x3E00]  }
0x2e8: {  	s0 =	sand.u32 $0x380, s0;
	v5 =	vld [tilespmem:s1+$0x600]  }
0x2e9: {  	v6 =	vld [tilespmem:s0+$0x17E00]  }
0x2ea: {  	v7 =	vld [tilespmem:s30+$0x3E10]  }
0x2eb: {  	v8 =	vld [tilespmem:s1+$0x610]  }
0x2ec: {  	(v2sf) =	vpush v3, $0xD;
	v9 =	vld [tilespmem:s0+$0x17E10]  }
0x2ed: {  	v10 =	vld [tilespmem:s30+$0x3E20]  }
0x2ee: {  	v11 =	vld [tilespmem:s1+$0x620]  }
0x2ef: {  	v12 =	vld [tilespmem:s0+$0x17E20]  }
0x2f0: {  	v13 =	vld [tilespmem:s30+$0x3E30]  }
0x2f1: {  	v4 =	vadd.f32 v5, v4;
	v5 =	vld [tilespmem:s1+$0x630]  }
0x2f2: {  	v7 =	vadd.f32 v8, v7  }
0x2f3: {  	v8 =	vadd.f32 v11, v10;
	v4 =	vsub.f32 v4, v6;
	v6 =	vld [tilespmem:s0+$0x17E30]  }
0x2f4: {  	v7 =	vsub.f32 v7, v9  }
0x2f5: {  	v8 =	vsub.f32 v8, v12  }
0x2f6: {  	v4 =	vand.u32 $0x7FFFFFFF, v4;
	v7 =	vand.u32 $0x7FFFFFFF, v7;
	v5 =	vadd.f32 v5, v13  }
0x2f7: {  	v4 =	vadd.f32 v7, v4  }
0x2f8: {  	v10 =	vand.u32 $0x7FFFFFFF, v8;
	v5 =	vsub.f32 v5, v6  }
0x2f9: {  	v4 =	vadd.f32 v10, v4  }
0x2fa: {  	v5 =	vand.u32 $0x7FFFFFFF, v5  }
0x2fb: {  	s0 =	spop (v2sf);
	v4 =	vadd.f32 v5, v4  }
0x2fc: {  	s1 =	sshrl.u32 s0, $0x2;
	s31 =	sshll.u32 s0, $0x7  }
0x2fd: {  	s1 =	sand.u32 $0x40, s1;
	s30 =	sand.u32 $0x380, s31;
	[tilespmem:$0x19400] =	vst v4  }
0x2fe: {  	s0 =	sshrl.u32 s0, $0x9;
	s1 =	sor.u32 s1, s29;
	v4 =	vld [tilespmem:s30+$0x4200]  }
0x2ff: {  	s0 =	sand.u32 $0x380, s0;
	v5 =	vld [tilespmem:s1+$0x680]  }
0x300: {  	v6 =	vld [tilespmem:s0+$0x18200]  }
0x301: {  	v7 =	vld [tilespmem:s30+$0x4210]  }
0x302: {  	v8 =	vld [tilespmem:s1+$0x690]  }
0x303: {  	(v2sf) =	vpush v3, $0xE;
	v9 =	vld [tilespmem:s0+$0x18210]  }
0x304: {  	v10 =	vld [tilespmem:s30+$0x4220]  }
0x305: {  	v11 =	vld [tilespmem:s1+$0x6A0]  }
0x306: {  	v12 =	vld [tilespmem:s0+$0x18220]  }
0x307: {  	v13 =	vld [tilespmem:s30+$0x4230]  }
0x308: {  	v4 =	vadd.f32 v5, v4;
	v5 =	vld [tilespmem:s1+$0x6B0]  }
0x309: {  	v7 =	vadd.f32 v8, v7  }
0x30a: {  	v8 =	vadd.f32 v11, v10;
	v4 =	vsub.f32 v4, v6;
	v6 =	vld [tilespmem:s0+$0x18230]  }
0x30b: {  	v7 =	vsub.f32 v7, v9  }
0x30c: {  	v8 =	vsub.f32 v8, v12  }
0x30d: {  	v4 =	vand.u32 $0x7FFFFFFF, v4;
	v7 =	vand.u32 $0x7FFFFFFF, v7;
	v5 =	vadd.f32 v5, v13  }
0x30e: {  	v4 =	vadd.f32 v7, v4  }
0x30f: {  	v11 =	vand.u32 $0x7FFFFFFF, v8;
	v5 =	vsub.f32 v5, v6  }
0x310: {  	v4 =	vadd.f32 v11, v4  }
0x311: {  	v5 =	vand.u32 $0x7FFFFFFF, v5  }
0x312: {  	s0 =	spop (v2sf);
	v4 =	vadd.f32 v5, v4  }
0x313: {  	s1 =	sshrl.u32 s0, $0x2;
	s31 =	sshll.u32 s0, $0x7  }
0x314: {  	s1 =	sand.u32 $0x40, s1;
	s30 =	sand.u32 $0x380, s31;
	[tilespmem:$0x19480] =	vst v4  }
0x315: {  	s0 =	sshrl.u32 s0, $0x9;
	s1 =	sor.u32 s1, s29;
	v4 =	vld [tilespmem:s30+$0x4600]  }
0x316: {  	s0 =	sand.u32 $0x380, s0;
	v5 =	vld [tilespmem:s1+$0x700]  }
0x317: {  	v6 =	vld [tilespmem:s0+$0x18600]  }
0x318: {  	v7 =	vld [tilespmem:s30+$0x4610]  }
0x319: {  	v8 =	vld [tilespmem:s1+$0x710]  }
0x31a: {  	(v2sf) =	vpush v3, $0xF;
	v9 =	vld [tilespmem:s0+$0x18610]  }
0x31b: {  	v3 =	vld [tilespmem:s30+$0x4620]  }
0x31c: {  	v10 =	vld [tilespmem:s1+$0x720]  }
0x31d: {  	v11 =	vld [tilespmem:s0+$0x18620]  }
0x31e: {  	v12 =	vld [tilespmem:s30+$0x4630]  }
0x31f: {  	v4 =	vadd.f32 v5, v4;
	v5 =	vld [tilespmem:s1+$0x730]  }
0x320: {  	v7 =	vadd.f32 v8, v7  }
0x321: {  	v3 =	vadd.f32 v10, v3;
	v4 =	vsub.f32 v4, v6;
	v6 =	vld [tilespmem:s0+$0x18630]  }
0x322: {  	v7 =	vsub.f32 v7, v9  }
0x323: {  	v3 =	vsub.f32 v3, v11  }
0x324: {  	v4 =	vand.u32 $0x7FFFFFFF, v4;
	v7 =	vand.u32 $0x7FFFFFFF, v7;
	v5 =	vadd.f32 v5, v12  }
0x325: {  	v4 =	vadd.f32 v7, v4  }
0x326: {  	v3 =	vand.u32 $0x7FFFFFFF, v3;
	v5 =	vsub.f32 v5, v6  }
0x327: {  	v3 =	vadd.f32 v3, v4  }
0x328: {  	v9 =	vand.u32 $0x7FFFFFFF, v5  }
0x329: {  	s0 =	spop (v2sf);
	v3 =	vadd.f32 v9, v3  }
0x32a: {  	s1 =	sshrl.u32 s0, $0x2;
	s31 =	sshll.u32 s0, $0x7  }
0x32b: {  	s1 =	sand.u32 $0x40, s1;
	s30 =	sand.u32 $0x380, s31;
	[tilespmem:$0x19500] =	vst v3  }
0x32c: {  	s0 =	sshrl.u32 s0, $0x9;
	s1 =	sor.u32 s1, s29;
	v3 =	vld [tilespmem:s30+$0x4A00]  }
0x32d: {  	s0 =	sand.u32 $0x380, s0;
	v4 =	vld [tilespmem:s1+$0x780]  }
0x32e: {  	v5 =	vld [tilespmem:s0+$0x18A00]  }
0x32f: {  	v6 =	vld [tilespmem:s30+$0x4A10]  }
0x330: {  	v7 =	vld [tilespmem:s1+$0x790]  }
0x331: {  	v8 =	vld [tilespmem:s0+$0x18A10]  }
0x332: {  	v9 =	vld [tilespmem:s30+$0x4A20]  }
0x333: {  	v10 =	vld [tilespmem:s1+$0x7A0]  }
0x334: {  	v11 =	vld [tilespmem:s0+$0x18A20]  }
0x335: {  	v12 =	vld [tilespmem:s30+$0x4A30]  }
0x336: {  	v3 =	vadd.f32 v4, v3;
	v4 =	vld [tilespmem:s1+$0x7B0]  }
0x337: {  	v6 =	vadd.f32 v7, v6  }
0x338: {  	v10 =	vadd.f32 v10, v9;
	v3 =	vsub.f32 v3, v5;
	v5 =	vld [tilespmem:s0+$0x18A30]  }
0x339: {  	v6 =	vsub.f32 v6, v8  }
0x33a: {  	v7 =	vsub.f32 v10, v11  }
0x33b: {  	v3 =	vand.u32 $0x7FFFFFFF, v3;
	v6 =	vand.u32 $0x7FFFFFFF, v6;
	v4 =	vadd.f32 v4, v12  }
0x33c: {  	v3 =	vadd.f32 v6, v3  }
0x33d: {  	v11 =	vand.u32 $0x7FFFFFFF, v7;
	v4 =	vsub.f32 v4, v5;
	v5 =	vmul.u32 $0x80, v0  }
0x33e: {  	v3 =	vadd.f32 v11, v3  }
0x33f: {  	v4 =	vand.u32 $0x7FFFFFFF, v4  }
0x340: {  	v9 =	vor.u32 $0x1, v5;
	v3 =	vadd.f32 v4, v3;
	_ =	sdelay $0x1  }
0x341: {  	[tilespmem:$0x19580] =	vst v3;
	v3 =	vor.u32 $0x2, v5  }
0x342: {  	v6 =	vld.idx.msk [tilespmem:v5+s20+$0x0], $0xffff  }
0x343: {  	v7 =	vor.u32 $0x3, v5  }
0x344: {  	v4 =	vld.idx.msk [tilespmem:v9+s20+$0x0], $0xffff  }
0x345: {  	v8 =	vor.u32 $0x4, v5  }
0x346: {  	v3 =	vld.idx.msk [tilespmem:v3+s20+$0x0], $0xffff  }
0x347: {  	v9 =	vor.u32 $0x5, v5;
	v6 =	vadd.f32 $0.0e+00, v6  }
0x348: {  	v7 =	vld.idx.msk [tilespmem:v7+s20+$0x0], $0xffff  }
0x349: {  	v4 =	vadd.f32 v4, v6;
	v6 =	vor.u32 $0x6, v5  }
0x34a: {  	v8 =	vld.idx.msk [tilespmem:v8+s20+$0x0], $0xffff  }
0x34b: {  	v3 =	vadd.f32 v3, v4;
	v4 =	vor.u32 $0x7, v5  }
0x34c: {  	v9 =	vld.idx.msk [tilespmem:v9+s20+$0x0], $0xffff  }
0x34d: {  	v3 =	vadd.f32 v7, v3;
	v7 =	vor.u32 $0x8, v5  }
0x34e: {  	v6 =	vld.idx.msk [tilespmem:v6+s20+$0x0], $0xffff  }
0x34f: {  	v3 =	vadd.f32 v8, v3;
	v8 =	vor.u32 $0x9, v5  }
0x350: {  	v4 =	vld.idx.msk [tilespmem:v4+s20+$0x0], $0xffff  }
0x351: {  	v3 =	vadd.f32 v9, v3;
	v9 =	vor.u32 $0xA, v5  }
0x352: {  	v7 =	vld.idx.msk [tilespmem:v7+s20+$0x0], $0xffff  }
0x353: {  	v3 =	vadd.f32 v6, v3;
	v6 =	vor.u32 $0xB, v5  }
0x354: {  	v8 =	vld.idx.msk [tilespmem:v8+s20+$0x0], $0xffff  }
0x355: {  	v3 =	vadd.f32 v4, v3;
	v4 =	vor.u32 $0xC, v5  }
0x356: {  	v9 =	vld.idx.msk [tilespmem:v9+s20+$0x0], $0xffff  }
0x357: {  	v3 =	vadd.f32 v7, v3;
	v7 =	vor.u32 $0xD, v5  }
0x358: {  	v6 =	vld.idx.msk [tilespmem:v6+s20+$0x0], $0xffff  }
0x359: {  	v3 =	vadd.f32 v8, v3;
	v8 =	vor.u32 $0xE, v5  }
0x35a: {  	v4 =	vld.idx.msk [tilespmem:v4+s20+$0x0], $0xffff  }
0x35b: {  	v5 =	vor.u32 $0xF, v5;
	v3 =	vadd.f32 v9, v3  }
0x35c: {  	v7 =	vld.idx.msk [tilespmem:v7+s20+$0x0], $0xffff  }
0x35d: {  	v3 =	vadd.f32 v6, v3  }
0x35e: {  	v10 =	vld.idx.msk [tilespmem:v8+s20+$0x0], $0xffff  }
0x35f: {  	v3 =	vadd.f32 v4, v3  }
0x360: {  	v11 =	vld.idx.msk [tilespmem:v5+s20+$0x0], $0xffff  }
0x361: {  	v3 =	vadd.f32 v7, v3;
	_ =	sdelay $0x1  }
0x362: {  	v3 =	vadd.f32 v10, v3  }
0x363: {  	p0 =	sne.s32 s28, $0xF800  }
.Ltmp0:
0x364: {  	v3 =	vadd.f32 v11, v3;
	(pc) =	sbr.rel @p0 .LBB2_2-.Ltmp0, $4  }
0x365: {  	_ = 	snop  }
0x366: {  	v3 =	vsub.f32 $1.200000000e+01, v3  }
0x367: {  	s23 =	sadd.s32 $0x10, s23;
	s24 =	sadd.s32 $0x10, s24  }
0x368: {  	s28 =	sadd.s32 $0x800, s28;
	s25 =	sadd.s32 $0x10, s25;
	[tilespmem:s26+$0x0] =	vst v3;
	s26 =	sadd.s32 $0x10, s26  }
0x369: {  	s22 =	sadd.s32 $0x1, s22  }
0x36a: {  	p0 =	sne.s32 s22, s7  }
.Ltmp1:
0x36b: {  	_ = 	snop;
	(pc) =	sbr.rel @p0 .LBB2_1-.Ltmp1, $4  }
0x36c: {  	[hbm4b:s6+s8] =	stream.strided.scatter [tilespmem:s21], [sflag:$0x2], $0x200, s9, s8, $0x38;
	[tilespmem:$0x19800] =	vst v63  }
0x36d: {  	_ =	swait.ge [sflag:s10], $0x200  }
0x36e: {  	[sflag:s10] =	ssyncset.done $0x0  }
0x36f: {  	[sflag:s10] =	ssyncadd.s32 $0xFFFFFE00  }
0x370: {  	_ =	sfence.sel $0x180000  }
0x371: {  	[bflag:$0x0] =	sbarrier.arrive $0xFFFF  }
0x372: {  	_ =	strace $0x90000047  }
0x373: {  	s0 =	stileid.u32;
	[bflag:$0x2] =	sbarrier.arrive $0xFFFF  }
0x374: {  	p0 =	sne.s32 s0, $0x0;
	s0 =	rddreg [dreg:$0x1]  }
0x375: {  	s0 =	sadd.s32 @!p0 $0x100000, s0  }
0x376: {  	[sflag:s0] =	ssyncadd.tile.s32 @!p0 $0x1;
	_ =	shalt  }
.Lfunc_end2:
_tile_overlayer_lowered:
.L_overlay_start_2:
0x377: {  	(tag) =	ssettag $0x2  }
0x378: {  	s0 =	rddreg [dreg:$0x0];
	s2 =	stileid.u32  }
0x379: {  	s1 =	rddreg [dreg:$0x1];
	p0 =	sne.s32 s2, $0x0  }
0x37a: {  	s3 =	rddreg [dreg:$0x2];
	[bflag:$0x3] =	sbarrier.arrive $0xFFFF;
	s2 =	simm.s32 @!p0 $0x1C02  }
0x37b: {  	[timem:s3], [sflag:s2] =	dma.local @!p0 [hbm:s0], s1  }
0x37c: {  	s0 =	simm.s32 @!p0 $0x2  }
0x37d: {  	_ =	swait.ge @!p0 [sflag:s0], s1  }
0x37e: {  	s1 =	ssub.s32 @!p0 $0x0, s1;
	[sflag:s0] =	ssyncset.done @!p0 $0x0  }
0x37f: {  	[sflag:s0] =	ssyncadd.s32 @!p0 s1  }
0x380: {  	[bflag:$0x3] =	sbarrier.arrive $0xFFFF  }
0x381: {  	_ =	shalt  }

</sc_bundles>
